<compile_context>
chip_gen: v7x
topology: tpu7x:2x2x1
jax: 0.10.2.dev20260603
libtpu: 0.0.44.dev20260713+nightly
codegen_flags: <defaults>
</compile_context>

<pallas_src>
import functools

import jax
import jax.numpy as jnp
import numpy as np
from jax import lax
from jax.experimental import pallas as pl
from jax.experimental.pallas import tpu as pltpu
from jax.experimental.pallas import tpu_sc as plsc

N = 65536
D = 32
NSEG = 16
TOPK = 1024
LANES = 16
WIN = 4160
NV = WIN // LANES
HB = 256
TIE_B = 64
NBLK = 8
BLK = N // NBLK
IMIN = np.int32(-2147483648)


def _sortable_i32(bits):
    return jnp.where(bits >= 0, bits, bits ^ np.int32(0x7FFFFFFF))



def _att_body(xt_ref, w_ref, b_ref, o_ref):
    xt = xt_ref[...]
    w = w_ref[...]
    att = lax.dot_general(w, xt, (((1,), (0,)), ((), ())),
                          preferred_element_type=jnp.float32)
    o_ref[...] = (att + b_ref[0, 0]).reshape(1, 1, BLK)


def _compute_att(xt, w2d, b2d):
    return pl.pallas_call(
        _att_body,
        grid=(NBLK,),
        in_specs=[
            pl.BlockSpec((D, BLK), lambda i: (0, i)),
            pl.BlockSpec((1, D), lambda i: (0, 0)),
            pl.BlockSpec((1, 1), lambda i: (0, 0)),
        ],
        out_specs=pl.BlockSpec((1, 1, BLK), lambda i: (i, 0, 0)),
        out_shape=jax.ShapeDtypeStruct((NBLK, 1, BLK), jnp.float32),
    )(xt, w2d, b2d)



SC_SCRATCH = (
    ((WIN,), jnp.float32),
    ((WIN,), jnp.int32),
    ((HB * LANES,), jnp.int32),
    ((WIN + 64,), jnp.int32),
    ((WIN + 64,), jnp.int32),
    ((LANES,), jnp.int32),
    ((LANES,), jnp.int32),
)


@functools.lru_cache(maxsize=None)
def _get_sc_kernel():
    mesh = plsc.VectorSubcoreMesh(core_axis_name="c", subcore_axis_name="s")
    return functools.partial(
        pl.kernel,
        out_type=jax.ShapeDtypeStruct((NSEG, LANES), jnp.int32),
        mesh=mesh,
        scratch_types=[pltpu.VMEM(s, d) for s, d in SC_SCRATCH],
        compiler_params=pltpu.CompilerParams(needs_layout_passes=False),
    )(_sc_body)


def _at_lane(v, pos, lane):
    return jnp.sum(jnp.where(lane == pos, v, 0), axis=0)


def _scalar(v):
    return jnp.max(v, axis=0)


def _sc_body(att_hbm, lens_hbm, out_hbm, win_v, keys_v, hist_v,
             cu_v, cx_v, lv_v, res_v):
    lane = lax.iota(jnp.int32, LANES)
    cid = lax.axis_index("c")
    sid = lax.axis_index("s")
    wid = sid * 2 + cid

    @pl.when(wid < NSEG)
    def _():
        seg = wid
        pltpu.sync_copy(lens_hbm, lv_v)
        lv = lv_v[...]
        starts_vec = plsc.cumsum(lv) - lv
        start = _at_lane(starts_vec, seg, lane)
        seglen = _at_lane(lv, seg, lane)

        a = pl.multiple_of(jnp.minimum(start & np.int32(-8), np.int32(N - WIN)), 8)
        off = start - a
        nv4 = lax.shift_right_logical(off + seglen + np.int32(63), 6)

        zeros = lane & 0
        ones = zeros + 1

        def zero_hist(nwords):
            def zbody(k, _):
                hist_v[pl.ds(k * LANES, LANES)] = zeros
                return 0
            lax.fori_loop(0, nwords // LANES, zbody, 0, unroll=4)

        def key_find(remaining):
            def fbody(c, carry):
                found, b, rem, tot = carry
                cc = (HB // LANES - 1) - c
                base = (cc * LANES + lane) * LANES
                acc = zeros
                for l in range(LANES):
                    acc = acc + plsc.load_gather(hist_v, [base + l])
                rv = lax.rev(acc, (0,))
                cs = plsc.cumsum(rv)
                suf = tot + cs
                cond = suf >= rem
                anyc = _scalar(plsc.all_reduce_population_count(cond))
                ffs = plsc.all_reduce_ffs(cond)
                hit = jnp.logical_and(jnp.logical_not(found), anyc > 0)
                b_new = cc * LANES + (LANES - 1) - _scalar(ffs)
                s_at = _at_lane(suf, ffs, lane)
                h_at = _at_lane(rv, ffs, lane)
                above = s_at - h_at
                b = jnp.where(hit, b_new, b)
                rem = jnp.where(hit, rem - above, rem)
                found = jnp.logical_or(found, anyc > 0)
                tot = tot + _at_lane(cs, np.int32(LANES - 1), lane)
                return found, b, rem, tot

            init = (np.bool_(False), np.int32(0), remaining, np.int32(0))
            _, b, rem, _ = lax.fori_loop(0, HB // LANES, fbody, init)
            return b, rem

        def key_level(src_v, nchunks, shift, himask, prefix, remaining):
            zero_hist(HB * LANES)

            def hbody(j, _):
                for k in range(4):
                    o = j * 64 + k * LANES
                    u = src_v[pl.ds(o, LANES)]
                    match = (u & himask) == prefix
                    bins = lax.shift_right_logical(u, shift) & np.int32(HB - 1)
                    plsc.addupdate_scatter(hist_v, [bins * LANES + lane], ones,
                                           mask=match)
                return 0

            lax.fori_loop(0, nchunks, hbody, 0)
            return key_find(remaining)

        def tie_level(nchunks, nbits_shift, t_u, sel_hi, hi_shift, r):
            zero_hist(TIE_B * LANES)

            def hbody(j, _):
                for k in range(4):
                    o = j * 64 + k * LANES
                    u = cu_v[pl.ds(o, LANES)]
                    lidx = cx_v[pl.ds(o, LANES)]
                    bsel = lax.shift_right_logical(lidx, hi_shift)
                    match = (u == t_u) & (bsel == sel_hi)
                    bins = (lax.shift_right_logical(lidx, nbits_shift)
                            & np.int32(TIE_B - 1))
                    plsc.addupdate_scatter(hist_v, [bins * LANES + lane], ones,
                                           mask=match)
                return 0

            lax.fori_loop(0, nchunks, hbody, 0)

            def fbody(c, carry):
                found, b, rem, tot = carry
                base = (c * LANES + lane) * LANES
                acc = zeros
                for l in range(LANES):
                    acc = acc + plsc.load_gather(hist_v, [base + l])
                cs = plsc.cumsum(acc)
                cum = tot + cs
                cond = cum >= rem
                anyc = _scalar(plsc.all_reduce_population_count(cond))
                ffs = plsc.all_reduce_ffs(cond)
                hit = jnp.logical_and(jnp.logical_not(found), anyc > 0)
                b_new = c * LANES + _scalar(ffs)
                c_at = _at_lane(cum, ffs, lane)
                h_at = _at_lane(acc, ffs, lane)
                below = c_at - h_at
                b = jnp.where(hit, b_new, b)
                rem = jnp.where(hit, rem - below, rem)
                found = jnp.logical_or(found, anyc > 0)
                tot = tot + _at_lane(cs, np.int32(LANES - 1), lane)
                return found, b, rem, tot

            init = (np.bool_(False), np.int32(0), r, np.int32(0))
            _, b, rem, _ = lax.fori_loop(0, TIE_B // LANES, fbody, init)
            return b, rem

        def pad_cand(cnt):
            for k in range(4):
                cu_v[pl.ds(cnt + k * LANES, LANES)] = zeros

        def compact_from_keys(b0):
            def cbody(j, ptr):
                for k in range(4):
                    o = j * 64 + k * LANES
                    u = keys_v[pl.ds(o, LANES)]
                    m = lax.shift_right_logical(u, np.int32(24)) == b0
                    cs = plsc.cumsum(m.astype(jnp.int32))
                    idx = ptr + cs - 1
                    plsc.store_scatter(cu_v, [idx], u, mask=m)
                    plsc.store_scatter(cx_v, [idx], o + lane - off, mask=m)
                    ptr = ptr + _at_lane(cs, np.int32(LANES - 1), lane)
                return ptr

            cnt = lax.fori_loop(0, nv4, cbody, np.int32(0))
            pad_cand(cnt)
            return cnt

        def compact_cand(himask, prefix, nchunks):
            def cbody(j, ptr):
                for k in range(4):
                    o = j * 64 + k * LANES
                    u = cu_v[pl.ds(o, LANES)]
                    xv = cx_v[pl.ds(o, LANES)]
                    m = (u & himask) == prefix
                    cs = plsc.cumsum(m.astype(jnp.int32))
                    idx = ptr + cs - 1
                    plsc.store_scatter(cu_v, [idx], u, mask=m)
                    plsc.store_scatter(cx_v, [idx], xv, mask=m)
                    ptr = ptr + _at_lane(cs, np.int32(LANES - 1), lane)
                return ptr

            cnt = lax.fori_loop(0, nchunks, cbody, np.int32(0))
            pad_cand(cnt)
            return cnt

        def full_search(_):
            zero_hist(HB * LANES)
            pltpu.sync_copy(att_hbm.at[pl.ds(a, WIN)], win_v)

            def conv_hist_body(j, _):
                for k in range(4):
                    o = j * 64 + k * LANES
                    v = win_v[pl.ds(o, LANES)]
                    bits = lax.bitcast_convert_type(v, jnp.int32)
                    u = _sortable_i32(bits) ^ IMIN
                    lidx = o + lane - off
                    valid = (lidx >= 0) & (lidx < seglen)
                    u = jnp.where(valid, u, 0)
                    keys_v[pl.ds(o, LANES)] = u
                    bins = lax.shift_right_logical(u, np.int32(24))
                    plsc.addupdate_scatter(hist_v, [bins * LANES + lane], ones,
                                           mask=valid)
                return 0

            lax.fori_loop(0, nv4, conv_hist_body, 0)

            b0, rem = key_find(np.int32(TOPK))
            prefix = lax.shift_left(b0, np.int32(24))
            cnt = compact_from_keys(b0)
            ncc = lax.shift_right_logical(cnt + np.int32(63), 6)
            himasks = {16: np.int32(-65536),
                       8: np.int32(-256),
                       0: np.int32(-1)}
            hiprev = np.int32(-16777216)
            for shift in (16, 8, 0):
                b, rem = key_level(cu_v, ncc, np.int32(shift), hiprev, prefix,
                                   rem)
                prefix = prefix | lax.shift_left(b, np.int32(shift))
                hiprev = himasks[shift]
                cnt = compact_cand(hiprev, prefix, ncc)
                ncc = lax.shift_right_logical(cnt + np.int32(63), 6)
            def do_ties(_):
                b0t, r2 = tie_level(ncc, np.int32(6), prefix, np.int32(0),
                                    np.int32(12), rem)
                b1t, _ = tie_level(ncc, np.int32(0), prefix, b0t, np.int32(6),
                                   r2)
                return lax.shift_left(b0t, np.int32(6)) | b1t

            tie = lax.cond(cnt == rem, lambda _: np.int32(4095), do_ties, 0)
            return prefix ^ IMIN, tie

        def trivial(_):
            return IMIN, np.int32(0)

        t_s, tie = lax.cond(seglen > TOPK, full_search, trivial, 0)

        res = jnp.where(lane == 0, t_s, jnp.where(lane == 1, tie, 0))
        res_v[...] = res
        pltpu.sync_copy(res_v, out_hbm.at[seg])


def _sc_thresholds(att_flat, length):
    return _get_sc_kernel()(att_flat, length)



def _pool_body(xt_ref, att_ref, lens_ref, sc_ref, o_ref, acc_ref):
    blk = pl.program_id(0)
    nblk = pl.num_programs(0)

    @pl.when(blk == 0)
    def _():
        acc_ref[...] = jnp.zeros((NSEG, D), jnp.float32)

    lens = lens_ref[...]
    lensf = lens.astype(jnp.float32)
    ii = lax.broadcasted_iota(jnp.int32, (NSEG, NSEG), 0)
    jj = lax.broadcasted_iota(jnp.int32, (NSEG, NSEG), 1)
    tril = (jj < ii).astype(jnp.float32)
    starts = lax.dot_general(
        tril, lensf, (((1,), (0,)), ((), ())),
        preferred_element_type=jnp.float32,
        precision=lax.Precision.HIGHEST).astype(jnp.int32)
    scv = sc_ref[...]
    thr = lax.slice(scv, (0, 0), (NSEG, 1))
    tie = lax.slice(scv, (0, 1), (NSEG, 2))

    rows = lax.broadcasted_iota(jnp.int32, (NSEG, BLK), 1) + blk * BLK
    bits = lax.bitcast_convert_type(att_ref[...].reshape(1, BLK),
                                    jnp.int32)
    key1 = _sortable_i32(bits)
    key = jnp.broadcast_to(key1, (NSEG, BLK))
    in_seg = (rows >= starts) & (rows < starts + lens)
    loc = rows - starts
    sel = (key > thr) | ((key == thr) & (loc <= tie))
    w = (in_seg & sel).astype(jnp.float32)
    acc_ref[...] += lax.dot_general(
        w, xt_ref[...], (((1,), (1,)), ((), ())),
        preferred_element_type=jnp.float32,
        precision=lax.Precision.HIGHEST)

    @pl.when(blk == nblk - 1)
    def _():
        res = acc_ref[...] / lensf
        nrm = jnp.sqrt(jnp.sum(res * res, axis=1, keepdims=True))
        o_ref[...] = res / jnp.maximum(nrm, 1e-12)


def _pool(xt, att, lens2d, sc_out):
    full = lambda i: (0, 0)
    return pl.pallas_call(
        _pool_body,
        grid=(NBLK,),
        in_specs=[
            pl.BlockSpec((D, BLK), lambda i: (0, i)),
            pl.BlockSpec((1, 1, BLK), lambda i: (i, 0, 0)),
            pl.BlockSpec((NSEG, 1), full),
            pl.BlockSpec((NSEG, LANES), full),
        ],
        out_specs=pl.BlockSpec((NSEG, D), full),
        out_shape=jax.ShapeDtypeStruct((NSEG, D), jnp.float32),
        scratch_shapes=[pltpu.VMEM((NSEG, D), jnp.float32)],
    )(xt, att, lens2d, sc_out)


def kernel(x, length, conv_w, conv_b):
    xt = x.T
    w2d = conv_w[:, :, 0].astype(jnp.float32)
    b2d = conv_b.reshape(1, 1).astype(jnp.float32)
    length = length.astype(jnp.int32)

    att2d = _compute_att(xt, w2d, b2d)
    att_flat = att2d.reshape(N)

    sc_out = _sc_thresholds(att_flat, length)

    return _pool(xt, att2d, length.reshape(NSEG, 1), sc_out)

# --- scband reference (transcript-rebuilt; emitter-appended) ---
"""Pipeline reference for scband-fcgf-rp-avg-89575837925675 (READ-ONLY COPY).

The authoritative reference and input builder live on the scoring server;
editing this copy changes nothing except your own understanding.
"""

import jax, jax.numpy as jnp
import numpy as np

TOPK = 1024

def setup_inputs(seed: int = 0):
    key = jax.random.key(seed)
    k1, k2, k3, k4 = jax.random.split(key, 4)
    x = jax.random.normal(k1, (65536, 32), dtype=jnp.float32)
    length = jax.random.randint(k2, (16,), 0, 4096)
    conv_w = jax.random.normal(k3, (1, 32, 1), dtype=jnp.float32) * 0.1
    conv_b = jax.random.normal(k4, (1,), dtype=jnp.float32) * 0.1
    return {"x": x, "length": length, "conv_w": conv_w, "conv_b": conv_b}

def _forward(x, conv_w, conv_b, lengths):
    # Conv1d(32,1,1) over [1,32,N] == per-token linear: att[n] = x[n] @ w + b
    att = x @ conv_w[0, :, 0] + conv_b[0]  # [N]
    N = x.shape[0]
    rows = jnp.arange(N)
    starts = jnp.concatenate(
        [jnp.zeros((1,), dtype=lengths.dtype), jnp.cumsum(lengths)[:-1]]
    )
    ends = starts + lengths

    def seg(start, end, n):
        in_seg = (rows >= start) & (rows < end)
        ai = jnp.where(in_seg, att, -jnp.inf)
        # rows with top-k att get mask 1, rest 0 (torch overwrites att with constants)
        vals, idx = jax.lax.top_k(ai, TOPK)
        valid = (vals > -jnp.inf).astype(x.dtype)
        mask = jnp.zeros((N,), dtype=x.dtype).at[idx].set(valid)
        # torch.mean over empty slice -> nan (0/0 here when n == 0)
        return jnp.sum(x * mask[:, None], axis=0) / n.astype(x.dtype)

    result = jax.vmap(seg)(starts, ends, lengths)
    # F.normalize(result, p=2, dim=1, eps=1e-12)
    norm = jnp.sqrt(jnp.sum(result * result, axis=1, keepdims=True))
    return result / jnp.maximum(norm, 1e-12)

def reference(x, length, conv_w, conv_b):
    return _forward(x, conv_w, conv_b, length)

if __name__ == "__main__":
    import jax
    _d = setup_inputs()
    print(jax.jit(kernel)(*tuple(_d.values())))

</pallas_src>

<mosaic_0001>
#map = affine_map<(d0, d1) -> (0)>
#map1 = affine_map<(d0, d1) -> (0, 0)>
module attributes {stable_mosaic.version = 14 : i64} {
  func.func @_sc_body(%arg0: i32, %arg1: i32, %arg2: memref<65536xf32, #tpu.memory_space<hbm>>, %arg3: memref<16xi32, #tpu.memory_space<hbm>>, %arg4: memref<16x16xi32, #tpu.memory_space<hbm>>, %arg5: memref<4160xf32, #tpu.memory_space<vmem>>, %arg6: memref<4160xi32, #tpu.memory_space<vmem>>, %arg7: memref<4096xi32, #tpu.memory_space<vmem>>, %arg8: memref<4224xi32, #tpu.memory_space<vmem>>, %arg9: memref<4224xi32, #tpu.memory_space<vmem>>, %arg10: memref<16xi32, #tpu.memory_space<vmem>>, %arg11: memref<16xi32, #tpu.memory_space<vmem>>) attributes {dimension_semantics = [#tpu.dimension_semantics<core_parallel>, #tpu.dimension_semantics<subcore_parallel>], iteration_bounds = array<i64: 2, 16>, scalar_prefetch = 0 : i64, scratch_operands = 7 : i64, tpu.core_type = #tpu.core_type<sc_vector_subcore>, window_params = [{transform_indices = #map}, {transform_indices = #map}, {transform_indices = #map1}]} {
    %iota3A = tpu.iota {dimensions = array<i32: 0>} : vector<16xi32>
    %mul3A = arith.constant 2 : i32
    %mul3A_0 = arith.muli %arg1, %mul3A : i32
    %add3A = arith.addi %mul3A_0, %arg0 : i32
    %lt3A = arith.constant 16 : i32
    %lt3A_1 = arith.cmpi slt, %add3A, %lt3A : i32
    %convert_element_type3A = arith.extui %lt3A_1 : i1 to i32
    %cond3A = arith.constant 0 : i32
    %cond3A_2 = arith.cmpi ne, %convert_element_type3A, %cond3A : i32
    scf.if %cond3A_2 {
      "tpu.region"() ({
        %run_scoped3A = tpu.sem_alloc : memref<!tpu.dma_semaphore, #tpu.memory_space<semaphore_mem>>
        tpu.enqueue_dma source(%arg3 : memref<16xi32, #tpu.memory_space<hbm>>) target(%arg10 : memref<16xi32, #tpu.memory_space<vmem>>) target_semaphore(%run_scoped3A : memref<!tpu.dma_semaphore, #tpu.memory_space<semaphore_mem>>)
        tpu.wait_dma2 semaphore(%run_scoped3A : memref<!tpu.dma_semaphore, #tpu.memory_space<semaphore_mem>>) src(%arg3 : memref<16xi32, #tpu.memory_space<hbm>>) dst(%arg10 : memref<16xi32, #tpu.memory_space<vmem>>)
        tpu.yield
      }) : () -> ()
      %get3A = arith.constant 0 : index
      %get3A_3 = tpu.vector_load %arg10[%get3A] {strides = array<i32>} : memref<16xi32, #tpu.memory_space<vmem>>, vector<16xi32>,
      %broadcast_in_dim3A = arith.constant true
      %broadcast_in_dim3A_4 = vector.broadcast %broadcast_in_dim3A : i1 to vector<16xi1>
      %masked_cumsum3A = tpu.scan <sum>, %get3A_3 masked %broadcast_in_dim3A_4 : vector<16xi32>, vector<16xi1> -> vector<16xi32>
      %sub3A = arith.subi %masked_cumsum3A, %get3A_3 : vector<16xi32>
      %eq3A = vector.broadcast %add3A : i32 to vector<16xi32>
      %eq3A_5 = arith.cmpi eq, %iota3A, %eq3A : vector<16xi32>
      %jit3A = arith.constant 0 : i32
      %broadcast_in_dim3A_6 = vector.broadcast %jit3A : i32 to vector<16xi32>
      %select_n3A = arith.select %eq3A_5, %sub3A, %broadcast_in_dim3A_6 : vector<16xi1>, vector<16xi32>
      %reduce_sum3A = arith.constant true
      %reduce_sum3A_7 = vector.broadcast %reduce_sum3A : i1 to vector<16xi1>
      %reduce_sum3A_8 = tpu.scan <sum>, %select_n3A masked %reduce_sum3A_7 : vector<16xi32>, vector<16xi1> -> vector<16xi32>
      %reduce_sum3A_9 = vector.extract %reduce_sum3A_8[15] : i32 from vector<16xi32>
      %eq3A_10 = vector.broadcast %add3A : i32 to vector<16xi32>
      %eq3A_11 = arith.cmpi eq, %iota3A, %eq3A_10 : vector<16xi32>
      %jit3A_12 = arith.constant 0 : i32
      %broadcast_in_dim3A_13 = vector.broadcast %jit3A_12 : i32 to vector<16xi32>
      %select_n3A_14 = arith.select %eq3A_11, %get3A_3, %broadcast_in_dim3A_13 : vector<16xi1>, vector<16xi32>
      %reduce_sum3A_15 = arith.constant true
      %reduce_sum3A_16 = vector.broadcast %reduce_sum3A_15 : i1 to vector<16xi1>
      %reduce_sum3A_17 = tpu.scan <sum>, %select_n3A_14 masked %reduce_sum3A_16 : vector<16xi32>, vector<16xi1> -> vector<16xi32>
      %reduce_sum3A_18 = vector.extract %reduce_sum3A_17[15] : i32 from vector<16xi32>
      %and3A = arith.constant -8 : i32
      %and3A_19 = arith.andi %reduce_sum3A_9, %and3A : i32
      %min3A = arith.constant 61376 : i32
      %min3A_20 = arith.minsi %and3A_19, %min3A : i32
      %multiple_of3A = tpu.assume_multiple %min3A_20, 8 : i32
      %sub3A_21 = arith.subi %reduce_sum3A_9, %multiple_of3A : i32
      %add3A_22 = arith.addi %sub3A_21, %reduce_sum3A_18 : i32
      %add3A_23 = arith.constant 63 : i32
      %add3A_24 = arith.addi %add3A_22, %add3A_23 : i32
      %shift_right_logical3A = arith.constant 6 : i32
      %shift_right_logical3A_25 = arith.shrui %add3A_24, %shift_right_logical3A : i32
      %and3A_26 = arith.constant 0 : i32
      %and3A_27 = vector.broadcast %and3A_26 : i32 to vector<16xi32>
      %and3A_28 = arith.andi %iota3A, %and3A_27 : vector<16xi32>
      %add3A_29 = arith.constant 1 : i32
      %add3A_30 = vector.broadcast %add3A_29 : i32 to vector<16xi32>
      %add3A_31 = arith.addi %and3A_28, %add3A_30 : vector<16xi32>
      %gt3A = arith.constant 1024 : i32
      %gt3A_32 = arith.cmpi sgt, %reduce_sum3A_18, %gt3A : i32
      %convert_element_type3A_33 = arith.extui %gt3A_32 : i1 to i32
      %cond3A_34 = arith.constant 0 : i32
      %cond3A_35 = arith.constant 0 : i32
      %cond3A_36 = arith.cmpi ne, %convert_element_type3A_33, %cond3A_35 : i32
      %cond3A_37:2 = scf.if %cond3A_36 -> (i32, i32) {
        %scan3A = arith.constant 0 : i32
        %scan3A_51 = arith.constant 0 : i32
        %scan3A_52 = arith.constant 256 : i32
        %scan3A_53 = arith.addi %scan3A_51, %scan3A_52 : i32
        %scan3A_54 = arith.constant 4 : i32
        %scan3A_55 = scf.for %scan3A_306 = %scan3A_51 to %scan3A_53 step %scan3A_54 iter_args(%scan3A_307 = %scan3A) -> (i32)  : i32 {
          %mul3A_308 = arith.constant 16 : i32
          %mul3A_309 = arith.muli %scan3A_306, %mul3A_308 : i32
          %swap3A_310 = arith.index_cast %mul3A_309 : i32 to index
          %swap3A_311 = tpu.vector_load %arg7[%swap3A_310] {strides = array<i32>} : memref<4096xi32, #tpu.memory_space<vmem>>, vector<16xi32>,
          tpu.vector_store %arg7[%swap3A_310], %and3A_28 {strides = array<i32>} : memref<4096xi32, #tpu.memory_space<vmem>>, vector<16xi32>,
          %scan3A_312 = arith.constant 0 : i32
          %scan3A_313 = arith.constant 1 : i32
          %scan3A_314 = arith.addi %scan3A_306, %scan3A_313 : i32
          %mul3A_315 = arith.constant 16 : i32
          %mul3A_316 = arith.muli %scan3A_314, %mul3A_315 : i32
          %swap3A_317 = arith.index_cast %mul3A_316 : i32 to index
          %swap3A_318 = tpu.vector_load %arg7[%swap3A_317] {strides = array<i32>} : memref<4096xi32, #tpu.memory_space<vmem>>, vector<16xi32>,
          tpu.vector_store %arg7[%swap3A_317], %and3A_28 {strides = array<i32>} : memref<4096xi32, #tpu.memory_space<vmem>>, vector<16xi32>,
          %scan3A_319 = arith.constant 0 : i32
          %scan3A_320 = arith.constant 2 : i32
          %scan3A_321 = arith.addi %scan3A_306, %scan3A_320 : i32
          %mul3A_322 = arith.constant 16 : i32
          %mul3A_323 = arith.muli %scan3A_321, %mul3A_322 : i32
          %swap3A_324 = arith.index_cast %mul3A_323 : i32 to index
          %swap3A_325 = tpu.vector_load %arg7[%swap3A_324] {strides = array<i32>} : memref<4096xi32, #tpu.memory_space<vmem>>, vector<16xi32>,
          tpu.vector_store %arg7[%swap3A_324], %and3A_28 {strides = array<i32>} : memref<4096xi32, #tpu.memory_space<vmem>>, vector<16xi32>,
          %scan3A_326 = arith.constant 0 : i32
          %scan3A_327 = arith.constant 3 : i32
          %scan3A_328 = arith.addi %scan3A_306, %scan3A_327 : i32
          %mul3A_329 = arith.constant 16 : i32
          %mul3A_330 = arith.muli %scan3A_328, %mul3A_329 : i32
          %swap3A_331 = arith.index_cast %mul3A_330 : i32 to index
          %swap3A_332 = tpu.vector_load %arg7[%swap3A_331] {strides = array<i32>} : memref<4096xi32, #tpu.memory_space<vmem>>, vector<16xi32>,
          tpu.vector_store %arg7[%swap3A_331], %and3A_28 {strides = array<i32>} : memref<4096xi32, #tpu.memory_space<vmem>>, vector<16xi32>,
          %scan3A_333 = arith.constant 0 : i32
          scf.yield %scan3A_333 : i32
        }
        %scan3A_56 = arith.constant 256 : i32
        "tpu.region"() ({
          %run_scoped3A = tpu.sem_alloc : memref<!tpu.dma_semaphore, #tpu.memory_space<semaphore_mem>>
          %dma_start3A = tpu.memref_slice %arg2[%multiple_of3A] : memref<65536xf32, #tpu.memory_space<hbm>> -> memref<4160xf32, #tpu.memory_space<hbm>>
          %dma_start3A_306 = tpu.memref_slice %arg2[%multiple_of3A] : memref<65536xf32, #tpu.memory_space<hbm>> -> memref<4160xf32, #tpu.memory_space<hbm>>
          tpu.enqueue_dma source(%dma_start3A_306 : memref<4160xf32, #tpu.memory_space<hbm>>) target(%arg5 : memref<4160xf32, #tpu.memory_space<vmem>>) target_semaphore(%run_scoped3A : memref<!tpu.dma_semaphore, #tpu.memory_space<semaphore_mem>>)
          %dma_wait3A = tpu.memref_slice %arg2[%multiple_of3A] : memref<65536xf32, #tpu.memory_space<hbm>> -> memref<4160xf32, #tpu.memory_space<hbm>>
          %dma_wait3A_307 = tpu.memref_slice %arg2[%multiple_of3A] : memref<65536xf32, #tpu.memory_space<hbm>> -> memref<4160xf32, #tpu.memory_space<hbm>>
          tpu.wait_dma2 semaphore(%run_scoped3A : memref<!tpu.dma_semaphore, #tpu.memory_space<semaphore_mem>>) src(%dma_wait3A_307 : memref<4160xf32, #tpu.memory_space<hbm>>) dst(%arg5 : memref<4160xf32, #tpu.memory_space<vmem>>)
          tpu.yield
        }) : () -> ()
        %while3A = arith.constant 0 : i32
        %while3A_57 = arith.constant 0 : i32
        %while3A_58 = arith.subi %shift_right_logical3A_25, %while3A : i32
        %while3A_59 = arith.addi %while3A, %while3A_58 : i32
        %while3A_60 = arith.constant 1 : i32
        %while3A_61 = arith.divsi %while3A_58, %while3A_60 : i32
        %while3A_62 = arith.muli %while3A_61, %while3A_60 : i32
        %while3A_63 = arith.addi %while3A, %while3A_62 : i32
        %while3A_64 = arith.constant 1 : i32
        %while3A_65 = scf.for %while3A_306 = %while3A to %while3A_63 step %while3A_64 iter_args(%while3A_307 = %while3A_57) -> (i32)  : i32 {
          %mul3A_308 = arith.constant 64 : i32
          %mul3A_309 = arith.muli %while3A_306, %mul3A_308 : i32
          %add3A_310 = arith.constant 0 : i32
          %add3A_311 = arith.addi %mul3A_309, %add3A_310 : i32
          %get3A_312 = arith.index_cast %add3A_311 : i32 to index
          %get3A_313 = tpu.vector_load %arg5[%get3A_312] {strides = array<i32>} : memref<4160xf32, #tpu.memory_space<vmem>>, vector<16xf32>,
          %bitcast_convert_type3A = tpu.bitcast %get3A_313 : vector<16xf32> -> vector<16xi32>
          %ge3A = arith.constant 0 : i32
          %ge3A_314 = vector.broadcast %ge3A : i32 to vector<16xi32>
          %ge3A_315 = arith.cmpi sge, %bitcast_convert_type3A, %ge3A_314 : vector<16xi32>
          %xor3A_316 = arith.constant 2147483647 : i32
          %xor3A_317 = vector.broadcast %xor3A_316 : i32 to vector<16xi32>
          %xor3A_318 = arith.xori %bitcast_convert_type3A, %xor3A_317 : vector<16xi32>
          %select_n3A_319 = arith.select %ge3A_315, %bitcast_convert_type3A, %xor3A_318 : vector<16xi1>, vector<16xi32>
          %xor3A_320 = arith.constant -2147483648 : i32
          %xor3A_321 = vector.broadcast %xor3A_320 : i32 to vector<16xi32>
          %xor3A_322 = arith.xori %select_n3A_319, %xor3A_321 : vector<16xi32>
          %add3A_323 = vector.broadcast %add3A_311 : i32 to vector<16xi32>
          %add3A_324 = arith.addi %add3A_323, %iota3A : vector<16xi32>
          %sub3A_325 = vector.broadcast %sub3A_21 : i32 to vector<16xi32>
          %sub3A_326 = arith.subi %add3A_324, %sub3A_325 : vector<16xi32>
          %ge3A_327 = arith.constant 0 : i32
          %ge3A_328 = vector.broadcast %ge3A_327 : i32 to vector<16xi32>
          %ge3A_329 = arith.cmpi sge, %sub3A_326, %ge3A_328 : vector<16xi32>
          %lt3A_330 = vector.broadcast %reduce_sum3A_18 : i32 to vector<16xi32>
          %lt3A_331 = arith.cmpi slt, %sub3A_326, %lt3A_330 : vector<16xi32>
          %and3A_332 = arith.andi %ge3A_329, %lt3A_331 : vector<16xi1>
          %jit3A_333 = arith.constant 0 : i32
          %broadcast_in_dim3A_334 = vector.broadcast %jit3A_333 : i32 to vector<16xi32>
          %select_n3A_335 = arith.select %and3A_332, %xor3A_322, %broadcast_in_dim3A_334 : vector<16xi1>, vector<16xi32>
          %swap3A_336 = arith.index_cast %add3A_311 : i32 to index
          %swap3A_337 = tpu.vector_load %arg6[%swap3A_336] {strides = array<i32>} : memref<4160xi32, #tpu.memory_space<vmem>>, vector<16xi32>,
          tpu.vector_store %arg6[%swap3A_336], %select_n3A_335 {strides = array<i32>} : memref<4160xi32, #tpu.memory_space<vmem>>, vector<16xi32>,
          %shift_right_logical3A_338 = arith.constant 24 : i32
          %shift_right_logical3A_339 = vector.broadcast %shift_right_logical3A_338 : i32 to vector<16xi32>
          %shift_right_logical3A_340 = arith.shrui %select_n3A_335, %shift_right_logical3A_339 : vector<16xi32>
          %mul3A_341 = arith.constant 16 : i32
          %mul3A_342 = vector.broadcast %mul3A_341 : i32 to vector<16xi32>
          %mul3A_343 = arith.muli %shift_right_logical3A_340, %mul3A_342 : vector<16xi32>
          %add3A_344 = arith.addi %mul3A_343, %iota3A : vector<16xi32>
          tpu.vector_store_idx %arg7[%add3A_344], %add3A_31 masked %and3A_332 {add = true} : memref<4096xi32, #tpu.memory_space<vmem>>[vector<16xi32>], vector<16xi32>, vector<16xi1>
          %mul3A_345 = arith.constant 64 : i32
          %mul3A_346 = arith.muli %while3A_306, %mul3A_345 : i32
          %add3A_347 = arith.constant 16 : i32
          %add3A_348 = arith.addi %mul3A_346, %add3A_347 : i32
          %get3A_349 = arith.index_cast %add3A_348 : i32 to index
          %get3A_350 = tpu.vector_load %arg5[%get3A_349] {strides = array<i32>} : memref<4160xf32, #tpu.memory_space<vmem>>, vector<16xf32>,
          %bitcast_convert_type3A_351 = tpu.bitcast %get3A_350 : vector<16xf32> -> vector<16xi32>
          %ge3A_352 = arith.constant 0 : i32
          %ge3A_353 = vector.broadcast %ge3A_352 : i32 to vector<16xi32>
          %ge3A_354 = arith.cmpi sge, %bitcast_convert_type3A_351, %ge3A_353 : vector<16xi32>
          %xor3A_355 = arith.constant 2147483647 : i32
          %xor3A_356 = vector.broadcast %xor3A_355 : i32 to vector<16xi32>
          %xor3A_357 = arith.xori %bitcast_convert_type3A_351, %xor3A_356 : vector<16xi32>
          %select_n3A_358 = arith.select %ge3A_354, %bitcast_convert_type3A_351, %xor3A_357 : vector<16xi1>, vector<16xi32>
          %xor3A_359 = arith.constant -2147483648 : i32
          %xor3A_360 = vector.broadcast %xor3A_359 : i32 to vector<16xi32>
          %xor3A_361 = arith.xori %select_n3A_358, %xor3A_360 : vector<16xi32>
          %add3A_362 = vector.broadcast %add3A_348 : i32 to vector<16xi32>
          %add3A_363 = arith.addi %add3A_362, %iota3A : vector<16xi32>
          %sub3A_364 = vector.broadcast %sub3A_21 : i32 to vector<16xi32>
          %sub3A_365 = arith.subi %add3A_363, %sub3A_364 : vector<16xi32>
          %ge3A_366 = arith.constant 0 : i32
          %ge3A_367 = vector.broadcast %ge3A_366 : i32 to vector<16xi32>
          %ge3A_368 = arith.cmpi sge, %sub3A_365, %ge3A_367 : vector<16xi32>
          %lt3A_369 = vector.broadcast %reduce_sum3A_18 : i32 to vector<16xi32>
          %lt3A_370 = arith.cmpi slt, %sub3A_365, %lt3A_369 : vector<16xi32>
          %and3A_371 = arith.andi %ge3A_368, %lt3A_370 : vector<16xi1>
          %jit3A_372 = arith.constant 0 : i32
          %broadcast_in_dim3A_373 = vector.broadcast %jit3A_372 : i32 to vector<16xi32>
          %select_n3A_374 = arith.select %and3A_371, %xor3A_361, %broadcast_in_dim3A_373 : vector<16xi1>, vector<16xi32>
          %swap3A_375 = arith.index_cast %add3A_348 : i32 to index
          %swap3A_376 = tpu.vector_load %arg6[%swap3A_375] {strides = array<i32>} : memref<4160xi32, #tpu.memory_space<vmem>>, vector<16xi32>,
          tpu.vector_store %arg6[%swap3A_375], %select_n3A_374 {strides = array<i32>} : memref<4160xi32, #tpu.memory_space<vmem>>, vector<16xi32>,
          %shift_right_logical3A_377 = arith.constant 24 : i32
          %shift_right_logical3A_378 = vector.broadcast %shift_right_logical3A_377 : i32 to vector<16xi32>
          %shift_right_logical3A_379 = arith.shrui %select_n3A_374, %shift_right_logical3A_378 : vector<16xi32>
          %mul3A_380 = arith.constant 16 : i32
          %mul3A_381 = vector.broadcast %mul3A_380 : i32 to vector<16xi32>
          %mul3A_382 = arith.muli %shift_right_logical3A_379, %mul3A_381 : vector<16xi32>
          %add3A_383 = arith.addi %mul3A_382, %iota3A : vector<16xi32>
          tpu.vector_store_idx %arg7[%add3A_383], %add3A_31 masked %and3A_371 {add = true} : memref<4096xi32, #tpu.memory_space<vmem>>[vector<16xi32>], vector<16xi32>, vector<16xi1>
          %mul3A_384 = arith.constant 64 : i32
          %mul3A_385 = arith.muli %while3A_306, %mul3A_384 : i32
          %add3A_386 = arith.constant 32 : i32
          %add3A_387 = arith.addi %mul3A_385, %add3A_386 : i32
          %get3A_388 = arith.index_cast %add3A_387 : i32 to index
          %get3A_389 = tpu.vector_load %arg5[%get3A_388] {strides = array<i32>} : memref<4160xf32, #tpu.memory_space<vmem>>, vector<16xf32>,
          %bitcast_convert_type3A_390 = tpu.bitcast %get3A_389 : vector<16xf32> -> vector<16xi32>
          %ge3A_391 = arith.constant 0 : i32
          %ge3A_392 = vector.broadcast %ge3A_391 : i32 to vector<16xi32>
          %ge3A_393 = arith.cmpi sge, %bitcast_convert_type3A_390, %ge3A_392 : vector<16xi32>
          %xor3A_394 = arith.constant 2147483647 : i32
          %xor3A_395 = vector.broadcast %xor3A_394 : i32 to vector<16xi32>
          %xor3A_396 = arith.xori %bitcast_convert_type3A_390, %xor3A_395 : vector<16xi32>
          %select_n3A_397 = arith.select %ge3A_393, %bitcast_convert_type3A_390, %xor3A_396 : vector<16xi1>, vector<16xi32>
          %xor3A_398 = arith.constant -2147483648 : i32
          %xor3A_399 = vector.broadcast %xor3A_398 : i32 to vector<16xi32>
          %xor3A_400 = arith.xori %select_n3A_397, %xor3A_399 : vector<16xi32>
          %add3A_401 = vector.broadcast %add3A_387 : i32 to vector<16xi32>
          %add3A_402 = arith.addi %add3A_401, %iota3A : vector<16xi32>
          %sub3A_403 = vector.broadcast %sub3A_21 : i32 to vector<16xi32>
          %sub3A_404 = arith.subi %add3A_402, %sub3A_403 : vector<16xi32>
          %ge3A_405 = arith.constant 0 : i32
          %ge3A_406 = vector.broadcast %ge3A_405 : i32 to vector<16xi32>
          %ge3A_407 = arith.cmpi sge, %sub3A_404, %ge3A_406 : vector<16xi32>
          %lt3A_408 = vector.broadcast %reduce_sum3A_18 : i32 to vector<16xi32>
          %lt3A_409 = arith.cmpi slt, %sub3A_404, %lt3A_408 : vector<16xi32>
          %and3A_410 = arith.andi %ge3A_407, %lt3A_409 : vector<16xi1>
          %jit3A_411 = arith.constant 0 : i32
          %broadcast_in_dim3A_412 = vector.broadcast %jit3A_411 : i32 to vector<16xi32>
          %select_n3A_413 = arith.select %and3A_410, %xor3A_400, %broadcast_in_dim3A_412 : vector<16xi1>, vector<16xi32>
          %swap3A_414 = arith.index_cast %add3A_387 : i32 to index
          %swap3A_415 = tpu.vector_load %arg6[%swap3A_414] {strides = array<i32>} : memref<4160xi32, #tpu.memory_space<vmem>>, vector<16xi32>,
          tpu.vector_store %arg6[%swap3A_414], %select_n3A_413 {strides = array<i32>} : memref<4160xi32, #tpu.memory_space<vmem>>, vector<16xi32>,
          %shift_right_logical3A_416 = arith.constant 24 : i32
          %shift_right_logical3A_417 = vector.broadcast %shift_right_logical3A_416 : i32 to vector<16xi32>
          %shift_right_logical3A_418 = arith.shrui %select_n3A_413, %shift_right_logical3A_417 : vector<16xi32>
          %mul3A_419 = arith.constant 16 : i32
          %mul3A_420 = vector.broadcast %mul3A_419 : i32 to vector<16xi32>
          %mul3A_421 = arith.muli %shift_right_logical3A_418, %mul3A_420 : vector<16xi32>
          %add3A_422 = arith.addi %mul3A_421, %iota3A : vector<16xi32>
          tpu.vector_store_idx %arg7[%add3A_422], %add3A_31 masked %and3A_410 {add = true} : memref<4096xi32, #tpu.memory_space<vmem>>[vector<16xi32>], vector<16xi32>, vector<16xi1>
          %mul3A_423 = arith.constant 64 : i32
          %mul3A_424 = arith.muli %while3A_306, %mul3A_423 : i32
          %add3A_425 = arith.constant 48 : i32
          %add3A_426 = arith.addi %mul3A_424, %add3A_425 : i32
          %get3A_427 = arith.index_cast %add3A_426 : i32 to index
          %get3A_428 = tpu.vector_load %arg5[%get3A_427] {strides = array<i32>} : memref<4160xf32, #tpu.memory_space<vmem>>, vector<16xf32>,
          %bitcast_convert_type3A_429 = tpu.bitcast %get3A_428 : vector<16xf32> -> vector<16xi32>
          %ge3A_430 = arith.constant 0 : i32
          %ge3A_431 = vector.broadcast %ge3A_430 : i32 to vector<16xi32>
          %ge3A_432 = arith.cmpi sge, %bitcast_convert_type3A_429, %ge3A_431 : vector<16xi32>
          %xor3A_433 = arith.constant 2147483647 : i32
          %xor3A_434 = vector.broadcast %xor3A_433 : i32 to vector<16xi32>
          %xor3A_435 = arith.xori %bitcast_convert_type3A_429, %xor3A_434 : vector<16xi32>
          %select_n3A_436 = arith.select %ge3A_432, %bitcast_convert_type3A_429, %xor3A_435 : vector<16xi1>, vector<16xi32>
          %xor3A_437 = arith.constant -2147483648 : i32
          %xor3A_438 = vector.broadcast %xor3A_437 : i32 to vector<16xi32>
          %xor3A_439 = arith.xori %select_n3A_436, %xor3A_438 : vector<16xi32>
          %add3A_440 = vector.broadcast %add3A_426 : i32 to vector<16xi32>
          %add3A_441 = arith.addi %add3A_440, %iota3A : vector<16xi32>
          %sub3A_442 = vector.broadcast %sub3A_21 : i32 to vector<16xi32>
          %sub3A_443 = arith.subi %add3A_441, %sub3A_442 : vector<16xi32>
          %ge3A_444 = arith.constant 0 : i32
          %ge3A_445 = vector.broadcast %ge3A_444 : i32 to vector<16xi32>
          %ge3A_446 = arith.cmpi sge, %sub3A_443, %ge3A_445 : vector<16xi32>
          %lt3A_447 = vector.broadcast %reduce_sum3A_18 : i32 to vector<16xi32>
          %lt3A_448 = arith.cmpi slt, %sub3A_443, %lt3A_447 : vector<16xi32>
          %and3A_449 = arith.andi %ge3A_446, %lt3A_448 : vector<16xi1>
          %jit3A_450 = arith.constant 0 : i32
          %broadcast_in_dim3A_451 = vector.broadcast %jit3A_450 : i32 to vector<16xi32>
          %select_n3A_452 = arith.select %and3A_449, %xor3A_439, %broadcast_in_dim3A_451 : vector<16xi1>, vector<16xi32>
          %swap3A_453 = arith.index_cast %add3A_426 : i32 to index
          %swap3A_454 = tpu.vector_load %arg6[%swap3A_453] {strides = array<i32>} : memref<4160xi32, #tpu.memory_space<vmem>>, vector<16xi32>,
          tpu.vector_store %arg6[%swap3A_453], %select_n3A_452 {strides = array<i32>} : memref<4160xi32, #tpu.memory_space<vmem>>, vector<16xi32>,
          %shift_right_logical3A_455 = arith.constant 24 : i32
          %shift_right_logical3A_456 = vector.broadcast %shift_right_logical3A_455 : i32 to vector<16xi32>
          %shift_right_logical3A_457 = arith.shrui %select_n3A_452, %shift_right_logical3A_456 : vector<16xi32>
          %mul3A_458 = arith.constant 16 : i32
          %mul3A_459 = vector.broadcast %mul3A_458 : i32 to vector<16xi32>
          %mul3A_460 = arith.muli %shift_right_logical3A_457, %mul3A_459 : vector<16xi32>
          %add3A_461 = arith.addi %mul3A_460, %iota3A : vector<16xi32>
          tpu.vector_store_idx %arg7[%add3A_461], %add3A_31 masked %and3A_449 {add = true} : memref<4096xi32, #tpu.memory_space<vmem>>[vector<16xi32>], vector<16xi32>, vector<16xi1>
          %while3A_462 = arith.constant 0 : i32
          scf.yield %while3A_462 : i32
        }
        %while3A_66 = arith.constant 1 : i32
        %while3A_67 = scf.for %while3A_306 = %while3A_63 to %while3A_59 step %while3A_66 iter_args(%while3A_307 = %while3A_65) -> (i32)  : i32 {
          %mul3A_308 = arith.constant 64 : i32
          %mul3A_309 = arith.muli %while3A_306, %mul3A_308 : i32
          %add3A_310 = arith.constant 0 : i32
          %add3A_311 = arith.addi %mul3A_309, %add3A_310 : i32
          %get3A_312 = arith.index_cast %add3A_311 : i32 to index
          %get3A_313 = tpu.vector_load %arg5[%get3A_312] {strides = array<i32>} : memref<4160xf32, #tpu.memory_space<vmem>>, vector<16xf32>,
          %bitcast_convert_type3A = tpu.bitcast %get3A_313 : vector<16xf32> -> vector<16xi32>
          %ge3A = arith.constant 0 : i32
          %ge3A_314 = vector.broadcast %ge3A : i32 to vector<16xi32>
          %ge3A_315 = arith.cmpi sge, %bitcast_convert_type3A, %ge3A_314 : vector<16xi32>
          %xor3A_316 = arith.constant 2147483647 : i32
          %xor3A_317 = vector.broadcast %xor3A_316 : i32 to vector<16xi32>
          %xor3A_318 = arith.xori %bitcast_convert_type3A, %xor3A_317 : vector<16xi32>
          %select_n3A_319 = arith.select %ge3A_315, %bitcast_convert_type3A, %xor3A_318 : vector<16xi1>, vector<16xi32>
          %xor3A_320 = arith.constant -2147483648 : i32
          %xor3A_321 = vector.broadcast %xor3A_320 : i32 to vector<16xi32>
          %xor3A_322 = arith.xori %select_n3A_319, %xor3A_321 : vector<16xi32>
          %add3A_323 = vector.broadcast %add3A_311 : i32 to vector<16xi32>
          %add3A_324 = arith.addi %add3A_323, %iota3A : vector<16xi32>
          %sub3A_325 = vector.broadcast %sub3A_21 : i32 to vector<16xi32>
          %sub3A_326 = arith.subi %add3A_324, %sub3A_325 : vector<16xi32>
          %ge3A_327 = arith.constant 0 : i32
          %ge3A_328 = vector.broadcast %ge3A_327 : i32 to vector<16xi32>
          %ge3A_329 = arith.cmpi sge, %sub3A_326, %ge3A_328 : vector<16xi32>
          %lt3A_330 = vector.broadcast %reduce_sum3A_18 : i32 to vector<16xi32>
          %lt3A_331 = arith.cmpi slt, %sub3A_326, %lt3A_330 : vector<16xi32>
          %and3A_332 = arith.andi %ge3A_329, %lt3A_331 : vector<16xi1>
          %jit3A_333 = arith.constant 0 : i32
          %broadcast_in_dim3A_334 = vector.broadcast %jit3A_333 : i32 to vector<16xi32>
          %select_n3A_335 = arith.select %and3A_332, %xor3A_322, %broadcast_in_dim3A_334 : vector<16xi1>, vector<16xi32>
          %swap3A_336 = arith.index_cast %add3A_311 : i32 to index
          %swap3A_337 = tpu.vector_load %arg6[%swap3A_336] {strides = array<i32>} : memref<4160xi32, #tpu.memory_space<vmem>>, vector<16xi32>,
          tpu.vector_store %arg6[%swap3A_336], %select_n3A_335 {strides = array<i32>} : memref<4160xi32, #tpu.memory_space<vmem>>, vector<16xi32>,
          %shift_right_logical3A_338 = arith.constant 24 : i32
          %shift_right_logical3A_339 = vector.broadcast %shift_right_logical3A_338 : i32 to vector<16xi32>
          %shift_right_logical3A_340 = arith.shrui %select_n3A_335, %shift_right_logical3A_339 : vector<16xi32>
          %mul3A_341 = arith.constant 16 : i32
          %mul3A_342 = vector.broadcast %mul3A_341 : i32 to vector<16xi32>
          %mul3A_343 = arith.muli %shift_right_logical3A_340, %mul3A_342 : vector<16xi32>
          %add3A_344 = arith.addi %mul3A_343, %iota3A : vector<16xi32>
          tpu.vector_store_idx %arg7[%add3A_344], %add3A_31 masked %and3A_332 {add = true} : memref<4096xi32, #tpu.memory_space<vmem>>[vector<16xi32>], vector<16xi32>, vector<16xi1>
          %mul3A_345 = arith.constant 64 : i32
          %mul3A_346 = arith.muli %while3A_306, %mul3A_345 : i32
          %add3A_347 = arith.constant 16 : i32
          %add3A_348 = arith.addi %mul3A_346, %add3A_347 : i32
          %get3A_349 = arith.index_cast %add3A_348 : i32 to index
          %get3A_350 = tpu.vector_load %arg5[%get3A_349] {strides = array<i32>} : memref<4160xf32, #tpu.memory_space<vmem>>, vector<16xf32>,
          %bitcast_convert_type3A_351 = tpu.bitcast %get3A_350 : vector<16xf32> -> vector<16xi32>
          %ge3A_352 = arith.constant 0 : i32
          %ge3A_353 = vector.broadcast %ge3A_352 : i32 to vector<16xi32>
          %ge3A_354 = arith.cmpi sge, %bitcast_convert_type3A_351, %ge3A_353 : vector<16xi32>
          %xor3A_355 = arith.constant 2147483647 : i32
          %xor3A_356 = vector.broadcast %xor3A_355 : i32 to vector<16xi32>
          %xor3A_357 = arith.xori %bitcast_convert_type3A_351, %xor3A_356 : vector<16xi32>
          %select_n3A_358 = arith.select %ge3A_354, %bitcast_convert_type3A_351, %xor3A_357 : vector<16xi1>, vector<16xi32>
          %xor3A_359 = arith.constant -2147483648 : i32
          %xor3A_360 = vector.broadcast %xor3A_359 : i32 to vector<16xi32>
          %xor3A_361 = arith.xori %select_n3A_358, %xor3A_360 : vector<16xi32>
          %add3A_362 = vector.broadcast %add3A_348 : i32 to vector<16xi32>
          %add3A_363 = arith.addi %add3A_362, %iota3A : vector<16xi32>
          %sub3A_364 = vector.broadcast %sub3A_21 : i32 to vector<16xi32>
          %sub3A_365 = arith.subi %add3A_363, %sub3A_364 : vector<16xi32>
          %ge3A_366 = arith.constant 0 : i32
          %ge3A_367 = vector.broadcast %ge3A_366 : i32 to vector<16xi32>
          %ge3A_368 = arith.cmpi sge, %sub3A_365, %ge3A_367 : vector<16xi32>
          %lt3A_369 = vector.broadcast %reduce_sum3A_18 : i32 to vector<16xi32>
          %lt3A_370 = arith.cmpi slt, %sub3A_365, %lt3A_369 : vector<16xi32>
          %and3A_371 = arith.andi %ge3A_368, %lt3A_370 : vector<16xi1>
          %jit3A_372 = arith.constant 0 : i32
          %broadcast_in_dim3A_373 = vector.broadcast %jit3A_372 : i32 to vector<16xi32>
          %select_n3A_374 = arith.select %and3A_371, %xor3A_361, %broadcast_in_dim3A_373 : vector<16xi1>, vector<16xi32>
          %swap3A_375 = arith.index_cast %add3A_348 : i32 to index
          %swap3A_376 = tpu.vector_load %arg6[%swap3A_375] {strides = array<i32>} : memref<4160xi32, #tpu.memory_space<vmem>>, vector<16xi32>,
          tpu.vector_store %arg6[%swap3A_375], %select_n3A_374 {strides = array<i32>} : memref<4160xi32, #tpu.memory_space<vmem>>, vector<16xi32>,
          %shift_right_logical3A_377 = arith.constant 24 : i32
          %shift_right_logical3A_378 = vector.broadcast %shift_right_logical3A_377 : i32 to vector<16xi32>
          %shift_right_logical3A_379 = arith.shrui %select_n3A_374, %shift_right_logical3A_378 : vector<16xi32>
          %mul3A_380 = arith.constant 16 : i32
          %mul3A_381 = vector.broadcast %mul3A_380 : i32 to vector<16xi32>
          %mul3A_382 = arith.muli %shift_right_logical3A_379, %mul3A_381 : vector<16xi32>
          %add3A_383 = arith.addi %mul3A_382, %iota3A : vector<16xi32>
          tpu.vector_store_idx %arg7[%add3A_383], %add3A_31 masked %and3A_371 {add = true} : memref<4096xi32, #tpu.memory_space<vmem>>[vector<16xi32>], vector<16xi32>, vector<16xi1>
          %mul3A_384 = arith.constant 64 : i32
          %mul3A_385 = arith.muli %while3A_306, %mul3A_384 : i32
          %add3A_386 = arith.constant 32 : i32
          %add3A_387 = arith.addi %mul3A_385, %add3A_386 : i32
          %get3A_388 = arith.index_cast %add3A_387 : i32 to index
          %get3A_389 = tpu.vector_load %arg5[%get3A_388] {strides = array<i32>} : memref<4160xf32, #tpu.memory_space<vmem>>, vector<16xf32>,
          %bitcast_convert_type3A_390 = tpu.bitcast %get3A_389 : vector<16xf32> -> vector<16xi32>
          %ge3A_391 = arith.constant 0 : i32
          %ge3A_392 = vector.broadcast %ge3A_391 : i32 to vector<16xi32>
          %ge3A_393 = arith.cmpi sge, %bitcast_convert_type3A_390, %ge3A_392 : vector<16xi32>
          %xor3A_394 = arith.constant 2147483647 : i32
          %xor3A_395 = vector.broadcast %xor3A_394 : i32 to vector<16xi32>
          %xor3A_396 = arith.xori %bitcast_convert_type3A_390, %xor3A_395 : vector<16xi32>
          %select_n3A_397 = arith.select %ge3A_393, %bitcast_convert_type3A_390, %xor3A_396 : vector<16xi1>, vector<16xi32>
          %xor3A_398 = arith.constant -2147483648 : i32
          %xor3A_399 = vector.broadcast %xor3A_398 : i32 to vector<16xi32>
          %xor3A_400 = arith.xori %select_n3A_397, %xor3A_399 : vector<16xi32>
          %add3A_401 = vector.broadcast %add3A_387 : i32 to vector<16xi32>
          %add3A_402 = arith.addi %add3A_401, %iota3A : vector<16xi32>
          %sub3A_403 = vector.broadcast %sub3A_21 : i32 to vector<16xi32>
          %sub3A_404 = arith.subi %add3A_402, %sub3A_403 : vector<16xi32>
          %ge3A_405 = arith.constant 0 : i32
          %ge3A_406 = vector.broadcast %ge3A_405 : i32 to vector<16xi32>
          %ge3A_407 = arith.cmpi sge, %sub3A_404, %ge3A_406 : vector<16xi32>
          %lt3A_408 = vector.broadcast %reduce_sum3A_18 : i32 to vector<16xi32>
          %lt3A_409 = arith.cmpi slt, %sub3A_404, %lt3A_408 : vector<16xi32>
          %and3A_410 = arith.andi %ge3A_407, %lt3A_409 : vector<16xi1>
          %jit3A_411 = arith.constant 0 : i32
          %broadcast_in_dim3A_412 = vector.broadcast %jit3A_411 : i32 to vector<16xi32>
          %select_n3A_413 = arith.select %and3A_410, %xor3A_400, %broadcast_in_dim3A_412 : vector<16xi1>, vector<16xi32>
          %swap3A_414 = arith.index_cast %add3A_387 : i32 to index
          %swap3A_415 = tpu.vector_load %arg6[%swap3A_414] {strides = array<i32>} : memref<4160xi32, #tpu.memory_space<vmem>>, vector<16xi32>,
          tpu.vector_store %arg6[%swap3A_414], %select_n3A_413 {strides = array<i32>} : memref<4160xi32, #tpu.memory_space<vmem>>, vector<16xi32>,
          %shift_right_logical3A_416 = arith.constant 24 : i32
          %shift_right_logical3A_417 = vector.broadcast %shift_right_logical3A_416 : i32 to vector<16xi32>
          %shift_right_logical3A_418 = arith.shrui %select_n3A_413, %shift_right_logical3A_417 : vector<16xi32>
          %mul3A_419 = arith.constant 16 : i32
          %mul3A_420 = vector.broadcast %mul3A_419 : i32 to vector<16xi32>
          %mul3A_421 = arith.muli %shift_right_logical3A_418, %mul3A_420 : vector<16xi32>
          %add3A_422 = arith.addi %mul3A_421, %iota3A : vector<16xi32>
          tpu.vector_store_idx %arg7[%add3A_422], %add3A_31 masked %and3A_410 {add = true} : memref<4096xi32, #tpu.memory_space<vmem>>[vector<16xi32>], vector<16xi32>, vector<16xi1>
          %mul3A_423 = arith.constant 64 : i32
          %mul3A_424 = arith.muli %while3A_306, %mul3A_423 : i32
          %add3A_425 = arith.constant 48 : i32
          %add3A_426 = arith.addi %mul3A_424, %add3A_425 : i32
          %get3A_427 = arith.index_cast %add3A_426 : i32 to index
          %get3A_428 = tpu.vector_load %arg5[%get3A_427] {strides = array<i32>} : memref<4160xf32, #tpu.memory_space<vmem>>, vector<16xf32>,
          %bitcast_convert_type3A_429 = tpu.bitcast %get3A_428 : vector<16xf32> -> vector<16xi32>
          %ge3A_430 = arith.constant 0 : i32
          %ge3A_431 = vector.broadcast %ge3A_430 : i32 to vector<16xi32>
          %ge3A_432 = arith.cmpi sge, %bitcast_convert_type3A_429, %ge3A_431 : vector<16xi32>
          %xor3A_433 = arith.constant 2147483647 : i32
          %xor3A_434 = vector.broadcast %xor3A_433 : i32 to vector<16xi32>
          %xor3A_435 = arith.xori %bitcast_convert_type3A_429, %xor3A_434 : vector<16xi32>
          %select_n3A_436 = arith.select %ge3A_432, %bitcast_convert_type3A_429, %xor3A_435 : vector<16xi1>, vector<16xi32>
          %xor3A_437 = arith.constant -2147483648 : i32
          %xor3A_438 = vector.broadcast %xor3A_437 : i32 to vector<16xi32>
          %xor3A_439 = arith.xori %select_n3A_436, %xor3A_438 : vector<16xi32>
          %add3A_440 = vector.broadcast %add3A_426 : i32 to vector<16xi32>
          %add3A_441 = arith.addi %add3A_440, %iota3A : vector<16xi32>
          %sub3A_442 = vector.broadcast %sub3A_21 : i32 to vector<16xi32>
          %sub3A_443 = arith.subi %add3A_441, %sub3A_442 : vector<16xi32>
          %ge3A_444 = arith.constant 0 : i32
          %ge3A_445 = vector.broadcast %ge3A_444 : i32 to vector<16xi32>
          %ge3A_446 = arith.cmpi sge, %sub3A_443, %ge3A_445 : vector<16xi32>
          %lt3A_447 = vector.broadcast %reduce_sum3A_18 : i32 to vector<16xi32>
          %lt3A_448 = arith.cmpi slt, %sub3A_443, %lt3A_447 : vector<16xi32>
          %and3A_449 = arith.andi %ge3A_446, %lt3A_448 : vector<16xi1>
          %jit3A_450 = arith.constant 0 : i32
          %broadcast_in_dim3A_451 = vector.broadcast %jit3A_450 : i32 to vector<16xi32>
          %select_n3A_452 = arith.select %and3A_449, %xor3A_439, %broadcast_in_dim3A_451 : vector<16xi1>, vector<16xi32>
          %swap3A_453 = arith.index_cast %add3A_426 : i32 to index
          %swap3A_454 = tpu.vector_load %arg6[%swap3A_453] {strides = array<i32>} : memref<4160xi32, #tpu.memory_space<vmem>>, vector<16xi32>,
          tpu.vector_store %arg6[%swap3A_453], %select_n3A_452 {strides = array<i32>} : memref<4160xi32, #tpu.memory_space<vmem>>, vector<16xi32>,
          %shift_right_logical3A_455 = arith.constant 24 : i32
          %shift_right_logical3A_456 = vector.broadcast %shift_right_logical3A_455 : i32 to vector<16xi32>
          %shift_right_logical3A_457 = arith.shrui %select_n3A_452, %shift_right_logical3A_456 : vector<16xi32>
          %mul3A_458 = arith.constant 16 : i32
          %mul3A_459 = vector.broadcast %mul3A_458 : i32 to vector<16xi32>
          %mul3A_460 = arith.muli %shift_right_logical3A_457, %mul3A_459 : vector<16xi32>
          %add3A_461 = arith.addi %mul3A_460, %iota3A : vector<16xi32>
          tpu.vector_store_idx %arg7[%add3A_461], %add3A_31 masked %and3A_449 {add = true} : memref<4096xi32, #tpu.memory_space<vmem>>[vector<16xi32>], vector<16xi32>, vector<16xi1>
          %while3A_462 = arith.constant 0 : i32
          scf.yield %while3A_462 : i32
        }
        %scan3A_68 = arith.constant false
        %scan3A_69 = arith.constant 0 : i32
        %scan3A_70 = arith.constant 1024 : i32
        %scan3A_71 = arith.constant 0 : i32
        %scan3A_72 = arith.constant 0 : i32
        %scan3A_73 = arith.constant 16 : i32
        %scan3A_74 = arith.addi %scan3A_72, %scan3A_73 : i32
        %scan3A_75 = arith.constant 1 : i32
        %scan3A_76:4 = scf.for %scan3A_306 = %scan3A_72 to %scan3A_74 step %scan3A_75 iter_args(%scan3A_307 = %scan3A_68, %scan3A_308 = %scan3A_69, %scan3A_309 = %scan3A_70, %scan3A_310 = %scan3A_71) -> (i1, i32, i32, i32)  : i32 {
          %sub3A_311 = arith.constant 15 : i32
          %sub3A_312 = arith.subi %sub3A_311, %scan3A_306 : i32
          %mul3A_313 = arith.constant 16 : i32
          %mul3A_314 = arith.muli %sub3A_312, %mul3A_313 : i32
          %add3A_315 = vector.broadcast %mul3A_314 : i32 to vector<16xi32>
          %add3A_316 = arith.addi %add3A_315, %iota3A : vector<16xi32>
          %mul3A_317 = arith.constant 16 : i32
          %mul3A_318 = vector.broadcast %mul3A_317 : i32 to vector<16xi32>
          %mul3A_319 = arith.muli %add3A_316, %mul3A_318 : vector<16xi32>
          %add3A_320 = arith.constant 0 : i32
          %add3A_321 = vector.broadcast %add3A_320 : i32 to vector<16xi32>
          %add3A_322 = arith.addi %mul3A_319, %add3A_321 : vector<16xi32>
          %gather3A = tpu.vector_load_idx %arg7[%add3A_322] : memref<4096xi32, #tpu.memory_space<vmem>>[vector<16xi32>], vector<16xi32>,
          %add3A_323 = arith.addi %and3A_28, %gather3A : vector<16xi32>
          %add3A_324 = arith.constant 1 : i32
          %add3A_325 = vector.broadcast %add3A_324 : i32 to vector<16xi32>
          %add3A_326 = arith.addi %mul3A_319, %add3A_325 : vector<16xi32>
          %gather3A_327 = tpu.vector_load_idx %arg7[%add3A_326] : memref<4096xi32, #tpu.memory_space<vmem>>[vector<16xi32>], vector<16xi32>,
          %add3A_328 = arith.addi %add3A_323, %gather3A_327 : vector<16xi32>
          %add3A_329 = arith.constant 2 : i32
          %add3A_330 = vector.broadcast %add3A_329 : i32 to vector<16xi32>
          %add3A_331 = arith.addi %mul3A_319, %add3A_330 : vector<16xi32>
          %gather3A_332 = tpu.vector_load_idx %arg7[%add3A_331] : memref<4096xi32, #tpu.memory_space<vmem>>[vector<16xi32>], vector<16xi32>,
          %add3A_333 = arith.addi %add3A_328, %gather3A_332 : vector<16xi32>
          %add3A_334 = arith.constant 3 : i32
          %add3A_335 = vector.broadcast %add3A_334 : i32 to vector<16xi32>
          %add3A_336 = arith.addi %mul3A_319, %add3A_335 : vector<16xi32>
          %gather3A_337 = tpu.vector_load_idx %arg7[%add3A_336] : memref<4096xi32, #tpu.memory_space<vmem>>[vector<16xi32>], vector<16xi32>,
          %add3A_338 = arith.addi %add3A_333, %gather3A_337 : vector<16xi32>
          %add3A_339 = arith.constant 4 : i32
          %add3A_340 = vector.broadcast %add3A_339 : i32 to vector<16xi32>
          %add3A_341 = arith.addi %mul3A_319, %add3A_340 : vector<16xi32>
          %gather3A_342 = tpu.vector_load_idx %arg7[%add3A_341] : memref<4096xi32, #tpu.memory_space<vmem>>[vector<16xi32>], vector<16xi32>,
          %add3A_343 = arith.addi %add3A_338, %gather3A_342 : vector<16xi32>
          %add3A_344 = arith.constant 5 : i32
          %add3A_345 = vector.broadcast %add3A_344 : i32 to vector<16xi32>
          %add3A_346 = arith.addi %mul3A_319, %add3A_345 : vector<16xi32>
          %gather3A_347 = tpu.vector_load_idx %arg7[%add3A_346] : memref<4096xi32, #tpu.memory_space<vmem>>[vector<16xi32>], vector<16xi32>,
          %add3A_348 = arith.addi %add3A_343, %gather3A_347 : vector<16xi32>
          %add3A_349 = arith.constant 6 : i32
          %add3A_350 = vector.broadcast %add3A_349 : i32 to vector<16xi32>
          %add3A_351 = arith.addi %mul3A_319, %add3A_350 : vector<16xi32>
          %gather3A_352 = tpu.vector_load_idx %arg7[%add3A_351] : memref<4096xi32, #tpu.memory_space<vmem>>[vector<16xi32>], vector<16xi32>,
          %add3A_353 = arith.addi %add3A_348, %gather3A_352 : vector<16xi32>
          %add3A_354 = arith.constant 7 : i32
          %add3A_355 = vector.broadcast %add3A_354 : i32 to vector<16xi32>
          %add3A_356 = arith.addi %mul3A_319, %add3A_355 : vector<16xi32>
          %gather3A_357 = tpu.vector_load_idx %arg7[%add3A_356] : memref<4096xi32, #tpu.memory_space<vmem>>[vector<16xi32>], vector<16xi32>,
          %add3A_358 = arith.addi %add3A_353, %gather3A_357 : vector<16xi32>
          %add3A_359 = arith.constant 8 : i32
          %add3A_360 = vector.broadcast %add3A_359 : i32 to vector<16xi32>
          %add3A_361 = arith.addi %mul3A_319, %add3A_360 : vector<16xi32>
          %gather3A_362 = tpu.vector_load_idx %arg7[%add3A_361] : memref<4096xi32, #tpu.memory_space<vmem>>[vector<16xi32>], vector<16xi32>,
          %add3A_363 = arith.addi %add3A_358, %gather3A_362 : vector<16xi32>
          %add3A_364 = arith.constant 9 : i32
          %add3A_365 = vector.broadcast %add3A_364 : i32 to vector<16xi32>
          %add3A_366 = arith.addi %mul3A_319, %add3A_365 : vector<16xi32>
          %gather3A_367 = tpu.vector_load_idx %arg7[%add3A_366] : memref<4096xi32, #tpu.memory_space<vmem>>[vector<16xi32>], vector<16xi32>,
          %add3A_368 = arith.addi %add3A_363, %gather3A_367 : vector<16xi32>
          %add3A_369 = arith.constant 10 : i32
          %add3A_370 = vector.broadcast %add3A_369 : i32 to vector<16xi32>
          %add3A_371 = arith.addi %mul3A_319, %add3A_370 : vector<16xi32>
          %gather3A_372 = tpu.vector_load_idx %arg7[%add3A_371] : memref<4096xi32, #tpu.memory_space<vmem>>[vector<16xi32>], vector<16xi32>,
          %add3A_373 = arith.addi %add3A_368, %gather3A_372 : vector<16xi32>
          %add3A_374 = arith.constant 11 : i32
          %add3A_375 = vector.broadcast %add3A_374 : i32 to vector<16xi32>
          %add3A_376 = arith.addi %mul3A_319, %add3A_375 : vector<16xi32>
          %gather3A_377 = tpu.vector_load_idx %arg7[%add3A_376] : memref<4096xi32, #tpu.memory_space<vmem>>[vector<16xi32>], vector<16xi32>,
          %add3A_378 = arith.addi %add3A_373, %gather3A_377 : vector<16xi32>
          %add3A_379 = arith.constant 12 : i32
          %add3A_380 = vector.broadcast %add3A_379 : i32 to vector<16xi32>
          %add3A_381 = arith.addi %mul3A_319, %add3A_380 : vector<16xi32>
          %gather3A_382 = tpu.vector_load_idx %arg7[%add3A_381] : memref<4096xi32, #tpu.memory_space<vmem>>[vector<16xi32>], vector<16xi32>,
          %add3A_383 = arith.addi %add3A_378, %gather3A_382 : vector<16xi32>
          %add3A_384 = arith.constant 13 : i32
          %add3A_385 = vector.broadcast %add3A_384 : i32 to vector<16xi32>
          %add3A_386 = arith.addi %mul3A_319, %add3A_385 : vector<16xi32>
          %gather3A_387 = tpu.vector_load_idx %arg7[%add3A_386] : memref<4096xi32, #tpu.memory_space<vmem>>[vector<16xi32>], vector<16xi32>,
          %add3A_388 = arith.addi %add3A_383, %gather3A_387 : vector<16xi32>
          %add3A_389 = arith.constant 14 : i32
          %add3A_390 = vector.broadcast %add3A_389 : i32 to vector<16xi32>
          %add3A_391 = arith.addi %mul3A_319, %add3A_390 : vector<16xi32>
          %gather3A_392 = tpu.vector_load_idx %arg7[%add3A_391] : memref<4096xi32, #tpu.memory_space<vmem>>[vector<16xi32>], vector<16xi32>,
          %add3A_393 = arith.addi %add3A_388, %gather3A_392 : vector<16xi32>
          %add3A_394 = arith.constant 15 : i32
          %add3A_395 = vector.broadcast %add3A_394 : i32 to vector<16xi32>
          %add3A_396 = arith.addi %mul3A_319, %add3A_395 : vector<16xi32>
          %gather3A_397 = tpu.vector_load_idx %arg7[%add3A_396] : memref<4096xi32, #tpu.memory_space<vmem>>[vector<16xi32>], vector<16xi32>,
          %add3A_398 = arith.addi %add3A_393, %gather3A_397 : vector<16xi32>
          %rev3A = arith.constant 15 : i32
          %rev3A_399 = vector.broadcast %rev3A : i32 to vector<16xi32>
          %rev3A_400 = tpu.iota {dimensions = array<i32: 0>} : vector<16xi32>
          %rev3A_401 = arith.subi %rev3A_399, %rev3A_400 : vector<16xi32>
          %rev3A_402 = tpu.dynamic_gather %add3A_398[%rev3A_401] in [0] : vector<16xi32>, vector<16xi32> -> vector<16xi32>
          %broadcast_in_dim3A_403 = arith.constant true
          %broadcast_in_dim3A_404 = vector.broadcast %broadcast_in_dim3A_403 : i1 to vector<16xi1>
          %masked_cumsum3A_405 = tpu.scan <sum>, %rev3A_402 masked %broadcast_in_dim3A_404 : vector<16xi32>, vector<16xi1> -> vector<16xi32>
          %add3A_406 = vector.broadcast %scan3A_310 : i32 to vector<16xi32>
          %add3A_407 = arith.addi %add3A_406, %masked_cumsum3A_405 : vector<16xi32>
          %ge3A = vector.broadcast %scan3A_309 : i32 to vector<16xi32>
          %ge3A_408 = arith.cmpi sge, %add3A_407, %ge3A : vector<16xi32>
          %all_reduce_population_count3A = tpu.all_reduce %ge3A_408 {dim = 0 : i64, kind = #tpu.reduction_kind<sum>} : vector<16xi1> -> vector<16xi32>
          %reduce_max3A = arith.constant true
          %reduce_max3A_409 = vector.broadcast %reduce_max3A : i1 to vector<16xi1>
          %reduce_max3A_410 = arith.constant -2147483648 : i32
          %reduce_max3A_411 = vector.broadcast %reduce_max3A_410 : i32 to vector<16xi32>
          %reduce_max3A_412 = arith.xori %all_reduce_population_count3A, %reduce_max3A_411 : vector<16xi32>
          %reduce_max3A_413 = tpu.scan <max>, %reduce_max3A_412 masked %reduce_max3A_409 : vector<16xi32>, vector<16xi1> -> vector<16xi32>
          %reduce_max3A_414 = arith.xori %reduce_max3A_413, %reduce_max3A_411 : vector<16xi32>
          %reduce_max3A_415 = vector.extract %reduce_max3A_414[15] : i32 from vector<16xi32>
          %all_reduce_ffs3A = tpu.all_reduce %ge3A_408 {dim = 0 : i64, kind = #tpu.reduction_kind<find_first_set>} : vector<16xi1> -> vector<16xi32>
          %not3A = arith.constant true
          %not3A_416 = arith.xori %scan3A_307, %not3A : i1
          %gt3A_417 = arith.constant 0 : i32
          %gt3A_418 = arith.cmpi sgt, %reduce_max3A_415, %gt3A_417 : i32
          %and3A_419 = arith.andi %not3A_416, %gt3A_418 : i1
          %mul3A_420 = arith.constant 16 : i32
          %mul3A_421 = arith.muli %sub3A_312, %mul3A_420 : i32
          %add3A_422 = arith.constant 15 : i32
          %add3A_423 = arith.addi %mul3A_421, %add3A_422 : i32
          %reduce_max3A_424 = arith.constant true
          %reduce_max3A_425 = vector.broadcast %reduce_max3A_424 : i1 to vector<16xi1>
          %reduce_max3A_426 = arith.constant -2147483648 : i32
          %reduce_max3A_427 = vector.broadcast %reduce_max3A_426 : i32 to vector<16xi32>
          %reduce_max3A_428 = arith.xori %all_reduce_ffs3A, %reduce_max3A_427 : vector<16xi32>
          %reduce_max3A_429 = tpu.scan <max>, %reduce_max3A_428 masked %reduce_max3A_425 : vector<16xi32>, vector<16xi1> -> vector<16xi32>
          %reduce_max3A_430 = arith.xori %reduce_max3A_429, %reduce_max3A_427 : vector<16xi32>
          %reduce_max3A_431 = vector.extract %reduce_max3A_430[15] : i32 from vector<16xi32>
          %sub3A_432 = arith.subi %add3A_423, %reduce_max3A_431 : i32
          %eq3A_433 = arith.cmpi eq, %iota3A, %all_reduce_ffs3A : vector<16xi32>
          %jit3A_434 = arith.constant 0 : i32
          %broadcast_in_dim3A_435 = vector.broadcast %jit3A_434 : i32 to vector<16xi32>
          %select_n3A_436 = arith.select %eq3A_433, %add3A_407, %broadcast_in_dim3A_435 : vector<16xi1>, vector<16xi32>
          %reduce_sum3A_437 = arith.constant true
          %reduce_sum3A_438 = vector.broadcast %reduce_sum3A_437 : i1 to vector<16xi1>
          %reduce_sum3A_439 = tpu.scan <sum>, %select_n3A_436 masked %reduce_sum3A_438 : vector<16xi32>, vector<16xi1> -> vector<16xi32>
          %reduce_sum3A_440 = vector.extract %reduce_sum3A_439[15] : i32 from vector<16xi32>
          %eq3A_441 = arith.cmpi eq, %iota3A, %all_reduce_ffs3A : vector<16xi32>
          %jit3A_442 = arith.constant 0 : i32
          %broadcast_in_dim3A_443 = vector.broadcast %jit3A_442 : i32 to vector<16xi32>
          %select_n3A_444 = arith.select %eq3A_441, %rev3A_402, %broadcast_in_dim3A_443 : vector<16xi1>, vector<16xi32>
          %reduce_sum3A_445 = arith.constant true
          %reduce_sum3A_446 = vector.broadcast %reduce_sum3A_445 : i1 to vector<16xi1>
          %reduce_sum3A_447 = tpu.scan <sum>, %select_n3A_444 masked %reduce_sum3A_446 : vector<16xi32>, vector<16xi1> -> vector<16xi32>
          %reduce_sum3A_448 = vector.extract %reduce_sum3A_447[15] : i32 from vector<16xi32>
          %sub3A_449 = arith.subi %reduce_sum3A_440, %reduce_sum3A_448 : i32
          %select_n3A_450 = arith.select %and3A_419, %sub3A_432, %scan3A_308 : i32
          %sub3A_451 = arith.subi %scan3A_309, %sub3A_449 : i32
          %select_n3A_452 = arith.select %and3A_419, %sub3A_451, %scan3A_309 : i32
          %gt3A_453 = arith.constant 0 : i32
          %gt3A_454 = arith.cmpi sgt, %reduce_max3A_415, %gt3A_453 : i32
          %or3A_455 = arith.ori %scan3A_307, %gt3A_454 : i1
          %eq3A_456 = arith.constant 15 : i32
          %eq3A_457 = vector.broadcast %eq3A_456 : i32 to vector<16xi32>
          %eq3A_458 = arith.cmpi eq, %iota3A, %eq3A_457 : vector<16xi32>
          %jit3A_459 = arith.constant 0 : i32
          %broadcast_in_dim3A_460 = vector.broadcast %jit3A_459 : i32 to vector<16xi32>
          %select_n3A_461 = arith.select %eq3A_458, %masked_cumsum3A_405, %broadcast_in_dim3A_460 : vector<16xi1>, vector<16xi32>
          %reduce_sum3A_462 = arith.constant true
          %reduce_sum3A_463 = vector.broadcast %reduce_sum3A_462 : i1 to vector<16xi1>
          %reduce_sum3A_464 = tpu.scan <sum>, %select_n3A_461 masked %reduce_sum3A_463 : vector<16xi32>, vector<16xi1> -> vector<16xi32>
          %reduce_sum3A_465 = vector.extract %reduce_sum3A_464[15] : i32 from vector<16xi32>
          %add3A_466 = arith.addi %scan3A_310, %reduce_sum3A_465 : i32
          scf.yield %or3A_455, %select_n3A_450, %select_n3A_452, %add3A_466 : i1, i32, i32, i32
        }
        %scan3A_77 = arith.constant 16 : i32
        %shift_left3A = arith.constant 24 : i32
        %shift_left3A_78 = arith.shli %scan3A_76#1, %shift_left3A : i32
        %while3A_79 = arith.constant 0 : i32
        %while3A_80 = arith.constant 0 : i32
        %while3A_81 = arith.subi %shift_right_logical3A_25, %while3A_79 : i32
        %while3A_82 = arith.addi %while3A_79, %while3A_81 : i32
        %while3A_83 = arith.constant 1 : i32
        %while3A_84 = arith.divsi %while3A_81, %while3A_83 : i32
        %while3A_85 = arith.muli %while3A_84, %while3A_83 : i32
        %while3A_86 = arith.addi %while3A_79, %while3A_85 : i32
        %while3A_87 = arith.constant 1 : i32
        %while3A_88 = scf.for %while3A_306 = %while3A_79 to %while3A_86 step %while3A_87 iter_args(%while3A_307 = %while3A_80) -> (i32)  : i32 {
          %mul3A_308 = arith.constant 64 : i32
          %mul3A_309 = arith.muli %while3A_306, %mul3A_308 : i32
          %add3A_310 = arith.constant 0 : i32
          %add3A_311 = arith.addi %mul3A_309, %add3A_310 : i32
          %get3A_312 = arith.index_cast %add3A_311 : i32 to index
          %get3A_313 = tpu.vector_load %arg6[%get3A_312] {strides = array<i32>} : memref<4160xi32, #tpu.memory_space<vmem>>, vector<16xi32>,
          %shift_right_logical3A_314 = arith.constant 24 : i32
          %shift_right_logical3A_315 = vector.broadcast %shift_right_logical3A_314 : i32 to vector<16xi32>
          %shift_right_logical3A_316 = arith.shrui %get3A_313, %shift_right_logical3A_315 : vector<16xi32>
          %eq3A_317 = vector.broadcast %scan3A_76#1 : i32 to vector<16xi32>
          %eq3A_318 = arith.cmpi eq, %shift_right_logical3A_316, %eq3A_317 : vector<16xi32>
          %convert_element_type3A_319 = arith.extui %eq3A_318 : vector<16xi1> to vector<16xi32>
          %broadcast_in_dim3A_320 = arith.constant true
          %broadcast_in_dim3A_321 = vector.broadcast %broadcast_in_dim3A_320 : i1 to vector<16xi1>
          %masked_cumsum3A_322 = tpu.scan <sum>, %convert_element_type3A_319 masked %broadcast_in_dim3A_321 : vector<16xi32>, vector<16xi1> -> vector<16xi32>
          %add3A_323 = vector.broadcast %while3A_307 : i32 to vector<16xi32>
          %add3A_324 = arith.addi %add3A_323, %masked_cumsum3A_322 : vector<16xi32>
          %sub3A_325 = arith.constant 1 : i32
          %sub3A_326 = vector.broadcast %sub3A_325 : i32 to vector<16xi32>
          %sub3A_327 = arith.subi %add3A_324, %sub3A_326 : vector<16xi32>
          tpu.vector_store_idx %arg8[%sub3A_327], %get3A_313 masked %eq3A_318 : memref<4224xi32, #tpu.memory_space<vmem>>[vector<16xi32>], vector<16xi32>, vector<16xi1>
          %add3A_328 = vector.broadcast %add3A_311 : i32 to vector<16xi32>
          %add3A_329 = arith.addi %add3A_328, %iota3A : vector<16xi32>
          %sub3A_330 = vector.broadcast %sub3A_21 : i32 to vector<16xi32>
          %sub3A_331 = arith.subi %add3A_329, %sub3A_330 : vector<16xi32>
          tpu.vector_store_idx %arg9[%sub3A_327], %sub3A_331 masked %eq3A_318 : memref<4224xi32, #tpu.memory_space<vmem>>[vector<16xi32>], vector<16xi32>, vector<16xi1>
          %eq3A_332 = arith.constant 15 : i32
          %eq3A_333 = vector.broadcast %eq3A_332 : i32 to vector<16xi32>
          %eq3A_334 = arith.cmpi eq, %iota3A, %eq3A_333 : vector<16xi32>
          %jit3A_335 = arith.constant 0 : i32
          %broadcast_in_dim3A_336 = vector.broadcast %jit3A_335 : i32 to vector<16xi32>
          %select_n3A_337 = arith.select %eq3A_334, %masked_cumsum3A_322, %broadcast_in_dim3A_336 : vector<16xi1>, vector<16xi32>
          %reduce_sum3A_338 = arith.constant true
          %reduce_sum3A_339 = vector.broadcast %reduce_sum3A_338 : i1 to vector<16xi1>
          %reduce_sum3A_340 = tpu.scan <sum>, %select_n3A_337 masked %reduce_sum3A_339 : vector<16xi32>, vector<16xi1> -> vector<16xi32>
          %reduce_sum3A_341 = vector.extract %reduce_sum3A_340[15] : i32 from vector<16xi32>
          %add3A_342 = arith.addi %while3A_307, %reduce_sum3A_341 : i32
          %mul3A_343 = arith.constant 64 : i32
          %mul3A_344 = arith.muli %while3A_306, %mul3A_343 : i32
          %add3A_345 = arith.constant 16 : i32
          %add3A_346 = arith.addi %mul3A_344, %add3A_345 : i32
          %get3A_347 = arith.index_cast %add3A_346 : i32 to index
          %get3A_348 = tpu.vector_load %arg6[%get3A_347] {strides = array<i32>} : memref<4160xi32, #tpu.memory_space<vmem>>, vector<16xi32>,
          %shift_right_logical3A_349 = arith.constant 24 : i32
          %shift_right_logical3A_350 = vector.broadcast %shift_right_logical3A_349 : i32 to vector<16xi32>
          %shift_right_logical3A_351 = arith.shrui %get3A_348, %shift_right_logical3A_350 : vector<16xi32>
          %eq3A_352 = vector.broadcast %scan3A_76#1 : i32 to vector<16xi32>
          %eq3A_353 = arith.cmpi eq, %shift_right_logical3A_351, %eq3A_352 : vector<16xi32>
          %convert_element_type3A_354 = arith.extui %eq3A_353 : vector<16xi1> to vector<16xi32>
          %broadcast_in_dim3A_355 = arith.constant true
          %broadcast_in_dim3A_356 = vector.broadcast %broadcast_in_dim3A_355 : i1 to vector<16xi1>
          %masked_cumsum3A_357 = tpu.scan <sum>, %convert_element_type3A_354 masked %broadcast_in_dim3A_356 : vector<16xi32>, vector<16xi1> -> vector<16xi32>
          %add3A_358 = vector.broadcast %add3A_342 : i32 to vector<16xi32>
          %add3A_359 = arith.addi %add3A_358, %masked_cumsum3A_357 : vector<16xi32>
          %sub3A_360 = arith.constant 1 : i32
          %sub3A_361 = vector.broadcast %sub3A_360 : i32 to vector<16xi32>
          %sub3A_362 = arith.subi %add3A_359, %sub3A_361 : vector<16xi32>
          tpu.vector_store_idx %arg8[%sub3A_362], %get3A_348 masked %eq3A_353 : memref<4224xi32, #tpu.memory_space<vmem>>[vector<16xi32>], vector<16xi32>, vector<16xi1>
          %add3A_363 = vector.broadcast %add3A_346 : i32 to vector<16xi32>
          %add3A_364 = arith.addi %add3A_363, %iota3A : vector<16xi32>
          %sub3A_365 = vector.broadcast %sub3A_21 : i32 to vector<16xi32>
          %sub3A_366 = arith.subi %add3A_364, %sub3A_365 : vector<16xi32>
          tpu.vector_store_idx %arg9[%sub3A_362], %sub3A_366 masked %eq3A_353 : memref<4224xi32, #tpu.memory_space<vmem>>[vector<16xi32>], vector<16xi32>, vector<16xi1>
          %eq3A_367 = arith.constant 15 : i32
          %eq3A_368 = vector.broadcast %eq3A_367 : i32 to vector<16xi32>
          %eq3A_369 = arith.cmpi eq, %iota3A, %eq3A_368 : vector<16xi32>
          %jit3A_370 = arith.constant 0 : i32
          %broadcast_in_dim3A_371 = vector.broadcast %jit3A_370 : i32 to vector<16xi32>
          %select_n3A_372 = arith.select %eq3A_369, %masked_cumsum3A_357, %broadcast_in_dim3A_371 : vector<16xi1>, vector<16xi32>
          %reduce_sum3A_373 = arith.constant true
          %reduce_sum3A_374 = vector.broadcast %reduce_sum3A_373 : i1 to vector<16xi1>
          %reduce_sum3A_375 = tpu.scan <sum>, %select_n3A_372 masked %reduce_sum3A_374 : vector<16xi32>, vector<16xi1> -> vector<16xi32>
          %reduce_sum3A_376 = vector.extract %reduce_sum3A_375[15] : i32 from vector<16xi32>
          %add3A_377 = arith.addi %add3A_342, %reduce_sum3A_376 : i32
          %mul3A_378 = arith.constant 64 : i32
          %mul3A_379 = arith.muli %while3A_306, %mul3A_378 : i32
          %add3A_380 = arith.constant 32 : i32
          %add3A_381 = arith.addi %mul3A_379, %add3A_380 : i32
          %get3A_382 = arith.index_cast %add3A_381 : i32 to index
          %get3A_383 = tpu.vector_load %arg6[%get3A_382] {strides = array<i32>} : memref<4160xi32, #tpu.memory_space<vmem>>, vector<16xi32>,
          %shift_right_logical3A_384 = arith.constant 24 : i32
          %shift_right_logical3A_385 = vector.broadcast %shift_right_logical3A_384 : i32 to vector<16xi32>
          %shift_right_logical3A_386 = arith.shrui %get3A_383, %shift_right_logical3A_385 : vector<16xi32>
          %eq3A_387 = vector.broadcast %scan3A_76#1 : i32 to vector<16xi32>
          %eq3A_388 = arith.cmpi eq, %shift_right_logical3A_386, %eq3A_387 : vector<16xi32>
          %convert_element_type3A_389 = arith.extui %eq3A_388 : vector<16xi1> to vector<16xi32>
          %broadcast_in_dim3A_390 = arith.constant true
          %broadcast_in_dim3A_391 = vector.broadcast %broadcast_in_dim3A_390 : i1 to vector<16xi1>
          %masked_cumsum3A_392 = tpu.scan <sum>, %convert_element_type3A_389 masked %broadcast_in_dim3A_391 : vector<16xi32>, vector<16xi1> -> vector<16xi32>
          %add3A_393 = vector.broadcast %add3A_377 : i32 to vector<16xi32>
          %add3A_394 = arith.addi %add3A_393, %masked_cumsum3A_392 : vector<16xi32>
          %sub3A_395 = arith.constant 1 : i32
          %sub3A_396 = vector.broadcast %sub3A_395 : i32 to vector<16xi32>
          %sub3A_397 = arith.subi %add3A_394, %sub3A_396 : vector<16xi32>
          tpu.vector_store_idx %arg8[%sub3A_397], %get3A_383 masked %eq3A_388 : memref<4224xi32, #tpu.memory_space<vmem>>[vector<16xi32>], vector<16xi32>, vector<16xi1>
          %add3A_398 = vector.broadcast %add3A_381 : i32 to vector<16xi32>
          %add3A_399 = arith.addi %add3A_398, %iota3A : vector<16xi32>
          %sub3A_400 = vector.broadcast %sub3A_21 : i32 to vector<16xi32>
          %sub3A_401 = arith.subi %add3A_399, %sub3A_400 : vector<16xi32>
          tpu.vector_store_idx %arg9[%sub3A_397], %sub3A_401 masked %eq3A_388 : memref<4224xi32, #tpu.memory_space<vmem>>[vector<16xi32>], vector<16xi32>, vector<16xi1>
          %eq3A_402 = arith.constant 15 : i32
          %eq3A_403 = vector.broadcast %eq3A_402 : i32 to vector<16xi32>
          %eq3A_404 = arith.cmpi eq, %iota3A, %eq3A_403 : vector<16xi32>
          %jit3A_405 = arith.constant 0 : i32
          %broadcast_in_dim3A_406 = vector.broadcast %jit3A_405 : i32 to vector<16xi32>
          %select_n3A_407 = arith.select %eq3A_404, %masked_cumsum3A_392, %broadcast_in_dim3A_406 : vector<16xi1>, vector<16xi32>
          %reduce_sum3A_408 = arith.constant true
          %reduce_sum3A_409 = vector.broadcast %reduce_sum3A_408 : i1 to vector<16xi1>
          %reduce_sum3A_410 = tpu.scan <sum>, %select_n3A_407 masked %reduce_sum3A_409 : vector<16xi32>, vector<16xi1> -> vector<16xi32>
          %reduce_sum3A_411 = vector.extract %reduce_sum3A_410[15] : i32 from vector<16xi32>
          %add3A_412 = arith.addi %add3A_377, %reduce_sum3A_411 : i32
          %mul3A_413 = arith.constant 64 : i32
          %mul3A_414 = arith.muli %while3A_306, %mul3A_413 : i32
          %add3A_415 = arith.constant 48 : i32
          %add3A_416 = arith.addi %mul3A_414, %add3A_415 : i32
          %get3A_417 = arith.index_cast %add3A_416 : i32 to index
          %get3A_418 = tpu.vector_load %arg6[%get3A_417] {strides = array<i32>} : memref<4160xi32, #tpu.memory_space<vmem>>, vector<16xi32>,
          %shift_right_logical3A_419 = arith.constant 24 : i32
          %shift_right_logical3A_420 = vector.broadcast %shift_right_logical3A_419 : i32 to vector<16xi32>
          %shift_right_logical3A_421 = arith.shrui %get3A_418, %shift_right_logical3A_420 : vector<16xi32>
          %eq3A_422 = vector.broadcast %scan3A_76#1 : i32 to vector<16xi32>
          %eq3A_423 = arith.cmpi eq, %shift_right_logical3A_421, %eq3A_422 : vector<16xi32>
          %convert_element_type3A_424 = arith.extui %eq3A_423 : vector<16xi1> to vector<16xi32>
          %broadcast_in_dim3A_425 = arith.constant true
          %broadcast_in_dim3A_426 = vector.broadcast %broadcast_in_dim3A_425 : i1 to vector<16xi1>
          %masked_cumsum3A_427 = tpu.scan <sum>, %convert_element_type3A_424 masked %broadcast_in_dim3A_426 : vector<16xi32>, vector<16xi1> -> vector<16xi32>
          %add3A_428 = vector.broadcast %add3A_412 : i32 to vector<16xi32>
          %add3A_429 = arith.addi %add3A_428, %masked_cumsum3A_427 : vector<16xi32>
          %sub3A_430 = arith.constant 1 : i32
          %sub3A_431 = vector.broadcast %sub3A_430 : i32 to vector<16xi32>
          %sub3A_432 = arith.subi %add3A_429, %sub3A_431 : vector<16xi32>
          tpu.vector_store_idx %arg8[%sub3A_432], %get3A_418 masked %eq3A_423 : memref<4224xi32, #tpu.memory_space<vmem>>[vector<16xi32>], vector<16xi32>, vector<16xi1>
          %add3A_433 = vector.broadcast %add3A_416 : i32 to vector<16xi32>
          %add3A_434 = arith.addi %add3A_433, %iota3A : vector<16xi32>
          %sub3A_435 = vector.broadcast %sub3A_21 : i32 to vector<16xi32>
          %sub3A_436 = arith.subi %add3A_434, %sub3A_435 : vector<16xi32>
          tpu.vector_store_idx %arg9[%sub3A_432], %sub3A_436 masked %eq3A_423 : memref<4224xi32, #tpu.memory_space<vmem>>[vector<16xi32>], vector<16xi32>, vector<16xi1>
          %eq3A_437 = arith.constant 15 : i32
          %eq3A_438 = vector.broadcast %eq3A_437 : i32 to vector<16xi32>
          %eq3A_439 = arith.cmpi eq, %iota3A, %eq3A_438 : vector<16xi32>
          %jit3A_440 = arith.constant 0 : i32
          %broadcast_in_dim3A_441 = vector.broadcast %jit3A_440 : i32 to vector<16xi32>
          %select_n3A_442 = arith.select %eq3A_439, %masked_cumsum3A_427, %broadcast_in_dim3A_441 : vector<16xi1>, vector<16xi32>
          %reduce_sum3A_443 = arith.constant true
          %reduce_sum3A_444 = vector.broadcast %reduce_sum3A_443 : i1 to vector<16xi1>
          %reduce_sum3A_445 = tpu.scan <sum>, %select_n3A_442 masked %reduce_sum3A_444 : vector<16xi32>, vector<16xi1> -> vector<16xi32>
          %reduce_sum3A_446 = vector.extract %reduce_sum3A_445[15] : i32 from vector<16xi32>
          %add3A_447 = arith.addi %add3A_412, %reduce_sum3A_446 : i32
          scf.yield %add3A_447 : i32
        }
        %while3A_89 = arith.constant 1 : i32
        %while3A_90 = scf.for %while3A_306 = %while3A_86 to %while3A_82 step %while3A_89 iter_args(%while3A_307 = %while3A_88) -> (i32)  : i32 {
          %mul3A_308 = arith.constant 64 : i32
          %mul3A_309 = arith.muli %while3A_306, %mul3A_308 : i32
          %add3A_310 = arith.constant 0 : i32
          %add3A_311 = arith.addi %mul3A_309, %add3A_310 : i32
          %get3A_312 = arith.index_cast %add3A_311 : i32 to index
          %get3A_313 = tpu.vector_load %arg6[%get3A_312] {strides = array<i32>} : memref<4160xi32, #tpu.memory_space<vmem>>, vector<16xi32>,
          %shift_right_logical3A_314 = arith.constant 24 : i32
          %shift_right_logical3A_315 = vector.broadcast %shift_right_logical3A_314 : i32 to vector<16xi32>
          %shift_right_logical3A_316 = arith.shrui %get3A_313, %shift_right_logical3A_315 : vector<16xi32>
          %eq3A_317 = vector.broadcast %scan3A_76#1 : i32 to vector<16xi32>
          %eq3A_318 = arith.cmpi eq, %shift_right_logical3A_316, %eq3A_317 : vector<16xi32>
          %convert_element_type3A_319 = arith.extui %eq3A_318 : vector<16xi1> to vector<16xi32>
          %broadcast_in_dim3A_320 = arith.constant true
          %broadcast_in_dim3A_321 = vector.broadcast %broadcast_in_dim3A_320 : i1 to vector<16xi1>
          %masked_cumsum3A_322 = tpu.scan <sum>, %convert_element_type3A_319 masked %broadcast_in_dim3A_321 : vector<16xi32>, vector<16xi1> -> vector<16xi32>
          %add3A_323 = vector.broadcast %while3A_307 : i32 to vector<16xi32>
          %add3A_324 = arith.addi %add3A_323, %masked_cumsum3A_322 : vector<16xi32>
          %sub3A_325 = arith.constant 1 : i32
          %sub3A_326 = vector.broadcast %sub3A_325 : i32 to vector<16xi32>
          %sub3A_327 = arith.subi %add3A_324, %sub3A_326 : vector<16xi32>
          tpu.vector_store_idx %arg8[%sub3A_327], %get3A_313 masked %eq3A_318 : memref<4224xi32, #tpu.memory_space<vmem>>[vector<16xi32>], vector<16xi32>, vector<16xi1>
          %add3A_328 = vector.broadcast %add3A_311 : i32 to vector<16xi32>
          %add3A_329 = arith.addi %add3A_328, %iota3A : vector<16xi32>
          %sub3A_330 = vector.broadcast %sub3A_21 : i32 to vector<16xi32>
          %sub3A_331 = arith.subi %add3A_329, %sub3A_330 : vector<16xi32>
          tpu.vector_store_idx %arg9[%sub3A_327], %sub3A_331 masked %eq3A_318 : memref<4224xi32, #tpu.memory_space<vmem>>[vector<16xi32>], vector<16xi32>, vector<16xi1>
          %eq3A_332 = arith.constant 15 : i32
          %eq3A_333 = vector.broadcast %eq3A_332 : i32 to vector<16xi32>
          %eq3A_334 = arith.cmpi eq, %iota3A, %eq3A_333 : vector<16xi32>
          %jit3A_335 = arith.constant 0 : i32
          %broadcast_in_dim3A_336 = vector.broadcast %jit3A_335 : i32 to vector<16xi32>
          %select_n3A_337 = arith.select %eq3A_334, %masked_cumsum3A_322, %broadcast_in_dim3A_336 : vector<16xi1>, vector<16xi32>
          %reduce_sum3A_338 = arith.constant true
          %reduce_sum3A_339 = vector.broadcast %reduce_sum3A_338 : i1 to vector<16xi1>
          %reduce_sum3A_340 = tpu.scan <sum>, %select_n3A_337 masked %reduce_sum3A_339 : vector<16xi32>, vector<16xi1> -> vector<16xi32>
          %reduce_sum3A_341 = vector.extract %reduce_sum3A_340[15] : i32 from vector<16xi32>
          %add3A_342 = arith.addi %while3A_307, %reduce_sum3A_341 : i32
          %mul3A_343 = arith.constant 64 : i32
          %mul3A_344 = arith.muli %while3A_306, %mul3A_343 : i32
          %add3A_345 = arith.constant 16 : i32
          %add3A_346 = arith.addi %mul3A_344, %add3A_345 : i32
          %get3A_347 = arith.index_cast %add3A_346 : i32 to index
          %get3A_348 = tpu.vector_load %arg6[%get3A_347] {strides = array<i32>} : memref<4160xi32, #tpu.memory_space<vmem>>, vector<16xi32>,
          %shift_right_logical3A_349 = arith.constant 24 : i32
          %shift_right_logical3A_350 = vector.broadcast %shift_right_logical3A_349 : i32 to vector<16xi32>
          %shift_right_logical3A_351 = arith.shrui %get3A_348, %shift_right_logical3A_350 : vector<16xi32>
          %eq3A_352 = vector.broadcast %scan3A_76#1 : i32 to vector<16xi32>
          %eq3A_353 = arith.cmpi eq, %shift_right_logical3A_351, %eq3A_352 : vector<16xi32>
          %convert_element_type3A_354 = arith.extui %eq3A_353 : vector<16xi1> to vector<16xi32>
          %broadcast_in_dim3A_355 = arith.constant true
          %broadcast_in_dim3A_356 = vector.broadcast %broadcast_in_dim3A_355 : i1 to vector<16xi1>
          %masked_cumsum3A_357 = tpu.scan <sum>, %convert_element_type3A_354 masked %broadcast_in_dim3A_356 : vector<16xi32>, vector<16xi1> -> vector<16xi32>
          %add3A_358 = vector.broadcast %add3A_342 : i32 to vector<16xi32>
          %add3A_359 = arith.addi %add3A_358, %masked_cumsum3A_357 : vector<16xi32>
          %sub3A_360 = arith.constant 1 : i32
          %sub3A_361 = vector.broadcast %sub3A_360 : i32 to vector<16xi32>
          %sub3A_362 = arith.subi %add3A_359, %sub3A_361 : vector<16xi32>
          tpu.vector_store_idx %arg8[%sub3A_362], %get3A_348 masked %eq3A_353 : memref<4224xi32, #tpu.memory_space<vmem>>[vector<16xi32>], vector<16xi32>, vector<16xi1>
          %add3A_363 = vector.broadcast %add3A_346 : i32 to vector<16xi32>
          %add3A_364 = arith.addi %add3A_363, %iota3A : vector<16xi32>
          %sub3A_365 = vector.broadcast %sub3A_21 : i32 to vector<16xi32>
          %sub3A_366 = arith.subi %add3A_364, %sub3A_365 : vector<16xi32>
          tpu.vector_store_idx %arg9[%sub3A_362], %sub3A_366 masked %eq3A_353 : memref<4224xi32, #tpu.memory_space<vmem>>[vector<16xi32>], vector<16xi32>, vector<16xi1>
          %eq3A_367 = arith.constant 15 : i32
          %eq3A_368 = vector.broadcast %eq3A_367 : i32 to vector<16xi32>
          %eq3A_369 = arith.cmpi eq, %iota3A, %eq3A_368 : vector<16xi32>
          %jit3A_370 = arith.constant 0 : i32
          %broadcast_in_dim3A_371 = vector.broadcast %jit3A_370 : i32 to vector<16xi32>
          %select_n3A_372 = arith.select %eq3A_369, %masked_cumsum3A_357, %broadcast_in_dim3A_371 : vector<16xi1>, vector<16xi32>
          %reduce_sum3A_373 = arith.constant true
          %reduce_sum3A_374 = vector.broadcast %reduce_sum3A_373 : i1 to vector<16xi1>
          %reduce_sum3A_375 = tpu.scan <sum>, %select_n3A_372 masked %reduce_sum3A_374 : vector<16xi32>, vector<16xi1> -> vector<16xi32>
          %reduce_sum3A_376 = vector.extract %reduce_sum3A_375[15] : i32 from vector<16xi32>
          %add3A_377 = arith.addi %add3A_342, %reduce_sum3A_376 : i32
          %mul3A_378 = arith.constant 64 : i32
          %mul3A_379 = arith.muli %while3A_306, %mul3A_378 : i32
          %add3A_380 = arith.constant 32 : i32
          %add3A_381 = arith.addi %mul3A_379, %add3A_380 : i32
          %get3A_382 = arith.index_cast %add3A_381 : i32 to index
          %get3A_383 = tpu.vector_load %arg6[%get3A_382] {strides = array<i32>} : memref<4160xi32, #tpu.memory_space<vmem>>, vector<16xi32>,
          %shift_right_logical3A_384 = arith.constant 24 : i32
          %shift_right_logical3A_385 = vector.broadcast %shift_right_logical3A_384 : i32 to vector<16xi32>
          %shift_right_logical3A_386 = arith.shrui %get3A_383, %shift_right_logical3A_385 : vector<16xi32>
          %eq3A_387 = vector.broadcast %scan3A_76#1 : i32 to vector<16xi32>
          %eq3A_388 = arith.cmpi eq, %shift_right_logical3A_386, %eq3A_387 : vector<16xi32>
          %convert_element_type3A_389 = arith.extui %eq3A_388 : vector<16xi1> to vector<16xi32>
          %broadcast_in_dim3A_390 = arith.constant true
          %broadcast_in_dim3A_391 = vector.broadcast %broadcast_in_dim3A_390 : i1 to vector<16xi1>
          %masked_cumsum3A_392 = tpu.scan <sum>, %convert_element_type3A_389 masked %broadcast_in_dim3A_391 : vector<16xi32>, vector<16xi1> -> vector<16xi32>
          %add3A_393 = vector.broadcast %add3A_377 : i32 to vector<16xi32>
          %add3A_394 = arith.addi %add3A_393, %masked_cumsum3A_392 : vector<16xi32>
          %sub3A_395 = arith.constant 1 : i32
          %sub3A_396 = vector.broadcast %sub3A_395 : i32 to vector<16xi32>
          %sub3A_397 = arith.subi %add3A_394, %sub3A_396 : vector<16xi32>
          tpu.vector_store_idx %arg8[%sub3A_397], %get3A_383 masked %eq3A_388 : memref<4224xi32, #tpu.memory_space<vmem>>[vector<16xi32>], vector<16xi32>, vector<16xi1>
          %add3A_398 = vector.broadcast %add3A_381 : i32 to vector<16xi32>
          %add3A_399 = arith.addi %add3A_398, %iota3A : vector<16xi32>
          %sub3A_400 = vector.broadcast %sub3A_21 : i32 to vector<16xi32>
          %sub3A_401 = arith.subi %add3A_399, %sub3A_400 : vector<16xi32>
          tpu.vector_store_idx %arg9[%sub3A_397], %sub3A_401 masked %eq3A_388 : memref<4224xi32, #tpu.memory_space<vmem>>[vector<16xi32>], vector<16xi32>, vector<16xi1>
          %eq3A_402 = arith.constant 15 : i32
          %eq3A_403 = vector.broadcast %eq3A_402 : i32 to vector<16xi32>
          %eq3A_404 = arith.cmpi eq, %iota3A, %eq3A_403 : vector<16xi32>
          %jit3A_405 = arith.constant 0 : i32
          %broadcast_in_dim3A_406 = vector.broadcast %jit3A_405 : i32 to vector<16xi32>
          %select_n3A_407 = arith.select %eq3A_404, %masked_cumsum3A_392, %broadcast_in_dim3A_406 : vector<16xi1>, vector<16xi32>
          %reduce_sum3A_408 = arith.constant true
          %reduce_sum3A_409 = vector.broadcast %reduce_sum3A_408 : i1 to vector<16xi1>
          %reduce_sum3A_410 = tpu.scan <sum>, %select_n3A_407 masked %reduce_sum3A_409 : vector<16xi32>, vector<16xi1> -> vector<16xi32>
          %reduce_sum3A_411 = vector.extract %reduce_sum3A_410[15] : i32 from vector<16xi32>
          %add3A_412 = arith.addi %add3A_377, %reduce_sum3A_411 : i32
          %mul3A_413 = arith.constant 64 : i32
          %mul3A_414 = arith.muli %while3A_306, %mul3A_413 : i32
          %add3A_415 = arith.constant 48 : i32
          %add3A_416 = arith.addi %mul3A_414, %add3A_415 : i32
          %get3A_417 = arith.index_cast %add3A_416 : i32 to index
          %get3A_418 = tpu.vector_load %arg6[%get3A_417] {strides = array<i32>} : memref<4160xi32, #tpu.memory_space<vmem>>, vector<16xi32>,
          %shift_right_logical3A_419 = arith.constant 24 : i32
          %shift_right_logical3A_420 = vector.broadcast %shift_right_logical3A_419 : i32 to vector<16xi32>
          %shift_right_logical3A_421 = arith.shrui %get3A_418, %shift_right_logical3A_420 : vector<16xi32>
          %eq3A_422 = vector.broadcast %scan3A_76#1 : i32 to vector<16xi32>
          %eq3A_423 = arith.cmpi eq, %shift_right_logical3A_421, %eq3A_422 : vector<16xi32>
          %convert_element_type3A_424 = arith.extui %eq3A_423 : vector<16xi1> to vector<16xi32>
          %broadcast_in_dim3A_425 = arith.constant true
          %broadcast_in_dim3A_426 = vector.broadcast %broadcast_in_dim3A_425 : i1 to vector<16xi1>
          %masked_cumsum3A_427 = tpu.scan <sum>, %convert_element_type3A_424 masked %broadcast_in_dim3A_426 : vector<16xi32>, vector<16xi1> -> vector<16xi32>
          %add3A_428 = vector.broadcast %add3A_412 : i32 to vector<16xi32>
          %add3A_429 = arith.addi %add3A_428, %masked_cumsum3A_427 : vector<16xi32>
          %sub3A_430 = arith.constant 1 : i32
          %sub3A_431 = vector.broadcast %sub3A_430 : i32 to vector<16xi32>
          %sub3A_432 = arith.subi %add3A_429, %sub3A_431 : vector<16xi32>
          tpu.vector_store_idx %arg8[%sub3A_432], %get3A_418 masked %eq3A_423 : memref<4224xi32, #tpu.memory_space<vmem>>[vector<16xi32>], vector<16xi32>, vector<16xi1>
          %add3A_433 = vector.broadcast %add3A_416 : i32 to vector<16xi32>
          %add3A_434 = arith.addi %add3A_433, %iota3A : vector<16xi32>
          %sub3A_435 = vector.broadcast %sub3A_21 : i32 to vector<16xi32>
          %sub3A_436 = arith.subi %add3A_434, %sub3A_435 : vector<16xi32>
          tpu.vector_store_idx %arg9[%sub3A_432], %sub3A_436 masked %eq3A_423 : memref<4224xi32, #tpu.memory_space<vmem>>[vector<16xi32>], vector<16xi32>, vector<16xi1>
          %eq3A_437 = arith.constant 15 : i32
          %eq3A_438 = vector.broadcast %eq3A_437 : i32 to vector<16xi32>
          %eq3A_439 = arith.cmpi eq, %iota3A, %eq3A_438 : vector<16xi32>
          %jit3A_440 = arith.constant 0 : i32
          %broadcast_in_dim3A_441 = vector.broadcast %jit3A_440 : i32 to vector<16xi32>
          %select_n3A_442 = arith.select %eq3A_439, %masked_cumsum3A_427, %broadcast_in_dim3A_441 : vector<16xi1>, vector<16xi32>
          %reduce_sum3A_443 = arith.constant true
          %reduce_sum3A_444 = vector.broadcast %reduce_sum3A_443 : i1 to vector<16xi1>
          %reduce_sum3A_445 = tpu.scan <sum>, %select_n3A_442 masked %reduce_sum3A_444 : vector<16xi32>, vector<16xi1> -> vector<16xi32>
          %reduce_sum3A_446 = vector.extract %reduce_sum3A_445[15] : i32 from vector<16xi32>
          %add3A_447 = arith.addi %add3A_412, %reduce_sum3A_446 : i32
          scf.yield %add3A_447 : i32
        }
        %add3A_91 = arith.constant 0 : i32
        %add3A_92 = arith.addi %while3A_90, %add3A_91 : i32
        %swap3A_93 = arith.index_cast %add3A_92 : i32 to index
        %swap3A_94 = tpu.vector_load %arg8[%swap3A_93] {strides = array<i32>} : memref<4224xi32, #tpu.memory_space<vmem>>, vector<16xi32>,
        tpu.vector_store %arg8[%swap3A_93], %and3A_28 {strides = array<i32>} : memref<4224xi32, #tpu.memory_space<vmem>>, vector<16xi32>,
        %add3A_95 = arith.constant 16 : i32
        %add3A_96 = arith.addi %while3A_90, %add3A_95 : i32
        %swap3A_97 = arith.index_cast %add3A_96 : i32 to index
        %swap3A_98 = tpu.vector_load %arg8[%swap3A_97] {strides = array<i32>} : memref<4224xi32, #tpu.memory_space<vmem>>, vector<16xi32>,
        tpu.vector_store %arg8[%swap3A_97], %and3A_28 {strides = array<i32>} : memref<4224xi32, #tpu.memory_space<vmem>>, vector<16xi32>,
        %add3A_99 = arith.constant 32 : i32
        %add3A_100 = arith.addi %while3A_90, %add3A_99 : i32
        %swap3A_101 = arith.index_cast %add3A_100 : i32 to index
        %swap3A_102 = tpu.vector_load %arg8[%swap3A_101] {strides = array<i32>} : memref<4224xi32, #tpu.memory_space<vmem>>, vector<16xi32>,
        tpu.vector_store %arg8[%swap3A_101], %and3A_28 {strides = array<i32>} : memref<4224xi32, #tpu.memory_space<vmem>>, vector<16xi32>,
        %add3A_103 = arith.constant 48 : i32
        %add3A_104 = arith.addi %while3A_90, %add3A_103 : i32
        %swap3A_105 = arith.index_cast %add3A_104 : i32 to index
        %swap3A_106 = tpu.vector_load %arg8[%swap3A_105] {strides = array<i32>} : memref<4224xi32, #tpu.memory_space<vmem>>, vector<16xi32>,
        tpu.vector_store %arg8[%swap3A_105], %and3A_28 {strides = array<i32>} : memref<4224xi32, #tpu.memory_space<vmem>>, vector<16xi32>,
        %add3A_107 = arith.constant 63 : i32
        %add3A_108 = arith.addi %while3A_90, %add3A_107 : i32
        %shift_right_logical3A_109 = arith.constant 6 : i32
        %shift_right_logical3A_110 = arith.shrui %add3A_108, %shift_right_logical3A_109 : i32
        %scan3A_111 = arith.constant 0 : i32
        %scan3A_112 = arith.constant 0 : i32
        %scan3A_113 = arith.constant 256 : i32
        %scan3A_114 = arith.addi %scan3A_112, %scan3A_113 : i32
        %scan3A_115 = arith.constant 4 : i32
        %scan3A_116 = scf.for %scan3A_306 = %scan3A_112 to %scan3A_114 step %scan3A_115 iter_args(%scan3A_307 = %scan3A_111) -> (i32)  : i32 {
          %mul3A_308 = arith.constant 16 : i32
          %mul3A_309 = arith.muli %scan3A_306, %mul3A_308 : i32
          %swap3A_310 = arith.index_cast %mul3A_309 : i32 to index
          %swap3A_311 = tpu.vector_load %arg7[%swap3A_310] {strides = array<i32>} : memref<4096xi32, #tpu.memory_space<vmem>>, vector<16xi32>,
          tpu.vector_store %arg7[%swap3A_310], %and3A_28 {strides = array<i32>} : memref<4096xi32, #tpu.memory_space<vmem>>, vector<16xi32>,
          %scan3A_312 = arith.constant 0 : i32
          %scan3A_313 = arith.constant 1 : i32
          %scan3A_314 = arith.addi %scan3A_306, %scan3A_313 : i32
          %mul3A_315 = arith.constant 16 : i32
          %mul3A_316 = arith.muli %scan3A_314, %mul3A_315 : i32
          %swap3A_317 = arith.index_cast %mul3A_316 : i32 to index
          %swap3A_318 = tpu.vector_load %arg7[%swap3A_317] {strides = array<i32>} : memref<4096xi32, #tpu.memory_space<vmem>>, vector<16xi32>,
          tpu.vector_store %arg7[%swap3A_317], %and3A_28 {strides = array<i32>} : memref<4096xi32, #tpu.memory_space<vmem>>, vector<16xi32>,
          %scan3A_319 = arith.constant 0 : i32
          %scan3A_320 = arith.constant 2 : i32
          %scan3A_321 = arith.addi %scan3A_306, %scan3A_320 : i32
          %mul3A_322 = arith.constant 16 : i32
          %mul3A_323 = arith.muli %scan3A_321, %mul3A_322 : i32
          %swap3A_324 = arith.index_cast %mul3A_323 : i32 to index
          %swap3A_325 = tpu.vector_load %arg7[%swap3A_324] {strides = array<i32>} : memref<4096xi32, #tpu.memory_space<vmem>>, vector<16xi32>,
          tpu.vector_store %arg7[%swap3A_324], %and3A_28 {strides = array<i32>} : memref<4096xi32, #tpu.memory_space<vmem>>, vector<16xi32>,
          %scan3A_326 = arith.constant 0 : i32
          %scan3A_327 = arith.constant 3 : i32
          %scan3A_328 = arith.addi %scan3A_306, %scan3A_327 : i32
          %mul3A_329 = arith.constant 16 : i32
          %mul3A_330 = arith.muli %scan3A_328, %mul3A_329 : i32
          %swap3A_331 = arith.index_cast %mul3A_330 : i32 to index
          %swap3A_332 = tpu.vector_load %arg7[%swap3A_331] {strides = array<i32>} : memref<4096xi32, #tpu.memory_space<vmem>>, vector<16xi32>,
          tpu.vector_store %arg7[%swap3A_331], %and3A_28 {strides = array<i32>} : memref<4096xi32, #tpu.memory_space<vmem>>, vector<16xi32>,
          %scan3A_333 = arith.constant 0 : i32
          scf.yield %scan3A_333 : i32
        }
        %scan3A_117 = arith.constant 256 : i32
        %while3A_118 = arith.constant 0 : i32
        %while3A_119 = arith.constant 0 : i32
        %while3A_120 = arith.subi %shift_right_logical3A_110, %while3A_118 : i32
        %while3A_121 = arith.addi %while3A_118, %while3A_120 : i32
        %while3A_122 = arith.constant 1 : i32
        %while3A_123 = arith.divsi %while3A_120, %while3A_122 : i32
        %while3A_124 = arith.muli %while3A_123, %while3A_122 : i32
        %while3A_125 = arith.addi %while3A_118, %while3A_124 : i32
        %while3A_126 = arith.constant 1 : i32
        %while3A_127 = scf.for %while3A_306 = %while3A_118 to %while3A_125 step %while3A_126 iter_args(%while3A_307 = %while3A_119) -> (i32)  : i32 {
          %mul3A_308 = arith.constant 64 : i32
          %mul3A_309 = arith.muli %while3A_306, %mul3A_308 : i32
          %add3A_310 = arith.constant 0 : i32
          %add3A_311 = arith.addi %mul3A_309, %add3A_310 : i32
          %get3A_312 = arith.index_cast %add3A_311 : i32 to index
          %get3A_313 = tpu.vector_load %arg8[%get3A_312] {strides = array<i32>} : memref<4224xi32, #tpu.memory_space<vmem>>, vector<16xi32>,
          %and3A_314 = arith.constant -16777216 : i32
          %and3A_315 = vector.broadcast %and3A_314 : i32 to vector<16xi32>
          %and3A_316 = arith.andi %get3A_313, %and3A_315 : vector<16xi32>
          %eq3A_317 = vector.broadcast %shift_left3A_78 : i32 to vector<16xi32>
          %eq3A_318 = arith.cmpi eq, %and3A_316, %eq3A_317 : vector<16xi32>
          %shift_right_logical3A_319 = arith.constant 16 : i32
          %shift_right_logical3A_320 = vector.broadcast %shift_right_logical3A_319 : i32 to vector<16xi32>
          %shift_right_logical3A_321 = arith.shrui %get3A_313, %shift_right_logical3A_320 : vector<16xi32>
          %and3A_322 = arith.constant 255 : i32
          %and3A_323 = vector.broadcast %and3A_322 : i32 to vector<16xi32>
          %and3A_324 = arith.andi %shift_right_logical3A_321, %and3A_323 : vector<16xi32>
          %mul3A_325 = arith.constant 16 : i32
          %mul3A_326 = vector.broadcast %mul3A_325 : i32 to vector<16xi32>
          %mul3A_327 = arith.muli %and3A_324, %mul3A_326 : vector<16xi32>
          %add3A_328 = arith.addi %mul3A_327, %iota3A : vector<16xi32>
          tpu.vector_store_idx %arg7[%add3A_328], %add3A_31 masked %eq3A_318 {add = true} : memref<4096xi32, #tpu.memory_space<vmem>>[vector<16xi32>], vector<16xi32>, vector<16xi1>
          %mul3A_329 = arith.constant 64 : i32
          %mul3A_330 = arith.muli %while3A_306, %mul3A_329 : i32
          %add3A_331 = arith.constant 16 : i32
          %add3A_332 = arith.addi %mul3A_330, %add3A_331 : i32
          %get3A_333 = arith.index_cast %add3A_332 : i32 to index
          %get3A_334 = tpu.vector_load %arg8[%get3A_333] {strides = array<i32>} : memref<4224xi32, #tpu.memory_space<vmem>>, vector<16xi32>,
          %and3A_335 = arith.constant -16777216 : i32
          %and3A_336 = vector.broadcast %and3A_335 : i32 to vector<16xi32>
          %and3A_337 = arith.andi %get3A_334, %and3A_336 : vector<16xi32>
          %eq3A_338 = vector.broadcast %shift_left3A_78 : i32 to vector<16xi32>
          %eq3A_339 = arith.cmpi eq, %and3A_337, %eq3A_338 : vector<16xi32>
          %shift_right_logical3A_340 = arith.constant 16 : i32
          %shift_right_logical3A_341 = vector.broadcast %shift_right_logical3A_340 : i32 to vector<16xi32>
          %shift_right_logical3A_342 = arith.shrui %get3A_334, %shift_right_logical3A_341 : vector<16xi32>
          %and3A_343 = arith.constant 255 : i32
          %and3A_344 = vector.broadcast %and3A_343 : i32 to vector<16xi32>
          %and3A_345 = arith.andi %shift_right_logical3A_342, %and3A_344 : vector<16xi32>
          %mul3A_346 = arith.constant 16 : i32
          %mul3A_347 = vector.broadcast %mul3A_346 : i32 to vector<16xi32>
          %mul3A_348 = arith.muli %and3A_345, %mul3A_347 : vector<16xi32>
          %add3A_349 = arith.addi %mul3A_348, %iota3A : vector<16xi32>
          tpu.vector_store_idx %arg7[%add3A_349], %add3A_31 masked %eq3A_339 {add = true} : memref<4096xi32, #tpu.memory_space<vmem>>[vector<16xi32>], vector<16xi32>, vector<16xi1>
          %mul3A_350 = arith.constant 64 : i32
          %mul3A_351 = arith.muli %while3A_306, %mul3A_350 : i32
          %add3A_352 = arith.constant 32 : i32
          %add3A_353 = arith.addi %mul3A_351, %add3A_352 : i32
          %get3A_354 = arith.index_cast %add3A_353 : i32 to index
          %get3A_355 = tpu.vector_load %arg8[%get3A_354] {strides = array<i32>} : memref<4224xi32, #tpu.memory_space<vmem>>, vector<16xi32>,
          %and3A_356 = arith.constant -16777216 : i32
          %and3A_357 = vector.broadcast %and3A_356 : i32 to vector<16xi32>
          %and3A_358 = arith.andi %get3A_355, %and3A_357 : vector<16xi32>
          %eq3A_359 = vector.broadcast %shift_left3A_78 : i32 to vector<16xi32>
          %eq3A_360 = arith.cmpi eq, %and3A_358, %eq3A_359 : vector<16xi32>
          %shift_right_logical3A_361 = arith.constant 16 : i32
          %shift_right_logical3A_362 = vector.broadcast %shift_right_logical3A_361 : i32 to vector<16xi32>
          %shift_right_logical3A_363 = arith.shrui %get3A_355, %shift_right_logical3A_362 : vector<16xi32>
          %and3A_364 = arith.constant 255 : i32
          %and3A_365 = vector.broadcast %and3A_364 : i32 to vector<16xi32>
          %and3A_366 = arith.andi %shift_right_logical3A_363, %and3A_365 : vector<16xi32>
          %mul3A_367 = arith.constant 16 : i32
          %mul3A_368 = vector.broadcast %mul3A_367 : i32 to vector<16xi32>
          %mul3A_369 = arith.muli %and3A_366, %mul3A_368 : vector<16xi32>
          %add3A_370 = arith.addi %mul3A_369, %iota3A : vector<16xi32>
          tpu.vector_store_idx %arg7[%add3A_370], %add3A_31 masked %eq3A_360 {add = true} : memref<4096xi32, #tpu.memory_space<vmem>>[vector<16xi32>], vector<16xi32>, vector<16xi1>
          %mul3A_371 = arith.constant 64 : i32
          %mul3A_372 = arith.muli %while3A_306, %mul3A_371 : i32
          %add3A_373 = arith.constant 48 : i32
          %add3A_374 = arith.addi %mul3A_372, %add3A_373 : i32
          %get3A_375 = arith.index_cast %add3A_374 : i32 to index
          %get3A_376 = tpu.vector_load %arg8[%get3A_375] {strides = array<i32>} : memref<4224xi32, #tpu.memory_space<vmem>>, vector<16xi32>,
          %and3A_377 = arith.constant -16777216 : i32
          %and3A_378 = vector.broadcast %and3A_377 : i32 to vector<16xi32>
          %and3A_379 = arith.andi %get3A_376, %and3A_378 : vector<16xi32>
          %eq3A_380 = vector.broadcast %shift_left3A_78 : i32 to vector<16xi32>
          %eq3A_381 = arith.cmpi eq, %and3A_379, %eq3A_380 : vector<16xi32>
          %shift_right_logical3A_382 = arith.constant 16 : i32
          %shift_right_logical3A_383 = vector.broadcast %shift_right_logical3A_382 : i32 to vector<16xi32>
          %shift_right_logical3A_384 = arith.shrui %get3A_376, %shift_right_logical3A_383 : vector<16xi32>
          %and3A_385 = arith.constant 255 : i32
          %and3A_386 = vector.broadcast %and3A_385 : i32 to vector<16xi32>
          %and3A_387 = arith.andi %shift_right_logical3A_384, %and3A_386 : vector<16xi32>
          %mul3A_388 = arith.constant 16 : i32
          %mul3A_389 = vector.broadcast %mul3A_388 : i32 to vector<16xi32>
          %mul3A_390 = arith.muli %and3A_387, %mul3A_389 : vector<16xi32>
          %add3A_391 = arith.addi %mul3A_390, %iota3A : vector<16xi32>
          tpu.vector_store_idx %arg7[%add3A_391], %add3A_31 masked %eq3A_381 {add = true} : memref<4096xi32, #tpu.memory_space<vmem>>[vector<16xi32>], vector<16xi32>, vector<16xi1>
          %while3A_392 = arith.constant 0 : i32
          scf.yield %while3A_392 : i32
        }
        %while3A_128 = arith.constant 1 : i32
        %while3A_129 = scf.for %while3A_306 = %while3A_125 to %while3A_121 step %while3A_128 iter_args(%while3A_307 = %while3A_127) -> (i32)  : i32 {
          %mul3A_308 = arith.constant 64 : i32
          %mul3A_309 = arith.muli %while3A_306, %mul3A_308 : i32
          %add3A_310 = arith.constant 0 : i32
          %add3A_311 = arith.addi %mul3A_309, %add3A_310 : i32
          %get3A_312 = arith.index_cast %add3A_311 : i32 to index
          %get3A_313 = tpu.vector_load %arg8[%get3A_312] {strides = array<i32>} : memref<4224xi32, #tpu.memory_space<vmem>>, vector<16xi32>,
          %and3A_314 = arith.constant -16777216 : i32
          %and3A_315 = vector.broadcast %and3A_314 : i32 to vector<16xi32>
          %and3A_316 = arith.andi %get3A_313, %and3A_315 : vector<16xi32>
          %eq3A_317 = vector.broadcast %shift_left3A_78 : i32 to vector<16xi32>
          %eq3A_318 = arith.cmpi eq, %and3A_316, %eq3A_317 : vector<16xi32>
          %shift_right_logical3A_319 = arith.constant 16 : i32
          %shift_right_logical3A_320 = vector.broadcast %shift_right_logical3A_319 : i32 to vector<16xi32>
          %shift_right_logical3A_321 = arith.shrui %get3A_313, %shift_right_logical3A_320 : vector<16xi32>
          %and3A_322 = arith.constant 255 : i32
          %and3A_323 = vector.broadcast %and3A_322 : i32 to vector<16xi32>
          %and3A_324 = arith.andi %shift_right_logical3A_321, %and3A_323 : vector<16xi32>
          %mul3A_325 = arith.constant 16 : i32
          %mul3A_326 = vector.broadcast %mul3A_325 : i32 to vector<16xi32>
          %mul3A_327 = arith.muli %and3A_324, %mul3A_326 : vector<16xi32>
          %add3A_328 = arith.addi %mul3A_327, %iota3A : vector<16xi32>
          tpu.vector_store_idx %arg7[%add3A_328], %add3A_31 masked %eq3A_318 {add = true} : memref<4096xi32, #tpu.memory_space<vmem>>[vector<16xi32>], vector<16xi32>, vector<16xi1>
          %mul3A_329 = arith.constant 64 : i32
          %mul3A_330 = arith.muli %while3A_306, %mul3A_329 : i32
          %add3A_331 = arith.constant 16 : i32
          %add3A_332 = arith.addi %mul3A_330, %add3A_331 : i32
          %get3A_333 = arith.index_cast %add3A_332 : i32 to index
          %get3A_334 = tpu.vector_load %arg8[%get3A_333] {strides = array<i32>} : memref<4224xi32, #tpu.memory_space<vmem>>, vector<16xi32>,
          %and3A_335 = arith.constant -16777216 : i32
          %and3A_336 = vector.broadcast %and3A_335 : i32 to vector<16xi32>
          %and3A_337 = arith.andi %get3A_334, %and3A_336 : vector<16xi32>
          %eq3A_338 = vector.broadcast %shift_left3A_78 : i32 to vector<16xi32>
          %eq3A_339 = arith.cmpi eq, %and3A_337, %eq3A_338 : vector<16xi32>
          %shift_right_logical3A_340 = arith.constant 16 : i32
          %shift_right_logical3A_341 = vector.broadcast %shift_right_logical3A_340 : i32 to vector<16xi32>
          %shift_right_logical3A_342 = arith.shrui %get3A_334, %shift_right_logical3A_341 : vector<16xi32>
          %and3A_343 = arith.constant 255 : i32
          %and3A_344 = vector.broadcast %and3A_343 : i32 to vector<16xi32>
          %and3A_345 = arith.andi %shift_right_logical3A_342, %and3A_344 : vector<16xi32>
          %mul3A_346 = arith.constant 16 : i32
          %mul3A_347 = vector.broadcast %mul3A_346 : i32 to vector<16xi32>
          %mul3A_348 = arith.muli %and3A_345, %mul3A_347 : vector<16xi32>
          %add3A_349 = arith.addi %mul3A_348, %iota3A : vector<16xi32>
          tpu.vector_store_idx %arg7[%add3A_349], %add3A_31 masked %eq3A_339 {add = true} : memref<4096xi32, #tpu.memory_space<vmem>>[vector<16xi32>], vector<16xi32>, vector<16xi1>
          %mul3A_350 = arith.constant 64 : i32
          %mul3A_351 = arith.muli %while3A_306, %mul3A_350 : i32
          %add3A_352 = arith.constant 32 : i32
          %add3A_353 = arith.addi %mul3A_351, %add3A_352 : i32
          %get3A_354 = arith.index_cast %add3A_353 : i32 to index
          %get3A_355 = tpu.vector_load %arg8[%get3A_354] {strides = array<i32>} : memref<4224xi32, #tpu.memory_space<vmem>>, vector<16xi32>,
          %and3A_356 = arith.constant -16777216 : i32
          %and3A_357 = vector.broadcast %and3A_356 : i32 to vector<16xi32>
          %and3A_358 = arith.andi %get3A_355, %and3A_357 : vector<16xi32>
          %eq3A_359 = vector.broadcast %shift_left3A_78 : i32 to vector<16xi32>
          %eq3A_360 = arith.cmpi eq, %and3A_358, %eq3A_359 : vector<16xi32>
          %shift_right_logical3A_361 = arith.constant 16 : i32
          %shift_right_logical3A_362 = vector.broadcast %shift_right_logical3A_361 : i32 to vector<16xi32>
          %shift_right_logical3A_363 = arith.shrui %get3A_355, %shift_right_logical3A_362 : vector<16xi32>
          %and3A_364 = arith.constant 255 : i32
          %and3A_365 = vector.broadcast %and3A_364 : i32 to vector<16xi32>
          %and3A_366 = arith.andi %shift_right_logical3A_363, %and3A_365 : vector<16xi32>
          %mul3A_367 = arith.constant 16 : i32
          %mul3A_368 = vector.broadcast %mul3A_367 : i32 to vector<16xi32>
          %mul3A_369 = arith.muli %and3A_366, %mul3A_368 : vector<16xi32>
          %add3A_370 = arith.addi %mul3A_369, %iota3A : vector<16xi32>
          tpu.vector_store_idx %arg7[%add3A_370], %add3A_31 masked %eq3A_360 {add = true} : memref<4096xi32, #tpu.memory_space<vmem>>[vector<16xi32>], vector<16xi32>, vector<16xi1>
          %mul3A_371 = arith.constant 64 : i32
          %mul3A_372 = arith.muli %while3A_306, %mul3A_371 : i32
          %add3A_373 = arith.constant 48 : i32
          %add3A_374 = arith.addi %mul3A_372, %add3A_373 : i32
          %get3A_375 = arith.index_cast %add3A_374 : i32 to index
          %get3A_376 = tpu.vector_load %arg8[%get3A_375] {strides = array<i32>} : memref<4224xi32, #tpu.memory_space<vmem>>, vector<16xi32>,
          %and3A_377 = arith.constant -16777216 : i32
          %and3A_378 = vector.broadcast %and3A_377 : i32 to vector<16xi32>
          %and3A_379 = arith.andi %get3A_376, %and3A_378 : vector<16xi32>
          %eq3A_380 = vector.broadcast %shift_left3A_78 : i32 to vector<16xi32>
          %eq3A_381 = arith.cmpi eq, %and3A_379, %eq3A_380 : vector<16xi32>
          %shift_right_logical3A_382 = arith.constant 16 : i32
          %shift_right_logical3A_383 = vector.broadcast %shift_right_logical3A_382 : i32 to vector<16xi32>
          %shift_right_logical3A_384 = arith.shrui %get3A_376, %shift_right_logical3A_383 : vector<16xi32>
          %and3A_385 = arith.constant 255 : i32
          %and3A_386 = vector.broadcast %and3A_385 : i32 to vector<16xi32>
          %and3A_387 = arith.andi %shift_right_logical3A_384, %and3A_386 : vector<16xi32>
          %mul3A_388 = arith.constant 16 : i32
          %mul3A_389 = vector.broadcast %mul3A_388 : i32 to vector<16xi32>
          %mul3A_390 = arith.muli %and3A_387, %mul3A_389 : vector<16xi32>
          %add3A_391 = arith.addi %mul3A_390, %iota3A : vector<16xi32>
          tpu.vector_store_idx %arg7[%add3A_391], %add3A_31 masked %eq3A_381 {add = true} : memref<4096xi32, #tpu.memory_space<vmem>>[vector<16xi32>], vector<16xi32>, vector<16xi1>
          %while3A_392 = arith.constant 0 : i32
          scf.yield %while3A_392 : i32
        }
        %scan3A_130 = arith.constant false
        %scan3A_131 = arith.constant 0 : i32
        %scan3A_132 = arith.constant 0 : i32
        %scan3A_133 = arith.constant 0 : i32
        %scan3A_134 = arith.constant 16 : i32
        %scan3A_135 = arith.addi %scan3A_133, %scan3A_134 : i32
        %scan3A_136 = arith.constant 1 : i32
        %scan3A_137:4 = scf.for %scan3A_306 = %scan3A_133 to %scan3A_135 step %scan3A_136 iter_args(%scan3A_307 = %scan3A_130, %scan3A_308 = %scan3A_131, %scan3A_309 = %scan3A_76#2, %scan3A_310 = %scan3A_132) -> (i1, i32, i32, i32)  : i32 {
          %sub3A_311 = arith.constant 15 : i32
          %sub3A_312 = arith.subi %sub3A_311, %scan3A_306 : i32
          %mul3A_313 = arith.constant 16 : i32
          %mul3A_314 = arith.muli %sub3A_312, %mul3A_313 : i32
          %add3A_315 = vector.broadcast %mul3A_314 : i32 to vector<16xi32>
          %add3A_316 = arith.addi %add3A_315, %iota3A : vector<16xi32>
          %mul3A_317 = arith.constant 16 : i32
          %mul3A_318 = vector.broadcast %mul3A_317 : i32 to vector<16xi32>
          %mul3A_319 = arith.muli %add3A_316, %mul3A_318 : vector<16xi32>
          %add3A_320 = arith.constant 0 : i32
          %add3A_321 = vector.broadcast %add3A_320 : i32 to vector<16xi32>
          %add3A_322 = arith.addi %mul3A_319, %add3A_321 : vector<16xi32>
          %gather3A = tpu.vector_load_idx %arg7[%add3A_322] : memref<4096xi32, #tpu.memory_space<vmem>>[vector<16xi32>], vector<16xi32>,
          %add3A_323 = arith.addi %and3A_28, %gather3A : vector<16xi32>
          %add3A_324 = arith.constant 1 : i32
          %add3A_325 = vector.broadcast %add3A_324 : i32 to vector<16xi32>
          %add3A_326 = arith.addi %mul3A_319, %add3A_325 : vector<16xi32>
          %gather3A_327 = tpu.vector_load_idx %arg7[%add3A_326] : memref<4096xi32, #tpu.memory_space<vmem>>[vector<16xi32>], vector<16xi32>,
          %add3A_328 = arith.addi %add3A_323, %gather3A_327 : vector<16xi32>
          %add3A_329 = arith.constant 2 : i32
          %add3A_330 = vector.broadcast %add3A_329 : i32 to vector<16xi32>
          %add3A_331 = arith.addi %mul3A_319, %add3A_330 : vector<16xi32>
          %gather3A_332 = tpu.vector_load_idx %arg7[%add3A_331] : memref<4096xi32, #tpu.memory_space<vmem>>[vector<16xi32>], vector<16xi32>,
          %add3A_333 = arith.addi %add3A_328, %gather3A_332 : vector<16xi32>
          %add3A_334 = arith.constant 3 : i32
          %add3A_335 = vector.broadcast %add3A_334 : i32 to vector<16xi32>
          %add3A_336 = arith.addi %mul3A_319, %add3A_335 : vector<16xi32>
          %gather3A_337 = tpu.vector_load_idx %arg7[%add3A_336] : memref<4096xi32, #tpu.memory_space<vmem>>[vector<16xi32>], vector<16xi32>,
          %add3A_338 = arith.addi %add3A_333, %gather3A_337 : vector<16xi32>
          %add3A_339 = arith.constant 4 : i32
          %add3A_340 = vector.broadcast %add3A_339 : i32 to vector<16xi32>
          %add3A_341 = arith.addi %mul3A_319, %add3A_340 : vector<16xi32>
          %gather3A_342 = tpu.vector_load_idx %arg7[%add3A_341] : memref<4096xi32, #tpu.memory_space<vmem>>[vector<16xi32>], vector<16xi32>,
          %add3A_343 = arith.addi %add3A_338, %gather3A_342 : vector<16xi32>
          %add3A_344 = arith.constant 5 : i32
          %add3A_345 = vector.broadcast %add3A_344 : i32 to vector<16xi32>
          %add3A_346 = arith.addi %mul3A_319, %add3A_345 : vector<16xi32>
          %gather3A_347 = tpu.vector_load_idx %arg7[%add3A_346] : memref<4096xi32, #tpu.memory_space<vmem>>[vector<16xi32>], vector<16xi32>,
          %add3A_348 = arith.addi %add3A_343, %gather3A_347 : vector<16xi32>
          %add3A_349 = arith.constant 6 : i32
          %add3A_350 = vector.broadcast %add3A_349 : i32 to vector<16xi32>
          %add3A_351 = arith.addi %mul3A_319, %add3A_350 : vector<16xi32>
          %gather3A_352 = tpu.vector_load_idx %arg7[%add3A_351] : memref<4096xi32, #tpu.memory_space<vmem>>[vector<16xi32>], vector<16xi32>,
          %add3A_353 = arith.addi %add3A_348, %gather3A_352 : vector<16xi32>
          %add3A_354 = arith.constant 7 : i32
          %add3A_355 = vector.broadcast %add3A_354 : i32 to vector<16xi32>
          %add3A_356 = arith.addi %mul3A_319, %add3A_355 : vector<16xi32>
          %gather3A_357 = tpu.vector_load_idx %arg7[%add3A_356] : memref<4096xi32, #tpu.memory_space<vmem>>[vector<16xi32>], vector<16xi32>,
          %add3A_358 = arith.addi %add3A_353, %gather3A_357 : vector<16xi32>
          %add3A_359 = arith.constant 8 : i32
          %add3A_360 = vector.broadcast %add3A_359 : i32 to vector<16xi32>
          %add3A_361 = arith.addi %mul3A_319, %add3A_360 : vector<16xi32>
          %gather3A_362 = tpu.vector_load_idx %arg7[%add3A_361] : memref<4096xi32, #tpu.memory_space<vmem>>[vector<16xi32>], vector<16xi32>,
          %add3A_363 = arith.addi %add3A_358, %gather3A_362 : vector<16xi32>
          %add3A_364 = arith.constant 9 : i32
          %add3A_365 = vector.broadcast %add3A_364 : i32 to vector<16xi32>
          %add3A_366 = arith.addi %mul3A_319, %add3A_365 : vector<16xi32>
          %gather3A_367 = tpu.vector_load_idx %arg7[%add3A_366] : memref<4096xi32, #tpu.memory_space<vmem>>[vector<16xi32>], vector<16xi32>,
          %add3A_368 = arith.addi %add3A_363, %gather3A_367 : vector<16xi32>
          %add3A_369 = arith.constant 10 : i32
          %add3A_370 = vector.broadcast %add3A_369 : i32 to vector<16xi32>
          %add3A_371 = arith.addi %mul3A_319, %add3A_370 : vector<16xi32>
          %gather3A_372 = tpu.vector_load_idx %arg7[%add3A_371] : memref<4096xi32, #tpu.memory_space<vmem>>[vector<16xi32>], vector<16xi32>,
          %add3A_373 = arith.addi %add3A_368, %gather3A_372 : vector<16xi32>
          %add3A_374 = arith.constant 11 : i32
          %add3A_375 = vector.broadcast %add3A_374 : i32 to vector<16xi32>
          %add3A_376 = arith.addi %mul3A_319, %add3A_375 : vector<16xi32>
          %gather3A_377 = tpu.vector_load_idx %arg7[%add3A_376] : memref<4096xi32, #tpu.memory_space<vmem>>[vector<16xi32>], vector<16xi32>,
          %add3A_378 = arith.addi %add3A_373, %gather3A_377 : vector<16xi32>
          %add3A_379 = arith.constant 12 : i32
          %add3A_380 = vector.broadcast %add3A_379 : i32 to vector<16xi32>
          %add3A_381 = arith.addi %mul3A_319, %add3A_380 : vector<16xi32>
          %gather3A_382 = tpu.vector_load_idx %arg7[%add3A_381] : memref<4096xi32, #tpu.memory_space<vmem>>[vector<16xi32>], vector<16xi32>,
          %add3A_383 = arith.addi %add3A_378, %gather3A_382 : vector<16xi32>
          %add3A_384 = arith.constant 13 : i32
          %add3A_385 = vector.broadcast %add3A_384 : i32 to vector<16xi32>
          %add3A_386 = arith.addi %mul3A_319, %add3A_385 : vector<16xi32>
          %gather3A_387 = tpu.vector_load_idx %arg7[%add3A_386] : memref<4096xi32, #tpu.memory_space<vmem>>[vector<16xi32>], vector<16xi32>,
          %add3A_388 = arith.addi %add3A_383, %gather3A_387 : vector<16xi32>
          %add3A_389 = arith.constant 14 : i32
          %add3A_390 = vector.broadcast %add3A_389 : i32 to vector<16xi32>
          %add3A_391 = arith.addi %mul3A_319, %add3A_390 : vector<16xi32>
          %gather3A_392 = tpu.vector_load_idx %arg7[%add3A_391] : memref<4096xi32, #tpu.memory_space<vmem>>[vector<16xi32>], vector<16xi32>,
          %add3A_393 = arith.addi %add3A_388, %gather3A_392 : vector<16xi32>
          %add3A_394 = arith.constant 15 : i32
          %add3A_395 = vector.broadcast %add3A_394 : i32 to vector<16xi32>
          %add3A_396 = arith.addi %mul3A_319, %add3A_395 : vector<16xi32>
          %gather3A_397 = tpu.vector_load_idx %arg7[%add3A_396] : memref<4096xi32, #tpu.memory_space<vmem>>[vector<16xi32>], vector<16xi32>,
          %add3A_398 = arith.addi %add3A_393, %gather3A_397 : vector<16xi32>
          %rev3A = arith.constant 15 : i32
          %rev3A_399 = vector.broadcast %rev3A : i32 to vector<16xi32>
          %rev3A_400 = tpu.iota {dimensions = array<i32: 0>} : vector<16xi32>
          %rev3A_401 = arith.subi %rev3A_399, %rev3A_400 : vector<16xi32>
          %rev3A_402 = tpu.dynamic_gather %add3A_398[%rev3A_401] in [0] : vector<16xi32>, vector<16xi32> -> vector<16xi32>
          %broadcast_in_dim3A_403 = arith.constant true
          %broadcast_in_dim3A_404 = vector.broadcast %broadcast_in_dim3A_403 : i1 to vector<16xi1>
          %masked_cumsum3A_405 = tpu.scan <sum>, %rev3A_402 masked %broadcast_in_dim3A_404 : vector<16xi32>, vector<16xi1> -> vector<16xi32>
          %add3A_406 = vector.broadcast %scan3A_310 : i32 to vector<16xi32>
          %add3A_407 = arith.addi %add3A_406, %masked_cumsum3A_405 : vector<16xi32>
          %ge3A = vector.broadcast %scan3A_309 : i32 to vector<16xi32>
          %ge3A_408 = arith.cmpi sge, %add3A_407, %ge3A : vector<16xi32>
          %all_reduce_population_count3A = tpu.all_reduce %ge3A_408 {dim = 0 : i64, kind = #tpu.reduction_kind<sum>} : vector<16xi1> -> vector<16xi32>
          %reduce_max3A = arith.constant true
          %reduce_max3A_409 = vector.broadcast %reduce_max3A : i1 to vector<16xi1>
          %reduce_max3A_410 = arith.constant -2147483648 : i32
          %reduce_max3A_411 = vector.broadcast %reduce_max3A_410 : i32 to vector<16xi32>
          %reduce_max3A_412 = arith.xori %all_reduce_population_count3A, %reduce_max3A_411 : vector<16xi32>
          %reduce_max3A_413 = tpu.scan <max>, %reduce_max3A_412 masked %reduce_max3A_409 : vector<16xi32>, vector<16xi1> -> vector<16xi32>
          %reduce_max3A_414 = arith.xori %reduce_max3A_413, %reduce_max3A_411 : vector<16xi32>
          %reduce_max3A_415 = vector.extract %reduce_max3A_414[15] : i32 from vector<16xi32>
          %all_reduce_ffs3A = tpu.all_reduce %ge3A_408 {dim = 0 : i64, kind = #tpu.reduction_kind<find_first_set>} : vector<16xi1> -> vector<16xi32>
          %not3A = arith.constant true
          %not3A_416 = arith.xori %scan3A_307, %not3A : i1
          %gt3A_417 = arith.constant 0 : i32
          %gt3A_418 = arith.cmpi sgt, %reduce_max3A_415, %gt3A_417 : i32
          %and3A_419 = arith.andi %not3A_416, %gt3A_418 : i1
          %mul3A_420 = arith.constant 16 : i32
          %mul3A_421 = arith.muli %sub3A_312, %mul3A_420 : i32
          %add3A_422 = arith.constant 15 : i32
          %add3A_423 = arith.addi %mul3A_421, %add3A_422 : i32
          %reduce_max3A_424 = arith.constant true
          %reduce_max3A_425 = vector.broadcast %reduce_max3A_424 : i1 to vector<16xi1>
          %reduce_max3A_426 = arith.constant -2147483648 : i32
          %reduce_max3A_427 = vector.broadcast %reduce_max3A_426 : i32 to vector<16xi32>
          %reduce_max3A_428 = arith.xori %all_reduce_ffs3A, %reduce_max3A_427 : vector<16xi32>
          %reduce_max3A_429 = tpu.scan <max>, %reduce_max3A_428 masked %reduce_max3A_425 : vector<16xi32>, vector<16xi1> -> vector<16xi32>
          %reduce_max3A_430 = arith.xori %reduce_max3A_429, %reduce_max3A_427 : vector<16xi32>
          %reduce_max3A_431 = vector.extract %reduce_max3A_430[15] : i32 from vector<16xi32>
          %sub3A_432 = arith.subi %add3A_423, %reduce_max3A_431 : i32
          %eq3A_433 = arith.cmpi eq, %iota3A, %all_reduce_ffs3A : vector<16xi32>
          %jit3A_434 = arith.constant 0 : i32
          %broadcast_in_dim3A_435 = vector.broadcast %jit3A_434 : i32 to vector<16xi32>
          %select_n3A_436 = arith.select %eq3A_433, %add3A_407, %broadcast_in_dim3A_435 : vector<16xi1>, vector<16xi32>
          %reduce_sum3A_437 = arith.constant true
          %reduce_sum3A_438 = vector.broadcast %reduce_sum3A_437 : i1 to vector<16xi1>
          %reduce_sum3A_439 = tpu.scan <sum>, %select_n3A_436 masked %reduce_sum3A_438 : vector<16xi32>, vector<16xi1> -> vector<16xi32>
          %reduce_sum3A_440 = vector.extract %reduce_sum3A_439[15] : i32 from vector<16xi32>
          %eq3A_441 = arith.cmpi eq, %iota3A, %all_reduce_ffs3A : vector<16xi32>
          %jit3A_442 = arith.constant 0 : i32
          %broadcast_in_dim3A_443 = vector.broadcast %jit3A_442 : i32 to vector<16xi32>
          %select_n3A_444 = arith.select %eq3A_441, %rev3A_402, %broadcast_in_dim3A_443 : vector<16xi1>, vector<16xi32>
          %reduce_sum3A_445 = arith.constant true
          %reduce_sum3A_446 = vector.broadcast %reduce_sum3A_445 : i1 to vector<16xi1>
          %reduce_sum3A_447 = tpu.scan <sum>, %select_n3A_444 masked %reduce_sum3A_446 : vector<16xi32>, vector<16xi1> -> vector<16xi32>
          %reduce_sum3A_448 = vector.extract %reduce_sum3A_447[15] : i32 from vector<16xi32>
          %sub3A_449 = arith.subi %reduce_sum3A_440, %reduce_sum3A_448 : i32
          %select_n3A_450 = arith.select %and3A_419, %sub3A_432, %scan3A_308 : i32
          %sub3A_451 = arith.subi %scan3A_309, %sub3A_449 : i32
          %select_n3A_452 = arith.select %and3A_419, %sub3A_451, %scan3A_309 : i32
          %gt3A_453 = arith.constant 0 : i32
          %gt3A_454 = arith.cmpi sgt, %reduce_max3A_415, %gt3A_453 : i32
          %or3A_455 = arith.ori %scan3A_307, %gt3A_454 : i1
          %eq3A_456 = arith.constant 15 : i32
          %eq3A_457 = vector.broadcast %eq3A_456 : i32 to vector<16xi32>
          %eq3A_458 = arith.cmpi eq, %iota3A, %eq3A_457 : vector<16xi32>
          %jit3A_459 = arith.constant 0 : i32
          %broadcast_in_dim3A_460 = vector.broadcast %jit3A_459 : i32 to vector<16xi32>
          %select_n3A_461 = arith.select %eq3A_458, %masked_cumsum3A_405, %broadcast_in_dim3A_460 : vector<16xi1>, vector<16xi32>
          %reduce_sum3A_462 = arith.constant true
          %reduce_sum3A_463 = vector.broadcast %reduce_sum3A_462 : i1 to vector<16xi1>
          %reduce_sum3A_464 = tpu.scan <sum>, %select_n3A_461 masked %reduce_sum3A_463 : vector<16xi32>, vector<16xi1> -> vector<16xi32>
          %reduce_sum3A_465 = vector.extract %reduce_sum3A_464[15] : i32 from vector<16xi32>
          %add3A_466 = arith.addi %scan3A_310, %reduce_sum3A_465 : i32
          scf.yield %or3A_455, %select_n3A_450, %select_n3A_452, %add3A_466 : i1, i32, i32, i32
        }
        %scan3A_138 = arith.constant 16 : i32
        %shift_left3A_139 = arith.constant 16 : i32
        %shift_left3A_140 = arith.shli %scan3A_137#1, %shift_left3A_139 : i32
        %or3A = arith.ori %shift_left3A_78, %shift_left3A_140 : i32
        %while3A_141 = arith.constant 0 : i32
        %while3A_142 = arith.constant 0 : i32
        %while3A_143 = arith.subi %shift_right_logical3A_110, %while3A_141 : i32
        %while3A_144 = arith.addi %while3A_141, %while3A_143 : i32
        %while3A_145 = arith.constant 1 : i32
        %while3A_146 = arith.divsi %while3A_143, %while3A_145 : i32
        %while3A_147 = arith.muli %while3A_146, %while3A_145 : i32
        %while3A_148 = arith.addi %while3A_141, %while3A_147 : i32
        %while3A_149 = arith.constant 1 : i32
        %while3A_150 = scf.for %while3A_306 = %while3A_141 to %while3A_148 step %while3A_149 iter_args(%while3A_307 = %while3A_142) -> (i32)  : i32 {
          %mul3A_308 = arith.constant 64 : i32
          %mul3A_309 = arith.muli %while3A_306, %mul3A_308 : i32
          %add3A_310 = arith.constant 0 : i32
          %add3A_311 = arith.addi %mul3A_309, %add3A_310 : i32
          %get3A_312 = arith.index_cast %add3A_311 : i32 to index
          %get3A_313 = tpu.vector_load %arg8[%get3A_312] {strides = array<i32>} : memref<4224xi32, #tpu.memory_space<vmem>>, vector<16xi32>,
          %get3A_314 = arith.index_cast %add3A_311 : i32 to index
          %get3A_315 = tpu.vector_load %arg9[%get3A_314] {strides = array<i32>} : memref<4224xi32, #tpu.memory_space<vmem>>, vector<16xi32>,
          %and3A_316 = arith.constant -65536 : i32
          %and3A_317 = vector.broadcast %and3A_316 : i32 to vector<16xi32>
          %and3A_318 = arith.andi %get3A_313, %and3A_317 : vector<16xi32>
          %eq3A_319 = vector.broadcast %or3A : i32 to vector<16xi32>
          %eq3A_320 = arith.cmpi eq, %and3A_318, %eq3A_319 : vector<16xi32>
          %convert_element_type3A_321 = arith.extui %eq3A_320 : vector<16xi1> to vector<16xi32>
          %broadcast_in_dim3A_322 = arith.constant true
          %broadcast_in_dim3A_323 = vector.broadcast %broadcast_in_dim3A_322 : i1 to vector<16xi1>
          %masked_cumsum3A_324 = tpu.scan <sum>, %convert_element_type3A_321 masked %broadcast_in_dim3A_323 : vector<16xi32>, vector<16xi1> -> vector<16xi32>
          %add3A_325 = vector.broadcast %while3A_307 : i32 to vector<16xi32>
          %add3A_326 = arith.addi %add3A_325, %masked_cumsum3A_324 : vector<16xi32>
          %sub3A_327 = arith.constant 1 : i32
          %sub3A_328 = vector.broadcast %sub3A_327 : i32 to vector<16xi32>
          %sub3A_329 = arith.subi %add3A_326, %sub3A_328 : vector<16xi32>
          tpu.vector_store_idx %arg8[%sub3A_329], %get3A_313 masked %eq3A_320 : memref<4224xi32, #tpu.memory_space<vmem>>[vector<16xi32>], vector<16xi32>, vector<16xi1>
          tpu.vector_store_idx %arg9[%sub3A_329], %get3A_315 masked %eq3A_320 : memref<4224xi32, #tpu.memory_space<vmem>>[vector<16xi32>], vector<16xi32>, vector<16xi1>
          %eq3A_330 = arith.constant 15 : i32
          %eq3A_331 = vector.broadcast %eq3A_330 : i32 to vector<16xi32>
          %eq3A_332 = arith.cmpi eq, %iota3A, %eq3A_331 : vector<16xi32>
          %jit3A_333 = arith.constant 0 : i32
          %broadcast_in_dim3A_334 = vector.broadcast %jit3A_333 : i32 to vector<16xi32>
          %select_n3A_335 = arith.select %eq3A_332, %masked_cumsum3A_324, %broadcast_in_dim3A_334 : vector<16xi1>, vector<16xi32>
          %reduce_sum3A_336 = arith.constant true
          %reduce_sum3A_337 = vector.broadcast %reduce_sum3A_336 : i1 to vector<16xi1>
          %reduce_sum3A_338 = tpu.scan <sum>, %select_n3A_335 masked %reduce_sum3A_337 : vector<16xi32>, vector<16xi1> -> vector<16xi32>
          %reduce_sum3A_339 = vector.extract %reduce_sum3A_338[15] : i32 from vector<16xi32>
          %add3A_340 = arith.addi %while3A_307, %reduce_sum3A_339 : i32
          %mul3A_341 = arith.constant 64 : i32
          %mul3A_342 = arith.muli %while3A_306, %mul3A_341 : i32
          %add3A_343 = arith.constant 16 : i32
          %add3A_344 = arith.addi %mul3A_342, %add3A_343 : i32
          %get3A_345 = arith.index_cast %add3A_344 : i32 to index
          %get3A_346 = tpu.vector_load %arg8[%get3A_345] {strides = array<i32>} : memref<4224xi32, #tpu.memory_space<vmem>>, vector<16xi32>,
          %get3A_347 = arith.index_cast %add3A_344 : i32 to index
          %get3A_348 = tpu.vector_load %arg9[%get3A_347] {strides = array<i32>} : memref<4224xi32, #tpu.memory_space<vmem>>, vector<16xi32>,
          %and3A_349 = arith.constant -65536 : i32
          %and3A_350 = vector.broadcast %and3A_349 : i32 to vector<16xi32>
          %and3A_351 = arith.andi %get3A_346, %and3A_350 : vector<16xi32>
          %eq3A_352 = vector.broadcast %or3A : i32 to vector<16xi32>
          %eq3A_353 = arith.cmpi eq, %and3A_351, %eq3A_352 : vector<16xi32>
          %convert_element_type3A_354 = arith.extui %eq3A_353 : vector<16xi1> to vector<16xi32>
          %broadcast_in_dim3A_355 = arith.constant true
          %broadcast_in_dim3A_356 = vector.broadcast %broadcast_in_dim3A_355 : i1 to vector<16xi1>
          %masked_cumsum3A_357 = tpu.scan <sum>, %convert_element_type3A_354 masked %broadcast_in_dim3A_356 : vector<16xi32>, vector<16xi1> -> vector<16xi32>
          %add3A_358 = vector.broadcast %add3A_340 : i32 to vector<16xi32>
          %add3A_359 = arith.addi %add3A_358, %masked_cumsum3A_357 : vector<16xi32>
          %sub3A_360 = arith.constant 1 : i32
          %sub3A_361 = vector.broadcast %sub3A_360 : i32 to vector<16xi32>
          %sub3A_362 = arith.subi %add3A_359, %sub3A_361 : vector<16xi32>
          tpu.vector_store_idx %arg8[%sub3A_362], %get3A_346 masked %eq3A_353 : memref<4224xi32, #tpu.memory_space<vmem>>[vector<16xi32>], vector<16xi32>, vector<16xi1>
          tpu.vector_store_idx %arg9[%sub3A_362], %get3A_348 masked %eq3A_353 : memref<4224xi32, #tpu.memory_space<vmem>>[vector<16xi32>], vector<16xi32>, vector<16xi1>
          %eq3A_363 = arith.constant 15 : i32
          %eq3A_364 = vector.broadcast %eq3A_363 : i32 to vector<16xi32>
          %eq3A_365 = arith.cmpi eq, %iota3A, %eq3A_364 : vector<16xi32>
          %jit3A_366 = arith.constant 0 : i32
          %broadcast_in_dim3A_367 = vector.broadcast %jit3A_366 : i32 to vector<16xi32>
          %select_n3A_368 = arith.select %eq3A_365, %masked_cumsum3A_357, %broadcast_in_dim3A_367 : vector<16xi1>, vector<16xi32>
          %reduce_sum3A_369 = arith.constant true
          %reduce_sum3A_370 = vector.broadcast %reduce_sum3A_369 : i1 to vector<16xi1>
          %reduce_sum3A_371 = tpu.scan <sum>, %select_n3A_368 masked %reduce_sum3A_370 : vector<16xi32>, vector<16xi1> -> vector<16xi32>
          %reduce_sum3A_372 = vector.extract %reduce_sum3A_371[15] : i32 from vector<16xi32>
          %add3A_373 = arith.addi %add3A_340, %reduce_sum3A_372 : i32
          %mul3A_374 = arith.constant 64 : i32
          %mul3A_375 = arith.muli %while3A_306, %mul3A_374 : i32
          %add3A_376 = arith.constant 32 : i32
          %add3A_377 = arith.addi %mul3A_375, %add3A_376 : i32
          %get3A_378 = arith.index_cast %add3A_377 : i32 to index
          %get3A_379 = tpu.vector_load %arg8[%get3A_378] {strides = array<i32>} : memref<4224xi32, #tpu.memory_space<vmem>>, vector<16xi32>,
          %get3A_380 = arith.index_cast %add3A_377 : i32 to index
          %get3A_381 = tpu.vector_load %arg9[%get3A_380] {strides = array<i32>} : memref<4224xi32, #tpu.memory_space<vmem>>, vector<16xi32>,
          %and3A_382 = arith.constant -65536 : i32
          %and3A_383 = vector.broadcast %and3A_382 : i32 to vector<16xi32>
          %and3A_384 = arith.andi %get3A_379, %and3A_383 : vector<16xi32>
          %eq3A_385 = vector.broadcast %or3A : i32 to vector<16xi32>
          %eq3A_386 = arith.cmpi eq, %and3A_384, %eq3A_385 : vector<16xi32>
          %convert_element_type3A_387 = arith.extui %eq3A_386 : vector<16xi1> to vector<16xi32>
          %broadcast_in_dim3A_388 = arith.constant true
          %broadcast_in_dim3A_389 = vector.broadcast %broadcast_in_dim3A_388 : i1 to vector<16xi1>
          %masked_cumsum3A_390 = tpu.scan <sum>, %convert_element_type3A_387 masked %broadcast_in_dim3A_389 : vector<16xi32>, vector<16xi1> -> vector<16xi32>
          %add3A_391 = vector.broadcast %add3A_373 : i32 to vector<16xi32>
          %add3A_392 = arith.addi %add3A_391, %masked_cumsum3A_390 : vector<16xi32>
          %sub3A_393 = arith.constant 1 : i32
          %sub3A_394 = vector.broadcast %sub3A_393 : i32 to vector<16xi32>
          %sub3A_395 = arith.subi %add3A_392, %sub3A_394 : vector<16xi32>
          tpu.vector_store_idx %arg8[%sub3A_395], %get3A_379 masked %eq3A_386 : memref<4224xi32, #tpu.memory_space<vmem>>[vector<16xi32>], vector<16xi32>, vector<16xi1>
          tpu.vector_store_idx %arg9[%sub3A_395], %get3A_381 masked %eq3A_386 : memref<4224xi32, #tpu.memory_space<vmem>>[vector<16xi32>], vector<16xi32>, vector<16xi1>
          %eq3A_396 = arith.constant 15 : i32
          %eq3A_397 = vector.broadcast %eq3A_396 : i32 to vector<16xi32>
          %eq3A_398 = arith.cmpi eq, %iota3A, %eq3A_397 : vector<16xi32>
          %jit3A_399 = arith.constant 0 : i32
          %broadcast_in_dim3A_400 = vector.broadcast %jit3A_399 : i32 to vector<16xi32>
          %select_n3A_401 = arith.select %eq3A_398, %masked_cumsum3A_390, %broadcast_in_dim3A_400 : vector<16xi1>, vector<16xi32>
          %reduce_sum3A_402 = arith.constant true
          %reduce_sum3A_403 = vector.broadcast %reduce_sum3A_402 : i1 to vector<16xi1>
          %reduce_sum3A_404 = tpu.scan <sum>, %select_n3A_401 masked %reduce_sum3A_403 : vector<16xi32>, vector<16xi1> -> vector<16xi32>
          %reduce_sum3A_405 = vector.extract %reduce_sum3A_404[15] : i32 from vector<16xi32>
          %add3A_406 = arith.addi %add3A_373, %reduce_sum3A_405 : i32
          %mul3A_407 = arith.constant 64 : i32
          %mul3A_408 = arith.muli %while3A_306, %mul3A_407 : i32
          %add3A_409 = arith.constant 48 : i32
          %add3A_410 = arith.addi %mul3A_408, %add3A_409 : i32
          %get3A_411 = arith.index_cast %add3A_410 : i32 to index
          %get3A_412 = tpu.vector_load %arg8[%get3A_411] {strides = array<i32>} : memref<4224xi32, #tpu.memory_space<vmem>>, vector<16xi32>,
          %get3A_413 = arith.index_cast %add3A_410 : i32 to index
          %get3A_414 = tpu.vector_load %arg9[%get3A_413] {strides = array<i32>} : memref<4224xi32, #tpu.memory_space<vmem>>, vector<16xi32>,
          %and3A_415 = arith.constant -65536 : i32
          %and3A_416 = vector.broadcast %and3A_415 : i32 to vector<16xi32>
          %and3A_417 = arith.andi %get3A_412, %and3A_416 : vector<16xi32>
          %eq3A_418 = vector.broadcast %or3A : i32 to vector<16xi32>
          %eq3A_419 = arith.cmpi eq, %and3A_417, %eq3A_418 : vector<16xi32>
          %convert_element_type3A_420 = arith.extui %eq3A_419 : vector<16xi1> to vector<16xi32>
          %broadcast_in_dim3A_421 = arith.constant true
          %broadcast_in_dim3A_422 = vector.broadcast %broadcast_in_dim3A_421 : i1 to vector<16xi1>
          %masked_cumsum3A_423 = tpu.scan <sum>, %convert_element_type3A_420 masked %broadcast_in_dim3A_422 : vector<16xi32>, vector<16xi1> -> vector<16xi32>
          %add3A_424 = vector.broadcast %add3A_406 : i32 to vector<16xi32>
          %add3A_425 = arith.addi %add3A_424, %masked_cumsum3A_423 : vector<16xi32>
          %sub3A_426 = arith.constant 1 : i32
          %sub3A_427 = vector.broadcast %sub3A_426 : i32 to vector<16xi32>
          %sub3A_428 = arith.subi %add3A_425, %sub3A_427 : vector<16xi32>
          tpu.vector_store_idx %arg8[%sub3A_428], %get3A_412 masked %eq3A_419 : memref<4224xi32, #tpu.memory_space<vmem>>[vector<16xi32>], vector<16xi32>, vector<16xi1>
          tpu.vector_store_idx %arg9[%sub3A_428], %get3A_414 masked %eq3A_419 : memref<4224xi32, #tpu.memory_space<vmem>>[vector<16xi32>], vector<16xi32>, vector<16xi1>
          %eq3A_429 = arith.constant 15 : i32
          %eq3A_430 = vector.broadcast %eq3A_429 : i32 to vector<16xi32>
          %eq3A_431 = arith.cmpi eq, %iota3A, %eq3A_430 : vector<16xi32>
          %jit3A_432 = arith.constant 0 : i32
          %broadcast_in_dim3A_433 = vector.broadcast %jit3A_432 : i32 to vector<16xi32>
          %select_n3A_434 = arith.select %eq3A_431, %masked_cumsum3A_423, %broadcast_in_dim3A_433 : vector<16xi1>, vector<16xi32>
          %reduce_sum3A_435 = arith.constant true
          %reduce_sum3A_436 = vector.broadcast %reduce_sum3A_435 : i1 to vector<16xi1>
          %reduce_sum3A_437 = tpu.scan <sum>, %select_n3A_434 masked %reduce_sum3A_436 : vector<16xi32>, vector<16xi1> -> vector<16xi32>
          %reduce_sum3A_438 = vector.extract %reduce_sum3A_437[15] : i32 from vector<16xi32>
          %add3A_439 = arith.addi %add3A_406, %reduce_sum3A_438 : i32
          scf.yield %add3A_439 : i32
        }
        %while3A_151 = arith.constant 1 : i32
        %while3A_152 = scf.for %while3A_306 = %while3A_148 to %while3A_144 step %while3A_151 iter_args(%while3A_307 = %while3A_150) -> (i32)  : i32 {
          %mul3A_308 = arith.constant 64 : i32
          %mul3A_309 = arith.muli %while3A_306, %mul3A_308 : i32
          %add3A_310 = arith.constant 0 : i32
          %add3A_311 = arith.addi %mul3A_309, %add3A_310 : i32
          %get3A_312 = arith.index_cast %add3A_311 : i32 to index
          %get3A_313 = tpu.vector_load %arg8[%get3A_312] {strides = array<i32>} : memref<4224xi32, #tpu.memory_space<vmem>>, vector<16xi32>,
          %get3A_314 = arith.index_cast %add3A_311 : i32 to index
          %get3A_315 = tpu.vector_load %arg9[%get3A_314] {strides = array<i32>} : memref<4224xi32, #tpu.memory_space<vmem>>, vector<16xi32>,
          %and3A_316 = arith.constant -65536 : i32
          %and3A_317 = vector.broadcast %and3A_316 : i32 to vector<16xi32>
          %and3A_318 = arith.andi %get3A_313, %and3A_317 : vector<16xi32>
          %eq3A_319 = vector.broadcast %or3A : i32 to vector<16xi32>
          %eq3A_320 = arith.cmpi eq, %and3A_318, %eq3A_319 : vector<16xi32>
          %convert_element_type3A_321 = arith.extui %eq3A_320 : vector<16xi1> to vector<16xi32>
          %broadcast_in_dim3A_322 = arith.constant true
          %broadcast_in_dim3A_323 = vector.broadcast %broadcast_in_dim3A_322 : i1 to vector<16xi1>
          %masked_cumsum3A_324 = tpu.scan <sum>, %convert_element_type3A_321 masked %broadcast_in_dim3A_323 : vector<16xi32>, vector<16xi1> -> vector<16xi32>
          %add3A_325 = vector.broadcast %while3A_307 : i32 to vector<16xi32>
          %add3A_326 = arith.addi %add3A_325, %masked_cumsum3A_324 : vector<16xi32>
          %sub3A_327 = arith.constant 1 : i32
          %sub3A_328 = vector.broadcast %sub3A_327 : i32 to vector<16xi32>
          %sub3A_329 = arith.subi %add3A_326, %sub3A_328 : vector<16xi32>
          tpu.vector_store_idx %arg8[%sub3A_329], %get3A_313 masked %eq3A_320 : memref<4224xi32, #tpu.memory_space<vmem>>[vector<16xi32>], vector<16xi32>, vector<16xi1>
          tpu.vector_store_idx %arg9[%sub3A_329], %get3A_315 masked %eq3A_320 : memref<4224xi32, #tpu.memory_space<vmem>>[vector<16xi32>], vector<16xi32>, vector<16xi1>
          %eq3A_330 = arith.constant 15 : i32
          %eq3A_331 = vector.broadcast %eq3A_330 : i32 to vector<16xi32>
          %eq3A_332 = arith.cmpi eq, %iota3A, %eq3A_331 : vector<16xi32>
          %jit3A_333 = arith.constant 0 : i32
          %broadcast_in_dim3A_334 = vector.broadcast %jit3A_333 : i32 to vector<16xi32>
          %select_n3A_335 = arith.select %eq3A_332, %masked_cumsum3A_324, %broadcast_in_dim3A_334 : vector<16xi1>, vector<16xi32>
          %reduce_sum3A_336 = arith.constant true
          %reduce_sum3A_337 = vector.broadcast %reduce_sum3A_336 : i1 to vector<16xi1>
          %reduce_sum3A_338 = tpu.scan <sum>, %select_n3A_335 masked %reduce_sum3A_337 : vector<16xi32>, vector<16xi1> -> vector<16xi32>
          %reduce_sum3A_339 = vector.extract %reduce_sum3A_338[15] : i32 from vector<16xi32>
          %add3A_340 = arith.addi %while3A_307, %reduce_sum3A_339 : i32
          %mul3A_341 = arith.constant 64 : i32
          %mul3A_342 = arith.muli %while3A_306, %mul3A_341 : i32
          %add3A_343 = arith.constant 16 : i32
          %add3A_344 = arith.addi %mul3A_342, %add3A_343 : i32
          %get3A_345 = arith.index_cast %add3A_344 : i32 to index
          %get3A_346 = tpu.vector_load %arg8[%get3A_345] {strides = array<i32>} : memref<4224xi32, #tpu.memory_space<vmem>>, vector<16xi32>,
          %get3A_347 = arith.index_cast %add3A_344 : i32 to index
          %get3A_348 = tpu.vector_load %arg9[%get3A_347] {strides = array<i32>} : memref<4224xi32, #tpu.memory_space<vmem>>, vector<16xi32>,
          %and3A_349 = arith.constant -65536 : i32
          %and3A_350 = vector.broadcast %and3A_349 : i32 to vector<16xi32>
          %and3A_351 = arith.andi %get3A_346, %and3A_350 : vector<16xi32>
          %eq3A_352 = vector.broadcast %or3A : i32 to vector<16xi32>
          %eq3A_353 = arith.cmpi eq, %and3A_351, %eq3A_352 : vector<16xi32>
          %convert_element_type3A_354 = arith.extui %eq3A_353 : vector<16xi1> to vector<16xi32>
          %broadcast_in_dim3A_355 = arith.constant true
          %broadcast_in_dim3A_356 = vector.broadcast %broadcast_in_dim3A_355 : i1 to vector<16xi1>
          %masked_cumsum3A_357 = tpu.scan <sum>, %convert_element_type3A_354 masked %broadcast_in_dim3A_356 : vector<16xi32>, vector<16xi1> -> vector<16xi32>
          %add3A_358 = vector.broadcast %add3A_340 : i32 to vector<16xi32>
          %add3A_359 = arith.addi %add3A_358, %masked_cumsum3A_357 : vector<16xi32>
          %sub3A_360 = arith.constant 1 : i32
          %sub3A_361 = vector.broadcast %sub3A_360 : i32 to vector<16xi32>
          %sub3A_362 = arith.subi %add3A_359, %sub3A_361 : vector<16xi32>
          tpu.vector_store_idx %arg8[%sub3A_362], %get3A_346 masked %eq3A_353 : memref<4224xi32, #tpu.memory_space<vmem>>[vector<16xi32>], vector<16xi32>, vector<16xi1>
          tpu.vector_store_idx %arg9[%sub3A_362], %get3A_348 masked %eq3A_353 : memref<4224xi32, #tpu.memory_space<vmem>>[vector<16xi32>], vector<16xi32>, vector<16xi1>
          %eq3A_363 = arith.constant 15 : i32
          %eq3A_364 = vector.broadcast %eq3A_363 : i32 to vector<16xi32>
          %eq3A_365 = arith.cmpi eq, %iota3A, %eq3A_364 : vector<16xi32>
          %jit3A_366 = arith.constant 0 : i32
          %broadcast_in_dim3A_367 = vector.broadcast %jit3A_366 : i32 to vector<16xi32>
          %select_n3A_368 = arith.select %eq3A_365, %masked_cumsum3A_357, %broadcast_in_dim3A_367 : vector<16xi1>, vector<16xi32>
          %reduce_sum3A_369 = arith.constant true
          %reduce_sum3A_370 = vector.broadcast %reduce_sum3A_369 : i1 to vector<16xi1>
          %reduce_sum3A_371 = tpu.scan <sum>, %select_n3A_368 masked %reduce_sum3A_370 : vector<16xi32>, vector<16xi1> -> vector<16xi32>
          %reduce_sum3A_372 = vector.extract %reduce_sum3A_371[15] : i32 from vector<16xi32>
          %add3A_373 = arith.addi %add3A_340, %reduce_sum3A_372 : i32
          %mul3A_374 = arith.constant 64 : i32
          %mul3A_375 = arith.muli %while3A_306, %mul3A_374 : i32
          %add3A_376 = arith.constant 32 : i32
          %add3A_377 = arith.addi %mul3A_375, %add3A_376 : i32
          %get3A_378 = arith.index_cast %add3A_377 : i32 to index
          %get3A_379 = tpu.vector_load %arg8[%get3A_378] {strides = array<i32>} : memref<4224xi32, #tpu.memory_space<vmem>>, vector<16xi32>,
          %get3A_380 = arith.index_cast %add3A_377 : i32 to index
          %get3A_381 = tpu.vector_load %arg9[%get3A_380] {strides = array<i32>} : memref<4224xi32, #tpu.memory_space<vmem>>, vector<16xi32>,
          %and3A_382 = arith.constant -65536 : i32
          %and3A_383 = vector.broadcast %and3A_382 : i32 to vector<16xi32>
          %and3A_384 = arith.andi %get3A_379, %and3A_383 : vector<16xi32>
          %eq3A_385 = vector.broadcast %or3A : i32 to vector<16xi32>
          %eq3A_386 = arith.cmpi eq, %and3A_384, %eq3A_385 : vector<16xi32>
          %convert_element_type3A_387 = arith.extui %eq3A_386 : vector<16xi1> to vector<16xi32>
          %broadcast_in_dim3A_388 = arith.constant true
          %broadcast_in_dim3A_389 = vector.broadcast %broadcast_in_dim3A_388 : i1 to vector<16xi1>
          %masked_cumsum3A_390 = tpu.scan <sum>, %convert_element_type3A_387 masked %broadcast_in_dim3A_389 : vector<16xi32>, vector<16xi1> -> vector<16xi32>
          %add3A_391 = vector.broadcast %add3A_373 : i32 to vector<16xi32>
          %add3A_392 = arith.addi %add3A_391, %masked_cumsum3A_390 : vector<16xi32>
          %sub3A_393 = arith.constant 1 : i32
          %sub3A_394 = vector.broadcast %sub3A_393 : i32 to vector<16xi32>
          %sub3A_395 = arith.subi %add3A_392, %sub3A_394 : vector<16xi32>
          tpu.vector_store_idx %arg8[%sub3A_395], %get3A_379 masked %eq3A_386 : memref<4224xi32, #tpu.memory_space<vmem>>[vector<16xi32>], vector<16xi32>, vector<16xi1>
          tpu.vector_store_idx %arg9[%sub3A_395], %get3A_381 masked %eq3A_386 : memref<4224xi32, #tpu.memory_space<vmem>>[vector<16xi32>], vector<16xi32>, vector<16xi1>
          %eq3A_396 = arith.constant 15 : i32
          %eq3A_397 = vector.broadcast %eq3A_396 : i32 to vector<16xi32>
          %eq3A_398 = arith.cmpi eq, %iota3A, %eq3A_397 : vector<16xi32>
          %jit3A_399 = arith.constant 0 : i32
          %broadcast_in_dim3A_400 = vector.broadcast %jit3A_399 : i32 to vector<16xi32>
          %select_n3A_401 = arith.select %eq3A_398, %masked_cumsum3A_390, %broadcast_in_dim3A_400 : vector<16xi1>, vector<16xi32>
          %reduce_sum3A_402 = arith.constant true
          %reduce_sum3A_403 = vector.broadcast %reduce_sum3A_402 : i1 to vector<16xi1>
          %reduce_sum3A_404 = tpu.scan <sum>, %select_n3A_401 masked %reduce_sum3A_403 : vector<16xi32>, vector<16xi1> -> vector<16xi32>
          %reduce_sum3A_405 = vector.extract %reduce_sum3A_404[15] : i32 from vector<16xi32>
          %add3A_406 = arith.addi %add3A_373, %reduce_sum3A_405 : i32
          %mul3A_407 = arith.constant 64 : i32
          %mul3A_408 = arith.muli %while3A_306, %mul3A_407 : i32
          %add3A_409 = arith.constant 48 : i32
          %add3A_410 = arith.addi %mul3A_408, %add3A_409 : i32
          %get3A_411 = arith.index_cast %add3A_410 : i32 to index
          %get3A_412 = tpu.vector_load %arg8[%get3A_411] {strides = array<i32>} : memref<4224xi32, #tpu.memory_space<vmem>>, vector<16xi32>,
          %get3A_413 = arith.index_cast %add3A_410 : i32 to index
          %get3A_414 = tpu.vector_load %arg9[%get3A_413] {strides = array<i32>} : memref<4224xi32, #tpu.memory_space<vmem>>, vector<16xi32>,
          %and3A_415 = arith.constant -65536 : i32
          %and3A_416 = vector.broadcast %and3A_415 : i32 to vector<16xi32>
          %and3A_417 = arith.andi %get3A_412, %and3A_416 : vector<16xi32>
          %eq3A_418 = vector.broadcast %or3A : i32 to vector<16xi32>
          %eq3A_419 = arith.cmpi eq, %and3A_417, %eq3A_418 : vector<16xi32>
          %convert_element_type3A_420 = arith.extui %eq3A_419 : vector<16xi1> to vector<16xi32>
          %broadcast_in_dim3A_421 = arith.constant true
          %broadcast_in_dim3A_422 = vector.broadcast %broadcast_in_dim3A_421 : i1 to vector<16xi1>
          %masked_cumsum3A_423 = tpu.scan <sum>, %convert_element_type3A_420 masked %broadcast_in_dim3A_422 : vector<16xi32>, vector<16xi1> -> vector<16xi32>
          %add3A_424 = vector.broadcast %add3A_406 : i32 to vector<16xi32>
          %add3A_425 = arith.addi %add3A_424, %masked_cumsum3A_423 : vector<16xi32>
          %sub3A_426 = arith.constant 1 : i32
          %sub3A_427 = vector.broadcast %sub3A_426 : i32 to vector<16xi32>
          %sub3A_428 = arith.subi %add3A_425, %sub3A_427 : vector<16xi32>
          tpu.vector_store_idx %arg8[%sub3A_428], %get3A_412 masked %eq3A_419 : memref<4224xi32, #tpu.memory_space<vmem>>[vector<16xi32>], vector<16xi32>, vector<16xi1>
          tpu.vector_store_idx %arg9[%sub3A_428], %get3A_414 masked %eq3A_419 : memref<4224xi32, #tpu.memory_space<vmem>>[vector<16xi32>], vector<16xi32>, vector<16xi1>
          %eq3A_429 = arith.constant 15 : i32
          %eq3A_430 = vector.broadcast %eq3A_429 : i32 to vector<16xi32>
          %eq3A_431 = arith.cmpi eq, %iota3A, %eq3A_430 : vector<16xi32>
          %jit3A_432 = arith.constant 0 : i32
          %broadcast_in_dim3A_433 = vector.broadcast %jit3A_432 : i32 to vector<16xi32>
          %select_n3A_434 = arith.select %eq3A_431, %masked_cumsum3A_423, %broadcast_in_dim3A_433 : vector<16xi1>, vector<16xi32>
          %reduce_sum3A_435 = arith.constant true
          %reduce_sum3A_436 = vector.broadcast %reduce_sum3A_435 : i1 to vector<16xi1>
          %reduce_sum3A_437 = tpu.scan <sum>, %select_n3A_434 masked %reduce_sum3A_436 : vector<16xi32>, vector<16xi1> -> vector<16xi32>
          %reduce_sum3A_438 = vector.extract %reduce_sum3A_437[15] : i32 from vector<16xi32>
          %add3A_439 = arith.addi %add3A_406, %reduce_sum3A_438 : i32
          scf.yield %add3A_439 : i32
        }
        %add3A_153 = arith.constant 0 : i32
        %add3A_154 = arith.addi %while3A_152, %add3A_153 : i32
        %swap3A_155 = arith.index_cast %add3A_154 : i32 to index
        %swap3A_156 = tpu.vector_load %arg8[%swap3A_155] {strides = array<i32>} : memref<4224xi32, #tpu.memory_space<vmem>>, vector<16xi32>,
        tpu.vector_store %arg8[%swap3A_155], %and3A_28 {strides = array<i32>} : memref<4224xi32, #tpu.memory_space<vmem>>, vector<16xi32>,
        %add3A_157 = arith.constant 16 : i32
        %add3A_158 = arith.addi %while3A_152, %add3A_157 : i32
        %swap3A_159 = arith.index_cast %add3A_158 : i32 to index
        %swap3A_160 = tpu.vector_load %arg8[%swap3A_159] {strides = array<i32>} : memref<4224xi32, #tpu.memory_space<vmem>>, vector<16xi32>,
        tpu.vector_store %arg8[%swap3A_159], %and3A_28 {strides = array<i32>} : memref<4224xi32, #tpu.memory_space<vmem>>, vector<16xi32>,
        %add3A_161 = arith.constant 32 : i32
        %add3A_162 = arith.addi %while3A_152, %add3A_161 : i32
        %swap3A_163 = arith.index_cast %add3A_162 : i32 to index
        %swap3A_164 = tpu.vector_load %arg8[%swap3A_163] {strides = array<i32>} : memref<4224xi32, #tpu.memory_space<vmem>>, vector<16xi32>,
        tpu.vector_store %arg8[%swap3A_163], %and3A_28 {strides = array<i32>} : memref<4224xi32, #tpu.memory_space<vmem>>, vector<16xi32>,
        %add3A_165 = arith.constant 48 : i32
        %add3A_166 = arith.addi %while3A_152, %add3A_165 : i32
        %swap3A_167 = arith.index_cast %add3A_166 : i32 to index
        %swap3A_168 = tpu.vector_load %arg8[%swap3A_167] {strides = array<i32>} : memref<4224xi32, #tpu.memory_space<vmem>>, vector<16xi32>,
        tpu.vector_store %arg8[%swap3A_167], %and3A_28 {strides = array<i32>} : memref<4224xi32, #tpu.memory_space<vmem>>, vector<16xi32>,
        %add3A_169 = arith.constant 63 : i32
        %add3A_170 = arith.addi %while3A_152, %add3A_169 : i32
        %shift_right_logical3A_171 = arith.constant 6 : i32
        %shift_right_logical3A_172 = arith.shrui %add3A_170, %shift_right_logical3A_171 : i32
        %scan3A_173 = arith.constant 0 : i32
        %scan3A_174 = arith.constant 0 : i32
        %scan3A_175 = arith.constant 256 : i32
        %scan3A_176 = arith.addi %scan3A_174, %scan3A_175 : i32
        %scan3A_177 = arith.constant 4 : i32
        %scan3A_178 = scf.for %scan3A_306 = %scan3A_174 to %scan3A_176 step %scan3A_177 iter_args(%scan3A_307 = %scan3A_173) -> (i32)  : i32 {
          %mul3A_308 = arith.constant 16 : i32
          %mul3A_309 = arith.muli %scan3A_306, %mul3A_308 : i32
          %swap3A_310 = arith.index_cast %mul3A_309 : i32 to index
          %swap3A_311 = tpu.vector_load %arg7[%swap3A_310] {strides = array<i32>} : memref<4096xi32, #tpu.memory_space<vmem>>, vector<16xi32>,
          tpu.vector_store %arg7[%swap3A_310], %and3A_28 {strides = array<i32>} : memref<4096xi32, #tpu.memory_space<vmem>>, vector<16xi32>,
          %scan3A_312 = arith.constant 0 : i32
          %scan3A_313 = arith.constant 1 : i32
          %scan3A_314 = arith.addi %scan3A_306, %scan3A_313 : i32
          %mul3A_315 = arith.constant 16 : i32
          %mul3A_316 = arith.muli %scan3A_314, %mul3A_315 : i32
          %swap3A_317 = arith.index_cast %mul3A_316 : i32 to index
          %swap3A_318 = tpu.vector_load %arg7[%swap3A_317] {strides = array<i32>} : memref<4096xi32, #tpu.memory_space<vmem>>, vector<16xi32>,
          tpu.vector_store %arg7[%swap3A_317], %and3A_28 {strides = array<i32>} : memref<4096xi32, #tpu.memory_space<vmem>>, vector<16xi32>,
          %scan3A_319 = arith.constant 0 : i32
          %scan3A_320 = arith.constant 2 : i32
          %scan3A_321 = arith.addi %scan3A_306, %scan3A_320 : i32
          %mul3A_322 = arith.constant 16 : i32
          %mul3A_323 = arith.muli %scan3A_321, %mul3A_322 : i32
          %swap3A_324 = arith.index_cast %mul3A_323 : i32 to index
          %swap3A_325 = tpu.vector_load %arg7[%swap3A_324] {strides = array<i32>} : memref<4096xi32, #tpu.memory_space<vmem>>, vector<16xi32>,
          tpu.vector_store %arg7[%swap3A_324], %and3A_28 {strides = array<i32>} : memref<4096xi32, #tpu.memory_space<vmem>>, vector<16xi32>,
          %scan3A_326 = arith.constant 0 : i32
          %scan3A_327 = arith.constant 3 : i32
          %scan3A_328 = arith.addi %scan3A_306, %scan3A_327 : i32
          %mul3A_329 = arith.constant 16 : i32
          %mul3A_330 = arith.muli %scan3A_328, %mul3A_329 : i32
          %swap3A_331 = arith.index_cast %mul3A_330 : i32 to index
          %swap3A_332 = tpu.vector_load %arg7[%swap3A_331] {strides = array<i32>} : memref<4096xi32, #tpu.memory_space<vmem>>, vector<16xi32>,
          tpu.vector_store %arg7[%swap3A_331], %and3A_28 {strides = array<i32>} : memref<4096xi32, #tpu.memory_space<vmem>>, vector<16xi32>,
          %scan3A_333 = arith.constant 0 : i32
          scf.yield %scan3A_333 : i32
        }
        %scan3A_179 = arith.constant 256 : i32
        %while3A_180 = arith.constant 0 : i32
        %while3A_181 = arith.constant 0 : i32
        %while3A_182 = arith.subi %shift_right_logical3A_172, %while3A_180 : i32
        %while3A_183 = arith.addi %while3A_180, %while3A_182 : i32
        %while3A_184 = arith.constant 1 : i32
        %while3A_185 = arith.divsi %while3A_182, %while3A_184 : i32
        %while3A_186 = arith.muli %while3A_185, %while3A_184 : i32
        %while3A_187 = arith.addi %while3A_180, %while3A_186 : i32
        %while3A_188 = arith.constant 1 : i32
        %while3A_189 = scf.for %while3A_306 = %while3A_180 to %while3A_187 step %while3A_188 iter_args(%while3A_307 = %while3A_181) -> (i32)  : i32 {
          %mul3A_308 = arith.constant 64 : i32
          %mul3A_309 = arith.muli %while3A_306, %mul3A_308 : i32
          %add3A_310 = arith.constant 0 : i32
          %add3A_311 = arith.addi %mul3A_309, %add3A_310 : i32
          %get3A_312 = arith.index_cast %add3A_311 : i32 to index
          %get3A_313 = tpu.vector_load %arg8[%get3A_312] {strides = array<i32>} : memref<4224xi32, #tpu.memory_space<vmem>>, vector<16xi32>,
          %and3A_314 = arith.constant -65536 : i32
          %and3A_315 = vector.broadcast %and3A_314 : i32 to vector<16xi32>
          %and3A_316 = arith.andi %get3A_313, %and3A_315 : vector<16xi32>
          %eq3A_317 = vector.broadcast %or3A : i32 to vector<16xi32>
          %eq3A_318 = arith.cmpi eq, %and3A_316, %eq3A_317 : vector<16xi32>
          %shift_right_logical3A_319 = arith.constant 8 : i32
          %shift_right_logical3A_320 = vector.broadcast %shift_right_logical3A_319 : i32 to vector<16xi32>
          %shift_right_logical3A_321 = arith.shrui %get3A_313, %shift_right_logical3A_320 : vector<16xi32>
          %and3A_322 = arith.constant 255 : i32
          %and3A_323 = vector.broadcast %and3A_322 : i32 to vector<16xi32>
          %and3A_324 = arith.andi %shift_right_logical3A_321, %and3A_323 : vector<16xi32>
          %mul3A_325 = arith.constant 16 : i32
          %mul3A_326 = vector.broadcast %mul3A_325 : i32 to vector<16xi32>
          %mul3A_327 = arith.muli %and3A_324, %mul3A_326 : vector<16xi32>
          %add3A_328 = arith.addi %mul3A_327, %iota3A : vector<16xi32>
          tpu.vector_store_idx %arg7[%add3A_328], %add3A_31 masked %eq3A_318 {add = true} : memref<4096xi32, #tpu.memory_space<vmem>>[vector<16xi32>], vector<16xi32>, vector<16xi1>
          %mul3A_329 = arith.constant 64 : i32
          %mul3A_330 = arith.muli %while3A_306, %mul3A_329 : i32
          %add3A_331 = arith.constant 16 : i32
          %add3A_332 = arith.addi %mul3A_330, %add3A_331 : i32
          %get3A_333 = arith.index_cast %add3A_332 : i32 to index
          %get3A_334 = tpu.vector_load %arg8[%get3A_333] {strides = array<i32>} : memref<4224xi32, #tpu.memory_space<vmem>>, vector<16xi32>,
          %and3A_335 = arith.constant -65536 : i32
          %and3A_336 = vector.broadcast %and3A_335 : i32 to vector<16xi32>
          %and3A_337 = arith.andi %get3A_334, %and3A_336 : vector<16xi32>
          %eq3A_338 = vector.broadcast %or3A : i32 to vector<16xi32>
          %eq3A_339 = arith.cmpi eq, %and3A_337, %eq3A_338 : vector<16xi32>
          %shift_right_logical3A_340 = arith.constant 8 : i32
          %shift_right_logical3A_341 = vector.broadcast %shift_right_logical3A_340 : i32 to vector<16xi32>
          %shift_right_logical3A_342 = arith.shrui %get3A_334, %shift_right_logical3A_341 : vector<16xi32>
          %and3A_343 = arith.constant 255 : i32
          %and3A_344 = vector.broadcast %and3A_343 : i32 to vector<16xi32>
          %and3A_345 = arith.andi %shift_right_logical3A_342, %and3A_344 : vector<16xi32>
          %mul3A_346 = arith.constant 16 : i32
          %mul3A_347 = vector.broadcast %mul3A_346 : i32 to vector<16xi32>
          %mul3A_348 = arith.muli %and3A_345, %mul3A_347 : vector<16xi32>
          %add3A_349 = arith.addi %mul3A_348, %iota3A : vector<16xi32>
          tpu.vector_store_idx %arg7[%add3A_349], %add3A_31 masked %eq3A_339 {add = true} : memref<4096xi32, #tpu.memory_space<vmem>>[vector<16xi32>], vector<16xi32>, vector<16xi1>
          %mul3A_350 = arith.constant 64 : i32
          %mul3A_351 = arith.muli %while3A_306, %mul3A_350 : i32
          %add3A_352 = arith.constant 32 : i32
          %add3A_353 = arith.addi %mul3A_351, %add3A_352 : i32
          %get3A_354 = arith.index_cast %add3A_353 : i32 to index
          %get3A_355 = tpu.vector_load %arg8[%get3A_354] {strides = array<i32>} : memref<4224xi32, #tpu.memory_space<vmem>>, vector<16xi32>,
          %and3A_356 = arith.constant -65536 : i32
          %and3A_357 = vector.broadcast %and3A_356 : i32 to vector<16xi32>
          %and3A_358 = arith.andi %get3A_355, %and3A_357 : vector<16xi32>
          %eq3A_359 = vector.broadcast %or3A : i32 to vector<16xi32>
          %eq3A_360 = arith.cmpi eq, %and3A_358, %eq3A_359 : vector<16xi32>
          %shift_right_logical3A_361 = arith.constant 8 : i32
          %shift_right_logical3A_362 = vector.broadcast %shift_right_logical3A_361 : i32 to vector<16xi32>
          %shift_right_logical3A_363 = arith.shrui %get3A_355, %shift_right_logical3A_362 : vector<16xi32>
          %and3A_364 = arith.constant 255 : i32
          %and3A_365 = vector.broadcast %and3A_364 : i32 to vector<16xi32>
          %and3A_366 = arith.andi %shift_right_logical3A_363, %and3A_365 : vector<16xi32>
          %mul3A_367 = arith.constant 16 : i32
          %mul3A_368 = vector.broadcast %mul3A_367 : i32 to vector<16xi32>
          %mul3A_369 = arith.muli %and3A_366, %mul3A_368 : vector<16xi32>
          %add3A_370 = arith.addi %mul3A_369, %iota3A : vector<16xi32>
          tpu.vector_store_idx %arg7[%add3A_370], %add3A_31 masked %eq3A_360 {add = true} : memref<4096xi32, #tpu.memory_space<vmem>>[vector<16xi32>], vector<16xi32>, vector<16xi1>
          %mul3A_371 = arith.constant 64 : i32
          %mul3A_372 = arith.muli %while3A_306, %mul3A_371 : i32
          %add3A_373 = arith.constant 48 : i32
          %add3A_374 = arith.addi %mul3A_372, %add3A_373 : i32
          %get3A_375 = arith.index_cast %add3A_374 : i32 to index
          %get3A_376 = tpu.vector_load %arg8[%get3A_375] {strides = array<i32>} : memref<4224xi32, #tpu.memory_space<vmem>>, vector<16xi32>,
          %and3A_377 = arith.constant -65536 : i32
          %and3A_378 = vector.broadcast %and3A_377 : i32 to vector<16xi32>
          %and3A_379 = arith.andi %get3A_376, %and3A_378 : vector<16xi32>
          %eq3A_380 = vector.broadcast %or3A : i32 to vector<16xi32>
          %eq3A_381 = arith.cmpi eq, %and3A_379, %eq3A_380 : vector<16xi32>
          %shift_right_logical3A_382 = arith.constant 8 : i32
          %shift_right_logical3A_383 = vector.broadcast %shift_right_logical3A_382 : i32 to vector<16xi32>
          %shift_right_logical3A_384 = arith.shrui %get3A_376, %shift_right_logical3A_383 : vector<16xi32>
          %and3A_385 = arith.constant 255 : i32
          %and3A_386 = vector.broadcast %and3A_385 : i32 to vector<16xi32>
          %and3A_387 = arith.andi %shift_right_logical3A_384, %and3A_386 : vector<16xi32>
          %mul3A_388 = arith.constant 16 : i32
          %mul3A_389 = vector.broadcast %mul3A_388 : i32 to vector<16xi32>
          %mul3A_390 = arith.muli %and3A_387, %mul3A_389 : vector<16xi32>
          %add3A_391 = arith.addi %mul3A_390, %iota3A : vector<16xi32>
          tpu.vector_store_idx %arg7[%add3A_391], %add3A_31 masked %eq3A_381 {add = true} : memref<4096xi32, #tpu.memory_space<vmem>>[vector<16xi32>], vector<16xi32>, vector<16xi1>
          %while3A_392 = arith.constant 0 : i32
          scf.yield %while3A_392 : i32
        }
        %while3A_190 = arith.constant 1 : i32
        %while3A_191 = scf.for %while3A_306 = %while3A_187 to %while3A_183 step %while3A_190 iter_args(%while3A_307 = %while3A_189) -> (i32)  : i32 {
          %mul3A_308 = arith.constant 64 : i32
          %mul3A_309 = arith.muli %while3A_306, %mul3A_308 : i32
          %add3A_310 = arith.constant 0 : i32
          %add3A_311 = arith.addi %mul3A_309, %add3A_310 : i32
          %get3A_312 = arith.index_cast %add3A_311 : i32 to index
          %get3A_313 = tpu.vector_load %arg8[%get3A_312] {strides = array<i32>} : memref<4224xi32, #tpu.memory_space<vmem>>, vector<16xi32>,
          %and3A_314 = arith.constant -65536 : i32
          %and3A_315 = vector.broadcast %and3A_314 : i32 to vector<16xi32>
          %and3A_316 = arith.andi %get3A_313, %and3A_315 : vector<16xi32>
          %eq3A_317 = vector.broadcast %or3A : i32 to vector<16xi32>
          %eq3A_318 = arith.cmpi eq, %and3A_316, %eq3A_317 : vector<16xi32>
          %shift_right_logical3A_319 = arith.constant 8 : i32
          %shift_right_logical3A_320 = vector.broadcast %shift_right_logical3A_319 : i32 to vector<16xi32>
          %shift_right_logical3A_321 = arith.shrui %get3A_313, %shift_right_logical3A_320 : vector<16xi32>
          %and3A_322 = arith.constant 255 : i32
          %and3A_323 = vector.broadcast %and3A_322 : i32 to vector<16xi32>
          %and3A_324 = arith.andi %shift_right_logical3A_321, %and3A_323 : vector<16xi32>
          %mul3A_325 = arith.constant 16 : i32
          %mul3A_326 = vector.broadcast %mul3A_325 : i32 to vector<16xi32>
          %mul3A_327 = arith.muli %and3A_324, %mul3A_326 : vector<16xi32>
          %add3A_328 = arith.addi %mul3A_327, %iota3A : vector<16xi32>
          tpu.vector_store_idx %arg7[%add3A_328], %add3A_31 masked %eq3A_318 {add = true} : memref<4096xi32, #tpu.memory_space<vmem>>[vector<16xi32>], vector<16xi32>, vector<16xi1>
          %mul3A_329 = arith.constant 64 : i32
          %mul3A_330 = arith.muli %while3A_306, %mul3A_329 : i32
          %add3A_331 = arith.constant 16 : i32
          %add3A_332 = arith.addi %mul3A_330, %add3A_331 : i32
          %get3A_333 = arith.index_cast %add3A_332 : i32 to index
          %get3A_334 = tpu.vector_load %arg8[%get3A_333] {strides = array<i32>} : memref<4224xi32, #tpu.memory_space<vmem>>, vector<16xi32>,
          %and3A_335 = arith.constant -65536 : i32
          %and3A_336 = vector.broadcast %and3A_335 : i32 to vector<16xi32>
          %and3A_337 = arith.andi %get3A_334, %and3A_336 : vector<16xi32>
          %eq3A_338 = vector.broadcast %or3A : i32 to vector<16xi32>
          %eq3A_339 = arith.cmpi eq, %and3A_337, %eq3A_338 : vector<16xi32>
          %shift_right_logical3A_340 = arith.constant 8 : i32
          %shift_right_logical3A_341 = vector.broadcast %shift_right_logical3A_340 : i32 to vector<16xi32>
          %shift_right_logical3A_342 = arith.shrui %get3A_334, %shift_right_logical3A_341 : vector<16xi32>
          %and3A_343 = arith.constant 255 : i32
          %and3A_344 = vector.broadcast %and3A_343 : i32 to vector<16xi32>
          %and3A_345 = arith.andi %shift_right_logical3A_342, %and3A_344 : vector<16xi32>
          %mul3A_346 = arith.constant 16 : i32
          %mul3A_347 = vector.broadcast %mul3A_346 : i32 to vector<16xi32>
          %mul3A_348 = arith.muli %and3A_345, %mul3A_347 : vector<16xi32>
          %add3A_349 = arith.addi %mul3A_348, %iota3A : vector<16xi32>
          tpu.vector_store_idx %arg7[%add3A_349], %add3A_31 masked %eq3A_339 {add = true} : memref<4096xi32, #tpu.memory_space<vmem>>[vector<16xi32>], vector<16xi32>, vector<16xi1>
          %mul3A_350 = arith.constant 64 : i32
          %mul3A_351 = arith.muli %while3A_306, %mul3A_350 : i32
          %add3A_352 = arith.constant 32 : i32
          %add3A_353 = arith.addi %mul3A_351, %add3A_352 : i32
          %get3A_354 = arith.index_cast %add3A_353 : i32 to index
          %get3A_355 = tpu.vector_load %arg8[%get3A_354] {strides = array<i32>} : memref<4224xi32, #tpu.memory_space<vmem>>, vector<16xi32>,
          %and3A_356 = arith.constant -65536 : i32
          %and3A_357 = vector.broadcast %and3A_356 : i32 to vector<16xi32>
          %and3A_358 = arith.andi %get3A_355, %and3A_357 : vector<16xi32>
          %eq3A_359 = vector.broadcast %or3A : i32 to vector<16xi32>
          %eq3A_360 = arith.cmpi eq, %and3A_358, %eq3A_359 : vector<16xi32>
          %shift_right_logical3A_361 = arith.constant 8 : i32
          %shift_right_logical3A_362 = vector.broadcast %shift_right_logical3A_361 : i32 to vector<16xi32>
          %shift_right_logical3A_363 = arith.shrui %get3A_355, %shift_right_logical3A_362 : vector<16xi32>
          %and3A_364 = arith.constant 255 : i32
          %and3A_365 = vector.broadcast %and3A_364 : i32 to vector<16xi32>
          %and3A_366 = arith.andi %shift_right_logical3A_363, %and3A_365 : vector<16xi32>
          %mul3A_367 = arith.constant 16 : i32
          %mul3A_368 = vector.broadcast %mul3A_367 : i32 to vector<16xi32>
          %mul3A_369 = arith.muli %and3A_366, %mul3A_368 : vector<16xi32>
          %add3A_370 = arith.addi %mul3A_369, %iota3A : vector<16xi32>
          tpu.vector_store_idx %arg7[%add3A_370], %add3A_31 masked %eq3A_360 {add = true} : memref<4096xi32, #tpu.memory_space<vmem>>[vector<16xi32>], vector<16xi32>, vector<16xi1>
          %mul3A_371 = arith.constant 64 : i32
          %mul3A_372 = arith.muli %while3A_306, %mul3A_371 : i32
          %add3A_373 = arith.constant 48 : i32
          %add3A_374 = arith.addi %mul3A_372, %add3A_373 : i32
          %get3A_375 = arith.index_cast %add3A_374 : i32 to index
          %get3A_376 = tpu.vector_load %arg8[%get3A_375] {strides = array<i32>} : memref<4224xi32, #tpu.memory_space<vmem>>, vector<16xi32>,
          %and3A_377 = arith.constant -65536 : i32
          %and3A_378 = vector.broadcast %and3A_377 : i32 to vector<16xi32>
          %and3A_379 = arith.andi %get3A_376, %and3A_378 : vector<16xi32>
          %eq3A_380 = vector.broadcast %or3A : i32 to vector<16xi32>
          %eq3A_381 = arith.cmpi eq, %and3A_379, %eq3A_380 : vector<16xi32>
          %shift_right_logical3A_382 = arith.constant 8 : i32
          %shift_right_logical3A_383 = vector.broadcast %shift_right_logical3A_382 : i32 to vector<16xi32>
          %shift_right_logical3A_384 = arith.shrui %get3A_376, %shift_right_logical3A_383 : vector<16xi32>
          %and3A_385 = arith.constant 255 : i32
          %and3A_386 = vector.broadcast %and3A_385 : i32 to vector<16xi32>
          %and3A_387 = arith.andi %shift_right_logical3A_384, %and3A_386 : vector<16xi32>
          %mul3A_388 = arith.constant 16 : i32
          %mul3A_389 = vector.broadcast %mul3A_388 : i32 to vector<16xi32>
          %mul3A_390 = arith.muli %and3A_387, %mul3A_389 : vector<16xi32>
          %add3A_391 = arith.addi %mul3A_390, %iota3A : vector<16xi32>
          tpu.vector_store_idx %arg7[%add3A_391], %add3A_31 masked %eq3A_381 {add = true} : memref<4096xi32, #tpu.memory_space<vmem>>[vector<16xi32>], vector<16xi32>, vector<16xi1>
          %while3A_392 = arith.constant 0 : i32
          scf.yield %while3A_392 : i32
        }
        %scan3A_192 = arith.constant false
        %scan3A_193 = arith.constant 0 : i32
        %scan3A_194 = arith.constant 0 : i32
        %scan3A_195 = arith.constant 0 : i32
        %scan3A_196 = arith.constant 16 : i32
        %scan3A_197 = arith.addi %scan3A_195, %scan3A_196 : i32
        %scan3A_198 = arith.constant 1 : i32
        %scan3A_199:4 = scf.for %scan3A_306 = %scan3A_195 to %scan3A_197 step %scan3A_198 iter_args(%scan3A_307 = %scan3A_192, %scan3A_308 = %scan3A_193, %scan3A_309 = %scan3A_137#2, %scan3A_310 = %scan3A_194) -> (i1, i32, i32, i32)  : i32 {
          %sub3A_311 = arith.constant 15 : i32
          %sub3A_312 = arith.subi %sub3A_311, %scan3A_306 : i32
          %mul3A_313 = arith.constant 16 : i32
          %mul3A_314 = arith.muli %sub3A_312, %mul3A_313 : i32
          %add3A_315 = vector.broadcast %mul3A_314 : i32 to vector<16xi32>
          %add3A_316 = arith.addi %add3A_315, %iota3A : vector<16xi32>
          %mul3A_317 = arith.constant 16 : i32
          %mul3A_318 = vector.broadcast %mul3A_317 : i32 to vector<16xi32>
          %mul3A_319 = arith.muli %add3A_316, %mul3A_318 : vector<16xi32>
          %add3A_320 = arith.constant 0 : i32
          %add3A_321 = vector.broadcast %add3A_320 : i32 to vector<16xi32>
          %add3A_322 = arith.addi %mul3A_319, %add3A_321 : vector<16xi32>
          %gather3A = tpu.vector_load_idx %arg7[%add3A_322] : memref<4096xi32, #tpu.memory_space<vmem>>[vector<16xi32>], vector<16xi32>,
          %add3A_323 = arith.addi %and3A_28, %gather3A : vector<16xi32>
          %add3A_324 = arith.constant 1 : i32
          %add3A_325 = vector.broadcast %add3A_324 : i32 to vector<16xi32>
          %add3A_326 = arith.addi %mul3A_319, %add3A_325 : vector<16xi32>
          %gather3A_327 = tpu.vector_load_idx %arg7[%add3A_326] : memref<4096xi32, #tpu.memory_space<vmem>>[vector<16xi32>], vector<16xi32>,
          %add3A_328 = arith.addi %add3A_323, %gather3A_327 : vector<16xi32>
          %add3A_329 = arith.constant 2 : i32
          %add3A_330 = vector.broadcast %add3A_329 : i32 to vector<16xi32>
          %add3A_331 = arith.addi %mul3A_319, %add3A_330 : vector<16xi32>
          %gather3A_332 = tpu.vector_load_idx %arg7[%add3A_331] : memref<4096xi32, #tpu.memory_space<vmem>>[vector<16xi32>], vector<16xi32>,
          %add3A_333 = arith.addi %add3A_328, %gather3A_332 : vector<16xi32>
          %add3A_334 = arith.constant 3 : i32
          %add3A_335 = vector.broadcast %add3A_334 : i32 to vector<16xi32>
          %add3A_336 = arith.addi %mul3A_319, %add3A_335 : vector<16xi32>
          %gather3A_337 = tpu.vector_load_idx %arg7[%add3A_336] : memref<4096xi32, #tpu.memory_space<vmem>>[vector<16xi32>], vector<16xi32>,
          %add3A_338 = arith.addi %add3A_333, %gather3A_337 : vector<16xi32>
          %add3A_339 = arith.constant 4 : i32
          %add3A_340 = vector.broadcast %add3A_339 : i32 to vector<16xi32>
          %add3A_341 = arith.addi %mul3A_319, %add3A_340 : vector<16xi32>
          %gather3A_342 = tpu.vector_load_idx %arg7[%add3A_341] : memref<4096xi32, #tpu.memory_space<vmem>>[vector<16xi32>], vector<16xi32>,
          %add3A_343 = arith.addi %add3A_338, %gather3A_342 : vector<16xi32>
          %add3A_344 = arith.constant 5 : i32
          %add3A_345 = vector.broadcast %add3A_344 : i32 to vector<16xi32>
          %add3A_346 = arith.addi %mul3A_319, %add3A_345 : vector<16xi32>
          %gather3A_347 = tpu.vector_load_idx %arg7[%add3A_346] : memref<4096xi32, #tpu.memory_space<vmem>>[vector<16xi32>], vector<16xi32>,
          %add3A_348 = arith.addi %add3A_343, %gather3A_347 : vector<16xi32>
          %add3A_349 = arith.constant 6 : i32
          %add3A_350 = vector.broadcast %add3A_349 : i32 to vector<16xi32>
          %add3A_351 = arith.addi %mul3A_319, %add3A_350 : vector<16xi32>
          %gather3A_352 = tpu.vector_load_idx %arg7[%add3A_351] : memref<4096xi32, #tpu.memory_space<vmem>>[vector<16xi32>], vector<16xi32>,
          %add3A_353 = arith.addi %add3A_348, %gather3A_352 : vector<16xi32>
          %add3A_354 = arith.constant 7 : i32
          %add3A_355 = vector.broadcast %add3A_354 : i32 to vector<16xi32>
          %add3A_356 = arith.addi %mul3A_319, %add3A_355 : vector<16xi32>
          %gather3A_357 = tpu.vector_load_idx %arg7[%add3A_356] : memref<4096xi32, #tpu.memory_space<vmem>>[vector<16xi32>], vector<16xi32>,
          %add3A_358 = arith.addi %add3A_353, %gather3A_357 : vector<16xi32>
          %add3A_359 = arith.constant 8 : i32
          %add3A_360 = vector.broadcast %add3A_359 : i32 to vector<16xi32>
          %add3A_361 = arith.addi %mul3A_319, %add3A_360 : vector<16xi32>
          %gather3A_362 = tpu.vector_load_idx %arg7[%add3A_361] : memref<4096xi32, #tpu.memory_space<vmem>>[vector<16xi32>], vector<16xi32>,
          %add3A_363 = arith.addi %add3A_358, %gather3A_362 : vector<16xi32>
          %add3A_364 = arith.constant 9 : i32
          %add3A_365 = vector.broadcast %add3A_364 : i32 to vector<16xi32>
          %add3A_366 = arith.addi %mul3A_319, %add3A_365 : vector<16xi32>
          %gather3A_367 = tpu.vector_load_idx %arg7[%add3A_366] : memref<4096xi32, #tpu.memory_space<vmem>>[vector<16xi32>], vector<16xi32>,
          %add3A_368 = arith.addi %add3A_363, %gather3A_367 : vector<16xi32>
          %add3A_369 = arith.constant 10 : i32
          %add3A_370 = vector.broadcast %add3A_369 : i32 to vector<16xi32>
          %add3A_371 = arith.addi %mul3A_319, %add3A_370 : vector<16xi32>
          %gather3A_372 = tpu.vector_load_idx %arg7[%add3A_371] : memref<4096xi32, #tpu.memory_space<vmem>>[vector<16xi32>], vector<16xi32>,
          %add3A_373 = arith.addi %add3A_368, %gather3A_372 : vector<16xi32>
          %add3A_374 = arith.constant 11 : i32
          %add3A_375 = vector.broadcast %add3A_374 : i32 to vector<16xi32>
          %add3A_376 = arith.addi %mul3A_319, %add3A_375 : vector<16xi32>
          %gather3A_377 = tpu.vector_load_idx %arg7[%add3A_376] : memref<4096xi32, #tpu.memory_space<vmem>>[vector<16xi32>], vector<16xi32>,
          %add3A_378 = arith.addi %add3A_373, %gather3A_377 : vector<16xi32>
          %add3A_379 = arith.constant 12 : i32
          %add3A_380 = vector.broadcast %add3A_379 : i32 to vector<16xi32>
          %add3A_381 = arith.addi %mul3A_319, %add3A_380 : vector<16xi32>
          %gather3A_382 = tpu.vector_load_idx %arg7[%add3A_381] : memref<4096xi32, #tpu.memory_space<vmem>>[vector<16xi32>], vector<16xi32>,
          %add3A_383 = arith.addi %add3A_378, %gather3A_382 : vector<16xi32>
          %add3A_384 = arith.constant 13 : i32
          %add3A_385 = vector.broadcast %add3A_384 : i32 to vector<16xi32>
          %add3A_386 = arith.addi %mul3A_319, %add3A_385 : vector<16xi32>
          %gather3A_387 = tpu.vector_load_idx %arg7[%add3A_386] : memref<4096xi32, #tpu.memory_space<vmem>>[vector<16xi32>], vector<16xi32>,
          %add3A_388 = arith.addi %add3A_383, %gather3A_387 : vector<16xi32>
          %add3A_389 = arith.constant 14 : i32
          %add3A_390 = vector.broadcast %add3A_389 : i32 to vector<16xi32>
          %add3A_391 = arith.addi %mul3A_319, %add3A_390 : vector<16xi32>
          %gather3A_392 = tpu.vector_load_idx %arg7[%add3A_391] : memref<4096xi32, #tpu.memory_space<vmem>>[vector<16xi32>], vector<16xi32>,
          %add3A_393 = arith.addi %add3A_388, %gather3A_392 : vector<16xi32>
          %add3A_394 = arith.constant 15 : i32
          %add3A_395 = vector.broadcast %add3A_394 : i32 to vector<16xi32>
          %add3A_396 = arith.addi %mul3A_319, %add3A_395 : vector<16xi32>
          %gather3A_397 = tpu.vector_load_idx %arg7[%add3A_396] : memref<4096xi32, #tpu.memory_space<vmem>>[vector<16xi32>], vector<16xi32>,
          %add3A_398 = arith.addi %add3A_393, %gather3A_397 : vector<16xi32>
          %rev3A = arith.constant 15 : i32
          %rev3A_399 = vector.broadcast %rev3A : i32 to vector<16xi32>
          %rev3A_400 = tpu.iota {dimensions = array<i32: 0>} : vector<16xi32>
          %rev3A_401 = arith.subi %rev3A_399, %rev3A_400 : vector<16xi32>
          %rev3A_402 = tpu.dynamic_gather %add3A_398[%rev3A_401] in [0] : vector<16xi32>, vector<16xi32> -> vector<16xi32>
          %broadcast_in_dim3A_403 = arith.constant true
          %broadcast_in_dim3A_404 = vector.broadcast %broadcast_in_dim3A_403 : i1 to vector<16xi1>
          %masked_cumsum3A_405 = tpu.scan <sum>, %rev3A_402 masked %broadcast_in_dim3A_404 : vector<16xi32>, vector<16xi1> -> vector<16xi32>
          %add3A_406 = vector.broadcast %scan3A_310 : i32 to vector<16xi32>
          %add3A_407 = arith.addi %add3A_406, %masked_cumsum3A_405 : vector<16xi32>
          %ge3A = vector.broadcast %scan3A_309 : i32 to vector<16xi32>
          %ge3A_408 = arith.cmpi sge, %add3A_407, %ge3A : vector<16xi32>
          %all_reduce_population_count3A = tpu.all_reduce %ge3A_408 {dim = 0 : i64, kind = #tpu.reduction_kind<sum>} : vector<16xi1> -> vector<16xi32>
          %reduce_max3A = arith.constant true
          %reduce_max3A_409 = vector.broadcast %reduce_max3A : i1 to vector<16xi1>
          %reduce_max3A_410 = arith.constant -2147483648 : i32
          %reduce_max3A_411 = vector.broadcast %reduce_max3A_410 : i32 to vector<16xi32>
          %reduce_max3A_412 = arith.xori %all_reduce_population_count3A, %reduce_max3A_411 : vector<16xi32>
          %reduce_max3A_413 = tpu.scan <max>, %reduce_max3A_412 masked %reduce_max3A_409 : vector<16xi32>, vector<16xi1> -> vector<16xi32>
          %reduce_max3A_414 = arith.xori %reduce_max3A_413, %reduce_max3A_411 : vector<16xi32>
          %reduce_max3A_415 = vector.extract %reduce_max3A_414[15] : i32 from vector<16xi32>
          %all_reduce_ffs3A = tpu.all_reduce %ge3A_408 {dim = 0 : i64, kind = #tpu.reduction_kind<find_first_set>} : vector<16xi1> -> vector<16xi32>
          %not3A = arith.constant true
          %not3A_416 = arith.xori %scan3A_307, %not3A : i1
          %gt3A_417 = arith.constant 0 : i32
          %gt3A_418 = arith.cmpi sgt, %reduce_max3A_415, %gt3A_417 : i32
          %and3A_419 = arith.andi %not3A_416, %gt3A_418 : i1
          %mul3A_420 = arith.constant 16 : i32
          %mul3A_421 = arith.muli %sub3A_312, %mul3A_420 : i32
          %add3A_422 = arith.constant 15 : i32
          %add3A_423 = arith.addi %mul3A_421, %add3A_422 : i32
          %reduce_max3A_424 = arith.constant true
          %reduce_max3A_425 = vector.broadcast %reduce_max3A_424 : i1 to vector<16xi1>
          %reduce_max3A_426 = arith.constant -2147483648 : i32
          %reduce_max3A_427 = vector.broadcast %reduce_max3A_426 : i32 to vector<16xi32>
          %reduce_max3A_428 = arith.xori %all_reduce_ffs3A, %reduce_max3A_427 : vector<16xi32>
          %reduce_max3A_429 = tpu.scan <max>, %reduce_max3A_428 masked %reduce_max3A_425 : vector<16xi32>, vector<16xi1> -> vector<16xi32>
          %reduce_max3A_430 = arith.xori %reduce_max3A_429, %reduce_max3A_427 : vector<16xi32>
          %reduce_max3A_431 = vector.extract %reduce_max3A_430[15] : i32 from vector<16xi32>
          %sub3A_432 = arith.subi %add3A_423, %reduce_max3A_431 : i32
          %eq3A_433 = arith.cmpi eq, %iota3A, %all_reduce_ffs3A : vector<16xi32>
          %jit3A_434 = arith.constant 0 : i32
          %broadcast_in_dim3A_435 = vector.broadcast %jit3A_434 : i32 to vector<16xi32>
          %select_n3A_436 = arith.select %eq3A_433, %add3A_407, %broadcast_in_dim3A_435 : vector<16xi1>, vector<16xi32>
          %reduce_sum3A_437 = arith.constant true
          %reduce_sum3A_438 = vector.broadcast %reduce_sum3A_437 : i1 to vector<16xi1>
          %reduce_sum3A_439 = tpu.scan <sum>, %select_n3A_436 masked %reduce_sum3A_438 : vector<16xi32>, vector<16xi1> -> vector<16xi32>
          %reduce_sum3A_440 = vector.extract %reduce_sum3A_439[15] : i32 from vector<16xi32>
          %eq3A_441 = arith.cmpi eq, %iota3A, %all_reduce_ffs3A : vector<16xi32>
          %jit3A_442 = arith.constant 0 : i32
          %broadcast_in_dim3A_443 = vector.broadcast %jit3A_442 : i32 to vector<16xi32>
          %select_n3A_444 = arith.select %eq3A_441, %rev3A_402, %broadcast_in_dim3A_443 : vector<16xi1>, vector<16xi32>
          %reduce_sum3A_445 = arith.constant true
          %reduce_sum3A_446 = vector.broadcast %reduce_sum3A_445 : i1 to vector<16xi1>
          %reduce_sum3A_447 = tpu.scan <sum>, %select_n3A_444 masked %reduce_sum3A_446 : vector<16xi32>, vector<16xi1> -> vector<16xi32>
          %reduce_sum3A_448 = vector.extract %reduce_sum3A_447[15] : i32 from vector<16xi32>
          %sub3A_449 = arith.subi %reduce_sum3A_440, %reduce_sum3A_448 : i32
          %select_n3A_450 = arith.select %and3A_419, %sub3A_432, %scan3A_308 : i32
          %sub3A_451 = arith.subi %scan3A_309, %sub3A_449 : i32
          %select_n3A_452 = arith.select %and3A_419, %sub3A_451, %scan3A_309 : i32
          %gt3A_453 = arith.constant 0 : i32
          %gt3A_454 = arith.cmpi sgt, %reduce_max3A_415, %gt3A_453 : i32
          %or3A_455 = arith.ori %scan3A_307, %gt3A_454 : i1
          %eq3A_456 = arith.constant 15 : i32
          %eq3A_457 = vector.broadcast %eq3A_456 : i32 to vector<16xi32>
          %eq3A_458 = arith.cmpi eq, %iota3A, %eq3A_457 : vector<16xi32>
          %jit3A_459 = arith.constant 0 : i32
          %broadcast_in_dim3A_460 = vector.broadcast %jit3A_459 : i32 to vector<16xi32>
          %select_n3A_461 = arith.select %eq3A_458, %masked_cumsum3A_405, %broadcast_in_dim3A_460 : vector<16xi1>, vector<16xi32>
          %reduce_sum3A_462 = arith.constant true
          %reduce_sum3A_463 = vector.broadcast %reduce_sum3A_462 : i1 to vector<16xi1>
          %reduce_sum3A_464 = tpu.scan <sum>, %select_n3A_461 masked %reduce_sum3A_463 : vector<16xi32>, vector<16xi1> -> vector<16xi32>
          %reduce_sum3A_465 = vector.extract %reduce_sum3A_464[15] : i32 from vector<16xi32>
          %add3A_466 = arith.addi %scan3A_310, %reduce_sum3A_465 : i32
          scf.yield %or3A_455, %select_n3A_450, %select_n3A_452, %add3A_466 : i1, i32, i32, i32
        }
        %scan3A_200 = arith.constant 16 : i32
        %shift_left3A_201 = arith.constant 8 : i32
        %shift_left3A_202 = arith.shli %scan3A_199#1, %shift_left3A_201 : i32
        %or3A_203 = arith.ori %or3A, %shift_left3A_202 : i32
        %while3A_204 = arith.constant 0 : i32
        %while3A_205 = arith.constant 0 : i32
        %while3A_206 = arith.subi %shift_right_logical3A_172, %while3A_204 : i32
        %while3A_207 = arith.addi %while3A_204, %while3A_206 : i32
        %while3A_208 = arith.constant 1 : i32
        %while3A_209 = arith.divsi %while3A_206, %while3A_208 : i32
        %while3A_210 = arith.muli %while3A_209, %while3A_208 : i32
        %while3A_211 = arith.addi %while3A_204, %while3A_210 : i32
        %while3A_212 = arith.constant 1 : i32
        %while3A_213 = scf.for %while3A_306 = %while3A_204 to %while3A_211 step %while3A_212 iter_args(%while3A_307 = %while3A_205) -> (i32)  : i32 {
          %mul3A_308 = arith.constant 64 : i32
          %mul3A_309 = arith.muli %while3A_306, %mul3A_308 : i32
          %add3A_310 = arith.constant 0 : i32
          %add3A_311 = arith.addi %mul3A_309, %add3A_310 : i32
          %get3A_312 = arith.index_cast %add3A_311 : i32 to index
          %get3A_313 = tpu.vector_load %arg8[%get3A_312] {strides = array<i32>} : memref<4224xi32, #tpu.memory_space<vmem>>, vector<16xi32>,
          %get3A_314 = arith.index_cast %add3A_311 : i32 to index
          %get3A_315 = tpu.vector_load %arg9[%get3A_314] {strides = array<i32>} : memref<4224xi32, #tpu.memory_space<vmem>>, vector<16xi32>,
          %and3A_316 = arith.constant -256 : i32
          %and3A_317 = vector.broadcast %and3A_316 : i32 to vector<16xi32>
          %and3A_318 = arith.andi %get3A_313, %and3A_317 : vector<16xi32>
          %eq3A_319 = vector.broadcast %or3A_203 : i32 to vector<16xi32>
          %eq3A_320 = arith.cmpi eq, %and3A_318, %eq3A_319 : vector<16xi32>
          %convert_element_type3A_321 = arith.extui %eq3A_320 : vector<16xi1> to vector<16xi32>
          %broadcast_in_dim3A_322 = arith.constant true
          %broadcast_in_dim3A_323 = vector.broadcast %broadcast_in_dim3A_322 : i1 to vector<16xi1>
          %masked_cumsum3A_324 = tpu.scan <sum>, %convert_element_type3A_321 masked %broadcast_in_dim3A_323 : vector<16xi32>, vector<16xi1> -> vector<16xi32>
          %add3A_325 = vector.broadcast %while3A_307 : i32 to vector<16xi32>
          %add3A_326 = arith.addi %add3A_325, %masked_cumsum3A_324 : vector<16xi32>
          %sub3A_327 = arith.constant 1 : i32
          %sub3A_328 = vector.broadcast %sub3A_327 : i32 to vector<16xi32>
          %sub3A_329 = arith.subi %add3A_326, %sub3A_328 : vector<16xi32>
          tpu.vector_store_idx %arg8[%sub3A_329], %get3A_313 masked %eq3A_320 : memref<4224xi32, #tpu.memory_space<vmem>>[vector<16xi32>], vector<16xi32>, vector<16xi1>
          tpu.vector_store_idx %arg9[%sub3A_329], %get3A_315 masked %eq3A_320 : memref<4224xi32, #tpu.memory_space<vmem>>[vector<16xi32>], vector<16xi32>, vector<16xi1>
          %eq3A_330 = arith.constant 15 : i32
          %eq3A_331 = vector.broadcast %eq3A_330 : i32 to vector<16xi32>
          %eq3A_332 = arith.cmpi eq, %iota3A, %eq3A_331 : vector<16xi32>
          %jit3A_333 = arith.constant 0 : i32
          %broadcast_in_dim3A_334 = vector.broadcast %jit3A_333 : i32 to vector<16xi32>
          %select_n3A_335 = arith.select %eq3A_332, %masked_cumsum3A_324, %broadcast_in_dim3A_334 : vector<16xi1>, vector<16xi32>
          %reduce_sum3A_336 = arith.constant true
          %reduce_sum3A_337 = vector.broadcast %reduce_sum3A_336 : i1 to vector<16xi1>
          %reduce_sum3A_338 = tpu.scan <sum>, %select_n3A_335 masked %reduce_sum3A_337 : vector<16xi32>, vector<16xi1> -> vector<16xi32>
          %reduce_sum3A_339 = vector.extract %reduce_sum3A_338[15] : i32 from vector<16xi32>
          %add3A_340 = arith.addi %while3A_307, %reduce_sum3A_339 : i32
          %mul3A_341 = arith.constant 64 : i32
          %mul3A_342 = arith.muli %while3A_306, %mul3A_341 : i32
          %add3A_343 = arith.constant 16 : i32
          %add3A_344 = arith.addi %mul3A_342, %add3A_343 : i32
          %get3A_345 = arith.index_cast %add3A_344 : i32 to index
          %get3A_346 = tpu.vector_load %arg8[%get3A_345] {strides = array<i32>} : memref<4224xi32, #tpu.memory_space<vmem>>, vector<16xi32>,
          %get3A_347 = arith.index_cast %add3A_344 : i32 to index
          %get3A_348 = tpu.vector_load %arg9[%get3A_347] {strides = array<i32>} : memref<4224xi32, #tpu.memory_space<vmem>>, vector<16xi32>,
          %and3A_349 = arith.constant -256 : i32
          %and3A_350 = vector.broadcast %and3A_349 : i32 to vector<16xi32>
          %and3A_351 = arith.andi %get3A_346, %and3A_350 : vector<16xi32>
          %eq3A_352 = vector.broadcast %or3A_203 : i32 to vector<16xi32>
          %eq3A_353 = arith.cmpi eq, %and3A_351, %eq3A_352 : vector<16xi32>
          %convert_element_type3A_354 = arith.extui %eq3A_353 : vector<16xi1> to vector<16xi32>
          %broadcast_in_dim3A_355 = arith.constant true
          %broadcast_in_dim3A_356 = vector.broadcast %broadcast_in_dim3A_355 : i1 to vector<16xi1>
          %masked_cumsum3A_357 = tpu.scan <sum>, %convert_element_type3A_354 masked %broadcast_in_dim3A_356 : vector<16xi32>, vector<16xi1> -> vector<16xi32>
          %add3A_358 = vector.broadcast %add3A_340 : i32 to vector<16xi32>
          %add3A_359 = arith.addi %add3A_358, %masked_cumsum3A_357 : vector<16xi32>
          %sub3A_360 = arith.constant 1 : i32
          %sub3A_361 = vector.broadcast %sub3A_360 : i32 to vector<16xi32>
          %sub3A_362 = arith.subi %add3A_359, %sub3A_361 : vector<16xi32>
          tpu.vector_store_idx %arg8[%sub3A_362], %get3A_346 masked %eq3A_353 : memref<4224xi32, #tpu.memory_space<vmem>>[vector<16xi32>], vector<16xi32>, vector<16xi1>
          tpu.vector_store_idx %arg9[%sub3A_362], %get3A_348 masked %eq3A_353 : memref<4224xi32, #tpu.memory_space<vmem>>[vector<16xi32>], vector<16xi32>, vector<16xi1>
          %eq3A_363 = arith.constant 15 : i32
          %eq3A_364 = vector.broadcast %eq3A_363 : i32 to vector<16xi32>
          %eq3A_365 = arith.cmpi eq, %iota3A, %eq3A_364 : vector<16xi32>
          %jit3A_366 = arith.constant 0 : i32
          %broadcast_in_dim3A_367 = vector.broadcast %jit3A_366 : i32 to vector<16xi32>
          %select_n3A_368 = arith.select %eq3A_365, %masked_cumsum3A_357, %broadcast_in_dim3A_367 : vector<16xi1>, vector<16xi32>
          %reduce_sum3A_369 = arith.constant true
          %reduce_sum3A_370 = vector.broadcast %reduce_sum3A_369 : i1 to vector<16xi1>
          %reduce_sum3A_371 = tpu.scan <sum>, %select_n3A_368 masked %reduce_sum3A_370 : vector<16xi32>, vector<16xi1> -> vector<16xi32>
          %reduce_sum3A_372 = vector.extract %reduce_sum3A_371[15] : i32 from vector<16xi32>
          %add3A_373 = arith.addi %add3A_340, %reduce_sum3A_372 : i32
          %mul3A_374 = arith.constant 64 : i32
          %mul3A_375 = arith.muli %while3A_306, %mul3A_374 : i32
          %add3A_376 = arith.constant 32 : i32
          %add3A_377 = arith.addi %mul3A_375, %add3A_376 : i32
          %get3A_378 = arith.index_cast %add3A_377 : i32 to index
          %get3A_379 = tpu.vector_load %arg8[%get3A_378] {strides = array<i32>} : memref<4224xi32, #tpu.memory_space<vmem>>, vector<16xi32>,
          %get3A_380 = arith.index_cast %add3A_377 : i32 to index
          %get3A_381 = tpu.vector_load %arg9[%get3A_380] {strides = array<i32>} : memref<4224xi32, #tpu.memory_space<vmem>>, vector<16xi32>,
          %and3A_382 = arith.constant -256 : i32
          %and3A_383 = vector.broadcast %and3A_382 : i32 to vector<16xi32>
          %and3A_384 = arith.andi %get3A_379, %and3A_383 : vector<16xi32>
          %eq3A_385 = vector.broadcast %or3A_203 : i32 to vector<16xi32>
          %eq3A_386 = arith.cmpi eq, %and3A_384, %eq3A_385 : vector<16xi32>
          %convert_element_type3A_387 = arith.extui %eq3A_386 : vector<16xi1> to vector<16xi32>
          %broadcast_in_dim3A_388 = arith.constant true
          %broadcast_in_dim3A_389 = vector.broadcast %broadcast_in_dim3A_388 : i1 to vector<16xi1>
          %masked_cumsum3A_390 = tpu.scan <sum>, %convert_element_type3A_387 masked %broadcast_in_dim3A_389 : vector<16xi32>, vector<16xi1> -> vector<16xi32>
          %add3A_391 = vector.broadcast %add3A_373 : i32 to vector<16xi32>
          %add3A_392 = arith.addi %add3A_391, %masked_cumsum3A_390 : vector<16xi32>
          %sub3A_393 = arith.constant 1 : i32
          %sub3A_394 = vector.broadcast %sub3A_393 : i32 to vector<16xi32>
          %sub3A_395 = arith.subi %add3A_392, %sub3A_394 : vector<16xi32>
          tpu.vector_store_idx %arg8[%sub3A_395], %get3A_379 masked %eq3A_386 : memref<4224xi32, #tpu.memory_space<vmem>>[vector<16xi32>], vector<16xi32>, vector<16xi1>
          tpu.vector_store_idx %arg9[%sub3A_395], %get3A_381 masked %eq3A_386 : memref<4224xi32, #tpu.memory_space<vmem>>[vector<16xi32>], vector<16xi32>, vector<16xi1>
          %eq3A_396 = arith.constant 15 : i32
          %eq3A_397 = vector.broadcast %eq3A_396 : i32 to vector<16xi32>
          %eq3A_398 = arith.cmpi eq, %iota3A, %eq3A_397 : vector<16xi32>
          %jit3A_399 = arith.constant 0 : i32
          %broadcast_in_dim3A_400 = vector.broadcast %jit3A_399 : i32 to vector<16xi32>
          %select_n3A_401 = arith.select %eq3A_398, %masked_cumsum3A_390, %broadcast_in_dim3A_400 : vector<16xi1>, vector<16xi32>
          %reduce_sum3A_402 = arith.constant true
          %reduce_sum3A_403 = vector.broadcast %reduce_sum3A_402 : i1 to vector<16xi1>
          %reduce_sum3A_404 = tpu.scan <sum>, %select_n3A_401 masked %reduce_sum3A_403 : vector<16xi32>, vector<16xi1> -> vector<16xi32>
          %reduce_sum3A_405 = vector.extract %reduce_sum3A_404[15] : i32 from vector<16xi32>
          %add3A_406 = arith.addi %add3A_373, %reduce_sum3A_405 : i32
          %mul3A_407 = arith.constant 64 : i32
          %mul3A_408 = arith.muli %while3A_306, %mul3A_407 : i32
          %add3A_409 = arith.constant 48 : i32
          %add3A_410 = arith.addi %mul3A_408, %add3A_409 : i32
          %get3A_411 = arith.index_cast %add3A_410 : i32 to index
          %get3A_412 = tpu.vector_load %arg8[%get3A_411] {strides = array<i32>} : memref<4224xi32, #tpu.memory_space<vmem>>, vector<16xi32>,
          %get3A_413 = arith.index_cast %add3A_410 : i32 to index
          %get3A_414 = tpu.vector_load %arg9[%get3A_413] {strides = array<i32>} : memref<4224xi32, #tpu.memory_space<vmem>>, vector<16xi32>,
          %and3A_415 = arith.constant -256 : i32
          %and3A_416 = vector.broadcast %and3A_415 : i32 to vector<16xi32>
          %and3A_417 = arith.andi %get3A_412, %and3A_416 : vector<16xi32>
          %eq3A_418 = vector.broadcast %or3A_203 : i32 to vector<16xi32>
          %eq3A_419 = arith.cmpi eq, %and3A_417, %eq3A_418 : vector<16xi32>
          %convert_element_type3A_420 = arith.extui %eq3A_419 : vector<16xi1> to vector<16xi32>
          %broadcast_in_dim3A_421 = arith.constant true
          %broadcast_in_dim3A_422 = vector.broadcast %broadcast_in_dim3A_421 : i1 to vector<16xi1>
          %masked_cumsum3A_423 = tpu.scan <sum>, %convert_element_type3A_420 masked %broadcast_in_dim3A_422 : vector<16xi32>, vector<16xi1> -> vector<16xi32>
          %add3A_424 = vector.broadcast %add3A_406 : i32 to vector<16xi32>
          %add3A_425 = arith.addi %add3A_424, %masked_cumsum3A_423 : vector<16xi32>
          %sub3A_426 = arith.constant 1 : i32
          %sub3A_427 = vector.broadcast %sub3A_426 : i32 to vector<16xi32>
          %sub3A_428 = arith.subi %add3A_425, %sub3A_427 : vector<16xi32>
          tpu.vector_store_idx %arg8[%sub3A_428], %get3A_412 masked %eq3A_419 : memref<4224xi32, #tpu.memory_space<vmem>>[vector<16xi32>], vector<16xi32>, vector<16xi1>
          tpu.vector_store_idx %arg9[%sub3A_428], %get3A_414 masked %eq3A_419 : memref<4224xi32, #tpu.memory_space<vmem>>[vector<16xi32>], vector<16xi32>, vector<16xi1>
          %eq3A_429 = arith.constant 15 : i32
          %eq3A_430 = vector.broadcast %eq3A_429 : i32 to vector<16xi32>
          %eq3A_431 = arith.cmpi eq, %iota3A, %eq3A_430 : vector<16xi32>
          %jit3A_432 = arith.constant 0 : i32
          %broadcast_in_dim3A_433 = vector.broadcast %jit3A_432 : i32 to vector<16xi32>
          %select_n3A_434 = arith.select %eq3A_431, %masked_cumsum3A_423, %broadcast_in_dim3A_433 : vector<16xi1>, vector<16xi32>
          %reduce_sum3A_435 = arith.constant true
          %reduce_sum3A_436 = vector.broadcast %reduce_sum3A_435 : i1 to vector<16xi1>
          %reduce_sum3A_437 = tpu.scan <sum>, %select_n3A_434 masked %reduce_sum3A_436 : vector<16xi32>, vector<16xi1> -> vector<16xi32>
          %reduce_sum3A_438 = vector.extract %reduce_sum3A_437[15] : i32 from vector<16xi32>
          %add3A_439 = arith.addi %add3A_406, %reduce_sum3A_438 : i32
          scf.yield %add3A_439 : i32
        }
        %while3A_214 = arith.constant 1 : i32
        %while3A_215 = scf.for %while3A_306 = %while3A_211 to %while3A_207 step %while3A_214 iter_args(%while3A_307 = %while3A_213) -> (i32)  : i32 {
          %mul3A_308 = arith.constant 64 : i32
          %mul3A_309 = arith.muli %while3A_306, %mul3A_308 : i32
          %add3A_310 = arith.constant 0 : i32
          %add3A_311 = arith.addi %mul3A_309, %add3A_310 : i32
          %get3A_312 = arith.index_cast %add3A_311 : i32 to index
          %get3A_313 = tpu.vector_load %arg8[%get3A_312] {strides = array<i32>} : memref<4224xi32, #tpu.memory_space<vmem>>, vector<16xi32>,
          %get3A_314 = arith.index_cast %add3A_311 : i32 to index
          %get3A_315 = tpu.vector_load %arg9[%get3A_314] {strides = array<i32>} : memref<4224xi32, #tpu.memory_space<vmem>>, vector<16xi32>,
          %and3A_316 = arith.constant -256 : i32
          %and3A_317 = vector.broadcast %and3A_316 : i32 to vector<16xi32>
          %and3A_318 = arith.andi %get3A_313, %and3A_317 : vector<16xi32>
          %eq3A_319 = vector.broadcast %or3A_203 : i32 to vector<16xi32>
          %eq3A_320 = arith.cmpi eq, %and3A_318, %eq3A_319 : vector<16xi32>
          %convert_element_type3A_321 = arith.extui %eq3A_320 : vector<16xi1> to vector<16xi32>
          %broadcast_in_dim3A_322 = arith.constant true
          %broadcast_in_dim3A_323 = vector.broadcast %broadcast_in_dim3A_322 : i1 to vector<16xi1>
          %masked_cumsum3A_324 = tpu.scan <sum>, %convert_element_type3A_321 masked %broadcast_in_dim3A_323 : vector<16xi32>, vector<16xi1> -> vector<16xi32>
          %add3A_325 = vector.broadcast %while3A_307 : i32 to vector<16xi32>
          %add3A_326 = arith.addi %add3A_325, %masked_cumsum3A_324 : vector<16xi32>
          %sub3A_327 = arith.constant 1 : i32
          %sub3A_328 = vector.broadcast %sub3A_327 : i32 to vector<16xi32>
          %sub3A_329 = arith.subi %add3A_326, %sub3A_328 : vector<16xi32>
          tpu.vector_store_idx %arg8[%sub3A_329], %get3A_313 masked %eq3A_320 : memref<4224xi32, #tpu.memory_space<vmem>>[vector<16xi32>], vector<16xi32>, vector<16xi1>
          tpu.vector_store_idx %arg9[%sub3A_329], %get3A_315 masked %eq3A_320 : memref<4224xi32, #tpu.memory_space<vmem>>[vector<16xi32>], vector<16xi32>, vector<16xi1>
          %eq3A_330 = arith.constant 15 : i32
          %eq3A_331 = vector.broadcast %eq3A_330 : i32 to vector<16xi32>
          %eq3A_332 = arith.cmpi eq, %iota3A, %eq3A_331 : vector<16xi32>
          %jit3A_333 = arith.constant 0 : i32
          %broadcast_in_dim3A_334 = vector.broadcast %jit3A_333 : i32 to vector<16xi32>
          %select_n3A_335 = arith.select %eq3A_332, %masked_cumsum3A_324, %broadcast_in_dim3A_334 : vector<16xi1>, vector<16xi32>
          %reduce_sum3A_336 = arith.constant true
          %reduce_sum3A_337 = vector.broadcast %reduce_sum3A_336 : i1 to vector<16xi1>
          %reduce_sum3A_338 = tpu.scan <sum>, %select_n3A_335 masked %reduce_sum3A_337 : vector<16xi32>, vector<16xi1> -> vector<16xi32>
          %reduce_sum3A_339 = vector.extract %reduce_sum3A_338[15] : i32 from vector<16xi32>
          %add3A_340 = arith.addi %while3A_307, %reduce_sum3A_339 : i32
          %mul3A_341 = arith.constant 64 : i32
          %mul3A_342 = arith.muli %while3A_306, %mul3A_341 : i32
          %add3A_343 = arith.constant 16 : i32
          %add3A_344 = arith.addi %mul3A_342, %add3A_343 : i32
          %get3A_345 = arith.index_cast %add3A_344 : i32 to index
          %get3A_346 = tpu.vector_load %arg8[%get3A_345] {strides = array<i32>} : memref<4224xi32, #tpu.memory_space<vmem>>, vector<16xi32>,
          %get3A_347 = arith.index_cast %add3A_344 : i32 to index
          %get3A_348 = tpu.vector_load %arg9[%get3A_347] {strides = array<i32>} : memref<4224xi32, #tpu.memory_space<vmem>>, vector<16xi32>,
          %and3A_349 = arith.constant -256 : i32
          %and3A_350 = vector.broadcast %and3A_349 : i32 to vector<16xi32>
          %and3A_351 = arith.andi %get3A_346, %and3A_350 : vector<16xi32>
          %eq3A_352 = vector.broadcast %or3A_203 : i32 to vector<16xi32>
          %eq3A_353 = arith.cmpi eq, %and3A_351, %eq3A_352 : vector<16xi32>
          %convert_element_type3A_354 = arith.extui %eq3A_353 : vector<16xi1> to vector<16xi32>
          %broadcast_in_dim3A_355 = arith.constant true
          %broadcast_in_dim3A_356 = vector.broadcast %broadcast_in_dim3A_355 : i1 to vector<16xi1>
          %masked_cumsum3A_357 = tpu.scan <sum>, %convert_element_type3A_354 masked %broadcast_in_dim3A_356 : vector<16xi32>, vector<16xi1> -> vector<16xi32>
          %add3A_358 = vector.broadcast %add3A_340 : i32 to vector<16xi32>
          %add3A_359 = arith.addi %add3A_358, %masked_cumsum3A_357 : vector<16xi32>
          %sub3A_360 = arith.constant 1 : i32
          %sub3A_361 = vector.broadcast %sub3A_360 : i32 to vector<16xi32>
          %sub3A_362 = arith.subi %add3A_359, %sub3A_361 : vector<16xi32>
          tpu.vector_store_idx %arg8[%sub3A_362], %get3A_346 masked %eq3A_353 : memref<4224xi32, #tpu.memory_space<vmem>>[vector<16xi32>], vector<16xi32>, vector<16xi1>
          tpu.vector_store_idx %arg9[%sub3A_362], %get3A_348 masked %eq3A_353 : memref<4224xi32, #tpu.memory_space<vmem>>[vector<16xi32>], vector<16xi32>, vector<16xi1>
          %eq3A_363 = arith.constant 15 : i32
          %eq3A_364 = vector.broadcast %eq3A_363 : i32 to vector<16xi32>
          %eq3A_365 = arith.cmpi eq, %iota3A, %eq3A_364 : vector<16xi32>
          %jit3A_366 = arith.constant 0 : i32
          %broadcast_in_dim3A_367 = vector.broadcast %jit3A_366 : i32 to vector<16xi32>
          %select_n3A_368 = arith.select %eq3A_365, %masked_cumsum3A_357, %broadcast_in_dim3A_367 : vector<16xi1>, vector<16xi32>
          %reduce_sum3A_369 = arith.constant true
          %reduce_sum3A_370 = vector.broadcast %reduce_sum3A_369 : i1 to vector<16xi1>
          %reduce_sum3A_371 = tpu.scan <sum>, %select_n3A_368 masked %reduce_sum3A_370 : vector<16xi32>, vector<16xi1> -> vector<16xi32>
          %reduce_sum3A_372 = vector.extract %reduce_sum3A_371[15] : i32 from vector<16xi32>
          %add3A_373 = arith.addi %add3A_340, %reduce_sum3A_372 : i32
          %mul3A_374 = arith.constant 64 : i32
          %mul3A_375 = arith.muli %while3A_306, %mul3A_374 : i32
          %add3A_376 = arith.constant 32 : i32
          %add3A_377 = arith.addi %mul3A_375, %add3A_376 : i32
          %get3A_378 = arith.index_cast %add3A_377 : i32 to index
          %get3A_379 = tpu.vector_load %arg8[%get3A_378] {strides = array<i32>} : memref<4224xi32, #tpu.memory_space<vmem>>, vector<16xi32>,
          %get3A_380 = arith.index_cast %add3A_377 : i32 to index
          %get3A_381 = tpu.vector_load %arg9[%get3A_380] {strides = array<i32>} : memref<4224xi32, #tpu.memory_space<vmem>>, vector<16xi32>,
          %and3A_382 = arith.constant -256 : i32
          %and3A_383 = vector.broadcast %and3A_382 : i32 to vector<16xi32>
          %and3A_384 = arith.andi %get3A_379, %and3A_383 : vector<16xi32>
          %eq3A_385 = vector.broadcast %or3A_203 : i32 to vector<16xi32>
          %eq3A_386 = arith.cmpi eq, %and3A_384, %eq3A_385 : vector<16xi32>
          %convert_element_type3A_387 = arith.extui %eq3A_386 : vector<16xi1> to vector<16xi32>
          %broadcast_in_dim3A_388 = arith.constant true
          %broadcast_in_dim3A_389 = vector.broadcast %broadcast_in_dim3A_388 : i1 to vector<16xi1>
          %masked_cumsum3A_390 = tpu.scan <sum>, %convert_element_type3A_387 masked %broadcast_in_dim3A_389 : vector<16xi32>, vector<16xi1> -> vector<16xi32>
          %add3A_391 = vector.broadcast %add3A_373 : i32 to vector<16xi32>
          %add3A_392 = arith.addi %add3A_391, %masked_cumsum3A_390 : vector<16xi32>
          %sub3A_393 = arith.constant 1 : i32
          %sub3A_394 = vector.broadcast %sub3A_393 : i32 to vector<16xi32>
          %sub3A_395 = arith.subi %add3A_392, %sub3A_394 : vector<16xi32>
          tpu.vector_store_idx %arg8[%sub3A_395], %get3A_379 masked %eq3A_386 : memref<4224xi32, #tpu.memory_space<vmem>>[vector<16xi32>], vector<16xi32>, vector<16xi1>
          tpu.vector_store_idx %arg9[%sub3A_395], %get3A_381 masked %eq3A_386 : memref<4224xi32, #tpu.memory_space<vmem>>[vector<16xi32>], vector<16xi32>, vector<16xi1>
          %eq3A_396 = arith.constant 15 : i32
          %eq3A_397 = vector.broadcast %eq3A_396 : i32 to vector<16xi32>
          %eq3A_398 = arith.cmpi eq, %iota3A, %eq3A_397 : vector<16xi32>
          %jit3A_399 = arith.constant 0 : i32
          %broadcast_in_dim3A_400 = vector.broadcast %jit3A_399 : i32 to vector<16xi32>
          %select_n3A_401 = arith.select %eq3A_398, %masked_cumsum3A_390, %broadcast_in_dim3A_400 : vector<16xi1>, vector<16xi32>
          %reduce_sum3A_402 = arith.constant true
          %reduce_sum3A_403 = vector.broadcast %reduce_sum3A_402 : i1 to vector<16xi1>
          %reduce_sum3A_404 = tpu.scan <sum>, %select_n3A_401 masked %reduce_sum3A_403 : vector<16xi32>, vector<16xi1> -> vector<16xi32>
          %reduce_sum3A_405 = vector.extract %reduce_sum3A_404[15] : i32 from vector<16xi32>
          %add3A_406 = arith.addi %add3A_373, %reduce_sum3A_405 : i32
          %mul3A_407 = arith.constant 64 : i32
          %mul3A_408 = arith.muli %while3A_306, %mul3A_407 : i32
          %add3A_409 = arith.constant 48 : i32
          %add3A_410 = arith.addi %mul3A_408, %add3A_409 : i32
          %get3A_411 = arith.index_cast %add3A_410 : i32 to index
          %get3A_412 = tpu.vector_load %arg8[%get3A_411] {strides = array<i32>} : memref<4224xi32, #tpu.memory_space<vmem>>, vector<16xi32>,
          %get3A_413 = arith.index_cast %add3A_410 : i32 to index
          %get3A_414 = tpu.vector_load %arg9[%get3A_413] {strides = array<i32>} : memref<4224xi32, #tpu.memory_space<vmem>>, vector<16xi32>,
          %and3A_415 = arith.constant -256 : i32
          %and3A_416 = vector.broadcast %and3A_415 : i32 to vector<16xi32>
          %and3A_417 = arith.andi %get3A_412, %and3A_416 : vector<16xi32>
          %eq3A_418 = vector.broadcast %or3A_203 : i32 to vector<16xi32>
          %eq3A_419 = arith.cmpi eq, %and3A_417, %eq3A_418 : vector<16xi32>
          %convert_element_type3A_420 = arith.extui %eq3A_419 : vector<16xi1> to vector<16xi32>
          %broadcast_in_dim3A_421 = arith.constant true
          %broadcast_in_dim3A_422 = vector.broadcast %broadcast_in_dim3A_421 : i1 to vector<16xi1>
          %masked_cumsum3A_423 = tpu.scan <sum>, %convert_element_type3A_420 masked %broadcast_in_dim3A_422 : vector<16xi32>, vector<16xi1> -> vector<16xi32>
          %add3A_424 = vector.broadcast %add3A_406 : i32 to vector<16xi32>
          %add3A_425 = arith.addi %add3A_424, %masked_cumsum3A_423 : vector<16xi32>
          %sub3A_426 = arith.constant 1 : i32
          %sub3A_427 = vector.broadcast %sub3A_426 : i32 to vector<16xi32>
          %sub3A_428 = arith.subi %add3A_425, %sub3A_427 : vector<16xi32>
          tpu.vector_store_idx %arg8[%sub3A_428], %get3A_412 masked %eq3A_419 : memref<4224xi32, #tpu.memory_space<vmem>>[vector<16xi32>], vector<16xi32>, vector<16xi1>
          tpu.vector_store_idx %arg9[%sub3A_428], %get3A_414 masked %eq3A_419 : memref<4224xi32, #tpu.memory_space<vmem>>[vector<16xi32>], vector<16xi32>, vector<16xi1>
          %eq3A_429 = arith.constant 15 : i32
          %eq3A_430 = vector.broadcast %eq3A_429 : i32 to vector<16xi32>
          %eq3A_431 = arith.cmpi eq, %iota3A, %eq3A_430 : vector<16xi32>
          %jit3A_432 = arith.constant 0 : i32
          %broadcast_in_dim3A_433 = vector.broadcast %jit3A_432 : i32 to vector<16xi32>
          %select_n3A_434 = arith.select %eq3A_431, %masked_cumsum3A_423, %broadcast_in_dim3A_433 : vector<16xi1>, vector<16xi32>
          %reduce_sum3A_435 = arith.constant true
          %reduce_sum3A_436 = vector.broadcast %reduce_sum3A_435 : i1 to vector<16xi1>
          %reduce_sum3A_437 = tpu.scan <sum>, %select_n3A_434 masked %reduce_sum3A_436 : vector<16xi32>, vector<16xi1> -> vector<16xi32>
          %reduce_sum3A_438 = vector.extract %reduce_sum3A_437[15] : i32 from vector<16xi32>
          %add3A_439 = arith.addi %add3A_406, %reduce_sum3A_438 : i32
          scf.yield %add3A_439 : i32
        }
        %add3A_216 = arith.constant 0 : i32
        %add3A_217 = arith.addi %while3A_215, %add3A_216 : i32
        %swap3A_218 = arith.index_cast %add3A_217 : i32 to index
        %swap3A_219 = tpu.vector_load %arg8[%swap3A_218] {strides = array<i32>} : memref<4224xi32, #tpu.memory_space<vmem>>, vector<16xi32>,
        tpu.vector_store %arg8[%swap3A_218], %and3A_28 {strides = array<i32>} : memref<4224xi32, #tpu.memory_space<vmem>>, vector<16xi32>,
        %add3A_220 = arith.constant 16 : i32
        %add3A_221 = arith.addi %while3A_215, %add3A_220 : i32
        %swap3A_222 = arith.index_cast %add3A_221 : i32 to index
        %swap3A_223 = tpu.vector_load %arg8[%swap3A_222] {strides = array<i32>} : memref<4224xi32, #tpu.memory_space<vmem>>, vector<16xi32>,
        tpu.vector_store %arg8[%swap3A_222], %and3A_28 {strides = array<i32>} : memref<4224xi32, #tpu.memory_space<vmem>>, vector<16xi32>,
        %add3A_224 = arith.constant 32 : i32
        %add3A_225 = arith.addi %while3A_215, %add3A_224 : i32
        %swap3A_226 = arith.index_cast %add3A_225 : i32 to index
        %swap3A_227 = tpu.vector_load %arg8[%swap3A_226] {strides = array<i32>} : memref<4224xi32, #tpu.memory_space<vmem>>, vector<16xi32>,
        tpu.vector_store %arg8[%swap3A_226], %and3A_28 {strides = array<i32>} : memref<4224xi32, #tpu.memory_space<vmem>>, vector<16xi32>,
        %add3A_228 = arith.constant 48 : i32
        %add3A_229 = arith.addi %while3A_215, %add3A_228 : i32
        %swap3A_230 = arith.index_cast %add3A_229 : i32 to index
        %swap3A_231 = tpu.vector_load %arg8[%swap3A_230] {strides = array<i32>} : memref<4224xi32, #tpu.memory_space<vmem>>, vector<16xi32>,
        tpu.vector_store %arg8[%swap3A_230], %and3A_28 {strides = array<i32>} : memref<4224xi32, #tpu.memory_space<vmem>>, vector<16xi32>,
        %add3A_232 = arith.constant 63 : i32
        %add3A_233 = arith.addi %while3A_215, %add3A_232 : i32
        %shift_right_logical3A_234 = arith.constant 6 : i32
        %shift_right_logical3A_235 = arith.shrui %add3A_233, %shift_right_logical3A_234 : i32
        %scan3A_236 = arith.constant 0 : i32
        %scan3A_237 = arith.constant 0 : i32
        %scan3A_238 = arith.constant 256 : i32
        %scan3A_239 = arith.addi %scan3A_237, %scan3A_238 : i32
        %scan3A_240 = arith.constant 4 : i32
        %scan3A_241 = scf.for %scan3A_306 = %scan3A_237 to %scan3A_239 step %scan3A_240 iter_args(%scan3A_307 = %scan3A_236) -> (i32)  : i32 {
          %mul3A_308 = arith.constant 16 : i32
          %mul3A_309 = arith.muli %scan3A_306, %mul3A_308 : i32
          %swap3A_310 = arith.index_cast %mul3A_309 : i32 to index
          %swap3A_311 = tpu.vector_load %arg7[%swap3A_310] {strides = array<i32>} : memref<4096xi32, #tpu.memory_space<vmem>>, vector<16xi32>,
          tpu.vector_store %arg7[%swap3A_310], %and3A_28 {strides = array<i32>} : memref<4096xi32, #tpu.memory_space<vmem>>, vector<16xi32>,
          %scan3A_312 = arith.constant 0 : i32
          %scan3A_313 = arith.constant 1 : i32
          %scan3A_314 = arith.addi %scan3A_306, %scan3A_313 : i32
          %mul3A_315 = arith.constant 16 : i32
          %mul3A_316 = arith.muli %scan3A_314, %mul3A_315 : i32
          %swap3A_317 = arith.index_cast %mul3A_316 : i32 to index
          %swap3A_318 = tpu.vector_load %arg7[%swap3A_317] {strides = array<i32>} : memref<4096xi32, #tpu.memory_space<vmem>>, vector<16xi32>,
          tpu.vector_store %arg7[%swap3A_317], %and3A_28 {strides = array<i32>} : memref<4096xi32, #tpu.memory_space<vmem>>, vector<16xi32>,
          %scan3A_319 = arith.constant 0 : i32
          %scan3A_320 = arith.constant 2 : i32
          %scan3A_321 = arith.addi %scan3A_306, %scan3A_320 : i32
          %mul3A_322 = arith.constant 16 : i32
          %mul3A_323 = arith.muli %scan3A_321, %mul3A_322 : i32
          %swap3A_324 = arith.index_cast %mul3A_323 : i32 to index
          %swap3A_325 = tpu.vector_load %arg7[%swap3A_324] {strides = array<i32>} : memref<4096xi32, #tpu.memory_space<vmem>>, vector<16xi32>,
          tpu.vector_store %arg7[%swap3A_324], %and3A_28 {strides = array<i32>} : memref<4096xi32, #tpu.memory_space<vmem>>, vector<16xi32>,
          %scan3A_326 = arith.constant 0 : i32
          %scan3A_327 = arith.constant 3 : i32
          %scan3A_328 = arith.addi %scan3A_306, %scan3A_327 : i32
          %mul3A_329 = arith.constant 16 : i32
          %mul3A_330 = arith.muli %scan3A_328, %mul3A_329 : i32
          %swap3A_331 = arith.index_cast %mul3A_330 : i32 to index
          %swap3A_332 = tpu.vector_load %arg7[%swap3A_331] {strides = array<i32>} : memref<4096xi32, #tpu.memory_space<vmem>>, vector<16xi32>,
          tpu.vector_store %arg7[%swap3A_331], %and3A_28 {strides = array<i32>} : memref<4096xi32, #tpu.memory_space<vmem>>, vector<16xi32>,
          %scan3A_333 = arith.constant 0 : i32
          scf.yield %scan3A_333 : i32
        }
        %scan3A_242 = arith.constant 256 : i32
        %while3A_243 = arith.constant 0 : i32
        %while3A_244 = arith.constant 0 : i32
        %while3A_245 = arith.subi %shift_right_logical3A_235, %while3A_243 : i32
        %while3A_246 = arith.addi %while3A_243, %while3A_245 : i32
        %while3A_247 = arith.constant 1 : i32
        %while3A_248 = arith.divsi %while3A_245, %while3A_247 : i32
        %while3A_249 = arith.muli %while3A_248, %while3A_247 : i32
        %while3A_250 = arith.addi %while3A_243, %while3A_249 : i32
        %while3A_251 = arith.constant 1 : i32
        %while3A_252 = scf.for %while3A_306 = %while3A_243 to %while3A_250 step %while3A_251 iter_args(%while3A_307 = %while3A_244) -> (i32)  : i32 {
          %mul3A_308 = arith.constant 64 : i32
          %mul3A_309 = arith.muli %while3A_306, %mul3A_308 : i32
          %add3A_310 = arith.constant 0 : i32
          %add3A_311 = arith.addi %mul3A_309, %add3A_310 : i32
          %get3A_312 = arith.index_cast %add3A_311 : i32 to index
          %get3A_313 = tpu.vector_load %arg8[%get3A_312] {strides = array<i32>} : memref<4224xi32, #tpu.memory_space<vmem>>, vector<16xi32>,
          %and3A_314 = arith.constant -256 : i32
          %and3A_315 = vector.broadcast %and3A_314 : i32 to vector<16xi32>
          %and3A_316 = arith.andi %get3A_313, %and3A_315 : vector<16xi32>
          %eq3A_317 = vector.broadcast %or3A_203 : i32 to vector<16xi32>
          %eq3A_318 = arith.cmpi eq, %and3A_316, %eq3A_317 : vector<16xi32>
          %shift_right_logical3A_319 = arith.constant 0 : i32
          %shift_right_logical3A_320 = vector.broadcast %shift_right_logical3A_319 : i32 to vector<16xi32>
          %shift_right_logical3A_321 = arith.shrui %get3A_313, %shift_right_logical3A_320 : vector<16xi32>
          %and3A_322 = arith.constant 255 : i32
          %and3A_323 = vector.broadcast %and3A_322 : i32 to vector<16xi32>
          %and3A_324 = arith.andi %shift_right_logical3A_321, %and3A_323 : vector<16xi32>
          %mul3A_325 = arith.constant 16 : i32
          %mul3A_326 = vector.broadcast %mul3A_325 : i32 to vector<16xi32>
          %mul3A_327 = arith.muli %and3A_324, %mul3A_326 : vector<16xi32>
          %add3A_328 = arith.addi %mul3A_327, %iota3A : vector<16xi32>
          tpu.vector_store_idx %arg7[%add3A_328], %add3A_31 masked %eq3A_318 {add = true} : memref<4096xi32, #tpu.memory_space<vmem>>[vector<16xi32>], vector<16xi32>, vector<16xi1>
          %mul3A_329 = arith.constant 64 : i32
          %mul3A_330 = arith.muli %while3A_306, %mul3A_329 : i32
          %add3A_331 = arith.constant 16 : i32
          %add3A_332 = arith.addi %mul3A_330, %add3A_331 : i32
          %get3A_333 = arith.index_cast %add3A_332 : i32 to index
          %get3A_334 = tpu.vector_load %arg8[%get3A_333] {strides = array<i32>} : memref<4224xi32, #tpu.memory_space<vmem>>, vector<16xi32>,
          %and3A_335 = arith.constant -256 : i32
          %and3A_336 = vector.broadcast %and3A_335 : i32 to vector<16xi32>
          %and3A_337 = arith.andi %get3A_334, %and3A_336 : vector<16xi32>
          %eq3A_338 = vector.broadcast %or3A_203 : i32 to vector<16xi32>
          %eq3A_339 = arith.cmpi eq, %and3A_337, %eq3A_338 : vector<16xi32>
          %shift_right_logical3A_340 = arith.constant 0 : i32
          %shift_right_logical3A_341 = vector.broadcast %shift_right_logical3A_340 : i32 to vector<16xi32>
          %shift_right_logical3A_342 = arith.shrui %get3A_334, %shift_right_logical3A_341 : vector<16xi32>
          %and3A_343 = arith.constant 255 : i32
          %and3A_344 = vector.broadcast %and3A_343 : i32 to vector<16xi32>
          %and3A_345 = arith.andi %shift_right_logical3A_342, %and3A_344 : vector<16xi32>
          %mul3A_346 = arith.constant 16 : i32
          %mul3A_347 = vector.broadcast %mul3A_346 : i32 to vector<16xi32>
          %mul3A_348 = arith.muli %and3A_345, %mul3A_347 : vector<16xi32>
          %add3A_349 = arith.addi %mul3A_348, %iota3A : vector<16xi32>
          tpu.vector_store_idx %arg7[%add3A_349], %add3A_31 masked %eq3A_339 {add = true} : memref<4096xi32, #tpu.memory_space<vmem>>[vector<16xi32>], vector<16xi32>, vector<16xi1>
          %mul3A_350 = arith.constant 64 : i32
          %mul3A_351 = arith.muli %while3A_306, %mul3A_350 : i32
          %add3A_352 = arith.constant 32 : i32
          %add3A_353 = arith.addi %mul3A_351, %add3A_352 : i32
          %get3A_354 = arith.index_cast %add3A_353 : i32 to index
          %get3A_355 = tpu.vector_load %arg8[%get3A_354] {strides = array<i32>} : memref<4224xi32, #tpu.memory_space<vmem>>, vector<16xi32>,
          %and3A_356 = arith.constant -256 : i32
          %and3A_357 = vector.broadcast %and3A_356 : i32 to vector<16xi32>
          %and3A_358 = arith.andi %get3A_355, %and3A_357 : vector<16xi32>
          %eq3A_359 = vector.broadcast %or3A_203 : i32 to vector<16xi32>
          %eq3A_360 = arith.cmpi eq, %and3A_358, %eq3A_359 : vector<16xi32>
          %shift_right_logical3A_361 = arith.constant 0 : i32
          %shift_right_logical3A_362 = vector.broadcast %shift_right_logical3A_361 : i32 to vector<16xi32>
          %shift_right_logical3A_363 = arith.shrui %get3A_355, %shift_right_logical3A_362 : vector<16xi32>
          %and3A_364 = arith.constant 255 : i32
          %and3A_365 = vector.broadcast %and3A_364 : i32 to vector<16xi32>
          %and3A_366 = arith.andi %shift_right_logical3A_363, %and3A_365 : vector<16xi32>
          %mul3A_367 = arith.constant 16 : i32
          %mul3A_368 = vector.broadcast %mul3A_367 : i32 to vector<16xi32>
          %mul3A_369 = arith.muli %and3A_366, %mul3A_368 : vector<16xi32>
          %add3A_370 = arith.addi %mul3A_369, %iota3A : vector<16xi32>
          tpu.vector_store_idx %arg7[%add3A_370], %add3A_31 masked %eq3A_360 {add = true} : memref<4096xi32, #tpu.memory_space<vmem>>[vector<16xi32>], vector<16xi32>, vector<16xi1>
          %mul3A_371 = arith.constant 64 : i32
          %mul3A_372 = arith.muli %while3A_306, %mul3A_371 : i32
          %add3A_373 = arith.constant 48 : i32
          %add3A_374 = arith.addi %mul3A_372, %add3A_373 : i32
          %get3A_375 = arith.index_cast %add3A_374 : i32 to index
          %get3A_376 = tpu.vector_load %arg8[%get3A_375] {strides = array<i32>} : memref<4224xi32, #tpu.memory_space<vmem>>, vector<16xi32>,
          %and3A_377 = arith.constant -256 : i32
          %and3A_378 = vector.broadcast %and3A_377 : i32 to vector<16xi32>
          %and3A_379 = arith.andi %get3A_376, %and3A_378 : vector<16xi32>
          %eq3A_380 = vector.broadcast %or3A_203 : i32 to vector<16xi32>
          %eq3A_381 = arith.cmpi eq, %and3A_379, %eq3A_380 : vector<16xi32>
          %shift_right_logical3A_382 = arith.constant 0 : i32
          %shift_right_logical3A_383 = vector.broadcast %shift_right_logical3A_382 : i32 to vector<16xi32>
          %shift_right_logical3A_384 = arith.shrui %get3A_376, %shift_right_logical3A_383 : vector<16xi32>
          %and3A_385 = arith.constant 255 : i32
          %and3A_386 = vector.broadcast %and3A_385 : i32 to vector<16xi32>
          %and3A_387 = arith.andi %shift_right_logical3A_384, %and3A_386 : vector<16xi32>
          %mul3A_388 = arith.constant 16 : i32
          %mul3A_389 = vector.broadcast %mul3A_388 : i32 to vector<16xi32>
          %mul3A_390 = arith.muli %and3A_387, %mul3A_389 : vector<16xi32>
          %add3A_391 = arith.addi %mul3A_390, %iota3A : vector<16xi32>
          tpu.vector_store_idx %arg7[%add3A_391], %add3A_31 masked %eq3A_381 {add = true} : memref<4096xi32, #tpu.memory_space<vmem>>[vector<16xi32>], vector<16xi32>, vector<16xi1>
          %while3A_392 = arith.constant 0 : i32
          scf.yield %while3A_392 : i32
        }
        %while3A_253 = arith.constant 1 : i32
        %while3A_254 = scf.for %while3A_306 = %while3A_250 to %while3A_246 step %while3A_253 iter_args(%while3A_307 = %while3A_252) -> (i32)  : i32 {
          %mul3A_308 = arith.constant 64 : i32
          %mul3A_309 = arith.muli %while3A_306, %mul3A_308 : i32
          %add3A_310 = arith.constant 0 : i32
          %add3A_311 = arith.addi %mul3A_309, %add3A_310 : i32
          %get3A_312 = arith.index_cast %add3A_311 : i32 to index
          %get3A_313 = tpu.vector_load %arg8[%get3A_312] {strides = array<i32>} : memref<4224xi32, #tpu.memory_space<vmem>>, vector<16xi32>,
          %and3A_314 = arith.constant -256 : i32
          %and3A_315 = vector.broadcast %and3A_314 : i32 to vector<16xi32>
          %and3A_316 = arith.andi %get3A_313, %and3A_315 : vector<16xi32>
          %eq3A_317 = vector.broadcast %or3A_203 : i32 to vector<16xi32>
          %eq3A_318 = arith.cmpi eq, %and3A_316, %eq3A_317 : vector<16xi32>
          %shift_right_logical3A_319 = arith.constant 0 : i32
          %shift_right_logical3A_320 = vector.broadcast %shift_right_logical3A_319 : i32 to vector<16xi32>
          %shift_right_logical3A_321 = arith.shrui %get3A_313, %shift_right_logical3A_320 : vector<16xi32>
          %and3A_322 = arith.constant 255 : i32
          %and3A_323 = vector.broadcast %and3A_322 : i32 to vector<16xi32>
          %and3A_324 = arith.andi %shift_right_logical3A_321, %and3A_323 : vector<16xi32>
          %mul3A_325 = arith.constant 16 : i32
          %mul3A_326 = vector.broadcast %mul3A_325 : i32 to vector<16xi32>
          %mul3A_327 = arith.muli %and3A_324, %mul3A_326 : vector<16xi32>
          %add3A_328 = arith.addi %mul3A_327, %iota3A : vector<16xi32>
          tpu.vector_store_idx %arg7[%add3A_328], %add3A_31 masked %eq3A_318 {add = true} : memref<4096xi32, #tpu.memory_space<vmem>>[vector<16xi32>], vector<16xi32>, vector<16xi1>
          %mul3A_329 = arith.constant 64 : i32
          %mul3A_330 = arith.muli %while3A_306, %mul3A_329 : i32
          %add3A_331 = arith.constant 16 : i32
          %add3A_332 = arith.addi %mul3A_330, %add3A_331 : i32
          %get3A_333 = arith.index_cast %add3A_332 : i32 to index
          %get3A_334 = tpu.vector_load %arg8[%get3A_333] {strides = array<i32>} : memref<4224xi32, #tpu.memory_space<vmem>>, vector<16xi32>,
          %and3A_335 = arith.constant -256 : i32
          %and3A_336 = vector.broadcast %and3A_335 : i32 to vector<16xi32>
          %and3A_337 = arith.andi %get3A_334, %and3A_336 : vector<16xi32>
          %eq3A_338 = vector.broadcast %or3A_203 : i32 to vector<16xi32>
          %eq3A_339 = arith.cmpi eq, %and3A_337, %eq3A_338 : vector<16xi32>
          %shift_right_logical3A_340 = arith.constant 0 : i32
          %shift_right_logical3A_341 = vector.broadcast %shift_right_logical3A_340 : i32 to vector<16xi32>
          %shift_right_logical3A_342 = arith.shrui %get3A_334, %shift_right_logical3A_341 : vector<16xi32>
          %and3A_343 = arith.constant 255 : i32
          %and3A_344 = vector.broadcast %and3A_343 : i32 to vector<16xi32>
          %and3A_345 = arith.andi %shift_right_logical3A_342, %and3A_344 : vector<16xi32>
          %mul3A_346 = arith.constant 16 : i32
          %mul3A_347 = vector.broadcast %mul3A_346 : i32 to vector<16xi32>
          %mul3A_348 = arith.muli %and3A_345, %mul3A_347 : vector<16xi32>
          %add3A_349 = arith.addi %mul3A_348, %iota3A : vector<16xi32>
          tpu.vector_store_idx %arg7[%add3A_349], %add3A_31 masked %eq3A_339 {add = true} : memref<4096xi32, #tpu.memory_space<vmem>>[vector<16xi32>], vector<16xi32>, vector<16xi1>
          %mul3A_350 = arith.constant 64 : i32
          %mul3A_351 = arith.muli %while3A_306, %mul3A_350 : i32
          %add3A_352 = arith.constant 32 : i32
          %add3A_353 = arith.addi %mul3A_351, %add3A_352 : i32
          %get3A_354 = arith.index_cast %add3A_353 : i32 to index
          %get3A_355 = tpu.vector_load %arg8[%get3A_354] {strides = array<i32>} : memref<4224xi32, #tpu.memory_space<vmem>>, vector<16xi32>,
          %and3A_356 = arith.constant -256 : i32
          %and3A_357 = vector.broadcast %and3A_356 : i32 to vector<16xi32>
          %and3A_358 = arith.andi %get3A_355, %and3A_357 : vector<16xi32>
          %eq3A_359 = vector.broadcast %or3A_203 : i32 to vector<16xi32>
          %eq3A_360 = arith.cmpi eq, %and3A_358, %eq3A_359 : vector<16xi32>
          %shift_right_logical3A_361 = arith.constant 0 : i32
          %shift_right_logical3A_362 = vector.broadcast %shift_right_logical3A_361 : i32 to vector<16xi32>
          %shift_right_logical3A_363 = arith.shrui %get3A_355, %shift_right_logical3A_362 : vector<16xi32>
          %and3A_364 = arith.constant 255 : i32
          %and3A_365 = vector.broadcast %and3A_364 : i32 to vector<16xi32>
          %and3A_366 = arith.andi %shift_right_logical3A_363, %and3A_365 : vector<16xi32>
          %mul3A_367 = arith.constant 16 : i32
          %mul3A_368 = vector.broadcast %mul3A_367 : i32 to vector<16xi32>
          %mul3A_369 = arith.muli %and3A_366, %mul3A_368 : vector<16xi32>
          %add3A_370 = arith.addi %mul3A_369, %iota3A : vector<16xi32>
          tpu.vector_store_idx %arg7[%add3A_370], %add3A_31 masked %eq3A_360 {add = true} : memref<4096xi32, #tpu.memory_space<vmem>>[vector<16xi32>], vector<16xi32>, vector<16xi1>
          %mul3A_371 = arith.constant 64 : i32
          %mul3A_372 = arith.muli %while3A_306, %mul3A_371 : i32
          %add3A_373 = arith.constant 48 : i32
          %add3A_374 = arith.addi %mul3A_372, %add3A_373 : i32
          %get3A_375 = arith.index_cast %add3A_374 : i32 to index
          %get3A_376 = tpu.vector_load %arg8[%get3A_375] {strides = array<i32>} : memref<4224xi32, #tpu.memory_space<vmem>>, vector<16xi32>,
          %and3A_377 = arith.constant -256 : i32
          %and3A_378 = vector.broadcast %and3A_377 : i32 to vector<16xi32>
          %and3A_379 = arith.andi %get3A_376, %and3A_378 : vector<16xi32>
          %eq3A_380 = vector.broadcast %or3A_203 : i32 to vector<16xi32>
          %eq3A_381 = arith.cmpi eq, %and3A_379, %eq3A_380 : vector<16xi32>
          %shift_right_logical3A_382 = arith.constant 0 : i32
          %shift_right_logical3A_383 = vector.broadcast %shift_right_logical3A_382 : i32 to vector<16xi32>
          %shift_right_logical3A_384 = arith.shrui %get3A_376, %shift_right_logical3A_383 : vector<16xi32>
          %and3A_385 = arith.constant 255 : i32
          %and3A_386 = vector.broadcast %and3A_385 : i32 to vector<16xi32>
          %and3A_387 = arith.andi %shift_right_logical3A_384, %and3A_386 : vector<16xi32>
          %mul3A_388 = arith.constant 16 : i32
          %mul3A_389 = vector.broadcast %mul3A_388 : i32 to vector<16xi32>
          %mul3A_390 = arith.muli %and3A_387, %mul3A_389 : vector<16xi32>
          %add3A_391 = arith.addi %mul3A_390, %iota3A : vector<16xi32>
          tpu.vector_store_idx %arg7[%add3A_391], %add3A_31 masked %eq3A_381 {add = true} : memref<4096xi32, #tpu.memory_space<vmem>>[vector<16xi32>], vector<16xi32>, vector<16xi1>
          %while3A_392 = arith.constant 0 : i32
          scf.yield %while3A_392 : i32
        }
        %scan3A_255 = arith.constant false
        %scan3A_256 = arith.constant 0 : i32
        %scan3A_257 = arith.constant 0 : i32
        %scan3A_258 = arith.constant 0 : i32
        %scan3A_259 = arith.constant 16 : i32
        %scan3A_260 = arith.addi %scan3A_258, %scan3A_259 : i32
        %scan3A_261 = arith.constant 1 : i32
        %scan3A_262:4 = scf.for %scan3A_306 = %scan3A_258 to %scan3A_260 step %scan3A_261 iter_args(%scan3A_307 = %scan3A_255, %scan3A_308 = %scan3A_256, %scan3A_309 = %scan3A_199#2, %scan3A_310 = %scan3A_257) -> (i1, i32, i32, i32)  : i32 {
          %sub3A_311 = arith.constant 15 : i32
          %sub3A_312 = arith.subi %sub3A_311, %scan3A_306 : i32
          %mul3A_313 = arith.constant 16 : i32
          %mul3A_314 = arith.muli %sub3A_312, %mul3A_313 : i32
          %add3A_315 = vector.broadcast %mul3A_314 : i32 to vector<16xi32>
          %add3A_316 = arith.addi %add3A_315, %iota3A : vector<16xi32>
          %mul3A_317 = arith.constant 16 : i32
          %mul3A_318 = vector.broadcast %mul3A_317 : i32 to vector<16xi32>
          %mul3A_319 = arith.muli %add3A_316, %mul3A_318 : vector<16xi32>
          %add3A_320 = arith.constant 0 : i32
          %add3A_321 = vector.broadcast %add3A_320 : i32 to vector<16xi32>
          %add3A_322 = arith.addi %mul3A_319, %add3A_321 : vector<16xi32>
          %gather3A = tpu.vector_load_idx %arg7[%add3A_322] : memref<4096xi32, #tpu.memory_space<vmem>>[vector<16xi32>], vector<16xi32>,
          %add3A_323 = arith.addi %and3A_28, %gather3A : vector<16xi32>
          %add3A_324 = arith.constant 1 : i32
          %add3A_325 = vector.broadcast %add3A_324 : i32 to vector<16xi32>
          %add3A_326 = arith.addi %mul3A_319, %add3A_325 : vector<16xi32>
          %gather3A_327 = tpu.vector_load_idx %arg7[%add3A_326] : memref<4096xi32, #tpu.memory_space<vmem>>[vector<16xi32>], vector<16xi32>,
          %add3A_328 = arith.addi %add3A_323, %gather3A_327 : vector<16xi32>
          %add3A_329 = arith.constant 2 : i32
          %add3A_330 = vector.broadcast %add3A_329 : i32 to vector<16xi32>
          %add3A_331 = arith.addi %mul3A_319, %add3A_330 : vector<16xi32>
          %gather3A_332 = tpu.vector_load_idx %arg7[%add3A_331] : memref<4096xi32, #tpu.memory_space<vmem>>[vector<16xi32>], vector<16xi32>,
          %add3A_333 = arith.addi %add3A_328, %gather3A_332 : vector<16xi32>
          %add3A_334 = arith.constant 3 : i32
          %add3A_335 = vector.broadcast %add3A_334 : i32 to vector<16xi32>
          %add3A_336 = arith.addi %mul3A_319, %add3A_335 : vector<16xi32>
          %gather3A_337 = tpu.vector_load_idx %arg7[%add3A_336] : memref<4096xi32, #tpu.memory_space<vmem>>[vector<16xi32>], vector<16xi32>,
          %add3A_338 = arith.addi %add3A_333, %gather3A_337 : vector<16xi32>
          %add3A_339 = arith.constant 4 : i32
          %add3A_340 = vector.broadcast %add3A_339 : i32 to vector<16xi32>
          %add3A_341 = arith.addi %mul3A_319, %add3A_340 : vector<16xi32>
          %gather3A_342 = tpu.vector_load_idx %arg7[%add3A_341] : memref<4096xi32, #tpu.memory_space<vmem>>[vector<16xi32>], vector<16xi32>,
          %add3A_343 = arith.addi %add3A_338, %gather3A_342 : vector<16xi32>
          %add3A_344 = arith.constant 5 : i32
          %add3A_345 = vector.broadcast %add3A_344 : i32 to vector<16xi32>
          %add3A_346 = arith.addi %mul3A_319, %add3A_345 : vector<16xi32>
          %gather3A_347 = tpu.vector_load_idx %arg7[%add3A_346] : memref<4096xi32, #tpu.memory_space<vmem>>[vector<16xi32>], vector<16xi32>,
          %add3A_348 = arith.addi %add3A_343, %gather3A_347 : vector<16xi32>
          %add3A_349 = arith.constant 6 : i32
          %add3A_350 = vector.broadcast %add3A_349 : i32 to vector<16xi32>
          %add3A_351 = arith.addi %mul3A_319, %add3A_350 : vector<16xi32>
          %gather3A_352 = tpu.vector_load_idx %arg7[%add3A_351] : memref<4096xi32, #tpu.memory_space<vmem>>[vector<16xi32>], vector<16xi32>,
          %add3A_353 = arith.addi %add3A_348, %gather3A_352 : vector<16xi32>
          %add3A_354 = arith.constant 7 : i32
          %add3A_355 = vector.broadcast %add3A_354 : i32 to vector<16xi32>
          %add3A_356 = arith.addi %mul3A_319, %add3A_355 : vector<16xi32>
          %gather3A_357 = tpu.vector_load_idx %arg7[%add3A_356] : memref<4096xi32, #tpu.memory_space<vmem>>[vector<16xi32>], vector<16xi32>,
          %add3A_358 = arith.addi %add3A_353, %gather3A_357 : vector<16xi32>
          %add3A_359 = arith.constant 8 : i32
          %add3A_360 = vector.broadcast %add3A_359 : i32 to vector<16xi32>
          %add3A_361 = arith.addi %mul3A_319, %add3A_360 : vector<16xi32>
          %gather3A_362 = tpu.vector_load_idx %arg7[%add3A_361] : memref<4096xi32, #tpu.memory_space<vmem>>[vector<16xi32>], vector<16xi32>,
          %add3A_363 = arith.addi %add3A_358, %gather3A_362 : vector<16xi32>
          %add3A_364 = arith.constant 9 : i32
          %add3A_365 = vector.broadcast %add3A_364 : i32 to vector<16xi32>
          %add3A_366 = arith.addi %mul3A_319, %add3A_365 : vector<16xi32>
          %gather3A_367 = tpu.vector_load_idx %arg7[%add3A_366] : memref<4096xi32, #tpu.memory_space<vmem>>[vector<16xi32>], vector<16xi32>,
          %add3A_368 = arith.addi %add3A_363, %gather3A_367 : vector<16xi32>
          %add3A_369 = arith.constant 10 : i32
          %add3A_370 = vector.broadcast %add3A_369 : i32 to vector<16xi32>
          %add3A_371 = arith.addi %mul3A_319, %add3A_370 : vector<16xi32>
          %gather3A_372 = tpu.vector_load_idx %arg7[%add3A_371] : memref<4096xi32, #tpu.memory_space<vmem>>[vector<16xi32>], vector<16xi32>,
          %add3A_373 = arith.addi %add3A_368, %gather3A_372 : vector<16xi32>
          %add3A_374 = arith.constant 11 : i32
          %add3A_375 = vector.broadcast %add3A_374 : i32 to vector<16xi32>
          %add3A_376 = arith.addi %mul3A_319, %add3A_375 : vector<16xi32>
          %gather3A_377 = tpu.vector_load_idx %arg7[%add3A_376] : memref<4096xi32, #tpu.memory_space<vmem>>[vector<16xi32>], vector<16xi32>,
          %add3A_378 = arith.addi %add3A_373, %gather3A_377 : vector<16xi32>
          %add3A_379 = arith.constant 12 : i32
          %add3A_380 = vector.broadcast %add3A_379 : i32 to vector<16xi32>
          %add3A_381 = arith.addi %mul3A_319, %add3A_380 : vector<16xi32>
          %gather3A_382 = tpu.vector_load_idx %arg7[%add3A_381] : memref<4096xi32, #tpu.memory_space<vmem>>[vector<16xi32>], vector<16xi32>,
          %add3A_383 = arith.addi %add3A_378, %gather3A_382 : vector<16xi32>
          %add3A_384 = arith.constant 13 : i32
          %add3A_385 = vector.broadcast %add3A_384 : i32 to vector<16xi32>
          %add3A_386 = arith.addi %mul3A_319, %add3A_385 : vector<16xi32>
          %gather3A_387 = tpu.vector_load_idx %arg7[%add3A_386] : memref<4096xi32, #tpu.memory_space<vmem>>[vector<16xi32>], vector<16xi32>,
          %add3A_388 = arith.addi %add3A_383, %gather3A_387 : vector<16xi32>
          %add3A_389 = arith.constant 14 : i32
          %add3A_390 = vector.broadcast %add3A_389 : i32 to vector<16xi32>
          %add3A_391 = arith.addi %mul3A_319, %add3A_390 : vector<16xi32>
          %gather3A_392 = tpu.vector_load_idx %arg7[%add3A_391] : memref<4096xi32, #tpu.memory_space<vmem>>[vector<16xi32>], vector<16xi32>,
          %add3A_393 = arith.addi %add3A_388, %gather3A_392 : vector<16xi32>
          %add3A_394 = arith.constant 15 : i32
          %add3A_395 = vector.broadcast %add3A_394 : i32 to vector<16xi32>
          %add3A_396 = arith.addi %mul3A_319, %add3A_395 : vector<16xi32>
          %gather3A_397 = tpu.vector_load_idx %arg7[%add3A_396] : memref<4096xi32, #tpu.memory_space<vmem>>[vector<16xi32>], vector<16xi32>,
          %add3A_398 = arith.addi %add3A_393, %gather3A_397 : vector<16xi32>
          %rev3A = arith.constant 15 : i32
          %rev3A_399 = vector.broadcast %rev3A : i32 to vector<16xi32>
          %rev3A_400 = tpu.iota {dimensions = array<i32: 0>} : vector<16xi32>
          %rev3A_401 = arith.subi %rev3A_399, %rev3A_400 : vector<16xi32>
          %rev3A_402 = tpu.dynamic_gather %add3A_398[%rev3A_401] in [0] : vector<16xi32>, vector<16xi32> -> vector<16xi32>
          %broadcast_in_dim3A_403 = arith.constant true
          %broadcast_in_dim3A_404 = vector.broadcast %broadcast_in_dim3A_403 : i1 to vector<16xi1>
          %masked_cumsum3A_405 = tpu.scan <sum>, %rev3A_402 masked %broadcast_in_dim3A_404 : vector<16xi32>, vector<16xi1> -> vector<16xi32>
          %add3A_406 = vector.broadcast %scan3A_310 : i32 to vector<16xi32>
          %add3A_407 = arith.addi %add3A_406, %masked_cumsum3A_405 : vector<16xi32>
          %ge3A = vector.broadcast %scan3A_309 : i32 to vector<16xi32>
          %ge3A_408 = arith.cmpi sge, %add3A_407, %ge3A : vector<16xi32>
          %all_reduce_population_count3A = tpu.all_reduce %ge3A_408 {dim = 0 : i64, kind = #tpu.reduction_kind<sum>} : vector<16xi1> -> vector<16xi32>
          %reduce_max3A = arith.constant true
          %reduce_max3A_409 = vector.broadcast %reduce_max3A : i1 to vector<16xi1>
          %reduce_max3A_410 = arith.constant -2147483648 : i32
          %reduce_max3A_411 = vector.broadcast %reduce_max3A_410 : i32 to vector<16xi32>
          %reduce_max3A_412 = arith.xori %all_reduce_population_count3A, %reduce_max3A_411 : vector<16xi32>
          %reduce_max3A_413 = tpu.scan <max>, %reduce_max3A_412 masked %reduce_max3A_409 : vector<16xi32>, vector<16xi1> -> vector<16xi32>
          %reduce_max3A_414 = arith.xori %reduce_max3A_413, %reduce_max3A_411 : vector<16xi32>
          %reduce_max3A_415 = vector.extract %reduce_max3A_414[15] : i32 from vector<16xi32>
          %all_reduce_ffs3A = tpu.all_reduce %ge3A_408 {dim = 0 : i64, kind = #tpu.reduction_kind<find_first_set>} : vector<16xi1> -> vector<16xi32>
          %not3A = arith.constant true
          %not3A_416 = arith.xori %scan3A_307, %not3A : i1
          %gt3A_417 = arith.constant 0 : i32
          %gt3A_418 = arith.cmpi sgt, %reduce_max3A_415, %gt3A_417 : i32
          %and3A_419 = arith.andi %not3A_416, %gt3A_418 : i1
          %mul3A_420 = arith.constant 16 : i32
          %mul3A_421 = arith.muli %sub3A_312, %mul3A_420 : i32
          %add3A_422 = arith.constant 15 : i32
          %add3A_423 = arith.addi %mul3A_421, %add3A_422 : i32
          %reduce_max3A_424 = arith.constant true
          %reduce_max3A_425 = vector.broadcast %reduce_max3A_424 : i1 to vector<16xi1>
          %reduce_max3A_426 = arith.constant -2147483648 : i32
          %reduce_max3A_427 = vector.broadcast %reduce_max3A_426 : i32 to vector<16xi32>
          %reduce_max3A_428 = arith.xori %all_reduce_ffs3A, %reduce_max3A_427 : vector<16xi32>
          %reduce_max3A_429 = tpu.scan <max>, %reduce_max3A_428 masked %reduce_max3A_425 : vector<16xi32>, vector<16xi1> -> vector<16xi32>
          %reduce_max3A_430 = arith.xori %reduce_max3A_429, %reduce_max3A_427 : vector<16xi32>
          %reduce_max3A_431 = vector.extract %reduce_max3A_430[15] : i32 from vector<16xi32>
          %sub3A_432 = arith.subi %add3A_423, %reduce_max3A_431 : i32
          %eq3A_433 = arith.cmpi eq, %iota3A, %all_reduce_ffs3A : vector<16xi32>
          %jit3A_434 = arith.constant 0 : i32
          %broadcast_in_dim3A_435 = vector.broadcast %jit3A_434 : i32 to vector<16xi32>
          %select_n3A_436 = arith.select %eq3A_433, %add3A_407, %broadcast_in_dim3A_435 : vector<16xi1>, vector<16xi32>
          %reduce_sum3A_437 = arith.constant true
          %reduce_sum3A_438 = vector.broadcast %reduce_sum3A_437 : i1 to vector<16xi1>
          %reduce_sum3A_439 = tpu.scan <sum>, %select_n3A_436 masked %reduce_sum3A_438 : vector<16xi32>, vector<16xi1> -> vector<16xi32>
          %reduce_sum3A_440 = vector.extract %reduce_sum3A_439[15] : i32 from vector<16xi32>
          %eq3A_441 = arith.cmpi eq, %iota3A, %all_reduce_ffs3A : vector<16xi32>
          %jit3A_442 = arith.constant 0 : i32
          %broadcast_in_dim3A_443 = vector.broadcast %jit3A_442 : i32 to vector<16xi32>
          %select_n3A_444 = arith.select %eq3A_441, %rev3A_402, %broadcast_in_dim3A_443 : vector<16xi1>, vector<16xi32>
          %reduce_sum3A_445 = arith.constant true
          %reduce_sum3A_446 = vector.broadcast %reduce_sum3A_445 : i1 to vector<16xi1>
          %reduce_sum3A_447 = tpu.scan <sum>, %select_n3A_444 masked %reduce_sum3A_446 : vector<16xi32>, vector<16xi1> -> vector<16xi32>
          %reduce_sum3A_448 = vector.extract %reduce_sum3A_447[15] : i32 from vector<16xi32>
          %sub3A_449 = arith.subi %reduce_sum3A_440, %reduce_sum3A_448 : i32
          %select_n3A_450 = arith.select %and3A_419, %sub3A_432, %scan3A_308 : i32
          %sub3A_451 = arith.subi %scan3A_309, %sub3A_449 : i32
          %select_n3A_452 = arith.select %and3A_419, %sub3A_451, %scan3A_309 : i32
          %gt3A_453 = arith.constant 0 : i32
          %gt3A_454 = arith.cmpi sgt, %reduce_max3A_415, %gt3A_453 : i32
          %or3A_455 = arith.ori %scan3A_307, %gt3A_454 : i1
          %eq3A_456 = arith.constant 15 : i32
          %eq3A_457 = vector.broadcast %eq3A_456 : i32 to vector<16xi32>
          %eq3A_458 = arith.cmpi eq, %iota3A, %eq3A_457 : vector<16xi32>
          %jit3A_459 = arith.constant 0 : i32
          %broadcast_in_dim3A_460 = vector.broadcast %jit3A_459 : i32 to vector<16xi32>
          %select_n3A_461 = arith.select %eq3A_458, %masked_cumsum3A_405, %broadcast_in_dim3A_460 : vector<16xi1>, vector<16xi32>
          %reduce_sum3A_462 = arith.constant true
          %reduce_sum3A_463 = vector.broadcast %reduce_sum3A_462 : i1 to vector<16xi1>
          %reduce_sum3A_464 = tpu.scan <sum>, %select_n3A_461 masked %reduce_sum3A_463 : vector<16xi32>, vector<16xi1> -> vector<16xi32>
          %reduce_sum3A_465 = vector.extract %reduce_sum3A_464[15] : i32 from vector<16xi32>
          %add3A_466 = arith.addi %scan3A_310, %reduce_sum3A_465 : i32
          scf.yield %or3A_455, %select_n3A_450, %select_n3A_452, %add3A_466 : i1, i32, i32, i32
        }
        %scan3A_263 = arith.constant 16 : i32
        %shift_left3A_264 = arith.constant 0 : i32
        %shift_left3A_265 = arith.shli %scan3A_262#1, %shift_left3A_264 : i32
        %or3A_266 = arith.ori %or3A_203, %shift_left3A_265 : i32
        %while3A_267 = arith.constant 0 : i32
        %while3A_268 = arith.constant 0 : i32
        %while3A_269 = arith.subi %shift_right_logical3A_235, %while3A_267 : i32
        %while3A_270 = arith.addi %while3A_267, %while3A_269 : i32
        %while3A_271 = arith.constant 1 : i32
        %while3A_272 = arith.divsi %while3A_269, %while3A_271 : i32
        %while3A_273 = arith.muli %while3A_272, %while3A_271 : i32
        %while3A_274 = arith.addi %while3A_267, %while3A_273 : i32
        %while3A_275 = arith.constant 1 : i32
        %while3A_276 = scf.for %while3A_306 = %while3A_267 to %while3A_274 step %while3A_275 iter_args(%while3A_307 = %while3A_268) -> (i32)  : i32 {
          %mul3A_308 = arith.constant 64 : i32
          %mul3A_309 = arith.muli %while3A_306, %mul3A_308 : i32
          %add3A_310 = arith.constant 0 : i32
          %add3A_311 = arith.addi %mul3A_309, %add3A_310 : i32
          %get3A_312 = arith.index_cast %add3A_311 : i32 to index
          %get3A_313 = tpu.vector_load %arg8[%get3A_312] {strides = array<i32>} : memref<4224xi32, #tpu.memory_space<vmem>>, vector<16xi32>,
          %get3A_314 = arith.index_cast %add3A_311 : i32 to index
          %get3A_315 = tpu.vector_load %arg9[%get3A_314] {strides = array<i32>} : memref<4224xi32, #tpu.memory_space<vmem>>, vector<16xi32>,
          %and3A_316 = arith.constant -1 : i32
          %and3A_317 = vector.broadcast %and3A_316 : i32 to vector<16xi32>
          %and3A_318 = arith.andi %get3A_313, %and3A_317 : vector<16xi32>
          %eq3A_319 = vector.broadcast %or3A_266 : i32 to vector<16xi32>
          %eq3A_320 = arith.cmpi eq, %and3A_318, %eq3A_319 : vector<16xi32>
          %convert_element_type3A_321 = arith.extui %eq3A_320 : vector<16xi1> to vector<16xi32>
          %broadcast_in_dim3A_322 = arith.constant true
          %broadcast_in_dim3A_323 = vector.broadcast %broadcast_in_dim3A_322 : i1 to vector<16xi1>
          %masked_cumsum3A_324 = tpu.scan <sum>, %convert_element_type3A_321 masked %broadcast_in_dim3A_323 : vector<16xi32>, vector<16xi1> -> vector<16xi32>
          %add3A_325 = vector.broadcast %while3A_307 : i32 to vector<16xi32>
          %add3A_326 = arith.addi %add3A_325, %masked_cumsum3A_324 : vector<16xi32>
          %sub3A_327 = arith.constant 1 : i32
          %sub3A_328 = vector.broadcast %sub3A_327 : i32 to vector<16xi32>
          %sub3A_329 = arith.subi %add3A_326, %sub3A_328 : vector<16xi32>
          tpu.vector_store_idx %arg8[%sub3A_329], %get3A_313 masked %eq3A_320 : memref<4224xi32, #tpu.memory_space<vmem>>[vector<16xi32>], vector<16xi32>, vector<16xi1>
          tpu.vector_store_idx %arg9[%sub3A_329], %get3A_315 masked %eq3A_320 : memref<4224xi32, #tpu.memory_space<vmem>>[vector<16xi32>], vector<16xi32>, vector<16xi1>
          %eq3A_330 = arith.constant 15 : i32
          %eq3A_331 = vector.broadcast %eq3A_330 : i32 to vector<16xi32>
          %eq3A_332 = arith.cmpi eq, %iota3A, %eq3A_331 : vector<16xi32>
          %jit3A_333 = arith.constant 0 : i32
          %broadcast_in_dim3A_334 = vector.broadcast %jit3A_333 : i32 to vector<16xi32>
          %select_n3A_335 = arith.select %eq3A_332, %masked_cumsum3A_324, %broadcast_in_dim3A_334 : vector<16xi1>, vector<16xi32>
          %reduce_sum3A_336 = arith.constant true
          %reduce_sum3A_337 = vector.broadcast %reduce_sum3A_336 : i1 to vector<16xi1>
          %reduce_sum3A_338 = tpu.scan <sum>, %select_n3A_335 masked %reduce_sum3A_337 : vector<16xi32>, vector<16xi1> -> vector<16xi32>
          %reduce_sum3A_339 = vector.extract %reduce_sum3A_338[15] : i32 from vector<16xi32>
          %add3A_340 = arith.addi %while3A_307, %reduce_sum3A_339 : i32
          %mul3A_341 = arith.constant 64 : i32
          %mul3A_342 = arith.muli %while3A_306, %mul3A_341 : i32
          %add3A_343 = arith.constant 16 : i32
          %add3A_344 = arith.addi %mul3A_342, %add3A_343 : i32
          %get3A_345 = arith.index_cast %add3A_344 : i32 to index
          %get3A_346 = tpu.vector_load %arg8[%get3A_345] {strides = array<i32>} : memref<4224xi32, #tpu.memory_space<vmem>>, vector<16xi32>,
          %get3A_347 = arith.index_cast %add3A_344 : i32 to index
          %get3A_348 = tpu.vector_load %arg9[%get3A_347] {strides = array<i32>} : memref<4224xi32, #tpu.memory_space<vmem>>, vector<16xi32>,
          %and3A_349 = arith.constant -1 : i32
          %and3A_350 = vector.broadcast %and3A_349 : i32 to vector<16xi32>
          %and3A_351 = arith.andi %get3A_346, %and3A_350 : vector<16xi32>
          %eq3A_352 = vector.broadcast %or3A_266 : i32 to vector<16xi32>
          %eq3A_353 = arith.cmpi eq, %and3A_351, %eq3A_352 : vector<16xi32>
          %convert_element_type3A_354 = arith.extui %eq3A_353 : vector<16xi1> to vector<16xi32>
          %broadcast_in_dim3A_355 = arith.constant true
          %broadcast_in_dim3A_356 = vector.broadcast %broadcast_in_dim3A_355 : i1 to vector<16xi1>
          %masked_cumsum3A_357 = tpu.scan <sum>, %convert_element_type3A_354 masked %broadcast_in_dim3A_356 : vector<16xi32>, vector<16xi1> -> vector<16xi32>
          %add3A_358 = vector.broadcast %add3A_340 : i32 to vector<16xi32>
          %add3A_359 = arith.addi %add3A_358, %masked_cumsum3A_357 : vector<16xi32>
          %sub3A_360 = arith.constant 1 : i32
          %sub3A_361 = vector.broadcast %sub3A_360 : i32 to vector<16xi32>
          %sub3A_362 = arith.subi %add3A_359, %sub3A_361 : vector<16xi32>
          tpu.vector_store_idx %arg8[%sub3A_362], %get3A_346 masked %eq3A_353 : memref<4224xi32, #tpu.memory_space<vmem>>[vector<16xi32>], vector<16xi32>, vector<16xi1>
          tpu.vector_store_idx %arg9[%sub3A_362], %get3A_348 masked %eq3A_353 : memref<4224xi32, #tpu.memory_space<vmem>>[vector<16xi32>], vector<16xi32>, vector<16xi1>
          %eq3A_363 = arith.constant 15 : i32
          %eq3A_364 = vector.broadcast %eq3A_363 : i32 to vector<16xi32>
          %eq3A_365 = arith.cmpi eq, %iota3A, %eq3A_364 : vector<16xi32>
          %jit3A_366 = arith.constant 0 : i32
          %broadcast_in_dim3A_367 = vector.broadcast %jit3A_366 : i32 to vector<16xi32>
          %select_n3A_368 = arith.select %eq3A_365, %masked_cumsum3A_357, %broadcast_in_dim3A_367 : vector<16xi1>, vector<16xi32>
          %reduce_sum3A_369 = arith.constant true
          %reduce_sum3A_370 = vector.broadcast %reduce_sum3A_369 : i1 to vector<16xi1>
          %reduce_sum3A_371 = tpu.scan <sum>, %select_n3A_368 masked %reduce_sum3A_370 : vector<16xi32>, vector<16xi1> -> vector<16xi32>
          %reduce_sum3A_372 = vector.extract %reduce_sum3A_371[15] : i32 from vector<16xi32>
          %add3A_373 = arith.addi %add3A_340, %reduce_sum3A_372 : i32
          %mul3A_374 = arith.constant 64 : i32
          %mul3A_375 = arith.muli %while3A_306, %mul3A_374 : i32
          %add3A_376 = arith.constant 32 : i32
          %add3A_377 = arith.addi %mul3A_375, %add3A_376 : i32
          %get3A_378 = arith.index_cast %add3A_377 : i32 to index
          %get3A_379 = tpu.vector_load %arg8[%get3A_378] {strides = array<i32>} : memref<4224xi32, #tpu.memory_space<vmem>>, vector<16xi32>,
          %get3A_380 = arith.index_cast %add3A_377 : i32 to index
          %get3A_381 = tpu.vector_load %arg9[%get3A_380] {strides = array<i32>} : memref<4224xi32, #tpu.memory_space<vmem>>, vector<16xi32>,
          %and3A_382 = arith.constant -1 : i32
          %and3A_383 = vector.broadcast %and3A_382 : i32 to vector<16xi32>
          %and3A_384 = arith.andi %get3A_379, %and3A_383 : vector<16xi32>
          %eq3A_385 = vector.broadcast %or3A_266 : i32 to vector<16xi32>
          %eq3A_386 = arith.cmpi eq, %and3A_384, %eq3A_385 : vector<16xi32>
          %convert_element_type3A_387 = arith.extui %eq3A_386 : vector<16xi1> to vector<16xi32>
          %broadcast_in_dim3A_388 = arith.constant true
          %broadcast_in_dim3A_389 = vector.broadcast %broadcast_in_dim3A_388 : i1 to vector<16xi1>
          %masked_cumsum3A_390 = tpu.scan <sum>, %convert_element_type3A_387 masked %broadcast_in_dim3A_389 : vector<16xi32>, vector<16xi1> -> vector<16xi32>
          %add3A_391 = vector.broadcast %add3A_373 : i32 to vector<16xi32>
          %add3A_392 = arith.addi %add3A_391, %masked_cumsum3A_390 : vector<16xi32>
          %sub3A_393 = arith.constant 1 : i32
          %sub3A_394 = vector.broadcast %sub3A_393 : i32 to vector<16xi32>
          %sub3A_395 = arith.subi %add3A_392, %sub3A_394 : vector<16xi32>
          tpu.vector_store_idx %arg8[%sub3A_395], %get3A_379 masked %eq3A_386 : memref<4224xi32, #tpu.memory_space<vmem>>[vector<16xi32>], vector<16xi32>, vector<16xi1>
          tpu.vector_store_idx %arg9[%sub3A_395], %get3A_381 masked %eq3A_386 : memref<4224xi32, #tpu.memory_space<vmem>>[vector<16xi32>], vector<16xi32>, vector<16xi1>
          %eq3A_396 = arith.constant 15 : i32
          %eq3A_397 = vector.broadcast %eq3A_396 : i32 to vector<16xi32>
          %eq3A_398 = arith.cmpi eq, %iota3A, %eq3A_397 : vector<16xi32>
          %jit3A_399 = arith.constant 0 : i32
          %broadcast_in_dim3A_400 = vector.broadcast %jit3A_399 : i32 to vector<16xi32>
          %select_n3A_401 = arith.select %eq3A_398, %masked_cumsum3A_390, %broadcast_in_dim3A_400 : vector<16xi1>, vector<16xi32>
          %reduce_sum3A_402 = arith.constant true
          %reduce_sum3A_403 = vector.broadcast %reduce_sum3A_402 : i1 to vector<16xi1>
          %reduce_sum3A_404 = tpu.scan <sum>, %select_n3A_401 masked %reduce_sum3A_403 : vector<16xi32>, vector<16xi1> -> vector<16xi32>
          %reduce_sum3A_405 = vector.extract %reduce_sum3A_404[15] : i32 from vector<16xi32>
          %add3A_406 = arith.addi %add3A_373, %reduce_sum3A_405 : i32
          %mul3A_407 = arith.constant 64 : i32
          %mul3A_408 = arith.muli %while3A_306, %mul3A_407 : i32
          %add3A_409 = arith.constant 48 : i32
          %add3A_410 = arith.addi %mul3A_408, %add3A_409 : i32
          %get3A_411 = arith.index_cast %add3A_410 : i32 to index
          %get3A_412 = tpu.vector_load %arg8[%get3A_411] {strides = array<i32>} : memref<4224xi32, #tpu.memory_space<vmem>>, vector<16xi32>,
          %get3A_413 = arith.index_cast %add3A_410 : i32 to index
          %get3A_414 = tpu.vector_load %arg9[%get3A_413] {strides = array<i32>} : memref<4224xi32, #tpu.memory_space<vmem>>, vector<16xi32>,
          %and3A_415 = arith.constant -1 : i32
          %and3A_416 = vector.broadcast %and3A_415 : i32 to vector<16xi32>
          %and3A_417 = arith.andi %get3A_412, %and3A_416 : vector<16xi32>
          %eq3A_418 = vector.broadcast %or3A_266 : i32 to vector<16xi32>
          %eq3A_419 = arith.cmpi eq, %and3A_417, %eq3A_418 : vector<16xi32>
          %convert_element_type3A_420 = arith.extui %eq3A_419 : vector<16xi1> to vector<16xi32>
          %broadcast_in_dim3A_421 = arith.constant true
          %broadcast_in_dim3A_422 = vector.broadcast %broadcast_in_dim3A_421 : i1 to vector<16xi1>
          %masked_cumsum3A_423 = tpu.scan <sum>, %convert_element_type3A_420 masked %broadcast_in_dim3A_422 : vector<16xi32>, vector<16xi1> -> vector<16xi32>
          %add3A_424 = vector.broadcast %add3A_406 : i32 to vector<16xi32>
          %add3A_425 = arith.addi %add3A_424, %masked_cumsum3A_423 : vector<16xi32>
          %sub3A_426 = arith.constant 1 : i32
          %sub3A_427 = vector.broadcast %sub3A_426 : i32 to vector<16xi32>
          %sub3A_428 = arith.subi %add3A_425, %sub3A_427 : vector<16xi32>
          tpu.vector_store_idx %arg8[%sub3A_428], %get3A_412 masked %eq3A_419 : memref<4224xi32, #tpu.memory_space<vmem>>[vector<16xi32>], vector<16xi32>, vector<16xi1>
          tpu.vector_store_idx %arg9[%sub3A_428], %get3A_414 masked %eq3A_419 : memref<4224xi32, #tpu.memory_space<vmem>>[vector<16xi32>], vector<16xi32>, vector<16xi1>
          %eq3A_429 = arith.constant 15 : i32
          %eq3A_430 = vector.broadcast %eq3A_429 : i32 to vector<16xi32>
          %eq3A_431 = arith.cmpi eq, %iota3A, %eq3A_430 : vector<16xi32>
          %jit3A_432 = arith.constant 0 : i32
          %broadcast_in_dim3A_433 = vector.broadcast %jit3A_432 : i32 to vector<16xi32>
          %select_n3A_434 = arith.select %eq3A_431, %masked_cumsum3A_423, %broadcast_in_dim3A_433 : vector<16xi1>, vector<16xi32>
          %reduce_sum3A_435 = arith.constant true
          %reduce_sum3A_436 = vector.broadcast %reduce_sum3A_435 : i1 to vector<16xi1>
          %reduce_sum3A_437 = tpu.scan <sum>, %select_n3A_434 masked %reduce_sum3A_436 : vector<16xi32>, vector<16xi1> -> vector<16xi32>
          %reduce_sum3A_438 = vector.extract %reduce_sum3A_437[15] : i32 from vector<16xi32>
          %add3A_439 = arith.addi %add3A_406, %reduce_sum3A_438 : i32
          scf.yield %add3A_439 : i32
        }
        %while3A_277 = arith.constant 1 : i32
        %while3A_278 = scf.for %while3A_306 = %while3A_274 to %while3A_270 step %while3A_277 iter_args(%while3A_307 = %while3A_276) -> (i32)  : i32 {
          %mul3A_308 = arith.constant 64 : i32
          %mul3A_309 = arith.muli %while3A_306, %mul3A_308 : i32
          %add3A_310 = arith.constant 0 : i32
          %add3A_311 = arith.addi %mul3A_309, %add3A_310 : i32
          %get3A_312 = arith.index_cast %add3A_311 : i32 to index
          %get3A_313 = tpu.vector_load %arg8[%get3A_312] {strides = array<i32>} : memref<4224xi32, #tpu.memory_space<vmem>>, vector<16xi32>,
          %get3A_314 = arith.index_cast %add3A_311 : i32 to index
          %get3A_315 = tpu.vector_load %arg9[%get3A_314] {strides = array<i32>} : memref<4224xi32, #tpu.memory_space<vmem>>, vector<16xi32>,
          %and3A_316 = arith.constant -1 : i32
          %and3A_317 = vector.broadcast %and3A_316 : i32 to vector<16xi32>
          %and3A_318 = arith.andi %get3A_313, %and3A_317 : vector<16xi32>
          %eq3A_319 = vector.broadcast %or3A_266 : i32 to vector<16xi32>
          %eq3A_320 = arith.cmpi eq, %and3A_318, %eq3A_319 : vector<16xi32>
          %convert_element_type3A_321 = arith.extui %eq3A_320 : vector<16xi1> to vector<16xi32>
          %broadcast_in_dim3A_322 = arith.constant true
          %broadcast_in_dim3A_323 = vector.broadcast %broadcast_in_dim3A_322 : i1 to vector<16xi1>
          %masked_cumsum3A_324 = tpu.scan <sum>, %convert_element_type3A_321 masked %broadcast_in_dim3A_323 : vector<16xi32>, vector<16xi1> -> vector<16xi32>
          %add3A_325 = vector.broadcast %while3A_307 : i32 to vector<16xi32>
          %add3A_326 = arith.addi %add3A_325, %masked_cumsum3A_324 : vector<16xi32>
          %sub3A_327 = arith.constant 1 : i32
          %sub3A_328 = vector.broadcast %sub3A_327 : i32 to vector<16xi32>
          %sub3A_329 = arith.subi %add3A_326, %sub3A_328 : vector<16xi32>
          tpu.vector_store_idx %arg8[%sub3A_329], %get3A_313 masked %eq3A_320 : memref<4224xi32, #tpu.memory_space<vmem>>[vector<16xi32>], vector<16xi32>, vector<16xi1>
          tpu.vector_store_idx %arg9[%sub3A_329], %get3A_315 masked %eq3A_320 : memref<4224xi32, #tpu.memory_space<vmem>>[vector<16xi32>], vector<16xi32>, vector<16xi1>
          %eq3A_330 = arith.constant 15 : i32
          %eq3A_331 = vector.broadcast %eq3A_330 : i32 to vector<16xi32>
          %eq3A_332 = arith.cmpi eq, %iota3A, %eq3A_331 : vector<16xi32>
          %jit3A_333 = arith.constant 0 : i32
          %broadcast_in_dim3A_334 = vector.broadcast %jit3A_333 : i32 to vector<16xi32>
          %select_n3A_335 = arith.select %eq3A_332, %masked_cumsum3A_324, %broadcast_in_dim3A_334 : vector<16xi1>, vector<16xi32>
          %reduce_sum3A_336 = arith.constant true
          %reduce_sum3A_337 = vector.broadcast %reduce_sum3A_336 : i1 to vector<16xi1>
          %reduce_sum3A_338 = tpu.scan <sum>, %select_n3A_335 masked %reduce_sum3A_337 : vector<16xi32>, vector<16xi1> -> vector<16xi32>
          %reduce_sum3A_339 = vector.extract %reduce_sum3A_338[15] : i32 from vector<16xi32>
          %add3A_340 = arith.addi %while3A_307, %reduce_sum3A_339 : i32
          %mul3A_341 = arith.constant 64 : i32
          %mul3A_342 = arith.muli %while3A_306, %mul3A_341 : i32
          %add3A_343 = arith.constant 16 : i32
          %add3A_344 = arith.addi %mul3A_342, %add3A_343 : i32
          %get3A_345 = arith.index_cast %add3A_344 : i32 to index
          %get3A_346 = tpu.vector_load %arg8[%get3A_345] {strides = array<i32>} : memref<4224xi32, #tpu.memory_space<vmem>>, vector<16xi32>,
          %get3A_347 = arith.index_cast %add3A_344 : i32 to index
          %get3A_348 = tpu.vector_load %arg9[%get3A_347] {strides = array<i32>} : memref<4224xi32, #tpu.memory_space<vmem>>, vector<16xi32>,
          %and3A_349 = arith.constant -1 : i32
          %and3A_350 = vector.broadcast %and3A_349 : i32 to vector<16xi32>
          %and3A_351 = arith.andi %get3A_346, %and3A_350 : vector<16xi32>
          %eq3A_352 = vector.broadcast %or3A_266 : i32 to vector<16xi32>
          %eq3A_353 = arith.cmpi eq, %and3A_351, %eq3A_352 : vector<16xi32>
          %convert_element_type3A_354 = arith.extui %eq3A_353 : vector<16xi1> to vector<16xi32>
          %broadcast_in_dim3A_355 = arith.constant true
          %broadcast_in_dim3A_356 = vector.broadcast %broadcast_in_dim3A_355 : i1 to vector<16xi1>
          %masked_cumsum3A_357 = tpu.scan <sum>, %convert_element_type3A_354 masked %broadcast_in_dim3A_356 : vector<16xi32>, vector<16xi1> -> vector<16xi32>
          %add3A_358 = vector.broadcast %add3A_340 : i32 to vector<16xi32>
          %add3A_359 = arith.addi %add3A_358, %masked_cumsum3A_357 : vector<16xi32>
          %sub3A_360 = arith.constant 1 : i32
          %sub3A_361 = vector.broadcast %sub3A_360 : i32 to vector<16xi32>
          %sub3A_362 = arith.subi %add3A_359, %sub3A_361 : vector<16xi32>
          tpu.vector_store_idx %arg8[%sub3A_362], %get3A_346 masked %eq3A_353 : memref<4224xi32, #tpu.memory_space<vmem>>[vector<16xi32>], vector<16xi32>, vector<16xi1>
          tpu.vector_store_idx %arg9[%sub3A_362], %get3A_348 masked %eq3A_353 : memref<4224xi32, #tpu.memory_space<vmem>>[vector<16xi32>], vector<16xi32>, vector<16xi1>
          %eq3A_363 = arith.constant 15 : i32
          %eq3A_364 = vector.broadcast %eq3A_363 : i32 to vector<16xi32>
          %eq3A_365 = arith.cmpi eq, %iota3A, %eq3A_364 : vector<16xi32>
          %jit3A_366 = arith.constant 0 : i32
          %broadcast_in_dim3A_367 = vector.broadcast %jit3A_366 : i32 to vector<16xi32>
          %select_n3A_368 = arith.select %eq3A_365, %masked_cumsum3A_357, %broadcast_in_dim3A_367 : vector<16xi1>, vector<16xi32>
          %reduce_sum3A_369 = arith.constant true
          %reduce_sum3A_370 = vector.broadcast %reduce_sum3A_369 : i1 to vector<16xi1>
          %reduce_sum3A_371 = tpu.scan <sum>, %select_n3A_368 masked %reduce_sum3A_370 : vector<16xi32>, vector<16xi1> -> vector<16xi32>
          %reduce_sum3A_372 = vector.extract %reduce_sum3A_371[15] : i32 from vector<16xi32>
          %add3A_373 = arith.addi %add3A_340, %reduce_sum3A_372 : i32
          %mul3A_374 = arith.constant 64 : i32
          %mul3A_375 = arith.muli %while3A_306, %mul3A_374 : i32
          %add3A_376 = arith.constant 32 : i32
          %add3A_377 = arith.addi %mul3A_375, %add3A_376 : i32
          %get3A_378 = arith.index_cast %add3A_377 : i32 to index
          %get3A_379 = tpu.vector_load %arg8[%get3A_378] {strides = array<i32>} : memref<4224xi32, #tpu.memory_space<vmem>>, vector<16xi32>,
          %get3A_380 = arith.index_cast %add3A_377 : i32 to index
          %get3A_381 = tpu.vector_load %arg9[%get3A_380] {strides = array<i32>} : memref<4224xi32, #tpu.memory_space<vmem>>, vector<16xi32>,
          %and3A_382 = arith.constant -1 : i32
          %and3A_383 = vector.broadcast %and3A_382 : i32 to vector<16xi32>
          %and3A_384 = arith.andi %get3A_379, %and3A_383 : vector<16xi32>
          %eq3A_385 = vector.broadcast %or3A_266 : i32 to vector<16xi32>
          %eq3A_386 = arith.cmpi eq, %and3A_384, %eq3A_385 : vector<16xi32>
          %convert_element_type3A_387 = arith.extui %eq3A_386 : vector<16xi1> to vector<16xi32>
          %broadcast_in_dim3A_388 = arith.constant true
          %broadcast_in_dim3A_389 = vector.broadcast %broadcast_in_dim3A_388 : i1 to vector<16xi1>
          %masked_cumsum3A_390 = tpu.scan <sum>, %convert_element_type3A_387 masked %broadcast_in_dim3A_389 : vector<16xi32>, vector<16xi1> -> vector<16xi32>
          %add3A_391 = vector.broadcast %add3A_373 : i32 to vector<16xi32>
          %add3A_392 = arith.addi %add3A_391, %masked_cumsum3A_390 : vector<16xi32>
          %sub3A_393 = arith.constant 1 : i32
          %sub3A_394 = vector.broadcast %sub3A_393 : i32 to vector<16xi32>
          %sub3A_395 = arith.subi %add3A_392, %sub3A_394 : vector<16xi32>
          tpu.vector_store_idx %arg8[%sub3A_395], %get3A_379 masked %eq3A_386 : memref<4224xi32, #tpu.memory_space<vmem>>[vector<16xi32>], vector<16xi32>, vector<16xi1>
          tpu.vector_store_idx %arg9[%sub3A_395], %get3A_381 masked %eq3A_386 : memref<4224xi32, #tpu.memory_space<vmem>>[vector<16xi32>], vector<16xi32>, vector<16xi1>
          %eq3A_396 = arith.constant 15 : i32
          %eq3A_397 = vector.broadcast %eq3A_396 : i32 to vector<16xi32>
          %eq3A_398 = arith.cmpi eq, %iota3A, %eq3A_397 : vector<16xi32>
          %jit3A_399 = arith.constant 0 : i32
          %broadcast_in_dim3A_400 = vector.broadcast %jit3A_399 : i32 to vector<16xi32>
          %select_n3A_401 = arith.select %eq3A_398, %masked_cumsum3A_390, %broadcast_in_dim3A_400 : vector<16xi1>, vector<16xi32>
          %reduce_sum3A_402 = arith.constant true
          %reduce_sum3A_403 = vector.broadcast %reduce_sum3A_402 : i1 to vector<16xi1>
          %reduce_sum3A_404 = tpu.scan <sum>, %select_n3A_401 masked %reduce_sum3A_403 : vector<16xi32>, vector<16xi1> -> vector<16xi32>
          %reduce_sum3A_405 = vector.extract %reduce_sum3A_404[15] : i32 from vector<16xi32>
          %add3A_406 = arith.addi %add3A_373, %reduce_sum3A_405 : i32
          %mul3A_407 = arith.constant 64 : i32
          %mul3A_408 = arith.muli %while3A_306, %mul3A_407 : i32
          %add3A_409 = arith.constant 48 : i32
          %add3A_410 = arith.addi %mul3A_408, %add3A_409 : i32
          %get3A_411 = arith.index_cast %add3A_410 : i32 to index
          %get3A_412 = tpu.vector_load %arg8[%get3A_411] {strides = array<i32>} : memref<4224xi32, #tpu.memory_space<vmem>>, vector<16xi32>,
          %get3A_413 = arith.index_cast %add3A_410 : i32 to index
          %get3A_414 = tpu.vector_load %arg9[%get3A_413] {strides = array<i32>} : memref<4224xi32, #tpu.memory_space<vmem>>, vector<16xi32>,
          %and3A_415 = arith.constant -1 : i32
          %and3A_416 = vector.broadcast %and3A_415 : i32 to vector<16xi32>
          %and3A_417 = arith.andi %get3A_412, %and3A_416 : vector<16xi32>
          %eq3A_418 = vector.broadcast %or3A_266 : i32 to vector<16xi32>
          %eq3A_419 = arith.cmpi eq, %and3A_417, %eq3A_418 : vector<16xi32>
          %convert_element_type3A_420 = arith.extui %eq3A_419 : vector<16xi1> to vector<16xi32>
          %broadcast_in_dim3A_421 = arith.constant true
          %broadcast_in_dim3A_422 = vector.broadcast %broadcast_in_dim3A_421 : i1 to vector<16xi1>
          %masked_cumsum3A_423 = tpu.scan <sum>, %convert_element_type3A_420 masked %broadcast_in_dim3A_422 : vector<16xi32>, vector<16xi1> -> vector<16xi32>
          %add3A_424 = vector.broadcast %add3A_406 : i32 to vector<16xi32>
          %add3A_425 = arith.addi %add3A_424, %masked_cumsum3A_423 : vector<16xi32>
          %sub3A_426 = arith.constant 1 : i32
          %sub3A_427 = vector.broadcast %sub3A_426 : i32 to vector<16xi32>
          %sub3A_428 = arith.subi %add3A_425, %sub3A_427 : vector<16xi32>
          tpu.vector_store_idx %arg8[%sub3A_428], %get3A_412 masked %eq3A_419 : memref<4224xi32, #tpu.memory_space<vmem>>[vector<16xi32>], vector<16xi32>, vector<16xi1>
          tpu.vector_store_idx %arg9[%sub3A_428], %get3A_414 masked %eq3A_419 : memref<4224xi32, #tpu.memory_space<vmem>>[vector<16xi32>], vector<16xi32>, vector<16xi1>
          %eq3A_429 = arith.constant 15 : i32
          %eq3A_430 = vector.broadcast %eq3A_429 : i32 to vector<16xi32>
          %eq3A_431 = arith.cmpi eq, %iota3A, %eq3A_430 : vector<16xi32>
          %jit3A_432 = arith.constant 0 : i32
          %broadcast_in_dim3A_433 = vector.broadcast %jit3A_432 : i32 to vector<16xi32>
          %select_n3A_434 = arith.select %eq3A_431, %masked_cumsum3A_423, %broadcast_in_dim3A_433 : vector<16xi1>, vector<16xi32>
          %reduce_sum3A_435 = arith.constant true
          %reduce_sum3A_436 = vector.broadcast %reduce_sum3A_435 : i1 to vector<16xi1>
          %reduce_sum3A_437 = tpu.scan <sum>, %select_n3A_434 masked %reduce_sum3A_436 : vector<16xi32>, vector<16xi1> -> vector<16xi32>
          %reduce_sum3A_438 = vector.extract %reduce_sum3A_437[15] : i32 from vector<16xi32>
          %add3A_439 = arith.addi %add3A_406, %reduce_sum3A_438 : i32
          scf.yield %add3A_439 : i32
        }
        %add3A_279 = arith.constant 0 : i32
        %add3A_280 = arith.addi %while3A_278, %add3A_279 : i32
        %swap3A_281 = arith.index_cast %add3A_280 : i32 to index
        %swap3A_282 = tpu.vector_load %arg8[%swap3A_281] {strides = array<i32>} : memref<4224xi32, #tpu.memory_space<vmem>>, vector<16xi32>,
        tpu.vector_store %arg8[%swap3A_281], %and3A_28 {strides = array<i32>} : memref<4224xi32, #tpu.memory_space<vmem>>, vector<16xi32>,
        %add3A_283 = arith.constant 16 : i32
        %add3A_284 = arith.addi %while3A_278, %add3A_283 : i32
        %swap3A_285 = arith.index_cast %add3A_284 : i32 to index
        %swap3A_286 = tpu.vector_load %arg8[%swap3A_285] {strides = array<i32>} : memref<4224xi32, #tpu.memory_space<vmem>>, vector<16xi32>,
        tpu.vector_store %arg8[%swap3A_285], %and3A_28 {strides = array<i32>} : memref<4224xi32, #tpu.memory_space<vmem>>, vector<16xi32>,
        %add3A_287 = arith.constant 32 : i32
        %add3A_288 = arith.addi %while3A_278, %add3A_287 : i32
        %swap3A_289 = arith.index_cast %add3A_288 : i32 to index
        %swap3A_290 = tpu.vector_load %arg8[%swap3A_289] {strides = array<i32>} : memref<4224xi32, #tpu.memory_space<vmem>>, vector<16xi32>,
        tpu.vector_store %arg8[%swap3A_289], %and3A_28 {strides = array<i32>} : memref<4224xi32, #tpu.memory_space<vmem>>, vector<16xi32>,
        %add3A_291 = arith.constant 48 : i32
        %add3A_292 = arith.addi %while3A_278, %add3A_291 : i32
        %swap3A_293 = arith.index_cast %add3A_292 : i32 to index
        %swap3A_294 = tpu.vector_load %arg8[%swap3A_293] {strides = array<i32>} : memref<4224xi32, #tpu.memory_space<vmem>>, vector<16xi32>,
        tpu.vector_store %arg8[%swap3A_293], %and3A_28 {strides = array<i32>} : memref<4224xi32, #tpu.memory_space<vmem>>, vector<16xi32>,
        %add3A_295 = arith.constant 63 : i32
        %add3A_296 = arith.addi %while3A_278, %add3A_295 : i32
        %shift_right_logical3A_297 = arith.constant 6 : i32
        %shift_right_logical3A_298 = arith.shrui %add3A_296, %shift_right_logical3A_297 : i32
        %eq3A_299 = arith.cmpi eq, %while3A_278, %scan3A_262#2 : i32
        %convert_element_type3A_300 = arith.extui %eq3A_299 : i1 to i32
        %cond3A_301 = arith.constant 0 : i32
        %cond3A_302 = arith.constant 0 : i32
        %cond3A_303 = arith.cmpi ne, %convert_element_type3A_300, %cond3A_302 : i32
        %cond3A_304 = scf.if %cond3A_303 -> (i32) {
          %cond3A_306 = arith.constant 4095 : i32
          scf.yield %cond3A_306 : i32
        } else {
          %scan3A_306 = arith.constant 0 : i32
          %scan3A_307 = arith.constant 0 : i32
          %scan3A_308 = arith.constant 64 : i32
          %scan3A_309 = arith.addi %scan3A_307, %scan3A_308 : i32
          %scan3A_310 = arith.constant 4 : i32
          %scan3A_311 = scf.for %scan3A_365 = %scan3A_307 to %scan3A_309 step %scan3A_310 iter_args(%scan3A_366 = %scan3A_306) -> (i32)  : i32 {
            %mul3A_367 = arith.constant 16 : i32
            %mul3A_368 = arith.muli %scan3A_365, %mul3A_367 : i32
            %swap3A_369 = arith.index_cast %mul3A_368 : i32 to index
            %swap3A_370 = tpu.vector_load %arg7[%swap3A_369] {strides = array<i32>} : memref<4096xi32, #tpu.memory_space<vmem>>, vector<16xi32>,
            tpu.vector_store %arg7[%swap3A_369], %and3A_28 {strides = array<i32>} : memref<4096xi32, #tpu.memory_space<vmem>>, vector<16xi32>,
            %scan3A_371 = arith.constant 0 : i32
            %scan3A_372 = arith.constant 1 : i32
            %scan3A_373 = arith.addi %scan3A_365, %scan3A_372 : i32
            %mul3A_374 = arith.constant 16 : i32
            %mul3A_375 = arith.muli %scan3A_373, %mul3A_374 : i32
            %swap3A_376 = arith.index_cast %mul3A_375 : i32 to index
            %swap3A_377 = tpu.vector_load %arg7[%swap3A_376] {strides = array<i32>} : memref<4096xi32, #tpu.memory_space<vmem>>, vector<16xi32>,
            tpu.vector_store %arg7[%swap3A_376], %and3A_28 {strides = array<i32>} : memref<4096xi32, #tpu.memory_space<vmem>>, vector<16xi32>,
            %scan3A_378 = arith.constant 0 : i32
            %scan3A_379 = arith.constant 2 : i32
            %scan3A_380 = arith.addi %scan3A_365, %scan3A_379 : i32
            %mul3A_381 = arith.constant 16 : i32
            %mul3A_382 = arith.muli %scan3A_380, %mul3A_381 : i32
            %swap3A_383 = arith.index_cast %mul3A_382 : i32 to index
            %swap3A_384 = tpu.vector_load %arg7[%swap3A_383] {strides = array<i32>} : memref<4096xi32, #tpu.memory_space<vmem>>, vector<16xi32>,
            tpu.vector_store %arg7[%swap3A_383], %and3A_28 {strides = array<i32>} : memref<4096xi32, #tpu.memory_space<vmem>>, vector<16xi32>,
            %scan3A_385 = arith.constant 0 : i32
            %scan3A_386 = arith.constant 3 : i32
            %scan3A_387 = arith.addi %scan3A_365, %scan3A_386 : i32
            %mul3A_388 = arith.constant 16 : i32
            %mul3A_389 = arith.muli %scan3A_387, %mul3A_388 : i32
            %swap3A_390 = arith.index_cast %mul3A_389 : i32 to index
            %swap3A_391 = tpu.vector_load %arg7[%swap3A_390] {strides = array<i32>} : memref<4096xi32, #tpu.memory_space<vmem>>, vector<16xi32>,
            tpu.vector_store %arg7[%swap3A_390], %and3A_28 {strides = array<i32>} : memref<4096xi32, #tpu.memory_space<vmem>>, vector<16xi32>,
            %scan3A_392 = arith.constant 0 : i32
            scf.yield %scan3A_392 : i32
          }
          %scan3A_312 = arith.constant 64 : i32
          %while3A_313 = arith.constant 0 : i32
          %while3A_314 = arith.constant 0 : i32
          %while3A_315 = arith.subi %shift_right_logical3A_298, %while3A_313 : i32
          %while3A_316 = arith.addi %while3A_313, %while3A_315 : i32
          %while3A_317 = arith.constant 1 : i32
          %while3A_318 = arith.divsi %while3A_315, %while3A_317 : i32
          %while3A_319 = arith.muli %while3A_318, %while3A_317 : i32
          %while3A_320 = arith.addi %while3A_313, %while3A_319 : i32
          %while3A_321 = arith.constant 1 : i32
          %while3A_322 = scf.for %while3A_365 = %while3A_313 to %while3A_320 step %while3A_321 iter_args(%while3A_366 = %while3A_314) -> (i32)  : i32 {
            %mul3A_367 = arith.constant 64 : i32
            %mul3A_368 = arith.muli %while3A_365, %mul3A_367 : i32
            %add3A_369 = arith.constant 0 : i32
            %add3A_370 = arith.addi %mul3A_368, %add3A_369 : i32
            %get3A_371 = arith.index_cast %add3A_370 : i32 to index
            %get3A_372 = tpu.vector_load %arg8[%get3A_371] {strides = array<i32>} : memref<4224xi32, #tpu.memory_space<vmem>>, vector<16xi32>,
            %get3A_373 = arith.index_cast %add3A_370 : i32 to index
            %get3A_374 = tpu.vector_load %arg9[%get3A_373] {strides = array<i32>} : memref<4224xi32, #tpu.memory_space<vmem>>, vector<16xi32>,
            %shift_right_logical3A_375 = arith.constant 12 : i32
            %shift_right_logical3A_376 = vector.broadcast %shift_right_logical3A_375 : i32 to vector<16xi32>
            %shift_right_logical3A_377 = arith.shrui %get3A_374, %shift_right_logical3A_376 : vector<16xi32>
            %eq3A_378 = vector.broadcast %or3A_266 : i32 to vector<16xi32>
            %eq3A_379 = arith.cmpi eq, %get3A_372, %eq3A_378 : vector<16xi32>
            %eq3A_380 = arith.constant 0 : i32
            %eq3A_381 = vector.broadcast %eq3A_380 : i32 to vector<16xi32>
            %eq3A_382 = arith.cmpi eq, %shift_right_logical3A_377, %eq3A_381 : vector<16xi32>
            %and3A_383 = arith.andi %eq3A_379, %eq3A_382 : vector<16xi1>
            %shift_right_logical3A_384 = arith.constant 6 : i32
            %shift_right_logical3A_385 = vector.broadcast %shift_right_logical3A_384 : i32 to vector<16xi32>
            %shift_right_logical3A_386 = arith.shrui %get3A_374, %shift_right_logical3A_385 : vector<16xi32>
            %and3A_387 = arith.constant 63 : i32
            %and3A_388 = vector.broadcast %and3A_387 : i32 to vector<16xi32>
            %and3A_389 = arith.andi %shift_right_logical3A_386, %and3A_388 : vector<16xi32>
            %mul3A_390 = arith.constant 16 : i32
            %mul3A_391 = vector.broadcast %mul3A_390 : i32 to vector<16xi32>
            %mul3A_392 = arith.muli %and3A_389, %mul3A_391 : vector<16xi32>
            %add3A_393 = arith.addi %mul3A_392, %iota3A : vector<16xi32>
            tpu.vector_store_idx %arg7[%add3A_393], %add3A_31 masked %and3A_383 {add = true} : memref<4096xi32, #tpu.memory_space<vmem>>[vector<16xi32>], vector<16xi32>, vector<16xi1>
            %mul3A_394 = arith.constant 64 : i32
            %mul3A_395 = arith.muli %while3A_365, %mul3A_394 : i32
            %add3A_396 = arith.constant 16 : i32
            %add3A_397 = arith.addi %mul3A_395, %add3A_396 : i32
            %get3A_398 = arith.index_cast %add3A_397 : i32 to index
            %get3A_399 = tpu.vector_load %arg8[%get3A_398] {strides = array<i32>} : memref<4224xi32, #tpu.memory_space<vmem>>, vector<16xi32>,
            %get3A_400 = arith.index_cast %add3A_397 : i32 to index
            %get3A_401 = tpu.vector_load %arg9[%get3A_400] {strides = array<i32>} : memref<4224xi32, #tpu.memory_space<vmem>>, vector<16xi32>,
            %shift_right_logical3A_402 = arith.constant 12 : i32
            %shift_right_logical3A_403 = vector.broadcast %shift_right_logical3A_402 : i32 to vector<16xi32>
            %shift_right_logical3A_404 = arith.shrui %get3A_401, %shift_right_logical3A_403 : vector<16xi32>
            %eq3A_405 = vector.broadcast %or3A_266 : i32 to vector<16xi32>
            %eq3A_406 = arith.cmpi eq, %get3A_399, %eq3A_405 : vector<16xi32>
            %eq3A_407 = arith.constant 0 : i32
            %eq3A_408 = vector.broadcast %eq3A_407 : i32 to vector<16xi32>
            %eq3A_409 = arith.cmpi eq, %shift_right_logical3A_404, %eq3A_408 : vector<16xi32>
            %and3A_410 = arith.andi %eq3A_406, %eq3A_409 : vector<16xi1>
            %shift_right_logical3A_411 = arith.constant 6 : i32
            %shift_right_logical3A_412 = vector.broadcast %shift_right_logical3A_411 : i32 to vector<16xi32>
            %shift_right_logical3A_413 = arith.shrui %get3A_401, %shift_right_logical3A_412 : vector<16xi32>
            %and3A_414 = arith.constant 63 : i32
            %and3A_415 = vector.broadcast %and3A_414 : i32 to vector<16xi32>
            %and3A_416 = arith.andi %shift_right_logical3A_413, %and3A_415 : vector<16xi32>
            %mul3A_417 = arith.constant 16 : i32
            %mul3A_418 = vector.broadcast %mul3A_417 : i32 to vector<16xi32>
            %mul3A_419 = arith.muli %and3A_416, %mul3A_418 : vector<16xi32>
            %add3A_420 = arith.addi %mul3A_419, %iota3A : vector<16xi32>
            tpu.vector_store_idx %arg7[%add3A_420], %add3A_31 masked %and3A_410 {add = true} : memref<4096xi32, #tpu.memory_space<vmem>>[vector<16xi32>], vector<16xi32>, vector<16xi1>
            %mul3A_421 = arith.constant 64 : i32
            %mul3A_422 = arith.muli %while3A_365, %mul3A_421 : i32
            %add3A_423 = arith.constant 32 : i32
            %add3A_424 = arith.addi %mul3A_422, %add3A_423 : i32
            %get3A_425 = arith.index_cast %add3A_424 : i32 to index
            %get3A_426 = tpu.vector_load %arg8[%get3A_425] {strides = array<i32>} : memref<4224xi32, #tpu.memory_space<vmem>>, vector<16xi32>,
            %get3A_427 = arith.index_cast %add3A_424 : i32 to index
            %get3A_428 = tpu.vector_load %arg9[%get3A_427] {strides = array<i32>} : memref<4224xi32, #tpu.memory_space<vmem>>, vector<16xi32>,
            %shift_right_logical3A_429 = arith.constant 12 : i32
            %shift_right_logical3A_430 = vector.broadcast %shift_right_logical3A_429 : i32 to vector<16xi32>
            %shift_right_logical3A_431 = arith.shrui %get3A_428, %shift_right_logical3A_430 : vector<16xi32>
            %eq3A_432 = vector.broadcast %or3A_266 : i32 to vector<16xi32>
            %eq3A_433 = arith.cmpi eq, %get3A_426, %eq3A_432 : vector<16xi32>
            %eq3A_434 = arith.constant 0 : i32
            %eq3A_435 = vector.broadcast %eq3A_434 : i32 to vector<16xi32>
            %eq3A_436 = arith.cmpi eq, %shift_right_logical3A_431, %eq3A_435 : vector<16xi32>
            %and3A_437 = arith.andi %eq3A_433, %eq3A_436 : vector<16xi1>
            %shift_right_logical3A_438 = arith.constant 6 : i32
            %shift_right_logical3A_439 = vector.broadcast %shift_right_logical3A_438 : i32 to vector<16xi32>
            %shift_right_logical3A_440 = arith.shrui %get3A_428, %shift_right_logical3A_439 : vector<16xi32>
            %and3A_441 = arith.constant 63 : i32
            %and3A_442 = vector.broadcast %and3A_441 : i32 to vector<16xi32>
            %and3A_443 = arith.andi %shift_right_logical3A_440, %and3A_442 : vector<16xi32>
            %mul3A_444 = arith.constant 16 : i32
            %mul3A_445 = vector.broadcast %mul3A_444 : i32 to vector<16xi32>
            %mul3A_446 = arith.muli %and3A_443, %mul3A_445 : vector<16xi32>
            %add3A_447 = arith.addi %mul3A_446, %iota3A : vector<16xi32>
            tpu.vector_store_idx %arg7[%add3A_447], %add3A_31 masked %and3A_437 {add = true} : memref<4096xi32, #tpu.memory_space<vmem>>[vector<16xi32>], vector<16xi32>, vector<16xi1>
            %mul3A_448 = arith.constant 64 : i32
            %mul3A_449 = arith.muli %while3A_365, %mul3A_448 : i32
            %add3A_450 = arith.constant 48 : i32
            %add3A_451 = arith.addi %mul3A_449, %add3A_450 : i32
            %get3A_452 = arith.index_cast %add3A_451 : i32 to index
            %get3A_453 = tpu.vector_load %arg8[%get3A_452] {strides = array<i32>} : memref<4224xi32, #tpu.memory_space<vmem>>, vector<16xi32>,
            %get3A_454 = arith.index_cast %add3A_451 : i32 to index
            %get3A_455 = tpu.vector_load %arg9[%get3A_454] {strides = array<i32>} : memref<4224xi32, #tpu.memory_space<vmem>>, vector<16xi32>,
            %shift_right_logical3A_456 = arith.constant 12 : i32
            %shift_right_logical3A_457 = vector.broadcast %shift_right_logical3A_456 : i32 to vector<16xi32>
            %shift_right_logical3A_458 = arith.shrui %get3A_455, %shift_right_logical3A_457 : vector<16xi32>
            %eq3A_459 = vector.broadcast %or3A_266 : i32 to vector<16xi32>
            %eq3A_460 = arith.cmpi eq, %get3A_453, %eq3A_459 : vector<16xi32>
            %eq3A_461 = arith.constant 0 : i32
            %eq3A_462 = vector.broadcast %eq3A_461 : i32 to vector<16xi32>
            %eq3A_463 = arith.cmpi eq, %shift_right_logical3A_458, %eq3A_462 : vector<16xi32>
            %and3A_464 = arith.andi %eq3A_460, %eq3A_463 : vector<16xi1>
            %shift_right_logical3A_465 = arith.constant 6 : i32
            %shift_right_logical3A_466 = vector.broadcast %shift_right_logical3A_465 : i32 to vector<16xi32>
            %shift_right_logical3A_467 = arith.shrui %get3A_455, %shift_right_logical3A_466 : vector<16xi32>
            %and3A_468 = arith.constant 63 : i32
            %and3A_469 = vector.broadcast %and3A_468 : i32 to vector<16xi32>
            %and3A_470 = arith.andi %shift_right_logical3A_467, %and3A_469 : vector<16xi32>
            %mul3A_471 = arith.constant 16 : i32
            %mul3A_472 = vector.broadcast %mul3A_471 : i32 to vector<16xi32>
            %mul3A_473 = arith.muli %and3A_470, %mul3A_472 : vector<16xi32>
            %add3A_474 = arith.addi %mul3A_473, %iota3A : vector<16xi32>
            tpu.vector_store_idx %arg7[%add3A_474], %add3A_31 masked %and3A_464 {add = true} : memref<4096xi32, #tpu.memory_space<vmem>>[vector<16xi32>], vector<16xi32>, vector<16xi1>
            %while3A_475 = arith.constant 0 : i32
            scf.yield %while3A_475 : i32
          }
          %while3A_323 = arith.constant 1 : i32
          %while3A_324 = scf.for %while3A_365 = %while3A_320 to %while3A_316 step %while3A_323 iter_args(%while3A_366 = %while3A_322) -> (i32)  : i32 {
            %mul3A_367 = arith.constant 64 : i32
            %mul3A_368 = arith.muli %while3A_365, %mul3A_367 : i32
            %add3A_369 = arith.constant 0 : i32
            %add3A_370 = arith.addi %mul3A_368, %add3A_369 : i32
            %get3A_371 = arith.index_cast %add3A_370 : i32 to index
            %get3A_372 = tpu.vector_load %arg8[%get3A_371] {strides = array<i32>} : memref<4224xi32, #tpu.memory_space<vmem>>, vector<16xi32>,
            %get3A_373 = arith.index_cast %add3A_370 : i32 to index
            %get3A_374 = tpu.vector_load %arg9[%get3A_373] {strides = array<i32>} : memref<4224xi32, #tpu.memory_space<vmem>>, vector<16xi32>,
            %shift_right_logical3A_375 = arith.constant 12 : i32
            %shift_right_logical3A_376 = vector.broadcast %shift_right_logical3A_375 : i32 to vector<16xi32>
            %shift_right_logical3A_377 = arith.shrui %get3A_374, %shift_right_logical3A_376 : vector<16xi32>
            %eq3A_378 = vector.broadcast %or3A_266 : i32 to vector<16xi32>
            %eq3A_379 = arith.cmpi eq, %get3A_372, %eq3A_378 : vector<16xi32>
            %eq3A_380 = arith.constant 0 : i32
            %eq3A_381 = vector.broadcast %eq3A_380 : i32 to vector<16xi32>
            %eq3A_382 = arith.cmpi eq, %shift_right_logical3A_377, %eq3A_381 : vector<16xi32>
            %and3A_383 = arith.andi %eq3A_379, %eq3A_382 : vector<16xi1>
            %shift_right_logical3A_384 = arith.constant 6 : i32
            %shift_right_logical3A_385 = vector.broadcast %shift_right_logical3A_384 : i32 to vector<16xi32>
            %shift_right_logical3A_386 = arith.shrui %get3A_374, %shift_right_logical3A_385 : vector<16xi32>
            %and3A_387 = arith.constant 63 : i32
            %and3A_388 = vector.broadcast %and3A_387 : i32 to vector<16xi32>
            %and3A_389 = arith.andi %shift_right_logical3A_386, %and3A_388 : vector<16xi32>
            %mul3A_390 = arith.constant 16 : i32
            %mul3A_391 = vector.broadcast %mul3A_390 : i32 to vector<16xi32>
            %mul3A_392 = arith.muli %and3A_389, %mul3A_391 : vector<16xi32>
            %add3A_393 = arith.addi %mul3A_392, %iota3A : vector<16xi32>
            tpu.vector_store_idx %arg7[%add3A_393], %add3A_31 masked %and3A_383 {add = true} : memref<4096xi32, #tpu.memory_space<vmem>>[vector<16xi32>], vector<16xi32>, vector<16xi1>
            %mul3A_394 = arith.constant 64 : i32
            %mul3A_395 = arith.muli %while3A_365, %mul3A_394 : i32
            %add3A_396 = arith.constant 16 : i32
            %add3A_397 = arith.addi %mul3A_395, %add3A_396 : i32
            %get3A_398 = arith.index_cast %add3A_397 : i32 to index
            %get3A_399 = tpu.vector_load %arg8[%get3A_398] {strides = array<i32>} : memref<4224xi32, #tpu.memory_space<vmem>>, vector<16xi32>,
            %get3A_400 = arith.index_cast %add3A_397 : i32 to index
            %get3A_401 = tpu.vector_load %arg9[%get3A_400] {strides = array<i32>} : memref<4224xi32, #tpu.memory_space<vmem>>, vector<16xi32>,
            %shift_right_logical3A_402 = arith.constant 12 : i32
            %shift_right_logical3A_403 = vector.broadcast %shift_right_logical3A_402 : i32 to vector<16xi32>
            %shift_right_logical3A_404 = arith.shrui %get3A_401, %shift_right_logical3A_403 : vector<16xi32>
            %eq3A_405 = vector.broadcast %or3A_266 : i32 to vector<16xi32>
            %eq3A_406 = arith.cmpi eq, %get3A_399, %eq3A_405 : vector<16xi32>
            %eq3A_407 = arith.constant 0 : i32
            %eq3A_408 = vector.broadcast %eq3A_407 : i32 to vector<16xi32>
            %eq3A_409 = arith.cmpi eq, %shift_right_logical3A_404, %eq3A_408 : vector<16xi32>
            %and3A_410 = arith.andi %eq3A_406, %eq3A_409 : vector<16xi1>
            %shift_right_logical3A_411 = arith.constant 6 : i32
            %shift_right_logical3A_412 = vector.broadcast %shift_right_logical3A_411 : i32 to vector<16xi32>
            %shift_right_logical3A_413 = arith.shrui %get3A_401, %shift_right_logical3A_412 : vector<16xi32>
            %and3A_414 = arith.constant 63 : i32
            %and3A_415 = vector.broadcast %and3A_414 : i32 to vector<16xi32>
            %and3A_416 = arith.andi %shift_right_logical3A_413, %and3A_415 : vector<16xi32>
            %mul3A_417 = arith.constant 16 : i32
            %mul3A_418 = vector.broadcast %mul3A_417 : i32 to vector<16xi32>
            %mul3A_419 = arith.muli %and3A_416, %mul3A_418 : vector<16xi32>
            %add3A_420 = arith.addi %mul3A_419, %iota3A : vector<16xi32>
            tpu.vector_store_idx %arg7[%add3A_420], %add3A_31 masked %and3A_410 {add = true} : memref<4096xi32, #tpu.memory_space<vmem>>[vector<16xi32>], vector<16xi32>, vector<16xi1>
            %mul3A_421 = arith.constant 64 : i32
            %mul3A_422 = arith.muli %while3A_365, %mul3A_421 : i32
            %add3A_423 = arith.constant 32 : i32
            %add3A_424 = arith.addi %mul3A_422, %add3A_423 : i32
            %get3A_425 = arith.index_cast %add3A_424 : i32 to index
            %get3A_426 = tpu.vector_load %arg8[%get3A_425] {strides = array<i32>} : memref<4224xi32, #tpu.memory_space<vmem>>, vector<16xi32>,
            %get3A_427 = arith.index_cast %add3A_424 : i32 to index
            %get3A_428 = tpu.vector_load %arg9[%get3A_427] {strides = array<i32>} : memref<4224xi32, #tpu.memory_space<vmem>>, vector<16xi32>,
            %shift_right_logical3A_429 = arith.constant 12 : i32
            %shift_right_logical3A_430 = vector.broadcast %shift_right_logical3A_429 : i32 to vector<16xi32>
            %shift_right_logical3A_431 = arith.shrui %get3A_428, %shift_right_logical3A_430 : vector<16xi32>
            %eq3A_432 = vector.broadcast %or3A_266 : i32 to vector<16xi32>
            %eq3A_433 = arith.cmpi eq, %get3A_426, %eq3A_432 : vector<16xi32>
            %eq3A_434 = arith.constant 0 : i32
            %eq3A_435 = vector.broadcast %eq3A_434 : i32 to vector<16xi32>
            %eq3A_436 = arith.cmpi eq, %shift_right_logical3A_431, %eq3A_435 : vector<16xi32>
            %and3A_437 = arith.andi %eq3A_433, %eq3A_436 : vector<16xi1>
            %shift_right_logical3A_438 = arith.constant 6 : i32
            %shift_right_logical3A_439 = vector.broadcast %shift_right_logical3A_438 : i32 to vector<16xi32>
            %shift_right_logical3A_440 = arith.shrui %get3A_428, %shift_right_logical3A_439 : vector<16xi32>
            %and3A_441 = arith.constant 63 : i32
            %and3A_442 = vector.broadcast %and3A_441 : i32 to vector<16xi32>
            %and3A_443 = arith.andi %shift_right_logical3A_440, %and3A_442 : vector<16xi32>
            %mul3A_444 = arith.constant 16 : i32
            %mul3A_445 = vector.broadcast %mul3A_444 : i32 to vector<16xi32>
            %mul3A_446 = arith.muli %and3A_443, %mul3A_445 : vector<16xi32>
            %add3A_447 = arith.addi %mul3A_446, %iota3A : vector<16xi32>
            tpu.vector_store_idx %arg7[%add3A_447], %add3A_31 masked %and3A_437 {add = true} : memref<4096xi32, #tpu.memory_space<vmem>>[vector<16xi32>], vector<16xi32>, vector<16xi1>
            %mul3A_448 = arith.constant 64 : i32
            %mul3A_449 = arith.muli %while3A_365, %mul3A_448 : i32
            %add3A_450 = arith.constant 48 : i32
            %add3A_451 = arith.addi %mul3A_449, %add3A_450 : i32
            %get3A_452 = arith.index_cast %add3A_451 : i32 to index
            %get3A_453 = tpu.vector_load %arg8[%get3A_452] {strides = array<i32>} : memref<4224xi32, #tpu.memory_space<vmem>>, vector<16xi32>,
            %get3A_454 = arith.index_cast %add3A_451 : i32 to index
            %get3A_455 = tpu.vector_load %arg9[%get3A_454] {strides = array<i32>} : memref<4224xi32, #tpu.memory_space<vmem>>, vector<16xi32>,
            %shift_right_logical3A_456 = arith.constant 12 : i32
            %shift_right_logical3A_457 = vector.broadcast %shift_right_logical3A_456 : i32 to vector<16xi32>
            %shift_right_logical3A_458 = arith.shrui %get3A_455, %shift_right_logical3A_457 : vector<16xi32>
            %eq3A_459 = vector.broadcast %or3A_266 : i32 to vector<16xi32>
            %eq3A_460 = arith.cmpi eq, %get3A_453, %eq3A_459 : vector<16xi32>
            %eq3A_461 = arith.constant 0 : i32
            %eq3A_462 = vector.broadcast %eq3A_461 : i32 to vector<16xi32>
            %eq3A_463 = arith.cmpi eq, %shift_right_logical3A_458, %eq3A_462 : vector<16xi32>
            %and3A_464 = arith.andi %eq3A_460, %eq3A_463 : vector<16xi1>
            %shift_right_logical3A_465 = arith.constant 6 : i32
            %shift_right_logical3A_466 = vector.broadcast %shift_right_logical3A_465 : i32 to vector<16xi32>
            %shift_right_logical3A_467 = arith.shrui %get3A_455, %shift_right_logical3A_466 : vector<16xi32>
            %and3A_468 = arith.constant 63 : i32
            %and3A_469 = vector.broadcast %and3A_468 : i32 to vector<16xi32>
            %and3A_470 = arith.andi %shift_right_logical3A_467, %and3A_469 : vector<16xi32>
            %mul3A_471 = arith.constant 16 : i32
            %mul3A_472 = vector.broadcast %mul3A_471 : i32 to vector<16xi32>
            %mul3A_473 = arith.muli %and3A_470, %mul3A_472 : vector<16xi32>
            %add3A_474 = arith.addi %mul3A_473, %iota3A : vector<16xi32>
            tpu.vector_store_idx %arg7[%add3A_474], %add3A_31 masked %and3A_464 {add = true} : memref<4096xi32, #tpu.memory_space<vmem>>[vector<16xi32>], vector<16xi32>, vector<16xi1>
            %while3A_475 = arith.constant 0 : i32
            scf.yield %while3A_475 : i32
          }
          %scan3A_325 = arith.constant false
          %scan3A_326 = arith.constant 0 : i32
          %scan3A_327 = arith.constant 0 : i32
          %scan3A_328 = arith.constant 0 : i32
          %scan3A_329 = arith.constant 4 : i32
          %scan3A_330 = arith.addi %scan3A_328, %scan3A_329 : i32
          %scan3A_331 = arith.constant 1 : i32
          %scan3A_332:4 = scf.for %scan3A_365 = %scan3A_328 to %scan3A_330 step %scan3A_331 iter_args(%scan3A_366 = %scan3A_325, %scan3A_367 = %scan3A_326, %scan3A_368 = %scan3A_262#2, %scan3A_369 = %scan3A_327) -> (i1, i32, i32, i32)  : i32 {
            %mul3A_370 = arith.constant 16 : i32
            %mul3A_371 = arith.muli %scan3A_365, %mul3A_370 : i32
            %add3A_372 = vector.broadcast %mul3A_371 : i32 to vector<16xi32>
            %add3A_373 = arith.addi %add3A_372, %iota3A : vector<16xi32>
            %mul3A_374 = arith.constant 16 : i32
            %mul3A_375 = vector.broadcast %mul3A_374 : i32 to vector<16xi32>
            %mul3A_376 = arith.muli %add3A_373, %mul3A_375 : vector<16xi32>
            %add3A_377 = arith.constant 0 : i32
            %add3A_378 = vector.broadcast %add3A_377 : i32 to vector<16xi32>
            %add3A_379 = arith.addi %mul3A_376, %add3A_378 : vector<16xi32>
            %gather3A = tpu.vector_load_idx %arg7[%add3A_379] : memref<4096xi32, #tpu.memory_space<vmem>>[vector<16xi32>], vector<16xi32>,
            %add3A_380 = arith.addi %and3A_28, %gather3A : vector<16xi32>
            %add3A_381 = arith.constant 1 : i32
            %add3A_382 = vector.broadcast %add3A_381 : i32 to vector<16xi32>
            %add3A_383 = arith.addi %mul3A_376, %add3A_382 : vector<16xi32>
            %gather3A_384 = tpu.vector_load_idx %arg7[%add3A_383] : memref<4096xi32, #tpu.memory_space<vmem>>[vector<16xi32>], vector<16xi32>,
            %add3A_385 = arith.addi %add3A_380, %gather3A_384 : vector<16xi32>
            %add3A_386 = arith.constant 2 : i32
            %add3A_387 = vector.broadcast %add3A_386 : i32 to vector<16xi32>
            %add3A_388 = arith.addi %mul3A_376, %add3A_387 : vector<16xi32>
            %gather3A_389 = tpu.vector_load_idx %arg7[%add3A_388] : memref<4096xi32, #tpu.memory_space<vmem>>[vector<16xi32>], vector<16xi32>,
            %add3A_390 = arith.addi %add3A_385, %gather3A_389 : vector<16xi32>
            %add3A_391 = arith.constant 3 : i32
            %add3A_392 = vector.broadcast %add3A_391 : i32 to vector<16xi32>
            %add3A_393 = arith.addi %mul3A_376, %add3A_392 : vector<16xi32>
            %gather3A_394 = tpu.vector_load_idx %arg7[%add3A_393] : memref<4096xi32, #tpu.memory_space<vmem>>[vector<16xi32>], vector<16xi32>,
            %add3A_395 = arith.addi %add3A_390, %gather3A_394 : vector<16xi32>
            %add3A_396 = arith.constant 4 : i32
            %add3A_397 = vector.broadcast %add3A_396 : i32 to vector<16xi32>
            %add3A_398 = arith.addi %mul3A_376, %add3A_397 : vector<16xi32>
            %gather3A_399 = tpu.vector_load_idx %arg7[%add3A_398] : memref<4096xi32, #tpu.memory_space<vmem>>[vector<16xi32>], vector<16xi32>,
            %add3A_400 = arith.addi %add3A_395, %gather3A_399 : vector<16xi32>
            %add3A_401 = arith.constant 5 : i32
            %add3A_402 = vector.broadcast %add3A_401 : i32 to vector<16xi32>
            %add3A_403 = arith.addi %mul3A_376, %add3A_402 : vector<16xi32>
            %gather3A_404 = tpu.vector_load_idx %arg7[%add3A_403] : memref<4096xi32, #tpu.memory_space<vmem>>[vector<16xi32>], vector<16xi32>,
            %add3A_405 = arith.addi %add3A_400, %gather3A_404 : vector<16xi32>
            %add3A_406 = arith.constant 6 : i32
            %add3A_407 = vector.broadcast %add3A_406 : i32 to vector<16xi32>
            %add3A_408 = arith.addi %mul3A_376, %add3A_407 : vector<16xi32>
            %gather3A_409 = tpu.vector_load_idx %arg7[%add3A_408] : memref<4096xi32, #tpu.memory_space<vmem>>[vector<16xi32>], vector<16xi32>,
            %add3A_410 = arith.addi %add3A_405, %gather3A_409 : vector<16xi32>
            %add3A_411 = arith.constant 7 : i32
            %add3A_412 = vector.broadcast %add3A_411 : i32 to vector<16xi32>
            %add3A_413 = arith.addi %mul3A_376, %add3A_412 : vector<16xi32>
            %gather3A_414 = tpu.vector_load_idx %arg7[%add3A_413] : memref<4096xi32, #tpu.memory_space<vmem>>[vector<16xi32>], vector<16xi32>,
            %add3A_415 = arith.addi %add3A_410, %gather3A_414 : vector<16xi32>
            %add3A_416 = arith.constant 8 : i32
            %add3A_417 = vector.broadcast %add3A_416 : i32 to vector<16xi32>
            %add3A_418 = arith.addi %mul3A_376, %add3A_417 : vector<16xi32>
            %gather3A_419 = tpu.vector_load_idx %arg7[%add3A_418] : memref<4096xi32, #tpu.memory_space<vmem>>[vector<16xi32>], vector<16xi32>,
            %add3A_420 = arith.addi %add3A_415, %gather3A_419 : vector<16xi32>
            %add3A_421 = arith.constant 9 : i32
            %add3A_422 = vector.broadcast %add3A_421 : i32 to vector<16xi32>
            %add3A_423 = arith.addi %mul3A_376, %add3A_422 : vector<16xi32>
            %gather3A_424 = tpu.vector_load_idx %arg7[%add3A_423] : memref<4096xi32, #tpu.memory_space<vmem>>[vector<16xi32>], vector<16xi32>,
            %add3A_425 = arith.addi %add3A_420, %gather3A_424 : vector<16xi32>
            %add3A_426 = arith.constant 10 : i32
            %add3A_427 = vector.broadcast %add3A_426 : i32 to vector<16xi32>
            %add3A_428 = arith.addi %mul3A_376, %add3A_427 : vector<16xi32>
            %gather3A_429 = tpu.vector_load_idx %arg7[%add3A_428] : memref<4096xi32, #tpu.memory_space<vmem>>[vector<16xi32>], vector<16xi32>,
            %add3A_430 = arith.addi %add3A_425, %gather3A_429 : vector<16xi32>
            %add3A_431 = arith.constant 11 : i32
            %add3A_432 = vector.broadcast %add3A_431 : i32 to vector<16xi32>
            %add3A_433 = arith.addi %mul3A_376, %add3A_432 : vector<16xi32>
            %gather3A_434 = tpu.vector_load_idx %arg7[%add3A_433] : memref<4096xi32, #tpu.memory_space<vmem>>[vector<16xi32>], vector<16xi32>,
            %add3A_435 = arith.addi %add3A_430, %gather3A_434 : vector<16xi32>
            %add3A_436 = arith.constant 12 : i32
            %add3A_437 = vector.broadcast %add3A_436 : i32 to vector<16xi32>
            %add3A_438 = arith.addi %mul3A_376, %add3A_437 : vector<16xi32>
            %gather3A_439 = tpu.vector_load_idx %arg7[%add3A_438] : memref<4096xi32, #tpu.memory_space<vmem>>[vector<16xi32>], vector<16xi32>,
            %add3A_440 = arith.addi %add3A_435, %gather3A_439 : vector<16xi32>
            %add3A_441 = arith.constant 13 : i32
            %add3A_442 = vector.broadcast %add3A_441 : i32 to vector<16xi32>
            %add3A_443 = arith.addi %mul3A_376, %add3A_442 : vector<16xi32>
            %gather3A_444 = tpu.vector_load_idx %arg7[%add3A_443] : memref<4096xi32, #tpu.memory_space<vmem>>[vector<16xi32>], vector<16xi32>,
            %add3A_445 = arith.addi %add3A_440, %gather3A_444 : vector<16xi32>
            %add3A_446 = arith.constant 14 : i32
            %add3A_447 = vector.broadcast %add3A_446 : i32 to vector<16xi32>
            %add3A_448 = arith.addi %mul3A_376, %add3A_447 : vector<16xi32>
            %gather3A_449 = tpu.vector_load_idx %arg7[%add3A_448] : memref<4096xi32, #tpu.memory_space<vmem>>[vector<16xi32>], vector<16xi32>,
            %add3A_450 = arith.addi %add3A_445, %gather3A_449 : vector<16xi32>
            %add3A_451 = arith.constant 15 : i32
            %add3A_452 = vector.broadcast %add3A_451 : i32 to vector<16xi32>
            %add3A_453 = arith.addi %mul3A_376, %add3A_452 : vector<16xi32>
            %gather3A_454 = tpu.vector_load_idx %arg7[%add3A_453] : memref<4096xi32, #tpu.memory_space<vmem>>[vector<16xi32>], vector<16xi32>,
            %add3A_455 = arith.addi %add3A_450, %gather3A_454 : vector<16xi32>
            %broadcast_in_dim3A_456 = arith.constant true
            %broadcast_in_dim3A_457 = vector.broadcast %broadcast_in_dim3A_456 : i1 to vector<16xi1>
            %masked_cumsum3A_458 = tpu.scan <sum>, %add3A_455 masked %broadcast_in_dim3A_457 : vector<16xi32>, vector<16xi1> -> vector<16xi32>
            %add3A_459 = vector.broadcast %scan3A_369 : i32 to vector<16xi32>
            %add3A_460 = arith.addi %add3A_459, %masked_cumsum3A_458 : vector<16xi32>
            %ge3A = vector.broadcast %scan3A_368 : i32 to vector<16xi32>
            %ge3A_461 = arith.cmpi sge, %add3A_460, %ge3A : vector<16xi32>
            %all_reduce_population_count3A = tpu.all_reduce %ge3A_461 {dim = 0 : i64, kind = #tpu.reduction_kind<sum>} : vector<16xi1> -> vector<16xi32>
            %reduce_max3A = arith.constant true
            %reduce_max3A_462 = vector.broadcast %reduce_max3A : i1 to vector<16xi1>
            %reduce_max3A_463 = arith.constant -2147483648 : i32
            %reduce_max3A_464 = vector.broadcast %reduce_max3A_463 : i32 to vector<16xi32>
            %reduce_max3A_465 = arith.xori %all_reduce_population_count3A, %reduce_max3A_464 : vector<16xi32>
            %reduce_max3A_466 = tpu.scan <max>, %reduce_max3A_465 masked %reduce_max3A_462 : vector<16xi32>, vector<16xi1> -> vector<16xi32>
            %reduce_max3A_467 = arith.xori %reduce_max3A_466, %reduce_max3A_464 : vector<16xi32>
            %reduce_max3A_468 = vector.extract %reduce_max3A_467[15] : i32 from vector<16xi32>
            %all_reduce_ffs3A = tpu.all_reduce %ge3A_461 {dim = 0 : i64, kind = #tpu.reduction_kind<find_first_set>} : vector<16xi1> -> vector<16xi32>
            %not3A = arith.constant true
            %not3A_469 = arith.xori %scan3A_366, %not3A : i1
            %gt3A_470 = arith.constant 0 : i32
            %gt3A_471 = arith.cmpi sgt, %reduce_max3A_468, %gt3A_470 : i32
            %and3A_472 = arith.andi %not3A_469, %gt3A_471 : i1
            %mul3A_473 = arith.constant 16 : i32
            %mul3A_474 = arith.muli %scan3A_365, %mul3A_473 : i32
            %reduce_max3A_475 = arith.constant true
            %reduce_max3A_476 = vector.broadcast %reduce_max3A_475 : i1 to vector<16xi1>
            %reduce_max3A_477 = arith.constant -2147483648 : i32
            %reduce_max3A_478 = vector.broadcast %reduce_max3A_477 : i32 to vector<16xi32>
            %reduce_max3A_479 = arith.xori %all_reduce_ffs3A, %reduce_max3A_478 : vector<16xi32>
            %reduce_max3A_480 = tpu.scan <max>, %reduce_max3A_479 masked %reduce_max3A_476 : vector<16xi32>, vector<16xi1> -> vector<16xi32>
            %reduce_max3A_481 = arith.xori %reduce_max3A_480, %reduce_max3A_478 : vector<16xi32>
            %reduce_max3A_482 = vector.extract %reduce_max3A_481[15] : i32 from vector<16xi32>
            %add3A_483 = arith.addi %mul3A_474, %reduce_max3A_482 : i32
            %eq3A_484 = arith.cmpi eq, %iota3A, %all_reduce_ffs3A : vector<16xi32>
            %jit3A_485 = arith.constant 0 : i32
            %broadcast_in_dim3A_486 = vector.broadcast %jit3A_485 : i32 to vector<16xi32>
            %select_n3A_487 = arith.select %eq3A_484, %add3A_460, %broadcast_in_dim3A_486 : vector<16xi1>, vector<16xi32>
            %reduce_sum3A_488 = arith.constant true
            %reduce_sum3A_489 = vector.broadcast %reduce_sum3A_488 : i1 to vector<16xi1>
            %reduce_sum3A_490 = tpu.scan <sum>, %select_n3A_487 masked %reduce_sum3A_489 : vector<16xi32>, vector<16xi1> -> vector<16xi32>
            %reduce_sum3A_491 = vector.extract %reduce_sum3A_490[15] : i32 from vector<16xi32>
            %eq3A_492 = arith.cmpi eq, %iota3A, %all_reduce_ffs3A : vector<16xi32>
            %jit3A_493 = arith.constant 0 : i32
            %broadcast_in_dim3A_494 = vector.broadcast %jit3A_493 : i32 to vector<16xi32>
            %select_n3A_495 = arith.select %eq3A_492, %add3A_455, %broadcast_in_dim3A_494 : vector<16xi1>, vector<16xi32>
            %reduce_sum3A_496 = arith.constant true
            %reduce_sum3A_497 = vector.broadcast %reduce_sum3A_496 : i1 to vector<16xi1>
            %reduce_sum3A_498 = tpu.scan <sum>, %select_n3A_495 masked %reduce_sum3A_497 : vector<16xi32>, vector<16xi1> -> vector<16xi32>
            %reduce_sum3A_499 = vector.extract %reduce_sum3A_498[15] : i32 from vector<16xi32>
            %sub3A_500 = arith.subi %reduce_sum3A_491, %reduce_sum3A_499 : i32
            %select_n3A_501 = arith.select %and3A_472, %add3A_483, %scan3A_367 : i32
            %sub3A_502 = arith.subi %scan3A_368, %sub3A_500 : i32
            %select_n3A_503 = arith.select %and3A_472, %sub3A_502, %scan3A_368 : i32
            %gt3A_504 = arith.constant 0 : i32
            %gt3A_505 = arith.cmpi sgt, %reduce_max3A_468, %gt3A_504 : i32
            %or3A_506 = arith.ori %scan3A_366, %gt3A_505 : i1
            %eq3A_507 = arith.constant 15 : i32
            %eq3A_508 = vector.broadcast %eq3A_507 : i32 to vector<16xi32>
            %eq3A_509 = arith.cmpi eq, %iota3A, %eq3A_508 : vector<16xi32>
            %jit3A_510 = arith.constant 0 : i32
            %broadcast_in_dim3A_511 = vector.broadcast %jit3A_510 : i32 to vector<16xi32>
            %select_n3A_512 = arith.select %eq3A_509, %masked_cumsum3A_458, %broadcast_in_dim3A_511 : vector<16xi1>, vector<16xi32>
            %reduce_sum3A_513 = arith.constant true
            %reduce_sum3A_514 = vector.broadcast %reduce_sum3A_513 : i1 to vector<16xi1>
            %reduce_sum3A_515 = tpu.scan <sum>, %select_n3A_512 masked %reduce_sum3A_514 : vector<16xi32>, vector<16xi1> -> vector<16xi32>
            %reduce_sum3A_516 = vector.extract %reduce_sum3A_515[15] : i32 from vector<16xi32>
            %add3A_517 = arith.addi %scan3A_369, %reduce_sum3A_516 : i32
            scf.yield %or3A_506, %select_n3A_501, %select_n3A_503, %add3A_517 : i1, i32, i32, i32
          }
          %scan3A_333 = arith.constant 4 : i32
          %scan3A_334 = arith.constant 0 : i32
          %scan3A_335 = arith.constant 0 : i32
          %scan3A_336 = arith.constant 64 : i32
          %scan3A_337 = arith.addi %scan3A_335, %scan3A_336 : i32
          %scan3A_338 = arith.constant 4 : i32
          %scan3A_339 = scf.for %scan3A_365 = %scan3A_335 to %scan3A_337 step %scan3A_338 iter_args(%scan3A_366 = %scan3A_334) -> (i32)  : i32 {
            %mul3A_367 = arith.constant 16 : i32
            %mul3A_368 = arith.muli %scan3A_365, %mul3A_367 : i32
            %swap3A_369 = arith.index_cast %mul3A_368 : i32 to index
            %swap3A_370 = tpu.vector_load %arg7[%swap3A_369] {strides = array<i32>} : memref<4096xi32, #tpu.memory_space<vmem>>, vector<16xi32>,
            tpu.vector_store %arg7[%swap3A_369], %and3A_28 {strides = array<i32>} : memref<4096xi32, #tpu.memory_space<vmem>>, vector<16xi32>,
            %scan3A_371 = arith.constant 0 : i32
            %scan3A_372 = arith.constant 1 : i32
            %scan3A_373 = arith.addi %scan3A_365, %scan3A_372 : i32
            %mul3A_374 = arith.constant 16 : i32
            %mul3A_375 = arith.muli %scan3A_373, %mul3A_374 : i32
            %swap3A_376 = arith.index_cast %mul3A_375 : i32 to index
            %swap3A_377 = tpu.vector_load %arg7[%swap3A_376] {strides = array<i32>} : memref<4096xi32, #tpu.memory_space<vmem>>, vector<16xi32>,
            tpu.vector_store %arg7[%swap3A_376], %and3A_28 {strides = array<i32>} : memref<4096xi32, #tpu.memory_space<vmem>>, vector<16xi32>,
            %scan3A_378 = arith.constant 0 : i32
            %scan3A_379 = arith.constant 2 : i32
            %scan3A_380 = arith.addi %scan3A_365, %scan3A_379 : i32
            %mul3A_381 = arith.constant 16 : i32
            %mul3A_382 = arith.muli %scan3A_380, %mul3A_381 : i32
            %swap3A_383 = arith.index_cast %mul3A_382 : i32 to index
            %swap3A_384 = tpu.vector_load %arg7[%swap3A_383] {strides = array<i32>} : memref<4096xi32, #tpu.memory_space<vmem>>, vector<16xi32>,
            tpu.vector_store %arg7[%swap3A_383], %and3A_28 {strides = array<i32>} : memref<4096xi32, #tpu.memory_space<vmem>>, vector<16xi32>,
            %scan3A_385 = arith.constant 0 : i32
            %scan3A_386 = arith.constant 3 : i32
            %scan3A_387 = arith.addi %scan3A_365, %scan3A_386 : i32
            %mul3A_388 = arith.constant 16 : i32
            %mul3A_389 = arith.muli %scan3A_387, %mul3A_388 : i32
            %swap3A_390 = arith.index_cast %mul3A_389 : i32 to index
            %swap3A_391 = tpu.vector_load %arg7[%swap3A_390] {strides = array<i32>} : memref<4096xi32, #tpu.memory_space<vmem>>, vector<16xi32>,
            tpu.vector_store %arg7[%swap3A_390], %and3A_28 {strides = array<i32>} : memref<4096xi32, #tpu.memory_space<vmem>>, vector<16xi32>,
            %scan3A_392 = arith.constant 0 : i32
            scf.yield %scan3A_392 : i32
          }
          %scan3A_340 = arith.constant 64 : i32
          %while3A_341 = arith.constant 0 : i32
          %while3A_342 = arith.constant 0 : i32
          %while3A_343 = arith.subi %shift_right_logical3A_298, %while3A_341 : i32
          %while3A_344 = arith.addi %while3A_341, %while3A_343 : i32
          %while3A_345 = arith.constant 1 : i32
          %while3A_346 = arith.divsi %while3A_343, %while3A_345 : i32
          %while3A_347 = arith.muli %while3A_346, %while3A_345 : i32
          %while3A_348 = arith.addi %while3A_341, %while3A_347 : i32
          %while3A_349 = arith.constant 1 : i32
          %while3A_350 = scf.for %while3A_365 = %while3A_341 to %while3A_348 step %while3A_349 iter_args(%while3A_366 = %while3A_342) -> (i32)  : i32 {
            %mul3A_367 = arith.constant 64 : i32
            %mul3A_368 = arith.muli %while3A_365, %mul3A_367 : i32
            %add3A_369 = arith.constant 0 : i32
            %add3A_370 = arith.addi %mul3A_368, %add3A_369 : i32
            %get3A_371 = arith.index_cast %add3A_370 : i32 to index
            %get3A_372 = tpu.vector_load %arg8[%get3A_371] {strides = array<i32>} : memref<4224xi32, #tpu.memory_space<vmem>>, vector<16xi32>,
            %get3A_373 = arith.index_cast %add3A_370 : i32 to index
            %get3A_374 = tpu.vector_load %arg9[%get3A_373] {strides = array<i32>} : memref<4224xi32, #tpu.memory_space<vmem>>, vector<16xi32>,
            %shift_right_logical3A_375 = arith.constant 6 : i32
            %shift_right_logical3A_376 = vector.broadcast %shift_right_logical3A_375 : i32 to vector<16xi32>
            %shift_right_logical3A_377 = arith.shrui %get3A_374, %shift_right_logical3A_376 : vector<16xi32>
            %eq3A_378 = vector.broadcast %or3A_266 : i32 to vector<16xi32>
            %eq3A_379 = arith.cmpi eq, %get3A_372, %eq3A_378 : vector<16xi32>
            %eq3A_380 = vector.broadcast %scan3A_332#1 : i32 to vector<16xi32>
            %eq3A_381 = arith.cmpi eq, %shift_right_logical3A_377, %eq3A_380 : vector<16xi32>
            %and3A_382 = arith.andi %eq3A_379, %eq3A_381 : vector<16xi1>
            %shift_right_logical3A_383 = arith.constant 0 : i32
            %shift_right_logical3A_384 = vector.broadcast %shift_right_logical3A_383 : i32 to vector<16xi32>
            %shift_right_logical3A_385 = arith.shrui %get3A_374, %shift_right_logical3A_384 : vector<16xi32>
            %and3A_386 = arith.constant 63 : i32
            %and3A_387 = vector.broadcast %and3A_386 : i32 to vector<16xi32>
            %and3A_388 = arith.andi %shift_right_logical3A_385, %and3A_387 : vector<16xi32>
            %mul3A_389 = arith.constant 16 : i32
            %mul3A_390 = vector.broadcast %mul3A_389 : i32 to vector<16xi32>
            %mul3A_391 = arith.muli %and3A_388, %mul3A_390 : vector<16xi32>
            %add3A_392 = arith.addi %mul3A_391, %iota3A : vector<16xi32>
            tpu.vector_store_idx %arg7[%add3A_392], %add3A_31 masked %and3A_382 {add = true} : memref<4096xi32, #tpu.memory_space<vmem>>[vector<16xi32>], vector<16xi32>, vector<16xi1>
            %mul3A_393 = arith.constant 64 : i32
            %mul3A_394 = arith.muli %while3A_365, %mul3A_393 : i32
            %add3A_395 = arith.constant 16 : i32
            %add3A_396 = arith.addi %mul3A_394, %add3A_395 : i32
            %get3A_397 = arith.index_cast %add3A_396 : i32 to index
            %get3A_398 = tpu.vector_load %arg8[%get3A_397] {strides = array<i32>} : memref<4224xi32, #tpu.memory_space<vmem>>, vector<16xi32>,
            %get3A_399 = arith.index_cast %add3A_396 : i32 to index
            %get3A_400 = tpu.vector_load %arg9[%get3A_399] {strides = array<i32>} : memref<4224xi32, #tpu.memory_space<vmem>>, vector<16xi32>,
            %shift_right_logical3A_401 = arith.constant 6 : i32
            %shift_right_logical3A_402 = vector.broadcast %shift_right_logical3A_401 : i32 to vector<16xi32>
            %shift_right_logical3A_403 = arith.shrui %get3A_400, %shift_right_logical3A_402 : vector<16xi32>
            %eq3A_404 = vector.broadcast %or3A_266 : i32 to vector<16xi32>
            %eq3A_405 = arith.cmpi eq, %get3A_398, %eq3A_404 : vector<16xi32>
            %eq3A_406 = vector.broadcast %scan3A_332#1 : i32 to vector<16xi32>
            %eq3A_407 = arith.cmpi eq, %shift_right_logical3A_403, %eq3A_406 : vector<16xi32>
            %and3A_408 = arith.andi %eq3A_405, %eq3A_407 : vector<16xi1>
            %shift_right_logical3A_409 = arith.constant 0 : i32
            %shift_right_logical3A_410 = vector.broadcast %shift_right_logical3A_409 : i32 to vector<16xi32>
            %shift_right_logical3A_411 = arith.shrui %get3A_400, %shift_right_logical3A_410 : vector<16xi32>
            %and3A_412 = arith.constant 63 : i32
            %and3A_413 = vector.broadcast %and3A_412 : i32 to vector<16xi32>
            %and3A_414 = arith.andi %shift_right_logical3A_411, %and3A_413 : vector<16xi32>
            %mul3A_415 = arith.constant 16 : i32
            %mul3A_416 = vector.broadcast %mul3A_415 : i32 to vector<16xi32>
            %mul3A_417 = arith.muli %and3A_414, %mul3A_416 : vector<16xi32>
            %add3A_418 = arith.addi %mul3A_417, %iota3A : vector<16xi32>
            tpu.vector_store_idx %arg7[%add3A_418], %add3A_31 masked %and3A_408 {add = true} : memref<4096xi32, #tpu.memory_space<vmem>>[vector<16xi32>], vector<16xi32>, vector<16xi1>
            %mul3A_419 = arith.constant 64 : i32
            %mul3A_420 = arith.muli %while3A_365, %mul3A_419 : i32
            %add3A_421 = arith.constant 32 : i32
            %add3A_422 = arith.addi %mul3A_420, %add3A_421 : i32
            %get3A_423 = arith.index_cast %add3A_422 : i32 to index
            %get3A_424 = tpu.vector_load %arg8[%get3A_423] {strides = array<i32>} : memref<4224xi32, #tpu.memory_space<vmem>>, vector<16xi32>,
            %get3A_425 = arith.index_cast %add3A_422 : i32 to index
            %get3A_426 = tpu.vector_load %arg9[%get3A_425] {strides = array<i32>} : memref<4224xi32, #tpu.memory_space<vmem>>, vector<16xi32>,
            %shift_right_logical3A_427 = arith.constant 6 : i32
            %shift_right_logical3A_428 = vector.broadcast %shift_right_logical3A_427 : i32 to vector<16xi32>
            %shift_right_logical3A_429 = arith.shrui %get3A_426, %shift_right_logical3A_428 : vector<16xi32>
            %eq3A_430 = vector.broadcast %or3A_266 : i32 to vector<16xi32>
            %eq3A_431 = arith.cmpi eq, %get3A_424, %eq3A_430 : vector<16xi32>
            %eq3A_432 = vector.broadcast %scan3A_332#1 : i32 to vector<16xi32>
            %eq3A_433 = arith.cmpi eq, %shift_right_logical3A_429, %eq3A_432 : vector<16xi32>
            %and3A_434 = arith.andi %eq3A_431, %eq3A_433 : vector<16xi1>
            %shift_right_logical3A_435 = arith.constant 0 : i32
            %shift_right_logical3A_436 = vector.broadcast %shift_right_logical3A_435 : i32 to vector<16xi32>
            %shift_right_logical3A_437 = arith.shrui %get3A_426, %shift_right_logical3A_436 : vector<16xi32>
            %and3A_438 = arith.constant 63 : i32
            %and3A_439 = vector.broadcast %and3A_438 : i32 to vector<16xi32>
            %and3A_440 = arith.andi %shift_right_logical3A_437, %and3A_439 : vector<16xi32>
            %mul3A_441 = arith.constant 16 : i32
            %mul3A_442 = vector.broadcast %mul3A_441 : i32 to vector<16xi32>
            %mul3A_443 = arith.muli %and3A_440, %mul3A_442 : vector<16xi32>
            %add3A_444 = arith.addi %mul3A_443, %iota3A : vector<16xi32>
            tpu.vector_store_idx %arg7[%add3A_444], %add3A_31 masked %and3A_434 {add = true} : memref<4096xi32, #tpu.memory_space<vmem>>[vector<16xi32>], vector<16xi32>, vector<16xi1>
            %mul3A_445 = arith.constant 64 : i32
            %mul3A_446 = arith.muli %while3A_365, %mul3A_445 : i32
            %add3A_447 = arith.constant 48 : i32
            %add3A_448 = arith.addi %mul3A_446, %add3A_447 : i32
            %get3A_449 = arith.index_cast %add3A_448 : i32 to index
            %get3A_450 = tpu.vector_load %arg8[%get3A_449] {strides = array<i32>} : memref<4224xi32, #tpu.memory_space<vmem>>, vector<16xi32>,
            %get3A_451 = arith.index_cast %add3A_448 : i32 to index
            %get3A_452 = tpu.vector_load %arg9[%get3A_451] {strides = array<i32>} : memref<4224xi32, #tpu.memory_space<vmem>>, vector<16xi32>,
            %shift_right_logical3A_453 = arith.constant 6 : i32
            %shift_right_logical3A_454 = vector.broadcast %shift_right_logical3A_453 : i32 to vector<16xi32>
            %shift_right_logical3A_455 = arith.shrui %get3A_452, %shift_right_logical3A_454 : vector<16xi32>
            %eq3A_456 = vector.broadcast %or3A_266 : i32 to vector<16xi32>
            %eq3A_457 = arith.cmpi eq, %get3A_450, %eq3A_456 : vector<16xi32>
            %eq3A_458 = vector.broadcast %scan3A_332#1 : i32 to vector<16xi32>
            %eq3A_459 = arith.cmpi eq, %shift_right_logical3A_455, %eq3A_458 : vector<16xi32>
            %and3A_460 = arith.andi %eq3A_457, %eq3A_459 : vector<16xi1>
            %shift_right_logical3A_461 = arith.constant 0 : i32
            %shift_right_logical3A_462 = vector.broadcast %shift_right_logical3A_461 : i32 to vector<16xi32>
            %shift_right_logical3A_463 = arith.shrui %get3A_452, %shift_right_logical3A_462 : vector<16xi32>
            %and3A_464 = arith.constant 63 : i32
            %and3A_465 = vector.broadcast %and3A_464 : i32 to vector<16xi32>
            %and3A_466 = arith.andi %shift_right_logical3A_463, %and3A_465 : vector<16xi32>
            %mul3A_467 = arith.constant 16 : i32
            %mul3A_468 = vector.broadcast %mul3A_467 : i32 to vector<16xi32>
            %mul3A_469 = arith.muli %and3A_466, %mul3A_468 : vector<16xi32>
            %add3A_470 = arith.addi %mul3A_469, %iota3A : vector<16xi32>
            tpu.vector_store_idx %arg7[%add3A_470], %add3A_31 masked %and3A_460 {add = true} : memref<4096xi32, #tpu.memory_space<vmem>>[vector<16xi32>], vector<16xi32>, vector<16xi1>
            %while3A_471 = arith.constant 0 : i32
            scf.yield %while3A_471 : i32
          }
          %while3A_351 = arith.constant 1 : i32
          %while3A_352 = scf.for %while3A_365 = %while3A_348 to %while3A_344 step %while3A_351 iter_args(%while3A_366 = %while3A_350) -> (i32)  : i32 {
            %mul3A_367 = arith.constant 64 : i32
            %mul3A_368 = arith.muli %while3A_365, %mul3A_367 : i32
            %add3A_369 = arith.constant 0 : i32
            %add3A_370 = arith.addi %mul3A_368, %add3A_369 : i32
            %get3A_371 = arith.index_cast %add3A_370 : i32 to index
            %get3A_372 = tpu.vector_load %arg8[%get3A_371] {strides = array<i32>} : memref<4224xi32, #tpu.memory_space<vmem>>, vector<16xi32>,
            %get3A_373 = arith.index_cast %add3A_370 : i32 to index
            %get3A_374 = tpu.vector_load %arg9[%get3A_373] {strides = array<i32>} : memref<4224xi32, #tpu.memory_space<vmem>>, vector<16xi32>,
            %shift_right_logical3A_375 = arith.constant 6 : i32
            %shift_right_logical3A_376 = vector.broadcast %shift_right_logical3A_375 : i32 to vector<16xi32>
            %shift_right_logical3A_377 = arith.shrui %get3A_374, %shift_right_logical3A_376 : vector<16xi32>
            %eq3A_378 = vector.broadcast %or3A_266 : i32 to vector<16xi32>
            %eq3A_379 = arith.cmpi eq, %get3A_372, %eq3A_378 : vector<16xi32>
            %eq3A_380 = vector.broadcast %scan3A_332#1 : i32 to vector<16xi32>
            %eq3A_381 = arith.cmpi eq, %shift_right_logical3A_377, %eq3A_380 : vector<16xi32>
            %and3A_382 = arith.andi %eq3A_379, %eq3A_381 : vector<16xi1>
            %shift_right_logical3A_383 = arith.constant 0 : i32
            %shift_right_logical3A_384 = vector.broadcast %shift_right_logical3A_383 : i32 to vector<16xi32>
            %shift_right_logical3A_385 = arith.shrui %get3A_374, %shift_right_logical3A_384 : vector<16xi32>
            %and3A_386 = arith.constant 63 : i32
            %and3A_387 = vector.broadcast %and3A_386 : i32 to vector<16xi32>
            %and3A_388 = arith.andi %shift_right_logical3A_385, %and3A_387 : vector<16xi32>
            %mul3A_389 = arith.constant 16 : i32
            %mul3A_390 = vector.broadcast %mul3A_389 : i32 to vector<16xi32>
            %mul3A_391 = arith.muli %and3A_388, %mul3A_390 : vector<16xi32>
            %add3A_392 = arith.addi %mul3A_391, %iota3A : vector<16xi32>
            tpu.vector_store_idx %arg7[%add3A_392], %add3A_31 masked %and3A_382 {add = true} : memref<4096xi32, #tpu.memory_space<vmem>>[vector<16xi32>], vector<16xi32>, vector<16xi1>
            %mul3A_393 = arith.constant 64 : i32
            %mul3A_394 = arith.muli %while3A_365, %mul3A_393 : i32
            %add3A_395 = arith.constant 16 : i32
            %add3A_396 = arith.addi %mul3A_394, %add3A_395 : i32
            %get3A_397 = arith.index_cast %add3A_396 : i32 to index
            %get3A_398 = tpu.vector_load %arg8[%get3A_397] {strides = array<i32>} : memref<4224xi32, #tpu.memory_space<vmem>>, vector<16xi32>,
            %get3A_399 = arith.index_cast %add3A_396 : i32 to index
            %get3A_400 = tpu.vector_load %arg9[%get3A_399] {strides = array<i32>} : memref<4224xi32, #tpu.memory_space<vmem>>, vector<16xi32>,
            %shift_right_logical3A_401 = arith.constant 6 : i32
            %shift_right_logical3A_402 = vector.broadcast %shift_right_logical3A_401 : i32 to vector<16xi32>
            %shift_right_logical3A_403 = arith.shrui %get3A_400, %shift_right_logical3A_402 : vector<16xi32>
            %eq3A_404 = vector.broadcast %or3A_266 : i32 to vector<16xi32>
            %eq3A_405 = arith.cmpi eq, %get3A_398, %eq3A_404 : vector<16xi32>
            %eq3A_406 = vector.broadcast %scan3A_332#1 : i32 to vector<16xi32>
            %eq3A_407 = arith.cmpi eq, %shift_right_logical3A_403, %eq3A_406 : vector<16xi32>
            %and3A_408 = arith.andi %eq3A_405, %eq3A_407 : vector<16xi1>
            %shift_right_logical3A_409 = arith.constant 0 : i32
            %shift_right_logical3A_410 = vector.broadcast %shift_right_logical3A_409 : i32 to vector<16xi32>
            %shift_right_logical3A_411 = arith.shrui %get3A_400, %shift_right_logical3A_410 : vector<16xi32>
            %and3A_412 = arith.constant 63 : i32
            %and3A_413 = vector.broadcast %and3A_412 : i32 to vector<16xi32>
            %and3A_414 = arith.andi %shift_right_logical3A_411, %and3A_413 : vector<16xi32>
            %mul3A_415 = arith.constant 16 : i32
            %mul3A_416 = vector.broadcast %mul3A_415 : i32 to vector<16xi32>
            %mul3A_417 = arith.muli %and3A_414, %mul3A_416 : vector<16xi32>
            %add3A_418 = arith.addi %mul3A_417, %iota3A : vector<16xi32>
            tpu.vector_store_idx %arg7[%add3A_418], %add3A_31 masked %and3A_408 {add = true} : memref<4096xi32, #tpu.memory_space<vmem>>[vector<16xi32>], vector<16xi32>, vector<16xi1>
            %mul3A_419 = arith.constant 64 : i32
            %mul3A_420 = arith.muli %while3A_365, %mul3A_419 : i32
            %add3A_421 = arith.constant 32 : i32
            %add3A_422 = arith.addi %mul3A_420, %add3A_421 : i32
            %get3A_423 = arith.index_cast %add3A_422 : i32 to index
            %get3A_424 = tpu.vector_load %arg8[%get3A_423] {strides = array<i32>} : memref<4224xi32, #tpu.memory_space<vmem>>, vector<16xi32>,
            %get3A_425 = arith.index_cast %add3A_422 : i32 to index
            %get3A_426 = tpu.vector_load %arg9[%get3A_425] {strides = array<i32>} : memref<4224xi32, #tpu.memory_space<vmem>>, vector<16xi32>,
            %shift_right_logical3A_427 = arith.constant 6 : i32
            %shift_right_logical3A_428 = vector.broadcast %shift_right_logical3A_427 : i32 to vector<16xi32>
            %shift_right_logical3A_429 = arith.shrui %get3A_426, %shift_right_logical3A_428 : vector<16xi32>
            %eq3A_430 = vector.broadcast %or3A_266 : i32 to vector<16xi32>
            %eq3A_431 = arith.cmpi eq, %get3A_424, %eq3A_430 : vector<16xi32>
            %eq3A_432 = vector.broadcast %scan3A_332#1 : i32 to vector<16xi32>
            %eq3A_433 = arith.cmpi eq, %shift_right_logical3A_429, %eq3A_432 : vector<16xi32>
            %and3A_434 = arith.andi %eq3A_431, %eq3A_433 : vector<16xi1>
            %shift_right_logical3A_435 = arith.constant 0 : i32
            %shift_right_logical3A_436 = vector.broadcast %shift_right_logical3A_435 : i32 to vector<16xi32>
            %shift_right_logical3A_437 = arith.shrui %get3A_426, %shift_right_logical3A_436 : vector<16xi32>
            %and3A_438 = arith.constant 63 : i32
            %and3A_439 = vector.broadcast %and3A_438 : i32 to vector<16xi32>
            %and3A_440 = arith.andi %shift_right_logical3A_437, %and3A_439 : vector<16xi32>
            %mul3A_441 = arith.constant 16 : i32
            %mul3A_442 = vector.broadcast %mul3A_441 : i32 to vector<16xi32>
            %mul3A_443 = arith.muli %and3A_440, %mul3A_442 : vector<16xi32>
            %add3A_444 = arith.addi %mul3A_443, %iota3A : vector<16xi32>
            tpu.vector_store_idx %arg7[%add3A_444], %add3A_31 masked %and3A_434 {add = true} : memref<4096xi32, #tpu.memory_space<vmem>>[vector<16xi32>], vector<16xi32>, vector<16xi1>
            %mul3A_445 = arith.constant 64 : i32
            %mul3A_446 = arith.muli %while3A_365, %mul3A_445 : i32
            %add3A_447 = arith.constant 48 : i32
            %add3A_448 = arith.addi %mul3A_446, %add3A_447 : i32
            %get3A_449 = arith.index_cast %add3A_448 : i32 to index
            %get3A_450 = tpu.vector_load %arg8[%get3A_449] {strides = array<i32>} : memref<4224xi32, #tpu.memory_space<vmem>>, vector<16xi32>,
            %get3A_451 = arith.index_cast %add3A_448 : i32 to index
            %get3A_452 = tpu.vector_load %arg9[%get3A_451] {strides = array<i32>} : memref<4224xi32, #tpu.memory_space<vmem>>, vector<16xi32>,
            %shift_right_logical3A_453 = arith.constant 6 : i32
            %shift_right_logical3A_454 = vector.broadcast %shift_right_logical3A_453 : i32 to vector<16xi32>
            %shift_right_logical3A_455 = arith.shrui %get3A_452, %shift_right_logical3A_454 : vector<16xi32>
            %eq3A_456 = vector.broadcast %or3A_266 : i32 to vector<16xi32>
            %eq3A_457 = arith.cmpi eq, %get3A_450, %eq3A_456 : vector<16xi32>
            %eq3A_458 = vector.broadcast %scan3A_332#1 : i32 to vector<16xi32>
            %eq3A_459 = arith.cmpi eq, %shift_right_logical3A_455, %eq3A_458 : vector<16xi32>
            %and3A_460 = arith.andi %eq3A_457, %eq3A_459 : vector<16xi1>
            %shift_right_logical3A_461 = arith.constant 0 : i32
            %shift_right_logical3A_462 = vector.broadcast %shift_right_logical3A_461 : i32 to vector<16xi32>
            %shift_right_logical3A_463 = arith.shrui %get3A_452, %shift_right_logical3A_462 : vector<16xi32>
            %and3A_464 = arith.constant 63 : i32
            %and3A_465 = vector.broadcast %and3A_464 : i32 to vector<16xi32>
            %and3A_466 = arith.andi %shift_right_logical3A_463, %and3A_465 : vector<16xi32>
            %mul3A_467 = arith.constant 16 : i32
            %mul3A_468 = vector.broadcast %mul3A_467 : i32 to vector<16xi32>
            %mul3A_469 = arith.muli %and3A_466, %mul3A_468 : vector<16xi32>
            %add3A_470 = arith.addi %mul3A_469, %iota3A : vector<16xi32>
            tpu.vector_store_idx %arg7[%add3A_470], %add3A_31 masked %and3A_460 {add = true} : memref<4096xi32, #tpu.memory_space<vmem>>[vector<16xi32>], vector<16xi32>, vector<16xi1>
            %while3A_471 = arith.constant 0 : i32
            scf.yield %while3A_471 : i32
          }
          %scan3A_353 = arith.constant false
          %scan3A_354 = arith.constant 0 : i32
          %scan3A_355 = arith.constant 0 : i32
          %scan3A_356 = arith.constant 0 : i32
          %scan3A_357 = arith.constant 4 : i32
          %scan3A_358 = arith.addi %scan3A_356, %scan3A_357 : i32
          %scan3A_359 = arith.constant 1 : i32
          %scan3A_360:4 = scf.for %scan3A_365 = %scan3A_356 to %scan3A_358 step %scan3A_359 iter_args(%scan3A_366 = %scan3A_353, %scan3A_367 = %scan3A_354, %scan3A_368 = %scan3A_332#2, %scan3A_369 = %scan3A_355) -> (i1, i32, i32, i32)  : i32 {
            %mul3A_370 = arith.constant 16 : i32
            %mul3A_371 = arith.muli %scan3A_365, %mul3A_370 : i32
            %add3A_372 = vector.broadcast %mul3A_371 : i32 to vector<16xi32>
            %add3A_373 = arith.addi %add3A_372, %iota3A : vector<16xi32>
            %mul3A_374 = arith.constant 16 : i32
            %mul3A_375 = vector.broadcast %mul3A_374 : i32 to vector<16xi32>
            %mul3A_376 = arith.muli %add3A_373, %mul3A_375 : vector<16xi32>
            %add3A_377 = arith.constant 0 : i32
            %add3A_378 = vector.broadcast %add3A_377 : i32 to vector<16xi32>
            %add3A_379 = arith.addi %mul3A_376, %add3A_378 : vector<16xi32>
            %gather3A = tpu.vector_load_idx %arg7[%add3A_379] : memref<4096xi32, #tpu.memory_space<vmem>>[vector<16xi32>], vector<16xi32>,
            %add3A_380 = arith.addi %and3A_28, %gather3A : vector<16xi32>
            %add3A_381 = arith.constant 1 : i32
            %add3A_382 = vector.broadcast %add3A_381 : i32 to vector<16xi32>
            %add3A_383 = arith.addi %mul3A_376, %add3A_382 : vector<16xi32>
            %gather3A_384 = tpu.vector_load_idx %arg7[%add3A_383] : memref<4096xi32, #tpu.memory_space<vmem>>[vector<16xi32>], vector<16xi32>,
            %add3A_385 = arith.addi %add3A_380, %gather3A_384 : vector<16xi32>
            %add3A_386 = arith.constant 2 : i32
            %add3A_387 = vector.broadcast %add3A_386 : i32 to vector<16xi32>
            %add3A_388 = arith.addi %mul3A_376, %add3A_387 : vector<16xi32>
            %gather3A_389 = tpu.vector_load_idx %arg7[%add3A_388] : memref<4096xi32, #tpu.memory_space<vmem>>[vector<16xi32>], vector<16xi32>,
            %add3A_390 = arith.addi %add3A_385, %gather3A_389 : vector<16xi32>
            %add3A_391 = arith.constant 3 : i32
            %add3A_392 = vector.broadcast %add3A_391 : i32 to vector<16xi32>
            %add3A_393 = arith.addi %mul3A_376, %add3A_392 : vector<16xi32>
            %gather3A_394 = tpu.vector_load_idx %arg7[%add3A_393] : memref<4096xi32, #tpu.memory_space<vmem>>[vector<16xi32>], vector<16xi32>,
            %add3A_395 = arith.addi %add3A_390, %gather3A_394 : vector<16xi32>
            %add3A_396 = arith.constant 4 : i32
            %add3A_397 = vector.broadcast %add3A_396 : i32 to vector<16xi32>
            %add3A_398 = arith.addi %mul3A_376, %add3A_397 : vector<16xi32>
            %gather3A_399 = tpu.vector_load_idx %arg7[%add3A_398] : memref<4096xi32, #tpu.memory_space<vmem>>[vector<16xi32>], vector<16xi32>,
            %add3A_400 = arith.addi %add3A_395, %gather3A_399 : vector<16xi32>
            %add3A_401 = arith.constant 5 : i32
            %add3A_402 = vector.broadcast %add3A_401 : i32 to vector<16xi32>
            %add3A_403 = arith.addi %mul3A_376, %add3A_402 : vector<16xi32>
            %gather3A_404 = tpu.vector_load_idx %arg7[%add3A_403] : memref<4096xi32, #tpu.memory_space<vmem>>[vector<16xi32>], vector<16xi32>,
            %add3A_405 = arith.addi %add3A_400, %gather3A_404 : vector<16xi32>
            %add3A_406 = arith.constant 6 : i32
            %add3A_407 = vector.broadcast %add3A_406 : i32 to vector<16xi32>
            %add3A_408 = arith.addi %mul3A_376, %add3A_407 : vector<16xi32>
            %gather3A_409 = tpu.vector_load_idx %arg7[%add3A_408] : memref<4096xi32, #tpu.memory_space<vmem>>[vector<16xi32>], vector<16xi32>,
            %add3A_410 = arith.addi %add3A_405, %gather3A_409 : vector<16xi32>
            %add3A_411 = arith.constant 7 : i32
            %add3A_412 = vector.broadcast %add3A_411 : i32 to vector<16xi32>
            %add3A_413 = arith.addi %mul3A_376, %add3A_412 : vector<16xi32>
            %gather3A_414 = tpu.vector_load_idx %arg7[%add3A_413] : memref<4096xi32, #tpu.memory_space<vmem>>[vector<16xi32>], vector<16xi32>,
            %add3A_415 = arith.addi %add3A_410, %gather3A_414 : vector<16xi32>
            %add3A_416 = arith.constant 8 : i32
            %add3A_417 = vector.broadcast %add3A_416 : i32 to vector<16xi32>
            %add3A_418 = arith.addi %mul3A_376, %add3A_417 : vector<16xi32>
            %gather3A_419 = tpu.vector_load_idx %arg7[%add3A_418] : memref<4096xi32, #tpu.memory_space<vmem>>[vector<16xi32>], vector<16xi32>,
            %add3A_420 = arith.addi %add3A_415, %gather3A_419 : vector<16xi32>
            %add3A_421 = arith.constant 9 : i32
            %add3A_422 = vector.broadcast %add3A_421 : i32 to vector<16xi32>
            %add3A_423 = arith.addi %mul3A_376, %add3A_422 : vector<16xi32>
            %gather3A_424 = tpu.vector_load_idx %arg7[%add3A_423] : memref<4096xi32, #tpu.memory_space<vmem>>[vector<16xi32>], vector<16xi32>,
            %add3A_425 = arith.addi %add3A_420, %gather3A_424 : vector<16xi32>
            %add3A_426 = arith.constant 10 : i32
            %add3A_427 = vector.broadcast %add3A_426 : i32 to vector<16xi32>
            %add3A_428 = arith.addi %mul3A_376, %add3A_427 : vector<16xi32>
            %gather3A_429 = tpu.vector_load_idx %arg7[%add3A_428] : memref<4096xi32, #tpu.memory_space<vmem>>[vector<16xi32>], vector<16xi32>,
            %add3A_430 = arith.addi %add3A_425, %gather3A_429 : vector<16xi32>
            %add3A_431 = arith.constant 11 : i32
            %add3A_432 = vector.broadcast %add3A_431 : i32 to vector<16xi32>
            %add3A_433 = arith.addi %mul3A_376, %add3A_432 : vector<16xi32>
            %gather3A_434 = tpu.vector_load_idx %arg7[%add3A_433] : memref<4096xi32, #tpu.memory_space<vmem>>[vector<16xi32>], vector<16xi32>,
            %add3A_435 = arith.addi %add3A_430, %gather3A_434 : vector<16xi32>
            %add3A_436 = arith.constant 12 : i32
            %add3A_437 = vector.broadcast %add3A_436 : i32 to vector<16xi32>
            %add3A_438 = arith.addi %mul3A_376, %add3A_437 : vector<16xi32>
            %gather3A_439 = tpu.vector_load_idx %arg7[%add3A_438] : memref<4096xi32, #tpu.memory_space<vmem>>[vector<16xi32>], vector<16xi32>,
            %add3A_440 = arith.addi %add3A_435, %gather3A_439 : vector<16xi32>
            %add3A_441 = arith.constant 13 : i32
            %add3A_442 = vector.broadcast %add3A_441 : i32 to vector<16xi32>
            %add3A_443 = arith.addi %mul3A_376, %add3A_442 : vector<16xi32>
            %gather3A_444 = tpu.vector_load_idx %arg7[%add3A_443] : memref<4096xi32, #tpu.memory_space<vmem>>[vector<16xi32>], vector<16xi32>,
            %add3A_445 = arith.addi %add3A_440, %gather3A_444 : vector<16xi32>
            %add3A_446 = arith.constant 14 : i32
            %add3A_447 = vector.broadcast %add3A_446 : i32 to vector<16xi32>
            %add3A_448 = arith.addi %mul3A_376, %add3A_447 : vector<16xi32>
            %gather3A_449 = tpu.vector_load_idx %arg7[%add3A_448] : memref<4096xi32, #tpu.memory_space<vmem>>[vector<16xi32>], vector<16xi32>,
            %add3A_450 = arith.addi %add3A_445, %gather3A_449 : vector<16xi32>
            %add3A_451 = arith.constant 15 : i32
            %add3A_452 = vector.broadcast %add3A_451 : i32 to vector<16xi32>
            %add3A_453 = arith.addi %mul3A_376, %add3A_452 : vector<16xi32>
            %gather3A_454 = tpu.vector_load_idx %arg7[%add3A_453] : memref<4096xi32, #tpu.memory_space<vmem>>[vector<16xi32>], vector<16xi32>,
            %add3A_455 = arith.addi %add3A_450, %gather3A_454 : vector<16xi32>
            %broadcast_in_dim3A_456 = arith.constant true
            %broadcast_in_dim3A_457 = vector.broadcast %broadcast_in_dim3A_456 : i1 to vector<16xi1>
            %masked_cumsum3A_458 = tpu.scan <sum>, %add3A_455 masked %broadcast_in_dim3A_457 : vector<16xi32>, vector<16xi1> -> vector<16xi32>
            %add3A_459 = vector.broadcast %scan3A_369 : i32 to vector<16xi32>
            %add3A_460 = arith.addi %add3A_459, %masked_cumsum3A_458 : vector<16xi32>
            %ge3A = vector.broadcast %scan3A_368 : i32 to vector<16xi32>
            %ge3A_461 = arith.cmpi sge, %add3A_460, %ge3A : vector<16xi32>
            %all_reduce_population_count3A = tpu.all_reduce %ge3A_461 {dim = 0 : i64, kind = #tpu.reduction_kind<sum>} : vector<16xi1> -> vector<16xi32>
            %reduce_max3A = arith.constant true
            %reduce_max3A_462 = vector.broadcast %reduce_max3A : i1 to vector<16xi1>
            %reduce_max3A_463 = arith.constant -2147483648 : i32
            %reduce_max3A_464 = vector.broadcast %reduce_max3A_463 : i32 to vector<16xi32>
            %reduce_max3A_465 = arith.xori %all_reduce_population_count3A, %reduce_max3A_464 : vector<16xi32>
            %reduce_max3A_466 = tpu.scan <max>, %reduce_max3A_465 masked %reduce_max3A_462 : vector<16xi32>, vector<16xi1> -> vector<16xi32>
            %reduce_max3A_467 = arith.xori %reduce_max3A_466, %reduce_max3A_464 : vector<16xi32>
            %reduce_max3A_468 = vector.extract %reduce_max3A_467[15] : i32 from vector<16xi32>
            %all_reduce_ffs3A = tpu.all_reduce %ge3A_461 {dim = 0 : i64, kind = #tpu.reduction_kind<find_first_set>} : vector<16xi1> -> vector<16xi32>
            %not3A = arith.constant true
            %not3A_469 = arith.xori %scan3A_366, %not3A : i1
            %gt3A_470 = arith.constant 0 : i32
            %gt3A_471 = arith.cmpi sgt, %reduce_max3A_468, %gt3A_470 : i32
            %and3A_472 = arith.andi %not3A_469, %gt3A_471 : i1
            %mul3A_473 = arith.constant 16 : i32
            %mul3A_474 = arith.muli %scan3A_365, %mul3A_473 : i32
            %reduce_max3A_475 = arith.constant true
            %reduce_max3A_476 = vector.broadcast %reduce_max3A_475 : i1 to vector<16xi1>
            %reduce_max3A_477 = arith.constant -2147483648 : i32
            %reduce_max3A_478 = vector.broadcast %reduce_max3A_477 : i32 to vector<16xi32>
            %reduce_max3A_479 = arith.xori %all_reduce_ffs3A, %reduce_max3A_478 : vector<16xi32>
            %reduce_max3A_480 = tpu.scan <max>, %reduce_max3A_479 masked %reduce_max3A_476 : vector<16xi32>, vector<16xi1> -> vector<16xi32>
            %reduce_max3A_481 = arith.xori %reduce_max3A_480, %reduce_max3A_478 : vector<16xi32>
            %reduce_max3A_482 = vector.extract %reduce_max3A_481[15] : i32 from vector<16xi32>
            %add3A_483 = arith.addi %mul3A_474, %reduce_max3A_482 : i32
            %eq3A_484 = arith.cmpi eq, %iota3A, %all_reduce_ffs3A : vector<16xi32>
            %jit3A_485 = arith.constant 0 : i32
            %broadcast_in_dim3A_486 = vector.broadcast %jit3A_485 : i32 to vector<16xi32>
            %select_n3A_487 = arith.select %eq3A_484, %add3A_460, %broadcast_in_dim3A_486 : vector<16xi1>, vector<16xi32>
            %reduce_sum3A_488 = arith.constant true
            %reduce_sum3A_489 = vector.broadcast %reduce_sum3A_488 : i1 to vector<16xi1>
            %reduce_sum3A_490 = tpu.scan <sum>, %select_n3A_487 masked %reduce_sum3A_489 : vector<16xi32>, vector<16xi1> -> vector<16xi32>
            %reduce_sum3A_491 = vector.extract %reduce_sum3A_490[15] : i32 from vector<16xi32>
            %eq3A_492 = arith.cmpi eq, %iota3A, %all_reduce_ffs3A : vector<16xi32>
            %jit3A_493 = arith.constant 0 : i32
            %broadcast_in_dim3A_494 = vector.broadcast %jit3A_493 : i32 to vector<16xi32>
            %select_n3A_495 = arith.select %eq3A_492, %add3A_455, %broadcast_in_dim3A_494 : vector<16xi1>, vector<16xi32>
            %reduce_sum3A_496 = arith.constant true
            %reduce_sum3A_497 = vector.broadcast %reduce_sum3A_496 : i1 to vector<16xi1>
            %reduce_sum3A_498 = tpu.scan <sum>, %select_n3A_495 masked %reduce_sum3A_497 : vector<16xi32>, vector<16xi1> -> vector<16xi32>
            %reduce_sum3A_499 = vector.extract %reduce_sum3A_498[15] : i32 from vector<16xi32>
            %sub3A_500 = arith.subi %reduce_sum3A_491, %reduce_sum3A_499 : i32
            %select_n3A_501 = arith.select %and3A_472, %add3A_483, %scan3A_367 : i32
            %sub3A_502 = arith.subi %scan3A_368, %sub3A_500 : i32
            %select_n3A_503 = arith.select %and3A_472, %sub3A_502, %scan3A_368 : i32
            %gt3A_504 = arith.constant 0 : i32
            %gt3A_505 = arith.cmpi sgt, %reduce_max3A_468, %gt3A_504 : i32
            %or3A_506 = arith.ori %scan3A_366, %gt3A_505 : i1
            %eq3A_507 = arith.constant 15 : i32
            %eq3A_508 = vector.broadcast %eq3A_507 : i32 to vector<16xi32>
            %eq3A_509 = arith.cmpi eq, %iota3A, %eq3A_508 : vector<16xi32>
            %jit3A_510 = arith.constant 0 : i32
            %broadcast_in_dim3A_511 = vector.broadcast %jit3A_510 : i32 to vector<16xi32>
            %select_n3A_512 = arith.select %eq3A_509, %masked_cumsum3A_458, %broadcast_in_dim3A_511 : vector<16xi1>, vector<16xi32>
            %reduce_sum3A_513 = arith.constant true
            %reduce_sum3A_514 = vector.broadcast %reduce_sum3A_513 : i1 to vector<16xi1>
            %reduce_sum3A_515 = tpu.scan <sum>, %select_n3A_512 masked %reduce_sum3A_514 : vector<16xi32>, vector<16xi1> -> vector<16xi32>
            %reduce_sum3A_516 = vector.extract %reduce_sum3A_515[15] : i32 from vector<16xi32>
            %add3A_517 = arith.addi %scan3A_369, %reduce_sum3A_516 : i32
            scf.yield %or3A_506, %select_n3A_501, %select_n3A_503, %add3A_517 : i1, i32, i32, i32
          }
          %scan3A_361 = arith.constant 4 : i32
          %shift_left3A_362 = arith.constant 6 : i32
          %shift_left3A_363 = arith.shli %scan3A_332#1, %shift_left3A_362 : i32
          %or3A_364 = arith.ori %shift_left3A_363, %scan3A_360#1 : i32
          scf.yield %or3A_364 : i32
        }
        %xor3A = arith.constant -2147483648 : i32
        %xor3A_305 = arith.xori %or3A_266, %xor3A : i32
        scf.yield %xor3A_305, %cond3A_304 : i32, i32
      } else {
        %cond3A_51 = arith.constant -2147483648 : i32
        %cond3A_52 = arith.constant 0 : i32
        scf.yield %cond3A_51, %cond3A_52 : i32, i32
      }
      %eq3A_38 = arith.constant 0 : i32
      %eq3A_39 = vector.broadcast %eq3A_38 : i32 to vector<16xi32>
      %eq3A_40 = arith.cmpi eq, %iota3A, %eq3A_39 : vector<16xi32>
      %eq3A_41 = arith.constant 1 : i32
      %eq3A_42 = vector.broadcast %eq3A_41 : i32 to vector<16xi32>
      %eq3A_43 = arith.cmpi eq, %iota3A, %eq3A_42 : vector<16xi32>
      %jit3A_44 = arith.constant 0 : i32
      %broadcast_in_dim3A_45 = vector.broadcast %cond3A_37#1 : i32 to vector<16xi32>
      %broadcast_in_dim3A_46 = vector.broadcast %jit3A_44 : i32 to vector<16xi32>
      %select_n3A_47 = arith.select %eq3A_43, %broadcast_in_dim3A_45, %broadcast_in_dim3A_46 : vector<16xi1>, vector<16xi32>
      %broadcast_in_dim3A_48 = vector.broadcast %cond3A_37#0 : i32 to vector<16xi32>
      %select_n3A_49 = arith.select %eq3A_40, %broadcast_in_dim3A_48, %select_n3A_47 : vector<16xi1>, vector<16xi32>
      %swap3A = arith.constant 0 : index
      %swap3A_50 = tpu.vector_load %arg11[%swap3A] {strides = array<i32>} : memref<16xi32, #tpu.memory_space<vmem>>, vector<16xi32>,
      tpu.vector_store %arg11[%swap3A], %select_n3A_49 {strides = array<i32>} : memref<16xi32, #tpu.memory_space<vmem>>, vector<16xi32>,
      "tpu.region"() ({
        %run_scoped3A = tpu.sem_alloc : memref<!tpu.dma_semaphore, #tpu.memory_space<semaphore_mem>>
        %dma_start3A = arith.constant 0 : i32
        %dma_start3A_51 = tpu.memref_slice %arg4[%add3A, %dma_start3A] : memref<16x16xi32, #tpu.memory_space<hbm>> -> memref<1x16xi32, #tpu.memory_space<hbm>>
        %dma_start3A_52 = tpu.memref_squeeze %dma_start3A_51 : memref<1x16xi32, #tpu.memory_space<hbm>> -> memref<16xi32, #tpu.memory_space<hbm>>
        %dma_start3A_53 = arith.constant 0 : i32
        %dma_start3A_54 = tpu.memref_slice %arg4[%add3A, %dma_start3A_53] : memref<16x16xi32, #tpu.memory_space<hbm>> -> memref<1x16xi32, #tpu.memory_space<hbm>>
        %dma_start3A_55 = tpu.memref_squeeze %dma_start3A_54 : memref<1x16xi32, #tpu.memory_space<hbm>> -> memref<16xi32, #tpu.memory_space<hbm>>
        tpu.enqueue_dma source(%arg11 : memref<16xi32, #tpu.memory_space<vmem>>) target(%dma_start3A_55 : memref<16xi32, #tpu.memory_space<hbm>>) target_semaphore(%run_scoped3A : memref<!tpu.dma_semaphore, #tpu.memory_space<semaphore_mem>>)
        %dma_wait3A = arith.constant 0 : i32
        %dma_wait3A_56 = tpu.memref_slice %arg4[%add3A, %dma_wait3A] : memref<16x16xi32, #tpu.memory_space<hbm>> -> memref<1x16xi32, #tpu.memory_space<hbm>>
        %dma_wait3A_57 = tpu.memref_squeeze %dma_wait3A_56 : memref<1x16xi32, #tpu.memory_space<hbm>> -> memref<16xi32, #tpu.memory_space<hbm>>
        %dma_wait3A_58 = arith.constant 0 : i32
        %dma_wait3A_59 = tpu.memref_slice %arg4[%add3A, %dma_wait3A_58] : memref<16x16xi32, #tpu.memory_space<hbm>> -> memref<1x16xi32, #tpu.memory_space<hbm>>
        %dma_wait3A_60 = tpu.memref_squeeze %dma_wait3A_59 : memref<1x16xi32, #tpu.memory_space<hbm>> -> memref<16xi32, #tpu.memory_space<hbm>>
        tpu.wait_dma2 semaphore(%run_scoped3A : memref<!tpu.dma_semaphore, #tpu.memory_space<semaphore_mem>>) src(%arg11 : memref<16xi32, #tpu.memory_space<vmem>>) dst(%dma_wait3A_60 : memref<16xi32, #tpu.memory_space<hbm>>)
        tpu.yield
      }) : () -> ()
    } else {
    }
    return
  }
}

module attributes {stable_mosaic.version = 14 : i64} {
  func.func @_pool_body(%arg0: i32, %arg1: memref<32x8192xf32, #tpu.memory_space<vmem>>, %arg2: memref<1x1x8192xf32, #tpu.memory_space<vmem>>, %arg3: memref<16x1xi32, #tpu.memory_space<vmem>>, %arg4: memref<16x16xi32, #tpu.memory_space<vmem>>, %arg5: memref<16x32xf32, #tpu.memory_space<vmem>>, %arg6: memref<16x32xf32, #tpu.memory_space<vmem>>) attributes {dimension_semantics = [#tpu.dimension_semantics<arbitrary>], iteration_bounds = array<i64: 8>, scalar_prefetch = 0 : i64, scratch_operands = 1 : i64, tpu.core_type = #tpu.core_type<tc>, window_params = [{transform_indices = @transform_0, window_bounds = array<i64: 32, 8192>}, {transform_indices = @transform_1, window_bounds = array<i64: 1, 1, 8192>}, {pipeline_mode = #tpu.pipeline_mode<synchronous>, transform_indices = @transform_2, window_bounds = array<i64: 16, 1>}, {pipeline_mode = #tpu.pipeline_mode<synchronous>, transform_indices = @transform_3, window_bounds = array<i64: 16, 16>}, {pipeline_mode = #tpu.pipeline_mode<synchronous>, transform_indices = @transform_4, window_bounds = array<i64: 16, 32>}]} {
    %eq3A = arith.constant 0 : i32
    %eq3A_0 = arith.cmpi eq, %arg0, %eq3A : i32
    %convert_element_type3A = arith.extui %eq3A_0 : i1 to i32
    %cond3A = arith.constant 0 : i32
    %cond3A_1 = arith.cmpi ne, %convert_element_type3A, %cond3A : i32
    scf.if %cond3A_1 {
      %broadcast_in_dim3A_56 = arith.constant 0.000000e+00 : f32
      %broadcast_in_dim3A_57 = vector.broadcast %broadcast_in_dim3A_56 : f32 to vector<16x32xf32>
      %swap3A_58 = arith.constant 0 : index
      %swap3A_59 = arith.constant 0 : index
      %swap3A_60 = vector.load %arg6[%swap3A_58, %swap3A_59] : memref<16x32xf32, #tpu.memory_space<vmem>>, vector<16x32xf32>
      tpu.vector_store %arg6[%swap3A_58, %swap3A_59], %broadcast_in_dim3A_57 {strides = array<i32>} : memref<16x32xf32, #tpu.memory_space<vmem>>, vector<16x32xf32>,
    } else {
    }
    %get3A = arith.constant 0 : index
    %get3A_2 = arith.constant 0 : index
    %get3A_3 = vector.load %arg3[%get3A, %get3A_2] : memref<16x1xi32, #tpu.memory_space<vmem>>, vector<16x1xi32>
    %convert_element_type3A_4 = arith.sitofp %get3A_3 : vector<16x1xi32> to vector<16x1xf32>
    %iota3A = tpu.iota {dimensions = array<i32: 0>} : vector<16x16xi32>
    %iota3A_5 = tpu.iota {dimensions = array<i32: 1>} : vector<16x16xi32>
    %lt3A = arith.cmpi slt, %iota3A_5, %iota3A : vector<16x16xi32>
    %convert_element_type3A_6 = arith.extui %lt3A : vector<16x16xi1> to vector<16x16xi32>
    %convert_element_type3A_7 = arith.sitofp %convert_element_type3A_6 : vector<16x16xi32> to vector<16x16xf32>
    %dot_general3A = arith.constant dense<0.000000e+00> : vector<16x1xf32>
    %dot_general3A_8 = tpu.matmul %convert_element_type3A_7, %convert_element_type3A_4, %dot_general3A {dimension_numbers = #tpu.dot_dimension_numbers<[1], [0], [0], [1], [0, 0, 1, 1], [], []>, precision = #tpu.contract_precision<fp32>, transpose_lhs_hint = false} : vector<16x16xf32>, vector<16x1xf32>, vector<16x1xf32> -> vector<16x1xf32>
    %convert_element_type3A_9 = arith.fptosi %dot_general3A_8 : vector<16x1xf32> to vector<16x1xi32>
    %get3A_10 = arith.constant 0 : index
    %get3A_11 = arith.constant 0 : index
    %get3A_12 = vector.load %arg4[%get3A_10, %get3A_11] : memref<16x16xi32, #tpu.memory_space<vmem>>, vector<16x16xi32>
    %slice3A = vector.extract_strided_slice %get3A_12 {offsets = [0, 0], sizes = [16, 1], strides = [1, 1]} : vector<16x16xi32> to vector<16x1xi32>
    %slice3A_13 = vector.extract_strided_slice %get3A_12 {offsets = [0, 1], sizes = [16, 1], strides = [1, 1]} : vector<16x16xi32> to vector<16x1xi32>
    %iota3A_14 = tpu.iota {dimensions = array<i32: 1>} : vector<16x8192xi32>
    %mul3A = arith.constant 8192 : i32
    %mul3A_15 = arith.muli %arg0, %mul3A : i32
    %add3A = vector.broadcast %mul3A_15 : i32 to vector<16x8192xi32>
    %add3A_16 = arith.addi %iota3A_14, %add3A : vector<16x8192xi32>
    %get3A_17 = arith.constant 0 : index
    %get3A_18 = arith.constant 0 : index
    %get3A_19 = arith.constant 0 : index
    %get3A_20 = vector.load %arg2[%get3A_17, %get3A_18, %get3A_19] : memref<1x1x8192xf32, #tpu.memory_space<vmem>>, vector<1x1x8192xf32>
    %reshape3A = vector.shape_cast %get3A_20 : vector<1x1x8192xf32> to vector<1x8192xf32>
    %bitcast_convert_type3A = tpu.bitcast %reshape3A : vector<1x8192xf32> -> vector<1x8192xi32>
    %ge3A = arith.constant 0 : i32
    %ge3A_21 = vector.broadcast %ge3A : i32 to vector<1x8192xi32>
    %ge3A_22 = arith.cmpi sge, %bitcast_convert_type3A, %ge3A_21 : vector<1x8192xi32>
    %xor3A = arith.constant 2147483647 : i32
    %xor3A_23 = vector.broadcast %xor3A : i32 to vector<1x8192xi32>
    %xor3A_24 = arith.xori %bitcast_convert_type3A, %xor3A_23 : vector<1x8192xi32>
    %select_n3A = arith.select %ge3A_22, %bitcast_convert_type3A, %xor3A_24 : vector<1x8192xi1>, vector<1x8192xi32>
    %broadcast_in_dim3A = vector.shape_cast %select_n3A : vector<1x8192xi32> to vector<1x8192xi32>
    %broadcast_in_dim3A_25 = vector.broadcast %broadcast_in_dim3A : vector<1x8192xi32> to vector<16x8192xi32>
    %ge3A_26 = vector.broadcast %convert_element_type3A_9 : vector<16x1xi32> to vector<16x8192xi32>
    %ge3A_27 = arith.cmpi sge, %add3A_16, %ge3A_26 : vector<16x8192xi32>
    %add3A_28 = arith.addi %convert_element_type3A_9, %get3A_3 : vector<16x1xi32>
    %lt3A_29 = vector.broadcast %add3A_28 : vector<16x1xi32> to vector<16x8192xi32>
    %lt3A_30 = arith.cmpi slt, %add3A_16, %lt3A_29 : vector<16x8192xi32>
    %and3A = arith.andi %ge3A_27, %lt3A_30 : vector<16x8192xi1>
    %sub3A = vector.broadcast %convert_element_type3A_9 : vector<16x1xi32> to vector<16x8192xi32>
    %sub3A_31 = arith.subi %add3A_16, %sub3A : vector<16x8192xi32>
    %gt3A = vector.broadcast %slice3A : vector<16x1xi32> to vector<16x8192xi32>
    %gt3A_32 = arith.cmpi sgt, %broadcast_in_dim3A_25, %gt3A : vector<16x8192xi32>
    %eq3A_33 = vector.broadcast %slice3A : vector<16x1xi32> to vector<16x8192xi32>
    %eq3A_34 = arith.cmpi eq, %broadcast_in_dim3A_25, %eq3A_33 : vector<16x8192xi32>
    %le3A = vector.broadcast %slice3A_13 : vector<16x1xi32> to vector<16x8192xi32>
    %le3A_35 = arith.cmpi sle, %sub3A_31, %le3A : vector<16x8192xi32>
    %and3A_36 = arith.andi %eq3A_34, %le3A_35 : vector<16x8192xi1>
    %or3A = arith.ori %gt3A_32, %and3A_36 : vector<16x8192xi1>
    %and3A_37 = arith.andi %and3A, %or3A : vector<16x8192xi1>
    %convert_element_type3A_38 = arith.extui %and3A_37 : vector<16x8192xi1> to vector<16x8192xi32>
    %convert_element_type3A_39 = arith.sitofp %convert_element_type3A_38 : vector<16x8192xi32> to vector<16x8192xf32>
    %get3A_40 = arith.constant 0 : index
    %get3A_41 = arith.constant 0 : index
    %get3A_42 = vector.load %arg6[%get3A_40, %get3A_41] : memref<16x32xf32, #tpu.memory_space<vmem>>, vector<16x32xf32>
    %get3A_43 = arith.constant 0 : index
    %get3A_44 = arith.constant 0 : index
    %get3A_45 = vector.load %arg1[%get3A_43, %get3A_44] : memref<32x8192xf32, #tpu.memory_space<vmem>>, vector<32x8192xf32>
    %dot_general3A_46 = arith.constant dense<0.000000e+00> : vector<16x32xf32>
    %dot_general3A_47 = tpu.matmul %convert_element_type3A_39, %get3A_45, %dot_general3A_46 {dimension_numbers = #tpu.dot_dimension_numbers<[1], [1], [0], [0], [0, 0, 1, 0], [], []>, precision = #tpu.contract_precision<fp32>, transpose_lhs_hint = false} : vector<16x8192xf32>, vector<32x8192xf32>, vector<16x32xf32> -> vector<16x32xf32>
    %add3A_48 = arith.addf %get3A_42, %dot_general3A_47 : vector<16x32xf32>
    %swap3A = arith.constant 0 : index
    %swap3A_49 = arith.constant 0 : index
    %swap3A_50 = vector.load %arg6[%swap3A, %swap3A_49] : memref<16x32xf32, #tpu.memory_space<vmem>>, vector<16x32xf32>
    tpu.vector_store %arg6[%swap3A, %swap3A_49], %add3A_48 {strides = array<i32>} : memref<16x32xf32, #tpu.memory_space<vmem>>, vector<16x32xf32>,
    %eq3A_51 = arith.constant 7 : i32
    %eq3A_52 = arith.cmpi eq, %arg0, %eq3A_51 : i32
    %convert_element_type3A_53 = arith.extui %eq3A_52 : i1 to i32
    %cond3A_54 = arith.constant 0 : i32
    %cond3A_55 = arith.cmpi ne, %convert_element_type3A_53, %cond3A_54 : i32
    scf.if %cond3A_55 {
      %get3A_56 = arith.constant 0 : index
      %get3A_57 = arith.constant 0 : index
      %get3A_58 = vector.load %arg6[%get3A_56, %get3A_57] : memref<16x32xf32, #tpu.memory_space<vmem>>, vector<16x32xf32>
      %div3A = vector.broadcast %convert_element_type3A_4 : vector<16x1xf32> to vector<16x32xf32>
      %div3A_59 = arith.divf %get3A_58, %div3A : vector<16x32xf32>
      %mul3A_60 = arith.mulf %div3A_59, %div3A_59 : vector<16x32xf32>
      %reduce_sum3A = arith.constant dense<0.000000e+00> : vector<16xf32>
      %reduce_sum3A_61 = vector.multi_reduction <add>, %mul3A_60, %reduce_sum3A [1] : vector<16x32xf32> to vector<16xf32>
      %broadcast_in_dim3A_62 = vector.shape_cast %reduce_sum3A_61 : vector<16xf32> to vector<16x1xf32>
      %sqrt3A = math.sqrt %broadcast_in_dim3A_62 : vector<16x1xf32>
      %max3A = arith.constant 9.99999996E-13 : f32
      %max3A_63 = vector.broadcast %max3A : f32 to vector<16x1xf32>
      %max3A_64 = arith.maximumf %sqrt3A, %max3A_63 : vector<16x1xf32>
      %div3A_65 = vector.broadcast %max3A_64 : vector<16x1xf32> to vector<16x32xf32>
      %div3A_66 = arith.divf %div3A_59, %div3A_65 : vector<16x32xf32>
      %swap3A_67 = arith.constant 0 : index
      %swap3A_68 = arith.constant 0 : index
      %swap3A_69 = vector.load %arg5[%swap3A_67, %swap3A_68] : memref<16x32xf32, #tpu.memory_space<vmem>>, vector<16x32xf32>
      tpu.vector_store %arg5[%swap3A_67, %swap3A_68], %div3A_66 {strides = array<i32>} : memref<16x32xf32, #tpu.memory_space<vmem>>, vector<16x32xf32>,
    } else {
    }
    return
  }
  func.func @transform_0(%arg0: i32) -> (i32, i32) {
    %c0_i32 = arith.constant 0 : i32
    %c0_i32_0 = arith.constant 0 : i32
    return %c0_i32, %arg0 : i32, i32
  }
  func.func @transform_1(%arg0: i32) -> (i32, i32, i32) {
    %c0_i32 = arith.constant 0 : i32
    %c0_i32_0 = arith.constant 0 : i32
    %c0_i32_1 = arith.constant 0 : i32
    return %arg0, %c0_i32, %c0_i32_0 : i32, i32, i32
  }
  func.func @transform_2(%arg0: i32) -> (i32, i32) {
    %c0_i32 = arith.constant 0 : i32
    %c0_i32_0 = arith.constant 0 : i32
    %c0_i32_1 = arith.constant 0 : i32
    return %c0_i32, %c0_i32_0 : i32, i32
  }
  func.func @transform_3(%arg0: i32) -> (i32, i32) {
    %c0_i32 = arith.constant 0 : i32
    %c0_i32_0 = arith.constant 0 : i32
    %c0_i32_1 = arith.constant 0 : i32
    return %c0_i32, %c0_i32_0 : i32, i32
  }
  func.func @transform_4(%arg0: i32) -> (i32, i32) {
    %c0_i32 = arith.constant 0 : i32
    %c0_i32_0 = arith.constant 0 : i32
    %c0_i32_1 = arith.constant 0 : i32
    return %c0_i32, %c0_i32_0 : i32, i32
  }
}

module attributes {stable_mosaic.version = 14 : i64} {
  func.func @_att_body(%arg0: i32, %arg1: memref<32x8192xf32, #tpu.memory_space<vmem>>, %arg2: memref<1x32xf32, #tpu.memory_space<vmem>>, %arg3: memref<1x1xf32, #tpu.memory_space<vmem>>, %arg4: memref<1x1x8192xf32, #tpu.memory_space<vmem>>) attributes {dimension_semantics = [#tpu.dimension_semantics<arbitrary>], iteration_bounds = array<i64: 8>, scalar_prefetch = 0 : i64, scratch_operands = 0 : i64, tpu.core_type = #tpu.core_type<tc>, window_params = [{transform_indices = @transform_0, window_bounds = array<i64: 32, 8192>}, {pipeline_mode = #tpu.pipeline_mode<synchronous>, transform_indices = @transform_1, window_bounds = array<i64: 1, 32>}, {pipeline_mode = #tpu.pipeline_mode<synchronous>, transform_indices = @transform_2, window_bounds = array<i64: 1, 1>}, {transform_indices = @transform_3, window_bounds = array<i64: 1, 1, 8192>}]} {
    %get3A = arith.constant 0 : index
    %get3A_0 = arith.constant 0 : index
    %get3A_1 = vector.load %arg1[%get3A, %get3A_0] : memref<32x8192xf32, #tpu.memory_space<vmem>>, vector<32x8192xf32>
    %get3A_2 = arith.constant 0 : index
    %get3A_3 = arith.constant 0 : index
    %get3A_4 = vector.load %arg2[%get3A_2, %get3A_3] : memref<1x32xf32, #tpu.memory_space<vmem>>, vector<1x32xf32>
    %dot_general3A = arith.constant dense<0.000000e+00> : vector<1x8192xf32>
    %dot_general3A_5 = tpu.matmul %get3A_4, %get3A_1, %dot_general3A {dimension_numbers = #tpu.dot_dimension_numbers<[1], [0], [0], [1], [0, 0, 1, 1], [], []>, transpose_lhs_hint = false} : vector<1x32xf32>, vector<32x8192xf32>, vector<1x8192xf32> -> vector<1x8192xf32>
    %get3A_6 = arith.constant 0 : index
    %get3A_7 = arith.constant 0 : index
    %get3A_8 = vector.load %arg3[%get3A_6, %get3A_7] : memref<1x1xf32, #tpu.memory_space<vmem>>, vector<1x1xf32>
    %get3A_9 = vector.extract %get3A_8[0, 0] : f32 from vector<1x1xf32>
    %add3A = vector.broadcast %get3A_9 : f32 to vector<1x8192xf32>
    %add3A_10 = arith.addf %dot_general3A_5, %add3A : vector<1x8192xf32>
    %reshape3A = vector.shape_cast %add3A_10 : vector<1x8192xf32> to vector<1x1x8192xf32>
    %swap3A = arith.constant 0 : index
    %swap3A_11 = arith.constant 0 : index
    %swap3A_12 = arith.constant 0 : index
    %swap3A_13 = vector.load %arg4[%swap3A, %swap3A_11, %swap3A_12] : memref<1x1x8192xf32, #tpu.memory_space<vmem>>, vector<1x1x8192xf32>
    tpu.vector_store %arg4[%swap3A, %swap3A_11, %swap3A_12], %reshape3A {strides = array<i32>} : memref<1x1x8192xf32, #tpu.memory_space<vmem>>, vector<1x1x8192xf32>,
    return
  }
  func.func @transform_0(%arg0: i32) -> (i32, i32) {
    %c0_i32 = arith.constant 0 : i32
    %c0_i32_0 = arith.constant 0 : i32
    return %c0_i32, %arg0 : i32, i32
  }
  func.func @transform_1(%arg0: i32) -> (i32, i32) {
    %c0_i32 = arith.constant 0 : i32
    %c0_i32_0 = arith.constant 0 : i32
    %c0_i32_1 = arith.constant 0 : i32
    return %c0_i32, %c0_i32_0 : i32, i32
  }
  func.func @transform_2(%arg0: i32) -> (i32, i32) {
    %c0_i32 = arith.constant 0 : i32
    %c0_i32_0 = arith.constant 0 : i32
    %c0_i32_1 = arith.constant 0 : i32
    return %c0_i32, %c0_i32_0 : i32, i32
  }
  func.func @transform_3(%arg0: i32) -> (i32, i32, i32) {
    %c0_i32 = arith.constant 0 : i32
    %c0_i32_0 = arith.constant 0 : i32
    %c0_i32_1 = arith.constant 0 : i32
    return %arg0, %c0_i32, %c0_i32_0 : i32, i32, i32
  }
}

</mosaic_0001>

<sc_bundles>
// kernel: kernel.5.cloned.1.call-start
scs
__scs_entry_jumppad:
0x0: {  	(pc) =	sbr.rel $0x88, $3  }
0x1: {  	(tag) =	ssettag $0x0;
	lr =	simm.s32 $0x1  }
0x2: {  	[smem:$0x3F9D] =	sst lr;
	_ =	strace $0xD0000000  }
0x3: {  	_ = 	snop  }
0x4: {  	_ = 	snop  }
0x5: {  	_ = 	snop  }
0x6: {  	_ = 	snop  }
0x7: {  	_ = 	snop  }
__scs_overlays_trampoline_lowered:
0x8: {  	[smem:$0x3FAC] =	sst s0  }
0x9: {  	[smem:$0x3FAD] =	sst s1  }
0xa: {  	[smem:$0x3FAE] =	sst s2  }
0xb: {  	[smem:$0x3FAF] =	sst s3  }
0xc: {  	[smem:$0x3FB0] =	sst s4  }
0xd: {  	[smem:$0x3FB1] =	sst s5  }
0xe: {  	[smem:$0x3FB2] =	sst s6  }
0xf: {  	[smem:$0x3FB3] =	sst s7  }
0x10: {  	[smem:$0x3FB4] =	sst s8  }
0x11: {  	[smem:$0x3FB5] =	sst s9;
	s0 =	simm.s32 @!p0 $0x0  }
0x12: {  	s1 =	sld [smem:$0x3F9B];
	s0 =	simm.s32 @p0 $0x1  }
0x13: {  	[smem:$0x3FB6] =	sst s0;
	s0 =	simm.s32 @!p1 $0x0  }
0x14: {  	s2 =	sld [smem:$0x3F9A];
	s0 =	simm.s32 @p1 $0x1  }
0x15: {  	[smem:$0x3FB7] =	sst s0;
	s0 =	simm.s32 @!p2 $0x0  }
0x16: {  	s3 =	sld [smem:$0x3FDB];
	s0 =	simm.s32 @p2 $0x1  }
0x17: {  	s4 =	simm.s32 $0x1BF5;
	[smem:$0x3FB9] =	sst s0  }
0x18: {  	s0 =	sld [smem:$0x3F9C];
	_ =	swait.ge [sflag:s4], $0x0  }
0x19: {  	s7 =	sld [smem:$0x3F9D]  }
0x1a: {  	s8 =	sadd.s32 $0xFFFFE003, lr  }
0x1b: {  	s9 =	sadd.s32 $0xFFFFFEF7, lr;
	s5 =	simm.s32 $0xFFFFFFFF;
	p2 =	slt.u32 s8, $0xFFFFF086  }
0x1c: {  	p1 =	slt.u32 s9, $0xF7A;
	s5 =	simm.s32 @!p2 $0x0  }
0x1d: {  	s5 =	simm.s32 @p1 $0x1;
	p0 =	seq.s32 s7, s2  }
0x1e: {  	s7 =	smul.u32 @!p0 $0xF7A, s2;
	p2 =	seq.s32 @!p0 s5, $0x0  }
0x1f: {  	s9 =	smul.u32 $0xF7A, s1;
	s8 =	simm.s32 @!p0 $0x1BF5;
	p2 =	por !p2, p0  }
0x20: {  	[sflag:s8] =	ssyncset.s32 @!p0 $0xFFFFF086;
	s6 =	sadd.s32 @!p0 s3, s7;
	s7 =	simm.s32 @!p0 $0x108  }
0x21: {  	s3 =	sadd.s32 s3, s9;
	s6 =	sadd.s32 @!p0 $0x88, s6;
	s7 =	simm.s32 @p2 $0x1082  }
0x22: {  	[simem:s7], [sflag:s8] =	dma.local @!p0 [hbm:s6], $0xF7A  }
0x23: {  	s9 =	sor.u32 $0xD0000000, s2;
	s6 =	simm.s32 $0x108;
	_ =	swait.ge @!p0 [sflag:s8], $0x0  }
0x24: {  	s3 =	sadd.s32 $0x88, s3;
	s6 =	simm.s32 @!p1 $0x1082;
	[sflag:s4] =	ssyncset.s32 $0xFFFFF086  }
0x25: {  	[simem:s6], [sflag:s4] =	dma.local [hbm:s3], $0xF7A  }
0x26: {  	[smem:$0x3F9D] =	sst s1;
	(tag) =	ssettag s2;
	_ =	strace s9  }
0x27: {  	s1 =	sld [smem:$0x3FAD]  }
0x28: {  	s2 =	sld [smem:$0x3FAE]  }
0x29: {  	s4 =	sld [smem:$0x3FB0]  }
0x2a: {  	p0 =	seq.s32 s5, $0x0;
	s5 =	sld [smem:$0x3FB1]  }
0x2b: {  	s6 =	sld [smem:$0x3FB2]  }
0x2c: {  	s7 =	sld [smem:$0x3FB3]  }
0x2d: {  	s3 =	simm.s32 $0x108;
	s8 =	sld [smem:$0x3FB4]  }
0x2e: {  	s3 =	simm.s32 @!p0 $0x1082;
	s9 =	sld [smem:$0x3FB5]  }
0x2f: {  	lr =	sadd.s32 s0, s3;
	s0 =	sld [smem:$0x3FAC]  }
0x30: {  	s3 =	sld [smem:$0x3FAF]  }
0x31: {  	[smem:$0x3FB8] =	sst s10  }
0x32: {  	s10 =	sld [smem:$0x3FB6];
	_ =	sdelay $0x3  }
0x33: {  	p0 =	seq.s32 s10, $0x1;
	s10 =	sld [smem:$0x3FB8];
	_ =	sdelay $0x3  }
0x34: {  	[smem:$0x3FB8] =	sst s10  }
0x35: {  	s10 =	sld [smem:$0x3FB7];
	_ =	sdelay $0x3  }
0x36: {  	p1 =	seq.s32 s10, $0x1;
	s10 =	sld [smem:$0x3FB8];
	_ =	sdelay $0x3  }
0x37: {  	[smem:$0x3FB8] =	sst s10  }
0x38: {  	s10 =	sld [smem:$0x3FB9]  }
0x39: {  	_ = 	snop;
	(pc) =	sbr.ind lr, $3  }
0x3a: {  	_ = 	snop  }
0x3b: {  	_ = 	snop  }
0x3c: {  	p2 =	seq.s32 s10, $0x1;
	s10 =	sld [smem:$0x3FB8]  }
0x3d: {  	_ =	shalt  }
0x3e: {  	_ =	shalt  }
0x3f: {  	_ =	shalt  }
0x40: {  	_ =	shalt  }
0x41: {  	_ =	shalt  }
0x42: {  	_ =	shalt  }
0x43: {  	_ =	shalt  }
0x44: {  	_ =	shalt  }
0x45: {  	_ =	shalt  }
0x46: {  	_ =	shalt  }
0x47: {  	_ =	shalt  }
0x48: {  	_ =	shalt  }
0x49: {  	_ =	shalt  }
0x4a: {  	_ =	shalt  }
0x4b: {  	_ =	shalt  }
0x4c: {  	_ =	shalt  }
0x4d: {  	_ =	shalt  }
0x4e: {  	_ =	shalt  }
0x4f: {  	_ =	shalt  }
0x50: {  	_ =	shalt  }
0x51: {  	_ =	shalt  }
0x52: {  	_ =	shalt  }
0x53: {  	_ =	shalt  }
0x54: {  	_ =	shalt  }
0x55: {  	_ =	shalt  }
0x56: {  	_ =	shalt  }
0x57: {  	_ =	shalt  }
0x58: {  	_ =	shalt  }
0x59: {  	_ =	shalt  }
0x5a: {  	_ =	shalt  }
0x5b: {  	_ =	shalt  }
0x5c: {  	_ =	shalt  }
0x5d: {  	_ =	shalt  }
0x5e: {  	_ =	shalt  }
0x5f: {  	_ =	shalt  }
0x60: {  	_ =	shalt  }
0x61: {  	_ =	shalt  }
0x62: {  	_ =	shalt  }
0x63: {  	_ =	shalt  }
0x64: {  	_ =	shalt  }
0x65: {  	_ =	shalt  }
0x66: {  	_ =	shalt  }
0x67: {  	_ =	shalt  }
0x68: {  	_ =	shalt  }
0x69: {  	_ =	shalt  }
0x6a: {  	_ =	shalt  }
0x6b: {  	_ =	shalt  }
0x6c: {  	_ =	shalt  }
0x6d: {  	_ =	shalt  }
0x6e: {  	_ =	shalt  }
0x6f: {  	_ =	shalt  }
0x70: {  	_ =	shalt  }
0x71: {  	_ =	shalt  }
0x72: {  	_ =	shalt  }
0x73: {  	_ =	shalt  }
0x74: {  	_ =	shalt  }
0x75: {  	_ =	shalt  }
0x76: {  	_ =	shalt  }
0x77: {  	_ =	shalt  }
0x78: {  	_ =	shalt  }
0x79: {  	_ =	shalt  }
0x7a: {  	_ =	shalt  }
0x7b: {  	_ =	shalt  }
0x7c: {  	_ =	shalt  }
0x7d: {  	_ =	shalt  }
0x7e: {  	_ =	shalt  }
0x7f: {  	_ =	shalt  }
0x80: {  	_ =	shalt  }
0x81: {  	_ =	shalt  }
0x82: {  	_ =	shalt  }
0x83: {  	_ =	shalt  }
0x84: {  	_ =	shalt  }
0x85: {  	_ =	shalt  }
0x86: {  	_ =	shalt  }
0x87: {  	_ =	shalt  }
.Lfunc_end0:
.L_simem_size_0:
called_computation_lowered:
.L_overlay_start_0:
0x88: {  	s2 =	sld [smem:$0x3FD9]  }
0x89: {  	s3 =	sld [smem:$0x3FFE];
	_ =	sdelay $0x1  }
0x8a: {  	s1 =	srdreg.scid  }
0x8b: {  	s0 =	sand.u32 $0x1, s1  }
0x8c: {  	s17 =	sshll.u32 s0, $0xA;
	s2 =	sadd.s32 s3, s2  }
0x8d: {  	s2 =	sadd.s32 s2, s17  }
0x8e: {  	[smem:$0x3FC4] =	sst s2  }
0x8f: {  	_ = 	snop  }
0x90: {  	s2 =	sld [smem:$0x3FC8]  }
0x91: {  	s18 =	sld [smem:$0x3FD0];
	(tm) =	ssettm $0x1  }
0x92: {  	s4 =	sld [smem:$0x3FFB];
	_ =	sdelay $0x3  }
0x93: {  	_ =	strace s4  }
0x94: {  	s4 =	sld [smem:$0x3FFC];
	_ =	sdelay $0x3  }
0x95: {  	_ =	strace s4  }
0x96: {  	s4 =	sld [smem:$0x3FFD];
	_ =	sdelay $0x3  }
0x97: {  	_ =	strace s4  }
0x98: {  	_ =	strace $0x8FFFFFFF  }
0x99: {  	s19 =	sld [smem:$0x3FDB];
	_ =	sdelay $0x1  }
0x9a: {  	s5 =	simm.s32 $_scs_section_size  }
0x9b: {  	s6 =	simm.s32 $_size__tile_overlayer_lowered;
	s7 =	simm.s32 $_tile_overlayer_lowered  }
0x9c: {  	s22 =	simm.s32 $0x1BFF;
	s21 =	sshll.u32 s7, $0x1;
	s4 =	sadd.s32 s5, s19  }
0x9d: {  	s8 =	simm.s32 $0x0;
	s20 =	sshll.u32 s6, $0x1;
	s6 =	sadd.s32 s21, s4  }
0x9e: {  	[timem:s8], [sflag:s22] =	dma.local [hbm:s6], s20  }
0x9f: {  	_ =	swait.ge [sflag:s22], s20  }
0xa0: {  	s5 =	ssub.s32 $0x0, s20;
	[sflag:s22] =	ssyncset.done $0x0  }
0xa1: {  	[sflag:s22] =	ssyncadd.s32 s5;
	_ =	sdelay $0x1  }
0xa2: {  	s23 =	simm.s32 $0x1B8B  }
0xa3: {  	_ =	swait.ge [sflag:s23], $0x1  }
0xa4: {  	[sflag:s23] =	ssyncset.done $0x0  }
0xa5: {  	s25 =	simm.s32 $0x1B8E;
	s24 =	sld [smem:$0x3FFE];
	[sflag:s23] =	ssyncadd.s32 $0xFFFFFFFF  }
0xa6: {  	s26 =	simm.s32 $execute0_lowered;
	[smem:$0x3FD2] =	sst s25  }
0xa7: {  	s6 =	sshll.u32 s26, $0x1;
	_ =	strace $0x80000046;
	[dreg:$0x1] =	wrdreg $0xFFFFFFFF  }
0xa8: {  	s28 =	simm.s32 $_size_execute0_lowered;
	s4 =	sadd.s32 s4, s6;
	[dreg:$0x0] =	wrdreg $0x0  }
0xa9: {  	s6 =	sshll.u32 s28, $0x1;
	[dreg:$0x2] =	wrdreg s4  }
0xaa: {  	[dreg:$0x3] =	wrdreg s6  }
0xab: {  	[dreg:$0x4] =	wrdreg $0xC0  }
0xac: {  	_ =	task [dreg:s8], $0x5FFFF  }
0xad: {  	[dreg:$0x1] =	wrdreg $0xFFFFFFFF  }
0xae: {  	[dreg:$0x0] =	wrdreg $0x60  }
0xaf: {  	[dreg:$0x2] =	wrdreg s24  }
0xb0: {  	[dreg:$0x3] =	wrdreg s2  }
0xb1: {  	[dreg:$0x4] =	wrdreg s18  }
0xb2: {  	[dreg:$0x5] =	wrdreg $0x9  }
0xb3: {  	_ =	task.clear_ibuf [dreg:s8], $0x6FFFF;
	_ =	strace $0x90000046  }
0xb4: {  	s29 =	simm.s32 $0x9;
	_ =	strace $0x80000048  }
0xb5: {  	_ =	swait.ge [sflag:s29], $0x1  }
0xb6: {  	[sflag:s29] =	ssyncadd.s32 $0xFFFFFFFF  }
0xb7: {  	_ =	strace $0x90000048  }
0xb8: {  	_ =	sfence  }
0xb9: {  	s30 =	sld [smem:$0x0];
	_ =	sdelay $0x2  }
0xba: {  	s31 =	sshll.u32 s1, $0xD;
	s1 =	sshrl.u32 s1, $0x2  }
0xbb: {  	s3 =	sand.u32 $0x4000, s31;
	s1 =	sadd.s32 s1, s30  }
0xbc: {  	s0 =	sor.u32 s3, s0;
	s1 =	sshll.u32 s1, $0x11  }
0xbd: {  	s0 =	sor.u32 s1, s0  }
0xbe: {  	s0 =	sadd.s32 $0x8F2B, s0  }
0xbf: {  	[sflag:s0] =	ssyncadd.remote.s32 $0x1  }
0xc0: {  	_ =	sfence.sel $0xFFFF  }
0xc1: {  	[dreg:$0x0] =	wrdreg $0xFFFFFFFF;
	(pc) =	sbr.abs _section_cstart, $3  }
0xc2: {  	[dreg:$0x1] =	wrdreg $0xFFFFFFFF  }
0xc3: {  	_ =	task.clear_ibuf [dreg:s8], $0x2FFFF;
	_ =	strace $0x9FFFFFFF  }
0xc4: {  	(tm) =	ssettm $0x7FFFFFFF  }
0xc5: {  	_ =	shalt  }
tec
execute0_lowered:
.L_overlay_start_1:
0x0: {  	(tag) =	ssettag $0x1  }
0x1: {  	s1 =	stileid.u32  }
0x2: {  	p0 =	sgt.u32 s1, $0x7  }
.Ltmp0:
0x3: {  	s4 =	rddreg [dreg:$0x0];
	(pc) =	sbr.rel @p0 .LBB2_75-.Ltmp0, $4  }
0x4: {  	s2 =	rddreg [dreg:$0x1]  }
0x5: {  	s5 =	rddreg [dreg:$0x2];
	s3 =	simm.s32 $0x0  }
0x6: {  	[smem:$0x7FF] =	sst s3  }
0x7: {  	s0 =	rddreg [dreg:$0x3];
	_ =	strace $0x80000047  }
0x8: {  	s6 =	srdreg.scid  }
0x9: {  	s7 =	sshll.u32 s1, $0x1;
	s4 =	sadd.s32 $0x1200, s4;
	s9 =	simm.s32 $0x2100  }
.Ltmp1:
0xa: {  	s10 =	simm.s32 $0x3100;
	s6 =	sand.u32 $0x1, s6;
	(pc) =	sbr.rel .LBB2_2-.Ltmp1, $4  }
0xb: {  	v0 =	vlaneseq.u32;
	vm1 =	vmmov $0x7fff;
	s11 =	simm.s32 $0x4180;
	s8 =	ssub.s32 $0x2, s6;
	s6 =	sor.u32 s6, s7  }
0xc: {  	v4 =	vimm.s32 $0x1;
	s12 =	simm.s32 $0x5280;
	v3 =	vmul.u32 $0xFFFFFFFF, v0;
	s31 =	sshrl.u32 s8, $0x1;
	v1 =	vmov s6;
	s6 =	sshll.u32 s6, $0x4  }
0xd: {  	vm2 =	vcmask $0x300;
	vm3 =	vcmask $0x704;
	s13 =	simm.s32 $0x0;
	v2 =	vmul.u32 $0x10, v0;
	s7 =	ssub.s32 s8, s31;
	s5 =	sadd.s32 s5, s6  }
0xe: {  	v3 =	vadd.s32 $0xF, v3;
	vm0 =	veq.s32 v1, v0;
	v1 =	vimm.s32 $0x0;
	s8 =	simm.s32 $0x1;
	s6 =	smax.u32 s7, $0x1;
	s7 =	simm.s32 $0x5200  }
.LBB2_72:
0xf: {  	v7 =	vshll.u32 v7, $0x4  }
0x10: {  	v8 =	vadd.s32 s20, v6;
	v7 =	vor.u32 v2, v7  }
0x11: {  	vm4 =	vge.s32 v8, s16;
	v9 =	vor.u32 $0x1, v7  }
0x12: {  	v10 =	vmpcnt.ones.xlane vm4;
	v11 =	vmctz.xlane vm4;
	v12 =	vor.u32 $0x2, v7  }
0x13: {  	v13 =	vor.u32 $0x3, v7  }
0x14: {  	v14 =	vor.u32 $0x4, v7;
	v10 =	vxor.u32 $0x80000000, v10;
	vm4 =	veq.s32 v11, v0  }
0x15: {  	v15 =	vor.u32 $0x5, v7;
	v8 =	vnsel vm4, $0x0, v8;
	(xrf0) =	vmax.scan.msk.u32 $0xffff, v10;
	v43 =	vld.idx.msk [tilespmem:v7+s9+$0x0], $0xffff  }
0x16: {  	v45 =	vor.u32 $0x6, v7;
	v5 =	vnsel vm4, $0x0, v5;
	(xrf0) =	vadd.scan.msk.s32 $0xffff, v8;
	v44 =	vld.idx.msk [tilespmem:v9+s9+$0x0], $0xffff  }
0x17: {  	v46 =	vor.u32 $0x7, v7;
	v11 =	vxor.u32 $0x80000000, v11;
	(xrf0) =	vadd.scan.msk.s32 $0xffff, v5;
	v5 =	vld.idx.msk [tilespmem:v12+s9+$0x0], $0xffff  }
0x18: {  	v6 =	vsel vm1, $0x0, v6;
	v48 =	vor.u32 $0x8, v7;
	v47 =	vld.idx.msk [tilespmem:v13+s9+$0x0], $0xffff;
	(xrf0) =	vmax.scan.msk.u32 $0xffff, v11  }
0x19: {  	v16 =	vor.u32 $0x9, v7;
	v14 =	vld.idx.msk [tilespmem:v14+s9+$0x0], $0xffff;
	(xrf0) =	vadd.scan.msk.s32 $0xffff, v6  }
0x1a: {  	v49 =	vor.u32 $0xA, v7;
	v6 =	vld.idx.msk [tilespmem:v15+s9+$0x0], $0xffff  }
0x1b: {  	v18 =	vor.u32 $0xB, v7;
	v9 =	vld.idx.msk [tilespmem:v45+s9+$0x0], $0xffff;
	v17, _, _ =	vpop (xrf0);
	v8 =	vadd.s32 v43, v44  }
0x1c: {  	v51 =	vor.u32 $0xC, v7;
	v12 =	vld.idx.msk [tilespmem:v46+s9+$0x0], $0xffff;
	(v2sf) =	vpush v17, $0xF;
	v50, _, _ =	vpop (xrf0);
	v5 =	vadd.s32 v5, v8  }
0x1d: {  	v54 =	vor.u32 $0xD, v7;
	v53 =	vld.idx.msk [tilespmem:v48+s9+$0x0], $0xffff;
	(v2sf) =	vpush v50, $0xF;
	v52, _, _ =	vpop (xrf0);
	v5 =	vadd.s32 v47, v5  }
0x1e: {  	v57 =	vor.u32 $0xE, v7;
	v56 =	vld.idx.msk [tilespmem:v16+s9+$0x0], $0xffff;
	v55, _, _ =	vpop (xrf0);
	(v2sf) =	vpush v52, $0xF;
	v5 =	vadd.s32 v14, v5  }
0x1f: {  	v7 =	vor.u32 $0xF, v7;
	v58 =	vld.idx.msk [tilespmem:v49+s9+$0x0], $0xffff;
	(v2sf) =	vpush v55, $0xF;
	v5 =	vadd.s32 v6, v5;
	v6, _, _ =	vpop (xrf0)  }
0x20: {  	v59 =	vld.idx.msk [tilespmem:v18+s9+$0x0], $0xffff;
	v5 =	vadd.s32 v9, v5;
	(v2sf) =	vpush v6, $0xF  }
0x21: {  	v6 =	vld.idx.msk [tilespmem:v51+s9+$0x0], $0xffff;
	v5 =	vadd.s32 v12, v5  }
0x22: {  	v60 =	vld.idx.msk [tilespmem:v54+s9+$0x0], $0xffff;
	v5 =	vadd.s32 v53, v5  }
0x23: {  	v61 =	vld.idx.msk [tilespmem:v57+s9+$0x0], $0xffff;
	v5 =	vadd.s32 v56, v5  }
0x24: {  	v7 =	vld.idx.msk [tilespmem:v7+s9+$0x0], $0xffff;
	v5 =	vadd.s32 v58, v5  }
0x25: {  	v5 =	vadd.s32 v59, v5  }
0x26: {  	v5 =	vadd.s32 v6, v5  }
0x27: {  	v5 =	vadd.s32 v60, v5  }
0x28: {  	v5 =	vadd.s32 v61, v5  }
0x29: {  	v5 =	vadd.s32 v7, v5  }
0x2a: {  	(xrf0) =	vadd.scan.msk.s32 $0xffff, v5  }
0x2b: {  	s21 =	spop (v2sf)  }
0x2c: {  	s22 =	spop (v2sf)  }
0x2d: {  	p1 =	por !p0, !p0;
	p2 =	sgt.u32 s21, $0x80000000;
	s30 =	spop (v2sf)  }
0x2e: {  	p1 =	por !p2, !p1;
	s23 =	spop (v2sf)  }
0x2f: {  	p1 =	por !p1, !p1;
	s21 =	ssub.s32 s30, s22;
	s31 =	spop (v2sf)  }
0x30: {  	s21 =	simm.s32 @!p1 $0x0;
	s24 =	sadd.s32 s20, s31;
	v6, _, _ =	vpop (xrf0)  }
0x31: {  	s25 =	sadd.s32 s16, s21;
	v7 =	vadd.s32 s24, v6  }
0x32: {  	vm4 =	vge.s32 v7, s25  }
0x33: {  	v62 =	vmpcnt.ones.xlane vm4;
	v63 =	vmctz.xlane vm4;
	_ =	sdelay $0x1  }
0x34: {  	v8 =	vxor.u32 $0x80000000, v62;
	vm4 =	veq.s32 v63, v0  }
0x35: {  	v7 =	vnsel vm4, $0x0, v7;
	(xrf0) =	vmax.scan.msk.u32 $0xffff, v8  }
0x36: {  	v5 =	vnsel vm4, $0x0, v5;
	(xrf0) =	vadd.scan.msk.s32 $0xffff, v7  }
0x37: {  	v7 =	vxor.u32 $0x80000000, v63;
	(xrf0) =	vadd.scan.msk.s32 $0xffff, v5  }
0x38: {  	(xrf0) =	vmax.scan.msk.u32 $0xffff, v7  }
0x39: {  	v5 =	vsel vm1, $0x0, v6;
	_ =	sdelay $0x1  }
0x3a: {  	v6, _, _ =	vpop (xrf0)  }
0x3b: {  	(xrf0) =	vadd.scan.msk.s32 $0xffff, v5;
	(v2sf) =	vpush v6, $0xF;
	v5, _, _ =	vpop (xrf0)  }
0x3c: {  	(v2sf) =	vpush v5, $0xF;
	v5, _, _ =	vpop (xrf0)  }
0x3d: {  	v6, _, _ =	vpop (xrf0);
	(v2sf) =	vpush v5, $0xF  }
0x3e: {  	(v2sf) =	vpush v6, $0xF;
	_ =	sdelay $0x2  }
0x3f: {  	v5, _, _ =	vpop (xrf0)  }
0x40: {  	(v2sf) =	vpush v5, $0xF;
	_ =	sdelay $0x7  }
0x41: {  	s26 =	spop (v2sf)  }
0x42: {  	p5 =	por p0, p2;
	s28 =	spop (v2sf)  }
0x43: {  	p0 =	por !p5, !p5;
	s29 =	spop (v2sf)  }
0x44: {  	s19 =	sadd.s32 s19, s23;
	p6 =	sgt.u32 s26, $0x80000000;
	s30 =	spop (v2sf)  }
0x45: {  	s19 =	sadd.s32 $0x80000000, s19;
	p0 =	por !p6, !p0;
	s16 =	sadd.s32 s18, s30  }
0x46: {  	s17 =	smov.u32 @p1 s19;
	p0 =	por !p0, !p0;
	s16 =	sadd.s32 $0x80000000, s16  }
0x47: {  	s15 =	sshll.u32 s15, $0x6;
	s17 =	smov.u32 @p0 s16  }
0x48: {  	s31 =	spop (v2sf);
	s17 =	sor.u32 s15, s17  }
.LBB2_73:
0x49: {  	s15 =	sxor.u32 $0x80000000, s14  }
.LBB2_74:
0x4a: {  	v5 =	vmov s15  }
0x4b: {  	s13 =	sadd.s32 $0x1, s13;
	v5 =	vnsel vm2, $0x0, v5  }
0x4c: {  	p0 =	sne.s32 s13, s6;
	v5 =	vsel vm3, s17, v5  }
.Ltmp2:
0x4d: {  	[tilespmem:$0x5280] =	vst v5;
	(pc) =	sbr.rel @!p0 .LBB2_75-.Ltmp2, $4  }
0x4e: {  	[hbm4b:s5+s3] =	stream.linear.scatter [tilespmem:s12], [sflag:$0x1], $0x80, $0x38;
	[tilespmem:$0x5300] =	vst v63  }
0x4f: {  	_ =	swait.ge [sflag:s8], $0x80  }
0x50: {  	[sflag:s8] =	ssyncset.done $0x0  }
0x51: {  	[sflag:s8] =	ssyncadd.s32 $0xFFFFFF80  }
.LBB2_2:
0x52: {  	s17 =	simm.s32 $0x0  }
0x53: {  	[tilespmem:s7], [sflag:$0x1] =	stream.linear.gather [hbm4b:s2+s17], $0x80, $0x38;
	[tilespmem:$0x5300] =	vst v63  }
0x54: {  	_ =	swait.ge [sflag:s8], $0x80  }
0x55: {  	[sflag:s8] =	ssyncset.done $0x0  }
0x56: {  	[sflag:s8] =	ssyncadd.s32 $0xFFFFFF80  }
0x57: {  	v5 =	vld [tilespmem:$0x5200];
	_ =	sdelay $0x4  }
0x58: {  	(xrf0) =	vadd.scan.msk.s32 $0xffff, v5;
	_ =	sdelay $0x5  }
0x59: {  	v6, _, _ =	vpop (xrf0)  }
0x5a: {  	v6 =	vsub.s32 v6, v5  }
0x5b: {  	v6 =	vnsel vm0, $0x0, v6  }
0x5c: {  	v5 =	vnsel vm0, $0x0, v5;
	(xrf0) =	vadd.scan.msk.s32 $0xffff, v6  }
0x5d: {  	(xrf0) =	vadd.scan.msk.s32 $0xffff, v5;
	_ =	sdelay $0x4  }
0x5e: {  	v5, _, _ =	vpop (xrf0)  }
0x5f: {  	(v2sf) =	vpush v5, $0xF;
	v6, _, _ =	vpop (xrf0)  }
0x60: {  	(v2sf) =	vpush v6, $0xF;
	_ =	sdelay $0xd  }
0x61: {  	s14 =	spop (v2sf)  }
0x62: {  	s18 =	spop (v2sf)  }
0x63: {  	p0 =	slt.s32 s18, $0x401  }
.Ltmp3:
0x64: {  	_ = 	snop;
	(pc) =	sbr.rel @p0 .LBB2_74-.Ltmp3, $2  }
0x65: {  	_ =	sdelay $0x2  }
0x66: {  	s15 =	simm.s32 $0x80000000  }
0x67: {  	s15 =	sand.u32 $0xFFFFFFF8, s14  }
0x68: {  	p0 =	slt.s32 s15, $0xEFC0  }
0x69: {  	s15 =	simm.s32 @!p0 $0xEFC0  }
0x6a: {  	s16 =	simm.s32 $0x2120;
	s14 =	ssub.s32 s14, s15  }
0x6b: {  	[tilespmem:s16+$0xFFFFFFE0] =	vst v1;
	s17 =	sadd.s32 s14, s18  }
0x6c: {  	[tilespmem:s16+$0x10] =	vst v1;
	s17 =	sadd.s32 $0x3F, s17  }
0x6d: {  	[tilespmem:s16+$0x0] =	vst v1;
	s18 =	simm.s32 $0x0;
	s17 =	sshrl.u32 s17, $0x6  }
.LBB2_4:
0x6e: {  	s18 =	sadd.s32 $0x4, s18  }
0x6f: {  	[tilespmem:s16+$0xFFFFFFF0] =	vst v1;
	s16 =	sadd.s32 $0x40, s16;
	p0 =	slt.u32 s18, $0xFC  }
.Ltmp4:
0x70: {  	[tilespmem:s16+$0xFFFFFFE0] =	vst v1;
	(pc) =	sbr.rel @p0 .LBB2_4-.Ltmp4, $3  }
0x71: {  	_ =	sdelay $0x1  }
0x72: {  	[tilespmem:s16+$0x10] =	vst v1  }
0x73: {  	[tilespmem:s16+$0x0] =	vst v1  }
0x74: {  	s15 =	sshrl.u32 s15, $0x3;
	p0 =	seq.s32 s17, $0x0  }
.Ltmp5:
0x75: {  	[tilespmem:s16+$0xFFFFFFF0] =	vst v1;
	s15 =	sadd.s32 s4, s15;
	(pc) =	sbr.rel @p0 .LBB2_8-.Ltmp5, $4  }
0x76: {  	[tilespmem:s3], [sflag:$0x1] =	stream.linear.gather [hbm4b:s15+s3], $0x1040, $0x38;
	[tilespmem:$0x5300] =	vst v63  }
0x77: {  	_ =	swait.ge [sflag:s8], $0x1040  }
0x78: {  	[sflag:s8] =	ssyncset.done $0x0  }
0x79: {  	[sflag:s8] =	ssyncadd.s32 $0xFFFFEFC0  }
0x7a: {  	s15 =	ssub.s32 $0x0, s17  }
0x7b: {  	v5 =	vmov s14;
	v6 =	vbroadcast v6, $0xF;
	s16 =	simm.s32 $0x0;
	s18 =	simm.s32 $0x20;
	s19 =	simm.s32 $0x10A0  }
.LBB2_7:
0x7c: {  	v7 =	vld [tilespmem:s18+$0xFFFFFFE0];
	_ =	sdelay $0x3  }
0x7d: {  	v8 =	vor.u32 s16, v0  }
0x7e: {  	v8 =	vsub.s32 v8, v5;
	v9 =	vshra.s32 v7, $0x1F  }
0x7f: {  	vm4 =	vgt.s32 v8, $0xFFFFFFFF;
	vm5 =	vlt.s32 v8, v6;
	v9 =	vor.u32 $0x80000000, v9  }
0x80: {  	vm4 =	vmand vm4, vm5;
	v7 =	vxor.u32 v7, v9  }
0x81: {  	v7 =	vnsel vm4, $0x0, v7  }
0x82: {  	v8 =	vshrl.u32 v7, $0x14  }
0x83: {  	v8 =	vand.u32 $0xFF0, v8  }
0x84: {  	v8 =	vor.u32 v0, v8;
	_ =	sdelay $0x3  }
0x85: {  	[tilespmem:s19+$0xFFFFFFE0] =	vst v7  }
0x86: {  	[tilespmem:v8+s9+$0x0] =	vst.idx.add.s32.msk vm4, v4  }
0x87: {  	v7 =	vld [tilespmem:s18+$0xFFFFFFF0];
	_ =	sdelay $0x2  }
0x88: {  	s20 =	sadd.s32 $0x10, s16  }
0x89: {  	v8 =	vor.u32 s20, v0  }
0x8a: {  	v8 =	vsub.s32 v8, v5;
	v61 =	vshra.s32 v7, $0x1F  }
0x8b: {  	vm4 =	vgt.s32 v8, $0xFFFFFFFF;
	vm5 =	vlt.s32 v8, v6;
	v9 =	vor.u32 $0x80000000, v61  }
0x8c: {  	vm4 =	vmand vm4, vm5;
	v7 =	vxor.u32 v7, v9  }
0x8d: {  	v7 =	vnsel vm4, $0x0, v7  }
0x8e: {  	v8 =	vshrl.u32 v7, $0x14  }
0x8f: {  	v8 =	vand.u32 $0xFF0, v8  }
0x90: {  	v8 =	vor.u32 v0, v8;
	_ =	sdelay $0x3  }
0x91: {  	[tilespmem:s19+$0xFFFFFFF0] =	vst v7  }
0x92: {  	[tilespmem:v8+s9+$0x0] =	vst.idx.add.s32.msk vm4, v4  }
0x93: {  	v7 =	vld [tilespmem:s18+$0x0];
	_ =	sdelay $0x2  }
0x94: {  	s30 =	sadd.s32 $0x20, s16  }
0x95: {  	v8 =	vor.u32 s30, v0  }
0x96: {  	v8 =	vsub.s32 v8, v5;
	v62 =	vshra.s32 v7, $0x1F  }
0x97: {  	vm4 =	vgt.s32 v8, $0xFFFFFFFF;
	vm5 =	vlt.s32 v8, v6;
	v9 =	vor.u32 $0x80000000, v62  }
0x98: {  	vm4 =	vmand vm4, vm5;
	v7 =	vxor.u32 v7, v9  }
0x99: {  	v7 =	vnsel vm4, $0x0, v7  }
0x9a: {  	v8 =	vshrl.u32 v7, $0x14  }
0x9b: {  	v8 =	vand.u32 $0xFF0, v8  }
0x9c: {  	v8 =	vor.u32 v0, v8;
	_ =	sdelay $0x3  }
0x9d: {  	[tilespmem:s19+$0x0] =	vst v7  }
0x9e: {  	[tilespmem:v8+s9+$0x0] =	vst.idx.add.s32.msk vm4, v4  }
0x9f: {  	v7 =	vld [tilespmem:s18+$0x10];
	_ =	sdelay $0x2  }
0xa0: {  	s31 =	sadd.s32 $0x30, s16  }
0xa1: {  	v8 =	vor.u32 s31, v0  }
0xa2: {  	v8 =	vsub.s32 v8, v5;
	v63 =	vshra.s32 v7, $0x1F  }
0xa3: {  	vm4 =	vgt.s32 v8, $0xFFFFFFFF;
	vm5 =	vlt.s32 v8, v6;
	v8 =	vor.u32 $0x80000000, v63  }
0xa4: {  	vm4 =	vmand vm4, vm5;
	v7 =	vxor.u32 v7, v8  }
0xa5: {  	v7 =	vnsel vm4, $0x0, v7  }
0xa6: {  	v8 =	vshrl.u32 v7, $0x14  }
0xa7: {  	s15 =	sadd.s32 $0x1, s15;
	v8 =	vand.u32 $0xFF0, v8  }
0xa8: {  	p1 =	seq.s32 s15, $0x0;
	v8 =	vor.u32 v0, v8  }
.Ltmp6:
0xa9: {  	_ = 	snop;
	(pc) =	sbr.rel @!p1 .LBB2_7-.Ltmp6, $3  }
0xaa: {  	_ =	sdelay $0x1  }
0xab: {  	[tilespmem:s19+$0x10] =	vst v7  }
0xac: {  	s16 =	sadd.s32 $0x40, s16;
	s18 =	sadd.s32 $0x40, s18;
	s19 =	sadd.s32 $0x40, s19;
	[tilespmem:v8+s9+$0x0] =	vst.idx.add.s32.msk vm4, v4  }
.LBB2_8:
0xad: {  	s15 =	simm.s32 $0xF0  }
0xae: {  	v5 =	vmov s15  }
0xaf: {  	v5 =	vshll.u32 v5, $0x4  }
0xb0: {  	v5 =	vor.u32 v2, v5  }
0xb1: {  	v6 =	vor.u32 $0x1, v5  }
0xb2: {  	v7 =	vor.u32 $0x2, v5  }
0xb3: {  	v8 =	vor.u32 $0x3, v5  }
0xb4: {  	v9 =	vor.u32 $0x4, v5  }
0xb5: {  	v11 =	vor.u32 $0x5, v5;
	v10 =	vld.idx.msk [tilespmem:v5+s9+$0x0], $0xffff  }
0xb6: {  	v12 =	vor.u32 $0x6, v5;
	v6 =	vld.idx.msk [tilespmem:v6+s9+$0x0], $0xffff  }
0xb7: {  	v13 =	vor.u32 $0x7, v5;
	v7 =	vld.idx.msk [tilespmem:v7+s9+$0x0], $0xffff  }
0xb8: {  	v14 =	vor.u32 $0x8, v5;
	v8 =	vld.idx.msk [tilespmem:v8+s9+$0x0], $0xffff  }
0xb9: {  	v15 =	vor.u32 $0x9, v5;
	v9 =	vld.idx.msk [tilespmem:v9+s9+$0x0], $0xffff  }
0xba: {  	v16 =	vor.u32 $0xA, v5;
	v11 =	vld.idx.msk [tilespmem:v11+s9+$0x0], $0xffff  }
0xbb: {  	v17 =	vor.u32 $0xB, v5;
	v12 =	vld.idx.msk [tilespmem:v12+s9+$0x0], $0xffff;
	v6 =	vadd.s32 v10, v6  }
0xbc: {  	v35 =	vor.u32 $0xC, v5;
	v34 =	vld.idx.msk [tilespmem:v13+s9+$0x0], $0xffff;
	v6 =	vadd.s32 v7, v6  }
0xbd: {  	v36 =	vor.u32 $0xD, v5;
	v7 =	vld.idx.msk [tilespmem:v14+s9+$0x0], $0xffff;
	v6 =	vadd.s32 v8, v6  }
0xbe: {  	v38 =	vor.u32 $0xE, v5;
	v37 =	vld.idx.msk [tilespmem:v15+s9+$0x0], $0xffff;
	v6 =	vadd.s32 v9, v6  }
0xbf: {  	v5 =	vor.u32 $0xF, v5;
	v39 =	vld.idx.msk [tilespmem:v16+s9+$0x0], $0xffff;
	v6 =	vadd.s32 v11, v6  }
0xc0: {  	v40 =	vld.idx.msk [tilespmem:v17+s9+$0x0], $0xffff;
	v6 =	vadd.s32 v12, v6  }
0xc1: {  	v41 =	vld.idx.msk [tilespmem:v35+s9+$0x0], $0xffff;
	v6 =	vadd.s32 v34, v6  }
0xc2: {  	v42 =	vld.idx.msk [tilespmem:v36+s9+$0x0], $0xffff;
	v6 =	vadd.s32 v7, v6  }
0xc3: {  	v7 =	vld.idx.msk [tilespmem:v38+s9+$0x0], $0xffff;
	v6 =	vadd.s32 v37, v6  }
0xc4: {  	v5 =	vld.idx.msk [tilespmem:v5+s9+$0x0], $0xffff;
	v6 =	vadd.s32 v39, v6  }
0xc5: {  	v6 =	vadd.s32 v40, v6  }
0xc6: {  	v6 =	vadd.s32 v41, v6  }
0xc7: {  	s18 =	simm.s32 $0xE0;
	v6 =	vadd.s32 v42, v6  }
0xc8: {  	v6 =	vadd.s32 v7, v6;
	v7 =	vmov s18  }
0xc9: {  	v5 =	vadd.s32 v5, v6;
	v6 =	vshll.u32 v7, $0x4  }
0xca: {  	v6 =	vor.u32 v2, v6  }
0xcb: {  	v7 =	vor.u32 $0x1, v6  }
0xcc: {  	v5 =	vperm.xlane v5, v3;
	v43 =	vor.u32 $0x2, v6  }
0xcd: {  	v44 =	vor.u32 $0x3, v6  }
0xce: {  	v45 =	vor.u32 $0x4, v6;
	(xrf0) =	vadd.scan.msk.s32 $0xffff, v5  }
0xcf: {  	v47 =	vor.u32 $0x5, v6;
	v46 =	vld.idx.msk [tilespmem:v6+s9+$0x0], $0xffff  }
0xd0: {  	v48 =	vor.u32 $0x6, v6;
	v7 =	vld.idx.msk [tilespmem:v7+s9+$0x0], $0xffff  }
0xd1: {  	v49 =	vor.u32 $0x7, v6;
	v8 =	vld.idx.msk [tilespmem:v43+s9+$0x0], $0xffff  }
0xd2: {  	v51 =	vor.u32 $0x8, v6;
	v9 =	vld.idx.msk [tilespmem:v44+s9+$0x0], $0xffff  }
0xd3: {  	v18 =	vor.u32 $0x9, v6;
	v10 =	vld.idx.msk [tilespmem:v45+s9+$0x0], $0xffff  }
0xd4: {  	s16 =	simm.s32 $0x0;
	v19 =	vor.u32 $0xA, v6;
	v12 =	vld.idx.msk [tilespmem:v47+s9+$0x0], $0xffff;
	v50, _, _ =	vpop (xrf0)  }
0xd5: {  	s19 =	simm.s32 $0x400;
	v21 =	vor.u32 $0xB, v6;
	v13 =	vld.idx.msk [tilespmem:v48+s9+$0x0], $0xffff;
	v52 =	vadd.s32 s16, v50;
	v7 =	vadd.s32 v46, v7  }
0xd6: {  	v14 =	vld.idx.msk [tilespmem:v49+s9+$0x0], $0xffff;
	vm4 =	vge.s32 v52, s19;
	v7 =	vadd.s32 v8, v7  }
0xd7: {  	v16 =	vld.idx.msk [tilespmem:v51+s9+$0x0], $0xffff;
	v20 =	vmpcnt.ones.xlane vm4;
	v53 =	vmctz.xlane vm4;
	v7 =	vadd.s32 v9, v7  }
0xd8: {  	v54 =	vor.u32 $0xC, v6;
	v18 =	vld.idx.msk [tilespmem:v18+s9+$0x0], $0xffff;
	v7 =	vadd.s32 v10, v7  }
0xd9: {  	v19 =	vld.idx.msk [tilespmem:v19+s9+$0x0], $0xffff;
	v20 =	vxor.u32 $0x80000000, v20;
	vm4 =	veq.s32 v53, v0;
	v7 =	vadd.s32 v12, v7  }
0xda: {  	v57 =	vld.idx.msk [tilespmem:v21+s9+$0x0], $0xffff;
	(xrf0) =	vmax.scan.msk.u32 $0xffff, v20;
	v17 =	vnsel vm4, $0x0, v52;
	v7 =	vadd.s32 v13, v7  }
0xdb: {  	v5 =	vnsel vm4, $0x0, v5;
	(xrf0) =	vadd.scan.msk.s32 $0xffff, v17;
	v7 =	vadd.s32 v14, v7  }
0xdc: {  	v58 =	vsel vm1, $0x0, v50;
	(xrf0) =	vadd.scan.msk.s32 $0xffff, v5;
	v7 =	vadd.s32 v16, v7  }
0xdd: {  	v59 =	vxor.u32 $0x80000000, v53;
	v5 =	vld.idx.msk [tilespmem:v54+s9+$0x0], $0xffff;
	(xrf0) =	vadd.scan.msk.s32 $0xffff, v58;
	v7 =	vadd.s32 v18, v7  }
0xde: {  	(xrf0) =	vmax.scan.msk.u32 $0xffff, v59;
	v7 =	vadd.s32 v19, v7  }
0xdf: {  	v55 =	vor.u32 $0xD, v6;
	v7 =	vadd.s32 v57, v7  }
0xe0: {  	v56 =	vor.u32 $0xE, v6;
	v61, _, _ =	vpop (xrf0)  }
0xe1: {  	v6 =	vor.u32 $0xF, v6;
	(v2sf) =	vpush v61, $0xF;
	v62, _, _ =	vpop (xrf0)  }
0xe2: {  	v5 =	vadd.s32 v5, v7;
	(v2sf) =	vpush v62, $0xF;
	v7, _, _ =	vpop (xrf0)  }
0xe3: {  	(v2sf) =	vpush v7, $0xF;
	v7, _, _ =	vpop (xrf0)  }
0xe4: {  	v9 =	vld.idx.msk [tilespmem:v55+s9+$0x0], $0xffff;
	v63, _, _ =	vpop (xrf0);
	(v2sf) =	vpush v7, $0xF  }
0xe5: {  	v60 =	vld.idx.msk [tilespmem:v56+s9+$0x0], $0xffff;
	(v2sf) =	vpush v63, $0xF  }
0xe6: {  	v6 =	vld.idx.msk [tilespmem:v6+s9+$0x0], $0xffff;
	_ =	sdelay $0x2  }
0xe7: {  	v5 =	vadd.s32 v9, v5  }
0xe8: {  	v5 =	vadd.s32 v60, v5  }
0xe9: {  	v5 =	vadd.s32 v6, v5  }
0xea: {  	p1 =	por $0x0, $0x0;
	s20 =	simm.s32 $0x100;
	s21 =	simm.s32 $0x0;
	v5 =	vperm.xlane v5, v3  }
.LBB2_9:
0xeb: {  	_ = 	snop  }
0xec: {  	p2 =	sne.s32 s18, $0x10;
	s22 =	smov.u32 s18;
	s18 =	sadd.s32 $0xFFFFFFF0, s18;
	(xrf0) =	vadd.scan.msk.s32 $0xffff, v5  }
0xed: {  	v6 =	vmov s18  }
0xee: {  	v6 =	vshll.u32 v6, $0x4;
	s23 =	spop (v2sf)  }
0xef: {  	p3 =	por !p1, !p1;
	v6 =	vor.u32 v2, v6;
	p4 =	sgt.u32 s23, $0x80000000;
	s23 =	spop (v2sf)  }
0xf0: {  	v7 =	vor.u32 $0x1, v6;
	p3 =	por !p4, !p3;
	p1 =	por p1, p4;
	s24 =	spop (v2sf)  }
0xf1: {  	v8 =	vor.u32 $0x2, v6;
	p3 =	por !p3, !p3;
	s23 =	ssub.s32 s24, s23;
	s24 =	spop (v2sf)  }
0xf2: {  	v9 =	vor.u32 $0x3, v6;
	v10, _, _ =	vpop (xrf0);
	s23 =	simm.s32 @!p3 $0x0;
	s21 =	sadd.s32 s21, s24;
	s24 =	spop (v2sf)  }
0xf3: {  	v11 =	vor.u32 $0x4, v6;
	v12 =	vadd.s32 s21, v10;
	s24 =	sxor.u32 $0x7FFFFFFF, s24;
	s19 =	sadd.s32 s19, s23  }
0xf4: {  	v14 =	vor.u32 $0x5, v6;
	v13 =	vld.idx.msk [tilespmem:v6+s9+$0x0], $0xffff;
	vm4 =	vge.s32 v12, s19;
	s23 =	sadd.s32 s24, s20;
	s20 =	smov.u32 s15;
	s15 =	smov.u32 s22  }
0xf5: {  	v15 =	vor.u32 $0x6, v6;
	v7 =	vld.idx.msk [tilespmem:v7+s9+$0x0], $0xffff;
	v16 =	vmpcnt.ones.xlane vm4;
	v17 =	vmctz.xlane vm4;
	s16 =	smov.u32 @p3 s23  }
0xf6: {  	v18 =	vor.u32 $0x7, v6;
	v8 =	vld.idx.msk [tilespmem:v8+s9+$0x0], $0xffff  }
0xf7: {  	v19 =	vor.u32 $0x8, v6;
	v9 =	vld.idx.msk [tilespmem:v9+s9+$0x0], $0xffff;
	v16 =	vxor.u32 $0x80000000, v16;
	vm4 =	veq.s32 v17, v0  }
0xf8: {  	v20 =	vor.u32 $0x9, v6;
	v17 =	vxor.u32 $0x80000000, v17;
	v11 =	vld.idx.msk [tilespmem:v11+s9+$0x0], $0xffff;
	v12 =	vnsel vm4, $0x0, v12;
	(xrf0) =	vmax.scan.msk.u32 $0xffff, v16  }
0xf9: {  	v16 =	vor.u32 $0xA, v6;
	v5 =	vnsel vm4, $0x0, v5;
	v14 =	vld.idx.msk [tilespmem:v14+s9+$0x0], $0xffff;
	(xrf0) =	vadd.scan.msk.s32 $0xffff, v12  }
0xfa: {  	v10 =	vsel vm1, $0x0, v10;
	v12 =	vld.idx.msk [tilespmem:v15+s9+$0x0], $0xffff;
	v15 =	vor.u32 $0xB, v6;
	(xrf0) =	vadd.scan.msk.s32 $0xffff, v5  }
0xfb: {  	v5 =	vadd.s32 v13, v7;
	v13 =	vor.u32 $0xC, v6;
	v7 =	vld.idx.msk [tilespmem:v18+s9+$0x0], $0xffff;
	(xrf0) =	vadd.scan.msk.s32 $0xffff, v10  }
0xfc: {  	v5 =	vadd.s32 v8, v5;
	v10 =	vor.u32 $0xD, v6;
	v8 =	vld.idx.msk [tilespmem:v19+s9+$0x0], $0xffff;
	(xrf0) =	vmax.scan.msk.u32 $0xffff, v17  }
0xfd: {  	v5 =	vadd.s32 v9, v5;
	v17 =	vor.u32 $0xE, v6;
	v9 =	vld.idx.msk [tilespmem:v20+s9+$0x0], $0xffff  }
0xfe: {  	v6 =	vor.u32 $0xF, v6;
	v5 =	vadd.s32 v11, v5;
	v11 =	vld.idx.msk [tilespmem:v16+s9+$0x0], $0xffff;
	v16, _, _ =	vpop (xrf0)  }
0xff: {  	v5 =	vadd.s32 v14, v5;
	v14 =	vld.idx.msk [tilespmem:v15+s9+$0x0], $0xffff;
	(v2sf) =	vpush v16, $0xF;
	v15, _, _ =	vpop (xrf0)  }
0x100: {  	v5 =	vadd.s32 v12, v5;
	v12 =	vld.idx.msk [tilespmem:v13+s9+$0x0], $0xffff;
	(v2sf) =	vpush v15, $0xF;
	v13, _, _ =	vpop (xrf0)  }
0x101: {  	v5 =	vadd.s32 v7, v5;
	v7 =	vld.idx.msk [tilespmem:v10+s9+$0x0], $0xffff;
	(v2sf) =	vpush v13, $0xF;
	v10, _, _ =	vpop (xrf0)  }
0x102: {  	v5 =	vadd.s32 v8, v5;
	v8 =	vld.idx.msk [tilespmem:v17+s9+$0x0], $0xffff;
	v13, _, _ =	vpop (xrf0);
	(v2sf) =	vpush v10, $0xF  }
0x103: {  	v5 =	vadd.s32 v9, v5;
	v6 =	vld.idx.msk [tilespmem:v6+s9+$0x0], $0xffff;
	(v2sf) =	vpush v13, $0xF  }
0x104: {  	v5 =	vadd.s32 v11, v5  }
0x105: {  	v5 =	vadd.s32 v14, v5  }
.Ltmp7:
0x106: {  	v5 =	vadd.s32 v12, v5;
	(pc) =	sbr.rel @p2 .LBB2_9-.Ltmp7, $4  }
0x107: {  	v5 =	vadd.s32 v7, v5  }
0x108: {  	v5 =	vadd.s32 v8, v5  }
0x109: {  	v5 =	vadd.s32 v6, v5  }
0x10a: {  	v5 =	vperm.xlane v5, v3  }
0x10b: {  	_ = 	snop  }
0x10c: {  	(xrf0) =	vadd.scan.msk.s32 $0xffff, v5;
	_ =	sdelay $0x1  }
0x10d: {  	s18 =	spop (v2sf)  }
0x10e: {  	p2 =	por !p1, !p1;
	p3 =	sgt.u32 s18, $0x80000000;
	s24 =	spop (v2sf)  }
0x10f: {  	p2 =	por !p3, !p2;
	s22 =	spop (v2sf)  }
0x110: {  	p2 =	por !p2, !p2;
	s18 =	ssub.s32 s22, s24;
	s25 =	spop (v2sf)  }
0x111: {  	v6, _, _ =	vpop (xrf0);
	s18 =	simm.s32 @!p2 $0x0;
	s21 =	sadd.s32 s21, s25  }
0x112: {  	v7 =	vadd.s32 s21, v6;
	s18 =	sadd.s32 s19, s18  }
0x113: {  	vm4 =	vge.s32 v7, s18  }
0x114: {  	v8 =	vmpcnt.ones.xlane vm4;
	v9 =	vmctz.xlane vm4;
	_ =	sdelay $0x1  }
0x115: {  	v8 =	vxor.u32 $0x80000000, v8;
	vm4 =	veq.s32 v9, v0  }
0x116: {  	v7 =	vnsel vm4, $0x0, v7;
	(xrf0) =	vmax.scan.msk.u32 $0xffff, v8  }
0x117: {  	v5 =	vnsel vm4, $0x0, v5;
	(xrf0) =	vadd.scan.msk.s32 $0xffff, v7  }
0x118: {  	v6 =	vsel vm1, $0x0, v6;
	(xrf0) =	vadd.scan.msk.s32 $0xffff, v5  }
0x119: {  	v5 =	vxor.u32 $0x80000000, v9;
	(xrf0) =	vadd.scan.msk.s32 $0xffff, v6  }
0x11a: {  	(xrf0) =	vmax.scan.msk.u32 $0xffff, v5;
	_ =	sdelay $0x1  }
0x11b: {  	v5, _, _ =	vpop (xrf0)  }
0x11c: {  	(v2sf) =	vpush v5, $0xF;
	v5, _, _ =	vpop (xrf0)  }
0x11d: {  	(v2sf) =	vpush v5, $0xF;
	v5, _, _ =	vpop (xrf0)  }
0x11e: {  	(v2sf) =	vpush v5, $0xF;
	v5, _, _ =	vpop (xrf0)  }
0x11f: {  	v6, _, _ =	vpop (xrf0);
	(v2sf) =	vpush v5, $0xF  }
0x120: {  	(v2sf) =	vpush v6, $0xF;
	_ =	sdelay $0x9  }
0x121: {  	s26 =	spop (v2sf)  }
0x122: {  	s28 =	spop (v2sf)  }
0x123: {  	p5 =	por p1, p3;
	s29 =	spop (v2sf)  }
0x124: {  	p1 =	por !p5, !p5;
	s19 =	sxor.u32 $0x7FFFFFFF, s26;
	s23 =	spop (v2sf)  }
.Ltmp8:
0x125: {  	p6 =	sgt.u32 s28, $0x80000000;
	s30 =	spop (v2sf);
	(pc) =	sbr.rel @p0 .LBB2_11-.Ltmp8, $4  }
0x126: {  	s19 =	sadd.s32 s19, s20;
	p1 =	por !p6, !p1;
	s31 =	spop (v2sf)  }
0x127: {  	p1 =	por !p1, !p1;
	s21 =	ssub.s32 s23, s29;
	s20 =	sxor.u32 $0x7FFFFFFF, s31  }
0x128: {  	s16 =	smov.u32 @p2 s19;
	s21 =	simm.s32 @!p1 $0x0;
	s19 =	sadd.s32 s20, s15  }
0x129: {  	s15 =	sadd.s32 s18, s21;
	s16 =	smov.u32 @p1 s19  }
0x12a: {  	s18 =	simm.s32 $0x10A0  }
0x12b: {  	v6 =	vld [tilespmem:s18+$0xFFFFFFE0]  }
0x12c: {  	s17 =	ssub.s32 $0x0, s17  }
0x12d: {  	s19 =	sadd.s32 $0x1, s17  }
0x12e: {  	p1 =	seq.s32 s19, $0x0  }
.Ltmp9:
0x12f: {  	_ = 	snop;
	(pc) =	sbr.rel @p1 .LBB2_13-.Ltmp9, $4  }
0x130: {  	v5 =	vmov s16;
	v7 =	vshrl.u32 v6, $0x18  }
0x131: {  	vm4 =	veq.s32 v7, v5  }
0x132: {  	v7 =	vsel vm4, $0x1, v1  }
0x133: {  	p0 =	por $0x0, $0x0;
	s17 =	simm.s32 $0x0;
	(xrf0) =	vadd.scan.msk.s32 $0xffff, v7  }
0x134: {  	_ =	sdelay $0x1  }
0x135: {  	v7 =	vmov s17  }
0x136: {  	v7 =	vadd.s32 $0xFFFFFFFF, v7  }
0x137: {  	v7 =	vbroadcast v7, $0x0  }
0x138: {  	v8, _, _ =	vpop (xrf0)  }
0x139: {  	v7 =	vadd.s32 v8, v7;
	v8 =	vsel vm1, $0x0, v8  }
0x13a: {  	(xrf0) =	vadd.scan.msk.s32 $0xffff, v8;
	_ =	sdelay $0x3  }
0x13b: {  	s20 =	ssub.s32 $0x0, s14  }
0x13c: {  	[tilespmem:v7+s10+$0x0] =	vst.idx.msk vm4, v6;
	v6 =	vadd.s32 s20, v0  }
0x13d: {  	[tilespmem:v7+s11+$0x0] =	vst.idx.msk vm4, v6;
	v7, _, _ =	vpop (xrf0)  }
0x13e: {  	(v2sf) =	vpush v7, $0xF  }
0x13f: {  	v6 =	vld [tilespmem:s18+$0xFFFFFFF0];
	_ =	sdelay $0x4  }
0x140: {  	v7 =	vshrl.u32 v6, $0x18  }
0x141: {  	vm4 =	veq.s32 v7, v5  }
0x142: {  	v7 =	vsel vm4, $0x1, v1  }
0x143: {  	(xrf0) =	vadd.scan.msk.s32 $0xffff, v7;
	_ =	sdelay $0x5  }
0x144: {  	v7, _, _ =	vpop (xrf0);
	s21 =	spop (v2sf)  }
0x145: {  	v8 =	vsel vm1, $0x0, v7;
	s21 =	sadd.s32 $0x0, s21  }
0x146: {  	(xrf0) =	vadd.scan.msk.s32 $0xffff, v8;
	v8 =	vmov s21  }
0x147: {  	v8 =	vadd.s32 $0xFFFFFFFF, v8  }
0x148: {  	v8 =	vbroadcast v8, $0x0;
	_ =	sdelay $0x3  }
0x149: {  	v7 =	vadd.s32 v7, v8;
	v8, _, _ =	vpop (xrf0)  }
0x14a: {  	(v2sf) =	vpush v8, $0xF;
	_ =	sdelay $0x2  }
0x14b: {  	s22 =	sadd.s32 $0x10, s20  }
0x14c: {  	[tilespmem:v7+s10+$0x0] =	vst.idx.msk vm4, v6;
	v6 =	vadd.s32 s22, v0  }
0x14d: {  	[tilespmem:v7+s11+$0x0] =	vst.idx.msk vm4, v6  }
0x14e: {  	v6 =	vld [tilespmem:s18+$0x0];
	_ =	sdelay $0x4  }
0x14f: {  	v7 =	vshrl.u32 v6, $0x18  }
0x150: {  	vm4 =	veq.s32 v7, v5  }
0x151: {  	v7 =	vsel vm4, $0x1, v1  }
0x152: {  	(xrf0) =	vadd.scan.msk.s32 $0xffff, v7  }
0x153: {  	s28 =	spop (v2sf)  }
0x154: {  	s21 =	sadd.s32 s21, s28  }
0x155: {  	v7 =	vmov s21  }
0x156: {  	v7 =	vadd.s32 $0xFFFFFFFF, v7  }
0x157: {  	v7 =	vbroadcast v7, $0x0  }
0x158: {  	v8, _, _ =	vpop (xrf0)  }
0x159: {  	v7 =	vadd.s32 v8, v7;
	v8 =	vsel vm1, $0x0, v8  }
0x15a: {  	(xrf0) =	vadd.scan.msk.s32 $0xffff, v8;
	_ =	sdelay $0x2  }
0x15b: {  	s29 =	sadd.s32 $0x20, s20  }
0x15c: {  	[tilespmem:v7+s10+$0x0] =	vst.idx.msk vm4, v6;
	v6 =	vadd.s32 s29, v0  }
0x15d: {  	[tilespmem:v7+s11+$0x0] =	vst.idx.msk vm4, v6  }
0x15e: {  	v6 =	vld [tilespmem:s18+$0x10];
	v7, _, _ =	vpop (xrf0)  }
0x15f: {  	(v2sf) =	vpush v7, $0xF;
	_ =	sdelay $0x3  }
0x160: {  	v7 =	vshrl.u32 v6, $0x18  }
0x161: {  	vm4 =	veq.s32 v7, v5  }
0x162: {  	v7 =	vsel vm4, $0x1, v1  }
0x163: {  	(xrf0) =	vadd.scan.msk.s32 $0xffff, v7;
	_ =	sdelay $0x5  }
0x164: {  	v7, _, _ =	vpop (xrf0)  }
0x165: {  	v8 =	vsel vm1, $0x0, v7  }
0x166: {  	(xrf0) =	vadd.scan.msk.s32 $0xffff, v8;
	s30 =	spop (v2sf)  }
0x167: {  	s22 =	sadd.s32 s21, s30  }
0x168: {  	v8 =	vmov s22  }
0x169: {  	v8 =	vadd.s32 $0xFFFFFFFF, v8  }
0x16a: {  	v8 =	vbroadcast v8, $0x0;
	_ =	sdelay $0x1  }
0x16b: {  	v9, _, _ =	vpop (xrf0);
	v7 =	vadd.s32 v7, v8  }
0x16c: {  	(v2sf) =	vpush v9, $0xF;
	_ =	sdelay $0x2  }
0x16d: {  	s31 =	sadd.s32 $0x30, s20  }
0x16e: {  	[tilespmem:v7+s10+$0x0] =	vst.idx.msk vm4, v6;
	v6 =	vadd.s32 s31, v0  }
0x16f: {  	s18 =	simm.s32 $0x10E0;
	[tilespmem:v7+s11+$0x0] =	vst.idx.msk vm4, v6  }
0x170: {  	v6 =	vld [tilespmem:s18+$0xFFFFFFE0];
	_ =	sdelay $0x2  }
0x171: {  	s20 =	sadd.s32 $0x1, s19  }
0x172: {  	p1 =	seq.s32 s20, $0x0  }
.Ltmp10:
0x173: {  	v7 =	vshrl.u32 v6, $0x18;
	(pc) =	sbr.rel @p1 .LBB2_15-.Ltmp10, $4  }
0x174: {  	vm4 =	veq.s32 v7, v5  }
0x175: {  	v7 =	vsel vm4, $0x1, v1  }
0x176: {  	(xrf0) =	vadd.scan.msk.s32 $0xffff, v7  }
0x177: {  	p0 =	por $0x1, $0x1;
	s19 =	simm.s32 $0x0;
	s21 =	spop (v2sf)  }
.LBB2_16:
0x178: {  	s20 =	sadd.s32 $0x1, s20;
	s23 =	sadd.s32 s22, s21;
	s19 =	sadd.s32 $0x40, s19  }
0x179: {  	p1 =	seq.s32 s20, $0x0;
	v7 =	vmov s23  }
0x17a: {  	v7 =	vadd.s32 $0xFFFFFFFF, v7  }
0x17b: {  	v7 =	vbroadcast v7, $0x0  }
0x17c: {  	v8, _, _ =	vpop (xrf0)  }
0x17d: {  	v7 =	vadd.s32 v8, v7;
	v8 =	vsel vm1, $0x0, v8  }
0x17e: {  	(xrf0) =	vadd.scan.msk.s32 $0xffff, v8;
	_ =	sdelay $0x2  }
0x17f: {  	s21 =	ssub.s32 s19, s14  }
0x180: {  	s24 =	sadd.s32 $0x10, s21;
	s22 =	sadd.s32 $0x20, s21;
	[tilespmem:v7+s10+$0x0] =	vst.idx.msk vm4, v6;
	v6 =	vadd.s32 s21, v0;
	s21 =	sadd.s32 $0x30, s21  }
0x181: {  	[tilespmem:v7+s11+$0x0] =	vst.idx.msk vm4, v6  }
0x182: {  	v6 =	vld [tilespmem:s18+$0xFFFFFFF0];
	v7, _, _ =	vpop (xrf0)  }
0x183: {  	(v2sf) =	vpush v7, $0xF;
	_ =	sdelay $0x3  }
0x184: {  	v7 =	vshrl.u32 v6, $0x18  }
0x185: {  	vm4 =	veq.s32 v7, v5  }
0x186: {  	v7 =	vsel vm4, $0x1, v1  }
0x187: {  	(xrf0) =	vadd.scan.msk.s32 $0xffff, v7;
	_ =	sdelay $0x5  }
0x188: {  	v7, _, _ =	vpop (xrf0)  }
0x189: {  	v8 =	vsel vm1, $0x0, v7  }
0x18a: {  	s25 =	spop (v2sf);
	(xrf0) =	vadd.scan.msk.s32 $0xffff, v8  }
0x18b: {  	s23 =	sadd.s32 s23, s25  }
0x18c: {  	v8 =	vmov s23  }
0x18d: {  	v8 =	vadd.s32 $0xFFFFFFFF, v8  }
0x18e: {  	v9 =	vbroadcast v8, $0x0;
	_ =	sdelay $0x1  }
0x18f: {  	v7 =	vadd.s32 v7, v9;
	v8, _, _ =	vpop (xrf0)  }
0x190: {  	(v2sf) =	vpush v8, $0xF;
	_ =	sdelay $0x3  }
0x191: {  	[tilespmem:v7+s10+$0x0] =	vst.idx.msk vm4, v6;
	v6 =	vadd.s32 s24, v0  }
0x192: {  	[tilespmem:v7+s11+$0x0] =	vst.idx.msk vm4, v6  }
0x193: {  	v6 =	vld [tilespmem:s18+$0x0];
	_ =	sdelay $0x4  }
0x194: {  	v7 =	vshrl.u32 v6, $0x18  }
0x195: {  	vm4 =	veq.s32 v7, v5  }
0x196: {  	v7 =	vsel vm4, $0x1, v1  }
0x197: {  	(xrf0) =	vadd.scan.msk.s32 $0xffff, v7  }
0x198: {  	s24 =	spop (v2sf)  }
0x199: {  	s23 =	sadd.s32 s23, s24  }
0x19a: {  	v7 =	vmov s23  }
0x19b: {  	v7 =	vadd.s32 $0xFFFFFFFF, v7  }
0x19c: {  	v7 =	vbroadcast v7, $0x0  }
0x19d: {  	v8, _, _ =	vpop (xrf0)  }
0x19e: {  	v7 =	vadd.s32 v8, v7;
	v8 =	vsel vm1, $0x0, v8  }
0x19f: {  	(xrf0) =	vadd.scan.msk.s32 $0xffff, v8;
	_ =	sdelay $0x3  }
0x1a0: {  	[tilespmem:v7+s10+$0x0] =	vst.idx.msk vm4, v6;
	v6 =	vadd.s32 s22, v0  }
0x1a1: {  	[tilespmem:v7+s11+$0x0] =	vst.idx.msk vm4, v6  }
0x1a2: {  	v6 =	vld [tilespmem:s18+$0x10];
	v7, _, _ =	vpop (xrf0)  }
0x1a3: {  	(v2sf) =	vpush v7, $0xF;
	_ =	sdelay $0x3  }
0x1a4: {  	v7 =	vshrl.u32 v6, $0x18  }
0x1a5: {  	vm4 =	veq.s32 v7, v5  }
0x1a6: {  	v7 =	vsel vm4, $0x1, v1  }
0x1a7: {  	(xrf0) =	vadd.scan.msk.s32 $0xffff, v7;
	_ =	sdelay $0x5  }
0x1a8: {  	v7, _, _ =	vpop (xrf0)  }
0x1a9: {  	v8 =	vsel vm1, $0x0, v7  }
0x1aa: {  	s22 =	spop (v2sf);
	(xrf0) =	vadd.scan.msk.s32 $0xffff, v8  }
0x1ab: {  	s22 =	sadd.s32 s23, s22  }
0x1ac: {  	v8 =	vmov s22  }
0x1ad: {  	v8 =	vadd.s32 $0xFFFFFFFF, v8  }
0x1ae: {  	v9 =	vbroadcast v8, $0x0;
	_ =	sdelay $0x1  }
0x1af: {  	v7 =	vadd.s32 v7, v9;
	v8, _, _ =	vpop (xrf0)  }
0x1b0: {  	(v2sf) =	vpush v8, $0xF;
	_ =	sdelay $0x3  }
0x1b1: {  	[tilespmem:v7+s10+$0x0] =	vst.idx.msk vm4, v6;
	v6 =	vadd.s32 s21, v0  }
0x1b2: {  	s18 =	sadd.s32 $0x40, s18;
	[tilespmem:v7+s11+$0x0] =	vst.idx.msk vm4, v6  }
0x1b3: {  	v6 =	vld [tilespmem:s18+$0xFFFFFFE0];
	_ =	sdelay $0x4  }
.Ltmp11:
0x1b4: {  	v7 =	vshrl.u32 v6, $0x18;
	(pc) =	sbr.rel @!p1 .LBB2_16-.Ltmp11, $4  }
0x1b5: {  	vm4 =	veq.s32 v7, v5  }
0x1b6: {  	v7 =	vsel vm4, $0x1, v1  }
0x1b7: {  	(xrf0) =	vadd.scan.msk.s32 $0xffff, v7  }
0x1b8: {  	s21 =	spop (v2sf)  }
.LBB2_17:
0x1b9: {  	s20 =	sadd.s32 @p0 s22, s21;
	s21 =	simm.s32 $0x0  }
0x1ba: {  	s21 =	smov.u32 @p0 s20  }
0x1bb: {  	v7 =	vmov s21  }
0x1bc: {  	v7 =	vadd.s32 $0xFFFFFFFF, v7  }
0x1bd: {  	v7 =	vbroadcast v7, $0x0  }
0x1be: {  	v8, _, _ =	vpop (xrf0)  }
0x1bf: {  	v7 =	vadd.s32 v8, v7;
	v8 =	vsel vm1, $0x0, v8  }
0x1c0: {  	(xrf0) =	vadd.scan.msk.s32 $0xffff, v8  }
0x1c1: {  	s19 =	sadd.s32 @p0 $0x40, s19  }
0x1c2: {  	s17 =	smov.u32 @p0 s19  }
0x1c3: {  	s14 =	ssub.s32 s17, s14  }
0x1c4: {  	[tilespmem:v7+s10+$0x0] =	vst.idx.msk vm4, v6;
	v6 =	vadd.s32 s14, v0  }
0x1c5: {  	[tilespmem:v7+s11+$0x0] =	vst.idx.msk vm4, v6  }
0x1c6: {  	v6 =	vld [tilespmem:s18+$0xFFFFFFF0];
	v7, _, _ =	vpop (xrf0)  }
0x1c7: {  	(v2sf) =	vpush v7, $0xF;
	_ =	sdelay $0x3  }
0x1c8: {  	v7 =	vshrl.u32 v6, $0x18  }
0x1c9: {  	vm4 =	veq.s32 v7, v5  }
0x1ca: {  	v7 =	vsel vm4, $0x1, v1  }
0x1cb: {  	(xrf0) =	vadd.scan.msk.s32 $0xffff, v7;
	_ =	sdelay $0x5  }
0x1cc: {  	v7, _, _ =	vpop (xrf0)  }
0x1cd: {  	v60 =	vsel vm1, $0x0, v7  }
0x1ce: {  	s25 =	spop (v2sf);
	(xrf0) =	vadd.scan.msk.s32 $0xffff, v60  }
0x1cf: {  	s17 =	sadd.s32 s21, s25  }
0x1d0: {  	v61 =	vmov s17  }
0x1d1: {  	v8 =	vadd.s32 $0xFFFFFFFF, v61  }
0x1d2: {  	v8 =	vbroadcast v8, $0x0;
	_ =	sdelay $0x1  }
0x1d3: {  	v7 =	vadd.s32 v7, v8;
	v62, _, _ =	vpop (xrf0)  }
0x1d4: {  	(v2sf) =	vpush v62, $0xF;
	_ =	sdelay $0x2  }
0x1d5: {  	s26 =	sadd.s32 $0x10, s14  }
0x1d6: {  	[tilespmem:v7+s10+$0x0] =	vst.idx.msk vm4, v6;
	v6 =	vadd.s32 s26, v0  }
0x1d7: {  	[tilespmem:v7+s11+$0x0] =	vst.idx.msk vm4, v6  }
0x1d8: {  	v6 =	vld [tilespmem:s18+$0x0];
	_ =	sdelay $0x4  }
0x1d9: {  	v7 =	vshrl.u32 v6, $0x18  }
0x1da: {  	vm4 =	veq.s32 v7, v5  }
0x1db: {  	v7 =	vsel vm4, $0x1, v1  }
0x1dc: {  	(xrf0) =	vadd.scan.msk.s32 $0xffff, v7  }
0x1dd: {  	s28 =	spop (v2sf)  }
0x1de: {  	s17 =	sadd.s32 s17, s28  }
0x1df: {  	v7 =	vmov s17  }
0x1e0: {  	v7 =	vadd.s32 $0xFFFFFFFF, v7  }
0x1e1: {  	v7 =	vbroadcast v7, $0x0  }
0x1e2: {  	v63, _, _ =	vpop (xrf0)  }
0x1e3: {  	v7 =	vadd.s32 v63, v7;
	_ =	sdelay $0x3  }
0x1e4: {  	s29 =	sadd.s32 $0x20, s14  }
0x1e5: {  	[tilespmem:v7+s10+$0x0] =	vst.idx.msk vm4, v6;
	v6 =	vadd.s32 s29, v0  }
0x1e6: {  	[tilespmem:v7+s11+$0x0] =	vst.idx.msk vm4, v6  }
0x1e7: {  	v6 =	vld [tilespmem:s18+$0x10];
	_ =	sdelay $0x3  }
0x1e8: {  	v7 =	vsel vm1, $0x0, v63  }
0x1e9: {  	(xrf0) =	vadd.scan.msk.s32 $0xffff, v7;
	v7 =	vshrl.u32 v6, $0x18  }
0x1ea: {  	vm4 =	veq.s32 v7, v5  }
0x1eb: {  	v5 =	vsel vm4, $0x1, v1  }
0x1ec: {  	(xrf0) =	vadd.scan.msk.s32 $0xffff, v5;
	_ =	sdelay $0x2  }
0x1ed: {  	v5, _, _ =	vpop (xrf0)  }
0x1ee: {  	(v2sf) =	vpush v5, $0xF;
	_ =	sdelay $0x1  }
0x1ef: {  	v5, _, _ =	vpop (xrf0)  }
0x1f0: {  	v7 =	vsel vm1, $0x0, v5  }
0x1f1: {  	(xrf0) =	vadd.scan.msk.s32 $0xffff, v7;
	_ =	sdelay $0x5  }
0x1f2: {  	v7, _, _ =	vpop (xrf0)  }
0x1f3: {  	(v2sf) =	vpush v7, $0xF;
	_ =	sdelay $0x3  }
0x1f4: {  	s30 =	spop (v2sf)  }
0x1f5: {  	s17 =	sadd.s32 s17, s30  }
0x1f6: {  	v7 =	vmov s17  }
0x1f7: {  	v7 =	vadd.s32 $0xFFFFFFFF, v7  }
0x1f8: {  	v7 =	vbroadcast v7, $0x0;
	_ =	sdelay $0x1  }
0x1f9: {  	v5 =	vadd.s32 v5, v7;
	_ =	sdelay $0x1  }
.Ltmp12:
0x1fa: {  	_ = 	snop;
	(pc) =	sbr.rel .LBB2_18-.Ltmp12, $4  }
0x1fb: {  	_ = 	snop  }
0x1fc: {  	s14 =	sadd.s32 $0x30, s14  }
0x1fd: {  	[tilespmem:v5+s10+$0x0] =	vst.idx.msk vm4, v6;
	v6 =	vadd.s32 s14, v0;
	s31 =	spop (v2sf)  }
0x1fe: {  	[tilespmem:v5+s11+$0x0] =	vst.idx.msk vm4, v6;
	s17 =	sadd.s32 s17, s31  }
.LBB2_11:
0x1ff: {  	s17 =	simm.s32 $0x0  }
.LBB2_18:
0x200: {  	[tilespmem:s17+$0x3100] =	vst v1  }
0x201: {  	[tilespmem:s17+$0x3110] =	vst v1  }
0x202: {  	[tilespmem:s17+$0x3120] =	vst v1  }
0x203: {  	s14 =	sshll.u32 s16, $0x18;
	[tilespmem:s17+$0x3130] =	vst v1;
	s16 =	simm.s32 $0x2120  }
0x204: {  	[tilespmem:s16+$0xFFFFFFE0] =	vst v1  }
0x205: {  	[tilespmem:s16+$0x10] =	vst v1  }
0x206: {  	s18 =	simm.s32 $0x0;
	[tilespmem:s16+$0x0] =	vst v1  }
.LBB2_19:
0x207: {  	s18 =	sadd.s32 $0x4, s18  }
0x208: {  	[tilespmem:s16+$0xFFFFFFF0] =	vst v1;
	s16 =	sadd.s32 $0x40, s16;
	p0 =	slt.u32 s18, $0xFC  }
.Ltmp13:
0x209: {  	[tilespmem:s16+$0xFFFFFFE0] =	vst v1;
	(pc) =	sbr.rel @p0 .LBB2_19-.Ltmp13, $3  }
0x20a: {  	_ =	sdelay $0x1  }
0x20b: {  	[tilespmem:s16+$0x10] =	vst v1  }
0x20c: {  	[tilespmem:s16+$0x0] =	vst v1  }
0x20d: {  	s31 =	sadd.s32 $0x3F, s17  }
0x20e: {  	[tilespmem:s16+$0xFFFFFFF0] =	vst v1;
	s16 =	sshrl.u32 s31, $0x6  }
0x20f: {  	p0 =	seq.s32 s16, $0x0  }
.Ltmp14:
0x210: {  	_ = 	snop;
	(pc) =	sbr.rel @p0 .LBB2_23-.Ltmp14, $1  }
0x211: {  	_ =	sdelay $0x3  }
0x212: {  	v5 =	vmov s14;
	s17 =	simm.s32 $0x3120;
	s18 =	smov.u32 s16  }
.LBB2_22:
0x213: {  	v6 =	vld [tilespmem:s17+$0xFFFFFFE0];
	_ =	sdelay $0x4  }
0x214: {  	v7 =	vand.u32 $0xFF000000, v6;
	v6 =	vshrl.u32 v6, $0xC  }
0x215: {  	vm4 =	veq.s32 v7, v5;
	v6 =	vand.u32 $0xFF0, v6  }
0x216: {  	v6 =	vor.u32 v0, v6;
	_ =	sdelay $0x4  }
0x217: {  	[tilespmem:v6+s9+$0x0] =	vst.idx.add.s32.msk vm4, v4  }
0x218: {  	v6 =	vld [tilespmem:s17+$0xFFFFFFF0];
	_ =	sdelay $0x4  }
0x219: {  	v7 =	vand.u32 $0xFF000000, v6;
	v6 =	vshrl.u32 v6, $0xC  }
0x21a: {  	vm4 =	veq.s32 v7, v5;
	v6 =	vand.u32 $0xFF0, v6  }
0x21b: {  	v6 =	vor.u32 v0, v6;
	_ =	sdelay $0x4  }
0x21c: {  	[tilespmem:v6+s9+$0x0] =	vst.idx.add.s32.msk vm4, v4  }
0x21d: {  	v6 =	vld [tilespmem:s17+$0x0];
	_ =	sdelay $0x4  }
0x21e: {  	v7 =	vand.u32 $0xFF000000, v6;
	v6 =	vshrl.u32 v6, $0xC  }
0x21f: {  	vm4 =	veq.s32 v7, v5;
	v6 =	vand.u32 $0xFF0, v6  }
0x220: {  	v6 =	vor.u32 v0, v6;
	_ =	sdelay $0x4  }
0x221: {  	[tilespmem:v6+s9+$0x0] =	vst.idx.add.s32.msk vm4, v4  }
0x222: {  	v6 =	vld [tilespmem:s17+$0x10];
	_ =	sdelay $0x4  }
0x223: {  	v7 =	vand.u32 $0xFF000000, v6;
	v6 =	vshrl.u32 v6, $0xC  }
0x224: {  	vm4 =	veq.s32 v7, v5;
	v6 =	vand.u32 $0xFF0, v6  }
0x225: {  	p1 =	sne.s32 s18, $0x1;
	v6 =	vor.u32 v0, v6  }
.Ltmp15:
0x226: {  	_ = 	snop;
	(pc) =	sbr.rel @p1 .LBB2_22-.Ltmp15, $2  }
0x227: {  	_ =	sdelay $0x2  }
0x228: {  	s18 =	sadd.s32 $0xFFFFFFFF, s18;
	s17 =	sadd.s32 $0x40, s17;
	[tilespmem:v6+s9+$0x0] =	vst.idx.add.s32.msk vm4, v4  }
.LBB2_23:
0x229: {  	s17 =	simm.s32 $0xF0  }
0x22a: {  	v5 =	vmov s17  }
0x22b: {  	v5 =	vshll.u32 v5, $0x4  }
0x22c: {  	v5 =	vor.u32 v2, v5  }
0x22d: {  	v6 =	vor.u32 $0x1, v5  }
0x22e: {  	v7 =	vor.u32 $0x2, v5  }
0x22f: {  	v8 =	vor.u32 $0x3, v5  }
0x230: {  	v9 =	vor.u32 $0x4, v5  }
0x231: {  	v11 =	vor.u32 $0x5, v5;
	v10 =	vld.idx.msk [tilespmem:v5+s9+$0x0], $0xffff  }
0x232: {  	v12 =	vor.u32 $0x6, v5;
	v6 =	vld.idx.msk [tilespmem:v6+s9+$0x0], $0xffff  }
0x233: {  	v13 =	vor.u32 $0x7, v5;
	v7 =	vld.idx.msk [tilespmem:v7+s9+$0x0], $0xffff  }
0x234: {  	v14 =	vor.u32 $0x8, v5;
	v8 =	vld.idx.msk [tilespmem:v8+s9+$0x0], $0xffff  }
0x235: {  	v15 =	vor.u32 $0x9, v5;
	v9 =	vld.idx.msk [tilespmem:v9+s9+$0x0], $0xffff  }
0x236: {  	v16 =	vor.u32 $0xA, v5;
	v11 =	vld.idx.msk [tilespmem:v11+s9+$0x0], $0xffff  }
0x237: {  	v17 =	vor.u32 $0xB, v5;
	v12 =	vld.idx.msk [tilespmem:v12+s9+$0x0], $0xffff;
	v6 =	vadd.s32 v10, v6  }
0x238: {  	v35 =	vor.u32 $0xC, v5;
	v34 =	vld.idx.msk [tilespmem:v13+s9+$0x0], $0xffff;
	v6 =	vadd.s32 v7, v6  }
0x239: {  	v36 =	vor.u32 $0xD, v5;
	v7 =	vld.idx.msk [tilespmem:v14+s9+$0x0], $0xffff;
	v6 =	vadd.s32 v8, v6  }
0x23a: {  	v38 =	vor.u32 $0xE, v5;
	v37 =	vld.idx.msk [tilespmem:v15+s9+$0x0], $0xffff;
	v6 =	vadd.s32 v9, v6  }
0x23b: {  	v5 =	vor.u32 $0xF, v5;
	v39 =	vld.idx.msk [tilespmem:v16+s9+$0x0], $0xffff;
	v6 =	vadd.s32 v11, v6  }
0x23c: {  	v40 =	vld.idx.msk [tilespmem:v17+s9+$0x0], $0xffff;
	v6 =	vadd.s32 v12, v6  }
0x23d: {  	v41 =	vld.idx.msk [tilespmem:v35+s9+$0x0], $0xffff;
	v6 =	vadd.s32 v34, v6  }
0x23e: {  	v42 =	vld.idx.msk [tilespmem:v36+s9+$0x0], $0xffff;
	v6 =	vadd.s32 v7, v6  }
0x23f: {  	v7 =	vld.idx.msk [tilespmem:v38+s9+$0x0], $0xffff;
	v6 =	vadd.s32 v37, v6  }
0x240: {  	v5 =	vld.idx.msk [tilespmem:v5+s9+$0x0], $0xffff;
	v6 =	vadd.s32 v39, v6  }
0x241: {  	v6 =	vadd.s32 v40, v6  }
0x242: {  	v6 =	vadd.s32 v41, v6  }
0x243: {  	s19 =	simm.s32 $0xE0;
	v6 =	vadd.s32 v42, v6  }
0x244: {  	v6 =	vadd.s32 v7, v6;
	v7 =	vmov s19  }
0x245: {  	v5 =	vadd.s32 v5, v6;
	v6 =	vshll.u32 v7, $0x4  }
0x246: {  	v6 =	vor.u32 v2, v6  }
0x247: {  	v7 =	vor.u32 $0x1, v6  }
0x248: {  	v5 =	vperm.xlane v5, v3;
	v43 =	vor.u32 $0x2, v6  }
0x249: {  	v44 =	vor.u32 $0x3, v6  }
0x24a: {  	v45 =	vor.u32 $0x4, v6;
	(xrf0) =	vadd.scan.msk.s32 $0xffff, v5  }
0x24b: {  	v47 =	vor.u32 $0x5, v6;
	v46 =	vld.idx.msk [tilespmem:v6+s9+$0x0], $0xffff  }
0x24c: {  	v48 =	vor.u32 $0x6, v6;
	v7 =	vld.idx.msk [tilespmem:v7+s9+$0x0], $0xffff  }
0x24d: {  	v49 =	vor.u32 $0x7, v6;
	v8 =	vld.idx.msk [tilespmem:v43+s9+$0x0], $0xffff  }
0x24e: {  	v51 =	vor.u32 $0x8, v6;
	v9 =	vld.idx.msk [tilespmem:v44+s9+$0x0], $0xffff  }
0x24f: {  	v18 =	vor.u32 $0x9, v6;
	v10 =	vld.idx.msk [tilespmem:v45+s9+$0x0], $0xffff  }
0x250: {  	s18 =	simm.s32 $0x0;
	v19 =	vor.u32 $0xA, v6;
	v12 =	vld.idx.msk [tilespmem:v47+s9+$0x0], $0xffff;
	v50, _, _ =	vpop (xrf0)  }
0x251: {  	v21 =	vor.u32 $0xB, v6;
	v13 =	vld.idx.msk [tilespmem:v48+s9+$0x0], $0xffff;
	v52 =	vadd.s32 s18, v50;
	v7 =	vadd.s32 v46, v7  }
0x252: {  	v14 =	vld.idx.msk [tilespmem:v49+s9+$0x0], $0xffff;
	vm4 =	vge.s32 v52, s15;
	v7 =	vadd.s32 v8, v7  }
0x253: {  	v16 =	vld.idx.msk [tilespmem:v51+s9+$0x0], $0xffff;
	v20 =	vmpcnt.ones.xlane vm4;
	v53 =	vmctz.xlane vm4;
	v7 =	vadd.s32 v9, v7  }
0x254: {  	v54 =	vor.u32 $0xC, v6;
	v18 =	vld.idx.msk [tilespmem:v18+s9+$0x0], $0xffff;
	v7 =	vadd.s32 v10, v7  }
0x255: {  	v19 =	vld.idx.msk [tilespmem:v19+s9+$0x0], $0xffff;
	v20 =	vxor.u32 $0x80000000, v20;
	vm4 =	veq.s32 v53, v0;
	v7 =	vadd.s32 v12, v7  }
0x256: {  	v57 =	vld.idx.msk [tilespmem:v21+s9+$0x0], $0xffff;
	(xrf0) =	vmax.scan.msk.u32 $0xffff, v20;
	v17 =	vnsel vm4, $0x0, v52;
	v7 =	vadd.s32 v13, v7  }
0x257: {  	v5 =	vnsel vm4, $0x0, v5;
	(xrf0) =	vadd.scan.msk.s32 $0xffff, v17;
	v7 =	vadd.s32 v14, v7  }
0x258: {  	v58 =	vsel vm1, $0x0, v50;
	(xrf0) =	vadd.scan.msk.s32 $0xffff, v5;
	v7 =	vadd.s32 v16, v7  }
0x259: {  	v59 =	vxor.u32 $0x80000000, v53;
	v5 =	vld.idx.msk [tilespmem:v54+s9+$0x0], $0xffff;
	(xrf0) =	vadd.scan.msk.s32 $0xffff, v58;
	v7 =	vadd.s32 v18, v7  }
0x25a: {  	(xrf0) =	vmax.scan.msk.u32 $0xffff, v59;
	v7 =	vadd.s32 v19, v7  }
0x25b: {  	v55 =	vor.u32 $0xD, v6;
	v7 =	vadd.s32 v57, v7  }
0x25c: {  	v56 =	vor.u32 $0xE, v6;
	v61, _, _ =	vpop (xrf0)  }
0x25d: {  	v6 =	vor.u32 $0xF, v6;
	(v2sf) =	vpush v61, $0xF;
	v62, _, _ =	vpop (xrf0)  }
0x25e: {  	v5 =	vadd.s32 v5, v7;
	(v2sf) =	vpush v62, $0xF;
	v7, _, _ =	vpop (xrf0)  }
0x25f: {  	(v2sf) =	vpush v7, $0xF;
	v7, _, _ =	vpop (xrf0)  }
0x260: {  	v9 =	vld.idx.msk [tilespmem:v55+s9+$0x0], $0xffff;
	v63, _, _ =	vpop (xrf0);
	(v2sf) =	vpush v7, $0xF  }
0x261: {  	v60 =	vld.idx.msk [tilespmem:v56+s9+$0x0], $0xffff;
	(v2sf) =	vpush v63, $0xF  }
0x262: {  	v6 =	vld.idx.msk [tilespmem:v6+s9+$0x0], $0xffff;
	_ =	sdelay $0x2  }
0x263: {  	v5 =	vadd.s32 v9, v5  }
0x264: {  	v5 =	vadd.s32 v60, v5  }
0x265: {  	v5 =	vadd.s32 v6, v5  }
0x266: {  	p1 =	por $0x0, $0x0;
	s20 =	simm.s32 $0x100;
	s21 =	simm.s32 $0x0;
	v5 =	vperm.xlane v5, v3  }
.LBB2_24:
0x267: {  	_ = 	snop  }
0x268: {  	p2 =	sne.s32 s19, $0x10;
	s22 =	smov.u32 s19;
	s19 =	sadd.s32 $0xFFFFFFF0, s19;
	(xrf0) =	vadd.scan.msk.s32 $0xffff, v5  }
0x269: {  	v6 =	vmov s19  }
0x26a: {  	v6 =	vshll.u32 v6, $0x4;
	s23 =	spop (v2sf)  }
0x26b: {  	p3 =	por !p1, !p1;
	v6 =	vor.u32 v2, v6;
	p4 =	sgt.u32 s23, $0x80000000;
	s23 =	spop (v2sf)  }
0x26c: {  	v7 =	vor.u32 $0x1, v6;
	p3 =	por !p4, !p3;
	p1 =	por p1, p4;
	s24 =	spop (v2sf)  }
0x26d: {  	v8 =	vor.u32 $0x2, v6;
	p3 =	por !p3, !p3;
	s23 =	ssub.s32 s24, s23;
	s24 =	spop (v2sf)  }
0x26e: {  	v9 =	vor.u32 $0x3, v6;
	v10, _, _ =	vpop (xrf0);
	s23 =	simm.s32 @!p3 $0x0;
	s21 =	sadd.s32 s21, s24;
	s24 =	spop (v2sf)  }
0x26f: {  	v11 =	vor.u32 $0x4, v6;
	v12 =	vadd.s32 s21, v10;
	s24 =	sxor.u32 $0x7FFFFFFF, s24;
	s15 =	sadd.s32 s15, s23  }
0x270: {  	v14 =	vor.u32 $0x5, v6;
	v13 =	vld.idx.msk [tilespmem:v6+s9+$0x0], $0xffff;
	vm4 =	vge.s32 v12, s15;
	s23 =	sadd.s32 s24, s20;
	s20 =	smov.u32 s17;
	s17 =	smov.u32 s22  }
0x271: {  	v15 =	vor.u32 $0x6, v6;
	v7 =	vld.idx.msk [tilespmem:v7+s9+$0x0], $0xffff;
	v16 =	vmpcnt.ones.xlane vm4;
	v17 =	vmctz.xlane vm4;
	s18 =	smov.u32 @p3 s23  }
0x272: {  	v18 =	vor.u32 $0x7, v6;
	v8 =	vld.idx.msk [tilespmem:v8+s9+$0x0], $0xffff  }
0x273: {  	v19 =	vor.u32 $0x8, v6;
	v9 =	vld.idx.msk [tilespmem:v9+s9+$0x0], $0xffff;
	v16 =	vxor.u32 $0x80000000, v16;
	vm4 =	veq.s32 v17, v0  }
0x274: {  	v20 =	vor.u32 $0x9, v6;
	v17 =	vxor.u32 $0x80000000, v17;
	v11 =	vld.idx.msk [tilespmem:v11+s9+$0x0], $0xffff;
	v12 =	vnsel vm4, $0x0, v12;
	(xrf0) =	vmax.scan.msk.u32 $0xffff, v16  }
0x275: {  	v16 =	vor.u32 $0xA, v6;
	v5 =	vnsel vm4, $0x0, v5;
	v14 =	vld.idx.msk [tilespmem:v14+s9+$0x0], $0xffff;
	(xrf0) =	vadd.scan.msk.s32 $0xffff, v12  }
0x276: {  	v10 =	vsel vm1, $0x0, v10;
	v12 =	vld.idx.msk [tilespmem:v15+s9+$0x0], $0xffff;
	v15 =	vor.u32 $0xB, v6;
	(xrf0) =	vadd.scan.msk.s32 $0xffff, v5  }
0x277: {  	v5 =	vadd.s32 v13, v7;
	v13 =	vor.u32 $0xC, v6;
	v7 =	vld.idx.msk [tilespmem:v18+s9+$0x0], $0xffff;
	(xrf0) =	vadd.scan.msk.s32 $0xffff, v10  }
0x278: {  	v5 =	vadd.s32 v8, v5;
	v10 =	vor.u32 $0xD, v6;
	v8 =	vld.idx.msk [tilespmem:v19+s9+$0x0], $0xffff;
	(xrf0) =	vmax.scan.msk.u32 $0xffff, v17  }
0x279: {  	v5 =	vadd.s32 v9, v5;
	v17 =	vor.u32 $0xE, v6;
	v9 =	vld.idx.msk [tilespmem:v20+s9+$0x0], $0xffff  }
0x27a: {  	v6 =	vor.u32 $0xF, v6;
	v5 =	vadd.s32 v11, v5;
	v11 =	vld.idx.msk [tilespmem:v16+s9+$0x0], $0xffff;
	v16, _, _ =	vpop (xrf0)  }
0x27b: {  	v5 =	vadd.s32 v14, v5;
	v14 =	vld.idx.msk [tilespmem:v15+s9+$0x0], $0xffff;
	(v2sf) =	vpush v16, $0xF;
	v15, _, _ =	vpop (xrf0)  }
0x27c: {  	v5 =	vadd.s32 v12, v5;
	v12 =	vld.idx.msk [tilespmem:v13+s9+$0x0], $0xffff;
	(v2sf) =	vpush v15, $0xF;
	v13, _, _ =	vpop (xrf0)  }
0x27d: {  	v5 =	vadd.s32 v7, v5;
	v7 =	vld.idx.msk [tilespmem:v10+s9+$0x0], $0xffff;
	(v2sf) =	vpush v13, $0xF;
	v10, _, _ =	vpop (xrf0)  }
0x27e: {  	v5 =	vadd.s32 v8, v5;
	v8 =	vld.idx.msk [tilespmem:v17+s9+$0x0], $0xffff;
	v13, _, _ =	vpop (xrf0);
	(v2sf) =	vpush v10, $0xF  }
0x27f: {  	v5 =	vadd.s32 v9, v5;
	v6 =	vld.idx.msk [tilespmem:v6+s9+$0x0], $0xffff;
	(v2sf) =	vpush v13, $0xF  }
0x280: {  	v5 =	vadd.s32 v11, v5  }
0x281: {  	v5 =	vadd.s32 v14, v5  }
.Ltmp16:
0x282: {  	v5 =	vadd.s32 v12, v5;
	(pc) =	sbr.rel @p2 .LBB2_24-.Ltmp16, $4  }
0x283: {  	v5 =	vadd.s32 v7, v5  }
0x284: {  	v5 =	vadd.s32 v8, v5  }
0x285: {  	v5 =	vadd.s32 v6, v5  }
0x286: {  	v5 =	vperm.xlane v5, v3  }
0x287: {  	_ = 	snop  }
0x288: {  	(xrf0) =	vadd.scan.msk.s32 $0xffff, v5;
	_ =	sdelay $0x1  }
0x289: {  	s19 =	spop (v2sf)  }
0x28a: {  	p2 =	por !p1, !p1;
	p3 =	sgt.u32 s19, $0x80000000;
	s24 =	spop (v2sf)  }
0x28b: {  	p2 =	por !p3, !p2;
	s22 =	spop (v2sf)  }
0x28c: {  	p2 =	por !p2, !p2;
	s19 =	ssub.s32 s22, s24;
	s25 =	spop (v2sf)  }
0x28d: {  	v6, _, _ =	vpop (xrf0);
	s19 =	simm.s32 @!p2 $0x0;
	s21 =	sadd.s32 s21, s25  }
0x28e: {  	v7 =	vadd.s32 s21, v6;
	s15 =	sadd.s32 s15, s19  }
0x28f: {  	vm4 =	vge.s32 v7, s15  }
0x290: {  	v8 =	vmpcnt.ones.xlane vm4;
	v9 =	vmctz.xlane vm4;
	_ =	sdelay $0x1  }
0x291: {  	v8 =	vxor.u32 $0x80000000, v8;
	vm4 =	veq.s32 v9, v0  }
0x292: {  	v7 =	vnsel vm4, $0x0, v7;
	(xrf0) =	vmax.scan.msk.u32 $0xffff, v8  }
0x293: {  	v5 =	vnsel vm4, $0x0, v5;
	(xrf0) =	vadd.scan.msk.s32 $0xffff, v7  }
0x294: {  	v6 =	vsel vm1, $0x0, v6;
	(xrf0) =	vadd.scan.msk.s32 $0xffff, v5  }
0x295: {  	v5 =	vxor.u32 $0x80000000, v9;
	(xrf0) =	vadd.scan.msk.s32 $0xffff, v6  }
0x296: {  	(xrf0) =	vmax.scan.msk.u32 $0xffff, v5;
	_ =	sdelay $0x1  }
0x297: {  	v5, _, _ =	vpop (xrf0)  }
0x298: {  	(v2sf) =	vpush v5, $0xF;
	v5, _, _ =	vpop (xrf0)  }
0x299: {  	(v2sf) =	vpush v5, $0xF;
	v5, _, _ =	vpop (xrf0)  }
0x29a: {  	(v2sf) =	vpush v5, $0xF;
	v5, _, _ =	vpop (xrf0)  }
0x29b: {  	v6, _, _ =	vpop (xrf0);
	(v2sf) =	vpush v5, $0xF  }
0x29c: {  	(v2sf) =	vpush v6, $0xF;
	_ =	sdelay $0x9  }
0x29d: {  	s26 =	spop (v2sf)  }
0x29e: {  	s28 =	spop (v2sf)  }
0x29f: {  	s29 =	spop (v2sf)  }
0x2a0: {  	p5 =	por p1, p3;
	s23 =	spop (v2sf)  }
0x2a1: {  	p1 =	por !p5, !p5;
	s19 =	sxor.u32 $0x7FFFFFFF, s26;
	s24 =	spop (v2sf)  }
0x2a2: {  	s19 =	sadd.s32 s19, s20;
	p6 =	sgt.u32 s28, $0x80000000;
	s30 =	spop (v2sf)  }
.Ltmp17:
0x2a3: {  	p1 =	por !p6, !p1;
	s31 =	sxor.u32 $0x7FFFFFFF, s30;
	(pc) =	sbr.rel @p0 .LBB2_26-.Ltmp17, $4  }
0x2a4: {  	s18 =	smov.u32 @p2 s19;
	p1 =	por !p1, !p1;
	s17 =	sadd.s32 s31, s17  }
0x2a5: {  	s19 =	ssub.s32 s23, s29;
	s18 =	smov.u32 @p1 s17  }
0x2a6: {  	s19 =	simm.s32 @!p1 $0x0;
	s17 =	sshll.u32 s18, $0x10  }
0x2a7: {  	s15 =	sadd.s32 s15, s19;
	s14 =	sor.u32 s14, s17  }
0x2a8: {  	s18 =	simm.s32 $0x3120  }
0x2a9: {  	v6 =	vld [tilespmem:s18+$0xFFFFFFE0];
	_ =	sdelay $0x2  }
0x2aa: {  	p1 =	sne.s32 s16, $0x1  }
.Ltmp18:
0x2ab: {  	_ = 	snop;
	(pc) =	sbr.rel @!p1 .LBB2_28-.Ltmp18, $4  }
0x2ac: {  	v5 =	vmov s14;
	v7 =	vand.u32 $0xFFFF0000, v6  }
0x2ad: {  	vm4 =	veq.s32 v7, v5  }
0x2ae: {  	s19 =	simm.s32 $0x0;
	v7 =	vsel vm4, $0x1, v1  }
0x2af: {  	s17 =	simm.s32 $0x41A0;
	s16 =	sadd.s32 $0xFFFFFFFF, s16;
	p0 =	por $0x0, $0x0;
	(xrf0) =	vadd.scan.msk.s32 $0xffff, v7  }
0x2b0: {  	_ =	sdelay $0x1  }
0x2b1: {  	v7 =	vmov s19  }
0x2b2: {  	v7 =	vadd.s32 $0xFFFFFFFF, v7  }
0x2b3: {  	v7 =	vbroadcast v7, $0x0  }
0x2b4: {  	v8, _, _ =	vpop (xrf0)  }
0x2b5: {  	v7 =	vadd.s32 v8, v7;
	v8 =	vsel vm1, $0x0, v8  }
0x2b6: {  	(xrf0) =	vadd.scan.msk.s32 $0xffff, v8  }
0x2b7: {  	v9 =	vld [tilespmem:s17+$0xFFFFFFE0];
	_ =	sdelay $0x3  }
0x2b8: {  	[tilespmem:v7+s10+$0x0] =	vst.idx.msk vm4, v6  }
0x2b9: {  	[tilespmem:v7+s11+$0x0] =	vst.idx.msk vm4, v9;
	v7, _, _ =	vpop (xrf0)  }
0x2ba: {  	(v2sf) =	vpush v7, $0xF  }
0x2bb: {  	v6 =	vld [tilespmem:s18+$0xFFFFFFF0];
	_ =	sdelay $0x4  }
0x2bc: {  	v7 =	vand.u32 $0xFFFF0000, v6  }
0x2bd: {  	vm4 =	veq.s32 v7, v5  }
0x2be: {  	v7 =	vsel vm4, $0x1, v1  }
0x2bf: {  	(xrf0) =	vadd.scan.msk.s32 $0xffff, v7;
	_ =	sdelay $0x5  }
0x2c0: {  	v7, _, _ =	vpop (xrf0);
	s20 =	spop (v2sf)  }
0x2c1: {  	v8 =	vsel vm1, $0x0, v7;
	s20 =	sadd.s32 $0x0, s20  }
0x2c2: {  	(xrf0) =	vadd.scan.msk.s32 $0xffff, v8;
	v8 =	vmov s20  }
0x2c3: {  	v8 =	vadd.s32 $0xFFFFFFFF, v8  }
0x2c4: {  	v8 =	vbroadcast v8, $0x0;
	_ =	sdelay $0x3  }
0x2c5: {  	v7 =	vadd.s32 v7, v8;
	v8, _, _ =	vpop (xrf0)  }
0x2c6: {  	v9 =	vld [tilespmem:s17+$0xFFFFFFF0];
	(v2sf) =	vpush v8, $0xF;
	_ =	sdelay $0x3  }
0x2c7: {  	[tilespmem:v7+s10+$0x0] =	vst.idx.msk vm4, v6  }
0x2c8: {  	[tilespmem:v7+s11+$0x0] =	vst.idx.msk vm4, v9  }
0x2c9: {  	v6 =	vld [tilespmem:s18+$0x0];
	_ =	sdelay $0x4  }
0x2ca: {  	v7 =	vand.u32 $0xFFFF0000, v6  }
0x2cb: {  	vm4 =	veq.s32 v7, v5  }
0x2cc: {  	v7 =	vsel vm4, $0x1, v1  }
0x2cd: {  	(xrf0) =	vadd.scan.msk.s32 $0xffff, v7  }
0x2ce: {  	s21 =	spop (v2sf)  }
0x2cf: {  	s20 =	sadd.s32 s20, s21  }
0x2d0: {  	v7 =	vmov s20  }
0x2d1: {  	v7 =	vadd.s32 $0xFFFFFFFF, v7  }
0x2d2: {  	v7 =	vbroadcast v7, $0x0  }
0x2d3: {  	v8, _, _ =	vpop (xrf0)  }
0x2d4: {  	v7 =	vadd.s32 v8, v7;
	v8 =	vsel vm1, $0x0, v8  }
0x2d5: {  	v9 =	vld [tilespmem:s17+$0x0];
	(xrf0) =	vadd.scan.msk.s32 $0xffff, v8;
	_ =	sdelay $0x3  }
0x2d6: {  	[tilespmem:v7+s10+$0x0] =	vst.idx.msk vm4, v6  }
0x2d7: {  	[tilespmem:v7+s11+$0x0] =	vst.idx.msk vm4, v9  }
0x2d8: {  	v6 =	vld [tilespmem:s18+$0x10];
	v7, _, _ =	vpop (xrf0)  }
0x2d9: {  	(v2sf) =	vpush v7, $0xF;
	_ =	sdelay $0x3  }
0x2da: {  	v7 =	vand.u32 $0xFFFF0000, v6  }
0x2db: {  	vm4 =	veq.s32 v7, v5  }
0x2dc: {  	v7 =	vsel vm4, $0x1, v1  }
0x2dd: {  	(xrf0) =	vadd.scan.msk.s32 $0xffff, v7;
	_ =	sdelay $0x5  }
0x2de: {  	v7, _, _ =	vpop (xrf0)  }
0x2df: {  	v8 =	vsel vm1, $0x0, v7  }
0x2e0: {  	(xrf0) =	vadd.scan.msk.s32 $0xffff, v8;
	s31 =	spop (v2sf)  }
0x2e1: {  	s21 =	sadd.s32 s20, s31  }
0x2e2: {  	v8 =	vmov s21  }
0x2e3: {  	v8 =	vadd.s32 $0xFFFFFFFF, v8  }
0x2e4: {  	v8 =	vbroadcast v8, $0x0;
	_ =	sdelay $0x1  }
0x2e5: {  	v63, _, _ =	vpop (xrf0);
	v7 =	vadd.s32 v7, v8  }
0x2e6: {  	v8 =	vld [tilespmem:s17+$0x10];
	(v2sf) =	vpush v63, $0xF;
	_ =	sdelay $0x3  }
0x2e7: {  	[tilespmem:v7+s10+$0x0] =	vst.idx.msk vm4, v6  }
0x2e8: {  	s18 =	simm.s32 $0x3160;
	[tilespmem:v7+s11+$0x0] =	vst.idx.msk vm4, v8  }
0x2e9: {  	v6 =	vld [tilespmem:s18+$0xFFFFFFE0];
	_ =	sdelay $0x3  }
0x2ea: {  	p1 =	sne.s32 s16, $0x1  }
.Ltmp19:
0x2eb: {  	v7 =	vand.u32 $0xFFFF0000, v6;
	(pc) =	sbr.rel @!p1 .LBB2_30-.Ltmp19, $4  }
0x2ec: {  	vm4 =	veq.s32 v7, v5  }
0x2ed: {  	v7 =	vsel vm4, $0x1, v1  }
0x2ee: {  	p0 =	por $0x1, $0x1;
	(xrf0) =	vadd.scan.msk.s32 $0xffff, v7  }
0x2ef: {  	s20 =	sadd.s32 $0xFFFFFFFF, s16;
	s16 =	simm.s32 $0x41A0;
	s22 =	spop (v2sf)  }
.LBB2_31:
0x2f0: {  	p1 =	sne.s32 s20, $0x1;
	s21 =	sadd.s32 s21, s22;
	s16 =	sadd.s32 $0x40, s16  }
0x2f1: {  	s20 =	sadd.s32 $0xFFFFFFFF, s20;
	v7 =	vmov s21  }
0x2f2: {  	v7 =	vadd.s32 $0xFFFFFFFF, v7  }
0x2f3: {  	v7 =	vbroadcast v7, $0x0  }
0x2f4: {  	v8, _, _ =	vpop (xrf0)  }
0x2f5: {  	v7 =	vadd.s32 v8, v7;
	v8 =	vsel vm1, $0x0, v8  }
0x2f6: {  	v9 =	vld [tilespmem:s16+$0xFFFFFFE0];
	(xrf0) =	vadd.scan.msk.s32 $0xffff, v8;
	_ =	sdelay $0x3  }
0x2f7: {  	[tilespmem:v7+s10+$0x0] =	vst.idx.msk vm4, v6  }
0x2f8: {  	[tilespmem:v7+s11+$0x0] =	vst.idx.msk vm4, v9  }
0x2f9: {  	v6 =	vld [tilespmem:s18+$0xFFFFFFF0];
	v7, _, _ =	vpop (xrf0)  }
0x2fa: {  	(v2sf) =	vpush v7, $0xF;
	_ =	sdelay $0x3  }
0x2fb: {  	v7 =	vand.u32 $0xFFFF0000, v6  }
0x2fc: {  	vm4 =	veq.s32 v7, v5  }
0x2fd: {  	v7 =	vsel vm4, $0x1, v1  }
0x2fe: {  	(xrf0) =	vadd.scan.msk.s32 $0xffff, v7;
	_ =	sdelay $0x5  }
0x2ff: {  	v7, _, _ =	vpop (xrf0)  }
0x300: {  	v8 =	vsel vm1, $0x0, v7  }
0x301: {  	s22 =	spop (v2sf);
	(xrf0) =	vadd.scan.msk.s32 $0xffff, v8  }
0x302: {  	s21 =	sadd.s32 s21, s22  }
0x303: {  	v8 =	vmov s21  }
0x304: {  	v8 =	vadd.s32 $0xFFFFFFFF, v8  }
0x305: {  	v9 =	vbroadcast v8, $0x0;
	_ =	sdelay $0x1  }
0x306: {  	v7 =	vadd.s32 v7, v9;
	v8, _, _ =	vpop (xrf0)  }
0x307: {  	v9 =	vld [tilespmem:s16+$0xFFFFFFF0];
	(v2sf) =	vpush v8, $0xF;
	_ =	sdelay $0x3  }
0x308: {  	[tilespmem:v7+s10+$0x0] =	vst.idx.msk vm4, v6  }
0x309: {  	[tilespmem:v7+s11+$0x0] =	vst.idx.msk vm4, v9  }
0x30a: {  	v6 =	vld [tilespmem:s18+$0x0];
	_ =	sdelay $0x4  }
0x30b: {  	v7 =	vand.u32 $0xFFFF0000, v6  }
0x30c: {  	vm4 =	veq.s32 v7, v5  }
0x30d: {  	v7 =	vsel vm4, $0x1, v1  }
0x30e: {  	(xrf0) =	vadd.scan.msk.s32 $0xffff, v7  }
0x30f: {  	s22 =	spop (v2sf)  }
0x310: {  	s21 =	sadd.s32 s21, s22  }
0x311: {  	v7 =	vmov s21  }
0x312: {  	v7 =	vadd.s32 $0xFFFFFFFF, v7  }
0x313: {  	v7 =	vbroadcast v7, $0x0  }
0x314: {  	v8, _, _ =	vpop (xrf0)  }
0x315: {  	v7 =	vadd.s32 v8, v7;
	v8 =	vsel vm1, $0x0, v8  }
0x316: {  	v9 =	vld [tilespmem:s16+$0x0];
	(xrf0) =	vadd.scan.msk.s32 $0xffff, v8;
	_ =	sdelay $0x3  }
0x317: {  	[tilespmem:v7+s10+$0x0] =	vst.idx.msk vm4, v6  }
0x318: {  	[tilespmem:v7+s11+$0x0] =	vst.idx.msk vm4, v9  }
0x319: {  	v6 =	vld [tilespmem:s18+$0x10];
	v7, _, _ =	vpop (xrf0)  }
0x31a: {  	v8 =	vld [tilespmem:s16+$0x10];
	(v2sf) =	vpush v7, $0xF;
	_ =	sdelay $0x3  }
0x31b: {  	v7 =	vand.u32 $0xFFFF0000, v6  }
0x31c: {  	vm4 =	veq.s32 v7, v5  }
0x31d: {  	v7 =	vsel vm4, $0x1, v1  }
0x31e: {  	(xrf0) =	vadd.scan.msk.s32 $0xffff, v7;
	_ =	sdelay $0x5  }
0x31f: {  	v7, _, _ =	vpop (xrf0)  }
0x320: {  	v9 =	vsel vm1, $0x0, v7  }
0x321: {  	s22 =	spop (v2sf);
	(xrf0) =	vadd.scan.msk.s32 $0xffff, v9  }
0x322: {  	s21 =	sadd.s32 s21, s22  }
0x323: {  	v9 =	vmov s21  }
0x324: {  	v9 =	vadd.s32 $0xFFFFFFFF, v9  }
0x325: {  	v10 =	vbroadcast v9, $0x0;
	_ =	sdelay $0x1  }
0x326: {  	v7 =	vadd.s32 v7, v10;
	v9, _, _ =	vpop (xrf0)  }
0x327: {  	(v2sf) =	vpush v9, $0xF;
	_ =	sdelay $0x3  }
0x328: {  	[tilespmem:v7+s10+$0x0] =	vst.idx.msk vm4, v6  }
0x329: {  	s18 =	sadd.s32 $0x40, s18;
	[tilespmem:v7+s11+$0x0] =	vst.idx.msk vm4, v8  }
0x32a: {  	v6 =	vld [tilespmem:s18+$0xFFFFFFE0];
	_ =	sdelay $0x4  }
.Ltmp20:
0x32b: {  	v7 =	vand.u32 $0xFFFF0000, v6;
	(pc) =	sbr.rel @p1 .LBB2_31-.Ltmp20, $4  }
0x32c: {  	vm4 =	veq.s32 v7, v5  }
0x32d: {  	v7 =	vsel vm4, $0x1, v1  }
0x32e: {  	(xrf0) =	vadd.scan.msk.s32 $0xffff, v7  }
0x32f: {  	s22 =	spop (v2sf)  }
.LBB2_32:
0x330: {  	s20 =	sadd.s32 @p0 s21, s22  }
0x331: {  	s19 =	smov.u32 @p0 s20  }
0x332: {  	v7 =	vmov s19  }
0x333: {  	v7 =	vadd.s32 $0xFFFFFFFF, v7  }
0x334: {  	v7 =	vbroadcast v7, $0x0  }
0x335: {  	s16 =	sadd.s32 @p0 $0x40, s16;
	v8, _, _ =	vpop (xrf0)  }
0x336: {  	s17 =	smov.u32 @p0 s16;
	v7 =	vadd.s32 v8, v7;
	v8 =	vsel vm1, $0x0, v8  }
0x337: {  	v9 =	vld [tilespmem:s17+$0xFFFFFFE0];
	(xrf0) =	vadd.scan.msk.s32 $0xffff, v8;
	_ =	sdelay $0x3  }
0x338: {  	[tilespmem:v7+s10+$0x0] =	vst.idx.msk vm4, v6  }
0x339: {  	[tilespmem:v7+s11+$0x0] =	vst.idx.msk vm4, v9  }
0x33a: {  	v6 =	vld [tilespmem:s18+$0xFFFFFFF0];
	v7, _, _ =	vpop (xrf0)  }
0x33b: {  	(v2sf) =	vpush v7, $0xF;
	_ =	sdelay $0x3  }
0x33c: {  	v7 =	vand.u32 $0xFFFF0000, v6  }
0x33d: {  	vm4 =	veq.s32 v7, v5  }
0x33e: {  	v7 =	vsel vm4, $0x1, v1  }
0x33f: {  	(xrf0) =	vadd.scan.msk.s32 $0xffff, v7;
	_ =	sdelay $0x5  }
0x340: {  	v7, _, _ =	vpop (xrf0)  }
0x341: {  	v60 =	vsel vm1, $0x0, v7  }
0x342: {  	s28 =	spop (v2sf);
	(xrf0) =	vadd.scan.msk.s32 $0xffff, v60  }
0x343: {  	s16 =	sadd.s32 s19, s28  }
0x344: {  	v61 =	vmov s16  }
0x345: {  	v8 =	vadd.s32 $0xFFFFFFFF, v61  }
0x346: {  	v8 =	vbroadcast v8, $0x0;
	_ =	sdelay $0x1  }
0x347: {  	v7 =	vadd.s32 v7, v8;
	v62, _, _ =	vpop (xrf0)  }
0x348: {  	v9 =	vld [tilespmem:s17+$0xFFFFFFF0];
	(v2sf) =	vpush v62, $0xF;
	_ =	sdelay $0x3  }
0x349: {  	[tilespmem:v7+s10+$0x0] =	vst.idx.msk vm4, v6  }
0x34a: {  	[tilespmem:v7+s11+$0x0] =	vst.idx.msk vm4, v9  }
0x34b: {  	v6 =	vld [tilespmem:s18+$0x0];
	_ =	sdelay $0x4  }
0x34c: {  	v7 =	vand.u32 $0xFFFF0000, v6  }
0x34d: {  	vm4 =	veq.s32 v7, v5  }
0x34e: {  	v7 =	vsel vm4, $0x1, v1  }
0x34f: {  	(xrf0) =	vadd.scan.msk.s32 $0xffff, v7  }
0x350: {  	s29 =	spop (v2sf)  }
0x351: {  	s16 =	sadd.s32 s16, s29  }
0x352: {  	v7 =	vmov s16  }
0x353: {  	v7 =	vadd.s32 $0xFFFFFFFF, v7  }
0x354: {  	v7 =	vbroadcast v7, $0x0  }
0x355: {  	v63, _, _ =	vpop (xrf0)  }
0x356: {  	v7 =	vadd.s32 v63, v7  }
0x357: {  	v9 =	vld [tilespmem:s17+$0x0];
	_ =	sdelay $0x3  }
0x358: {  	[tilespmem:v7+s10+$0x0] =	vst.idx.msk vm4, v6  }
0x359: {  	[tilespmem:v7+s11+$0x0] =	vst.idx.msk vm4, v9  }
0x35a: {  	v6 =	vld [tilespmem:s18+$0x10];
	_ =	sdelay $0x3  }
0x35b: {  	v7 =	vsel vm1, $0x0, v63  }
0x35c: {  	(xrf0) =	vadd.scan.msk.s32 $0xffff, v7;
	v7 =	vand.u32 $0xFFFF0000, v6  }
0x35d: {  	vm4 =	veq.s32 v7, v5  }
0x35e: {  	v5 =	vsel vm4, $0x1, v1  }
0x35f: {  	(xrf0) =	vadd.scan.msk.s32 $0xffff, v5;
	_ =	sdelay $0x2  }
0x360: {  	v5, _, _ =	vpop (xrf0)  }
0x361: {  	(v2sf) =	vpush v5, $0xF;
	_ =	sdelay $0x1  }
0x362: {  	v5, _, _ =	vpop (xrf0)  }
0x363: {  	v7 =	vsel vm1, $0x0, v5  }
0x364: {  	(xrf0) =	vadd.scan.msk.s32 $0xffff, v7;
	_ =	sdelay $0x5  }
0x365: {  	v7, _, _ =	vpop (xrf0)  }
0x366: {  	(v2sf) =	vpush v7, $0xF;
	_ =	sdelay $0x3  }
0x367: {  	s30 =	spop (v2sf)  }
0x368: {  	s16 =	sadd.s32 s16, s30  }
0x369: {  	v7 =	vmov s16  }
0x36a: {  	v7 =	vadd.s32 $0xFFFFFFFF, v7  }
0x36b: {  	v7 =	vbroadcast v7, $0x0;
	_ =	sdelay $0x1  }
0x36c: {  	v5 =	vadd.s32 v5, v7  }
0x36d: {  	v7 =	vld [tilespmem:s17+$0x10]  }
.Ltmp21:
0x36e: {  	_ = 	snop;
	(pc) =	sbr.rel .LBB2_33-.Ltmp21, $3  }
0x36f: {  	_ =	sdelay $0x1  }
0x370: {  	[tilespmem:v5+s10+$0x0] =	vst.idx.msk vm4, v6;
	s31 =	spop (v2sf)  }
0x371: {  	[tilespmem:v5+s11+$0x0] =	vst.idx.msk vm4, v7;
	s16 =	sadd.s32 s16, s31  }
.LBB2_26:
0x372: {  	s16 =	simm.s32 $0x0  }
.LBB2_33:
0x373: {  	[tilespmem:s16+$0x3100] =	vst v1  }
0x374: {  	[tilespmem:s16+$0x3110] =	vst v1  }
0x375: {  	[tilespmem:s16+$0x3120] =	vst v1  }
0x376: {  	[tilespmem:s16+$0x3130] =	vst v1;
	s17 =	simm.s32 $0x2120  }
0x377: {  	[tilespmem:s17+$0xFFFFFFE0] =	vst v1  }
0x378: {  	[tilespmem:s17+$0x10] =	vst v1  }
0x379: {  	s18 =	simm.s32 $0x0;
	[tilespmem:s17+$0x0] =	vst v1  }
.LBB2_34:
0x37a: {  	s18 =	sadd.s32 $0x4, s18  }
0x37b: {  	[tilespmem:s17+$0xFFFFFFF0] =	vst v1;
	s17 =	sadd.s32 $0x40, s17;
	p0 =	slt.u32 s18, $0xFC  }
.Ltmp22:
0x37c: {  	[tilespmem:s17+$0xFFFFFFE0] =	vst v1;
	(pc) =	sbr.rel @p0 .LBB2_34-.Ltmp22, $3  }
0x37d: {  	_ =	sdelay $0x1  }
0x37e: {  	[tilespmem:s17+$0x10] =	vst v1  }
0x37f: {  	[tilespmem:s17+$0x0] =	vst v1  }
0x380: {  	s16 =	sadd.s32 $0x3F, s16  }
0x381: {  	s16 =	sshrl.u32 s16, $0x6  }
0x382: {  	p0 =	seq.s32 s16, $0x0  }
.Ltmp23:
0x383: {  	_ = 	snop;
	(pc) =	sbr.rel @p0 .LBB2_38-.Ltmp23, $2  }
0x384: {  	_ =	sdelay $0x2  }
0x385: {  	[tilespmem:s17+$0xFFFFFFF0] =	vst v1  }
0x386: {  	v5 =	vmov s14;
	s17 =	simm.s32 $0x3120;
	s18 =	smov.u32 s16  }
.LBB2_37:
0x387: {  	v6 =	vld [tilespmem:s17+$0xFFFFFFE0];
	_ =	sdelay $0x4  }
0x388: {  	v7 =	vand.u32 $0xFFFF0000, v6;
	v6 =	vshrl.u32 v6, $0x4  }
0x389: {  	vm4 =	veq.s32 v7, v5;
	v6 =	vand.u32 $0xFF0, v6  }
0x38a: {  	v6 =	vor.u32 v0, v6;
	_ =	sdelay $0x4  }
0x38b: {  	[tilespmem:v6+s9+$0x0] =	vst.idx.add.s32.msk vm4, v4  }
0x38c: {  	v6 =	vld [tilespmem:s17+$0xFFFFFFF0];
	_ =	sdelay $0x4  }
0x38d: {  	v7 =	vand.u32 $0xFFFF0000, v6;
	v6 =	vshrl.u32 v6, $0x4  }
0x38e: {  	vm4 =	veq.s32 v7, v5;
	v6 =	vand.u32 $0xFF0, v6  }
0x38f: {  	v6 =	vor.u32 v0, v6;
	_ =	sdelay $0x4  }
0x390: {  	[tilespmem:v6+s9+$0x0] =	vst.idx.add.s32.msk vm4, v4  }
0x391: {  	v6 =	vld [tilespmem:s17+$0x0];
	_ =	sdelay $0x4  }
0x392: {  	v7 =	vand.u32 $0xFFFF0000, v6;
	v6 =	vshrl.u32 v6, $0x4  }
0x393: {  	vm4 =	veq.s32 v7, v5;
	v6 =	vand.u32 $0xFF0, v6  }
0x394: {  	v6 =	vor.u32 v0, v6;
	_ =	sdelay $0x4  }
0x395: {  	[tilespmem:v6+s9+$0x0] =	vst.idx.add.s32.msk vm4, v4  }
0x396: {  	v6 =	vld [tilespmem:s17+$0x10];
	_ =	sdelay $0x4  }
0x397: {  	v7 =	vand.u32 $0xFFFF0000, v6;
	v6 =	vshrl.u32 v6, $0x4  }
0x398: {  	vm4 =	veq.s32 v7, v5;
	v6 =	vand.u32 $0xFF0, v6  }
0x399: {  	p1 =	sne.s32 s18, $0x1;
	v6 =	vor.u32 v0, v6  }
.Ltmp24:
0x39a: {  	_ = 	snop;
	(pc) =	sbr.rel @p1 .LBB2_37-.Ltmp24, $2  }
0x39b: {  	_ =	sdelay $0x2  }
0x39c: {  	s18 =	sadd.s32 $0xFFFFFFFF, s18;
	s17 =	sadd.s32 $0x40, s17;
	[tilespmem:v6+s9+$0x0] =	vst.idx.add.s32.msk vm4, v4  }
.LBB2_38:
0x39d: {  	s17 =	simm.s32 $0xF0  }
0x39e: {  	v5 =	vmov s17  }
0x39f: {  	v5 =	vshll.u32 v5, $0x4  }
0x3a0: {  	v5 =	vor.u32 v2, v5  }
0x3a1: {  	v6 =	vor.u32 $0x1, v5  }
0x3a2: {  	v7 =	vor.u32 $0x2, v5  }
0x3a3: {  	v8 =	vor.u32 $0x3, v5  }
0x3a4: {  	v9 =	vor.u32 $0x4, v5  }
0x3a5: {  	v11 =	vor.u32 $0x5, v5;
	v10 =	vld.idx.msk [tilespmem:v5+s9+$0x0], $0xffff  }
0x3a6: {  	v12 =	vor.u32 $0x6, v5;
	v6 =	vld.idx.msk [tilespmem:v6+s9+$0x0], $0xffff  }
0x3a7: {  	v13 =	vor.u32 $0x7, v5;
	v7 =	vld.idx.msk [tilespmem:v7+s9+$0x0], $0xffff  }
0x3a8: {  	v14 =	vor.u32 $0x8, v5;
	v8 =	vld.idx.msk [tilespmem:v8+s9+$0x0], $0xffff  }
0x3a9: {  	v15 =	vor.u32 $0x9, v5;
	v9 =	vld.idx.msk [tilespmem:v9+s9+$0x0], $0xffff  }
0x3aa: {  	v16 =	vor.u32 $0xA, v5;
	v11 =	vld.idx.msk [tilespmem:v11+s9+$0x0], $0xffff  }
0x3ab: {  	v17 =	vor.u32 $0xB, v5;
	v12 =	vld.idx.msk [tilespmem:v12+s9+$0x0], $0xffff;
	v6 =	vadd.s32 v10, v6  }
0x3ac: {  	v35 =	vor.u32 $0xC, v5;
	v34 =	vld.idx.msk [tilespmem:v13+s9+$0x0], $0xffff;
	v6 =	vadd.s32 v7, v6  }
0x3ad: {  	v36 =	vor.u32 $0xD, v5;
	v7 =	vld.idx.msk [tilespmem:v14+s9+$0x0], $0xffff;
	v6 =	vadd.s32 v8, v6  }
0x3ae: {  	v38 =	vor.u32 $0xE, v5;
	v37 =	vld.idx.msk [tilespmem:v15+s9+$0x0], $0xffff;
	v6 =	vadd.s32 v9, v6  }
0x3af: {  	v5 =	vor.u32 $0xF, v5;
	v39 =	vld.idx.msk [tilespmem:v16+s9+$0x0], $0xffff;
	v6 =	vadd.s32 v11, v6  }
0x3b0: {  	v40 =	vld.idx.msk [tilespmem:v17+s9+$0x0], $0xffff;
	v6 =	vadd.s32 v12, v6  }
0x3b1: {  	v41 =	vld.idx.msk [tilespmem:v35+s9+$0x0], $0xffff;
	v6 =	vadd.s32 v34, v6  }
0x3b2: {  	v42 =	vld.idx.msk [tilespmem:v36+s9+$0x0], $0xffff;
	v6 =	vadd.s32 v7, v6  }
0x3b3: {  	v7 =	vld.idx.msk [tilespmem:v38+s9+$0x0], $0xffff;
	v6 =	vadd.s32 v37, v6  }
0x3b4: {  	v5 =	vld.idx.msk [tilespmem:v5+s9+$0x0], $0xffff;
	v6 =	vadd.s32 v39, v6  }
0x3b5: {  	v6 =	vadd.s32 v40, v6  }
0x3b6: {  	v6 =	vadd.s32 v41, v6  }
0x3b7: {  	s19 =	simm.s32 $0xE0;
	v6 =	vadd.s32 v42, v6  }
0x3b8: {  	v6 =	vadd.s32 v7, v6;
	v7 =	vmov s19  }
0x3b9: {  	v5 =	vadd.s32 v5, v6;
	v6 =	vshll.u32 v7, $0x4  }
0x3ba: {  	v6 =	vor.u32 v2, v6  }
0x3bb: {  	v7 =	vor.u32 $0x1, v6  }
0x3bc: {  	v5 =	vperm.xlane v5, v3;
	v43 =	vor.u32 $0x2, v6  }
0x3bd: {  	v44 =	vor.u32 $0x3, v6  }
0x3be: {  	v45 =	vor.u32 $0x4, v6;
	(xrf0) =	vadd.scan.msk.s32 $0xffff, v5  }
0x3bf: {  	v47 =	vor.u32 $0x5, v6;
	v46 =	vld.idx.msk [tilespmem:v6+s9+$0x0], $0xffff  }
0x3c0: {  	v48 =	vor.u32 $0x6, v6;
	v7 =	vld.idx.msk [tilespmem:v7+s9+$0x0], $0xffff  }
0x3c1: {  	v49 =	vor.u32 $0x7, v6;
	v8 =	vld.idx.msk [tilespmem:v43+s9+$0x0], $0xffff  }
0x3c2: {  	v51 =	vor.u32 $0x8, v6;
	v9 =	vld.idx.msk [tilespmem:v44+s9+$0x0], $0xffff  }
0x3c3: {  	v18 =	vor.u32 $0x9, v6;
	v10 =	vld.idx.msk [tilespmem:v45+s9+$0x0], $0xffff  }
0x3c4: {  	s18 =	simm.s32 $0x0;
	v19 =	vor.u32 $0xA, v6;
	v12 =	vld.idx.msk [tilespmem:v47+s9+$0x0], $0xffff;
	v50, _, _ =	vpop (xrf0)  }
0x3c5: {  	v21 =	vor.u32 $0xB, v6;
	v13 =	vld.idx.msk [tilespmem:v48+s9+$0x0], $0xffff;
	v52 =	vadd.s32 s18, v50;
	v7 =	vadd.s32 v46, v7  }
0x3c6: {  	v14 =	vld.idx.msk [tilespmem:v49+s9+$0x0], $0xffff;
	vm4 =	vge.s32 v52, s15;
	v7 =	vadd.s32 v8, v7  }
0x3c7: {  	v16 =	vld.idx.msk [tilespmem:v51+s9+$0x0], $0xffff;
	v20 =	vmpcnt.ones.xlane vm4;
	v53 =	vmctz.xlane vm4;
	v7 =	vadd.s32 v9, v7  }
0x3c8: {  	v54 =	vor.u32 $0xC, v6;
	v18 =	vld.idx.msk [tilespmem:v18+s9+$0x0], $0xffff;
	v7 =	vadd.s32 v10, v7  }
0x3c9: {  	v19 =	vld.idx.msk [tilespmem:v19+s9+$0x0], $0xffff;
	v20 =	vxor.u32 $0x80000000, v20;
	vm4 =	veq.s32 v53, v0;
	v7 =	vadd.s32 v12, v7  }
0x3ca: {  	v57 =	vld.idx.msk [tilespmem:v21+s9+$0x0], $0xffff;
	(xrf0) =	vmax.scan.msk.u32 $0xffff, v20;
	v17 =	vnsel vm4, $0x0, v52;
	v7 =	vadd.s32 v13, v7  }
0x3cb: {  	v5 =	vnsel vm4, $0x0, v5;
	(xrf0) =	vadd.scan.msk.s32 $0xffff, v17;
	v7 =	vadd.s32 v14, v7  }
0x3cc: {  	v58 =	vsel vm1, $0x0, v50;
	(xrf0) =	vadd.scan.msk.s32 $0xffff, v5;
	v7 =	vadd.s32 v16, v7  }
0x3cd: {  	v59 =	vxor.u32 $0x80000000, v53;
	v5 =	vld.idx.msk [tilespmem:v54+s9+$0x0], $0xffff;
	(xrf0) =	vadd.scan.msk.s32 $0xffff, v58;
	v7 =	vadd.s32 v18, v7  }
0x3ce: {  	(xrf0) =	vmax.scan.msk.u32 $0xffff, v59;
	v7 =	vadd.s32 v19, v7  }
0x3cf: {  	v55 =	vor.u32 $0xD, v6;
	v7 =	vadd.s32 v57, v7  }
0x3d0: {  	v56 =	vor.u32 $0xE, v6;
	v61, _, _ =	vpop (xrf0)  }
0x3d1: {  	v6 =	vor.u32 $0xF, v6;
	(v2sf) =	vpush v61, $0xF;
	v62, _, _ =	vpop (xrf0)  }
0x3d2: {  	v5 =	vadd.s32 v5, v7;
	(v2sf) =	vpush v62, $0xF;
	v7, _, _ =	vpop (xrf0)  }
0x3d3: {  	(v2sf) =	vpush v7, $0xF;
	v7, _, _ =	vpop (xrf0)  }
0x3d4: {  	v9 =	vld.idx.msk [tilespmem:v55+s9+$0x0], $0xffff;
	v63, _, _ =	vpop (xrf0);
	(v2sf) =	vpush v7, $0xF  }
0x3d5: {  	v60 =	vld.idx.msk [tilespmem:v56+s9+$0x0], $0xffff;
	(v2sf) =	vpush v63, $0xF  }
0x3d6: {  	v6 =	vld.idx.msk [tilespmem:v6+s9+$0x0], $0xffff;
	_ =	sdelay $0x2  }
0x3d7: {  	v5 =	vadd.s32 v9, v5  }
0x3d8: {  	v5 =	vadd.s32 v60, v5  }
0x3d9: {  	v5 =	vadd.s32 v6, v5  }
0x3da: {  	p1 =	por $0x0, $0x0;
	s20 =	simm.s32 $0x100;
	s21 =	simm.s32 $0x0;
	v5 =	vperm.xlane v5, v3  }
.LBB2_39:
0x3db: {  	_ = 	snop  }
0x3dc: {  	p2 =	sne.s32 s19, $0x10;
	s22 =	smov.u32 s19;
	s19 =	sadd.s32 $0xFFFFFFF0, s19;
	(xrf0) =	vadd.scan.msk.s32 $0xffff, v5  }
0x3dd: {  	v6 =	vmov s19  }
0x3de: {  	v6 =	vshll.u32 v6, $0x4;
	s23 =	spop (v2sf)  }
0x3df: {  	p3 =	por !p1, !p1;
	v6 =	vor.u32 v2, v6;
	p4 =	sgt.u32 s23, $0x80000000;
	s23 =	spop (v2sf)  }
0x3e0: {  	v7 =	vor.u32 $0x1, v6;
	p3 =	por !p4, !p3;
	p1 =	por p1, p4;
	s24 =	spop (v2sf)  }
0x3e1: {  	v8 =	vor.u32 $0x2, v6;
	p3 =	por !p3, !p3;
	s23 =	ssub.s32 s24, s23;
	s24 =	spop (v2sf)  }
0x3e2: {  	v9 =	vor.u32 $0x3, v6;
	v10, _, _ =	vpop (xrf0);
	s23 =	simm.s32 @!p3 $0x0;
	s21 =	sadd.s32 s21, s24;
	s24 =	spop (v2sf)  }
0x3e3: {  	v11 =	vor.u32 $0x4, v6;
	v12 =	vadd.s32 s21, v10;
	s24 =	sxor.u32 $0x7FFFFFFF, s24;
	s15 =	sadd.s32 s15, s23  }
0x3e4: {  	v14 =	vor.u32 $0x5, v6;
	v13 =	vld.idx.msk [tilespmem:v6+s9+$0x0], $0xffff;
	vm4 =	vge.s32 v12, s15;
	s23 =	sadd.s32 s24, s20;
	s20 =	smov.u32 s17;
	s17 =	smov.u32 s22  }
0x3e5: {  	v15 =	vor.u32 $0x6, v6;
	v7 =	vld.idx.msk [tilespmem:v7+s9+$0x0], $0xffff;
	v16 =	vmpcnt.ones.xlane vm4;
	v17 =	vmctz.xlane vm4;
	s18 =	smov.u32 @p3 s23  }
0x3e6: {  	v18 =	vor.u32 $0x7, v6;
	v8 =	vld.idx.msk [tilespmem:v8+s9+$0x0], $0xffff  }
0x3e7: {  	v19 =	vor.u32 $0x8, v6;
	v9 =	vld.idx.msk [tilespmem:v9+s9+$0x0], $0xffff;
	v16 =	vxor.u32 $0x80000000, v16;
	vm4 =	veq.s32 v17, v0  }
0x3e8: {  	v20 =	vor.u32 $0x9, v6;
	v17 =	vxor.u32 $0x80000000, v17;
	v11 =	vld.idx.msk [tilespmem:v11+s9+$0x0], $0xffff;
	v12 =	vnsel vm4, $0x0, v12;
	(xrf0) =	vmax.scan.msk.u32 $0xffff, v16  }
0x3e9: {  	v16 =	vor.u32 $0xA, v6;
	v5 =	vnsel vm4, $0x0, v5;
	v14 =	vld.idx.msk [tilespmem:v14+s9+$0x0], $0xffff;
	(xrf0) =	vadd.scan.msk.s32 $0xffff, v12  }
0x3ea: {  	v10 =	vsel vm1, $0x0, v10;
	v12 =	vld.idx.msk [tilespmem:v15+s9+$0x0], $0xffff;
	v15 =	vor.u32 $0xB, v6;
	(xrf0) =	vadd.scan.msk.s32 $0xffff, v5  }
0x3eb: {  	v5 =	vadd.s32 v13, v7;
	v13 =	vor.u32 $0xC, v6;
	v7 =	vld.idx.msk [tilespmem:v18+s9+$0x0], $0xffff;
	(xrf0) =	vadd.scan.msk.s32 $0xffff, v10  }
0x3ec: {  	v5 =	vadd.s32 v8, v5;
	v10 =	vor.u32 $0xD, v6;
	v8 =	vld.idx.msk [tilespmem:v19+s9+$0x0], $0xffff;
	(xrf0) =	vmax.scan.msk.u32 $0xffff, v17  }
0x3ed: {  	v5 =	vadd.s32 v9, v5;
	v17 =	vor.u32 $0xE, v6;
	v9 =	vld.idx.msk [tilespmem:v20+s9+$0x0], $0xffff  }
0x3ee: {  	v6 =	vor.u32 $0xF, v6;
	v5 =	vadd.s32 v11, v5;
	v11 =	vld.idx.msk [tilespmem:v16+s9+$0x0], $0xffff;
	v16, _, _ =	vpop (xrf0)  }
0x3ef: {  	v5 =	vadd.s32 v14, v5;
	v14 =	vld.idx.msk [tilespmem:v15+s9+$0x0], $0xffff;
	(v2sf) =	vpush v16, $0xF;
	v15, _, _ =	vpop (xrf0)  }
0x3f0: {  	v5 =	vadd.s32 v12, v5;
	v12 =	vld.idx.msk [tilespmem:v13+s9+$0x0], $0xffff;
	(v2sf) =	vpush v15, $0xF;
	v13, _, _ =	vpop (xrf0)  }
0x3f1: {  	v5 =	vadd.s32 v7, v5;
	v7 =	vld.idx.msk [tilespmem:v10+s9+$0x0], $0xffff;
	(v2sf) =	vpush v13, $0xF;
	v10, _, _ =	vpop (xrf0)  }
0x3f2: {  	v5 =	vadd.s32 v8, v5;
	v8 =	vld.idx.msk [tilespmem:v17+s9+$0x0], $0xffff;
	v13, _, _ =	vpop (xrf0);
	(v2sf) =	vpush v10, $0xF  }
0x3f3: {  	v5 =	vadd.s32 v9, v5;
	v6 =	vld.idx.msk [tilespmem:v6+s9+$0x0], $0xffff;
	(v2sf) =	vpush v13, $0xF  }
0x3f4: {  	v5 =	vadd.s32 v11, v5  }
0x3f5: {  	v5 =	vadd.s32 v14, v5  }
.Ltmp25:
0x3f6: {  	v5 =	vadd.s32 v12, v5;
	(pc) =	sbr.rel @p2 .LBB2_39-.Ltmp25, $4  }
0x3f7: {  	v5 =	vadd.s32 v7, v5  }
0x3f8: {  	v5 =	vadd.s32 v8, v5  }
0x3f9: {  	v5 =	vadd.s32 v6, v5  }
0x3fa: {  	v5 =	vperm.xlane v5, v3  }
0x3fb: {  	_ = 	snop  }
0x3fc: {  	(xrf0) =	vadd.scan.msk.s32 $0xffff, v5;
	_ =	sdelay $0x1  }
0x3fd: {  	s19 =	spop (v2sf)  }
0x3fe: {  	p2 =	por !p1, !p1;
	p3 =	sgt.u32 s19, $0x80000000;
	s24 =	spop (v2sf)  }
0x3ff: {  	p2 =	por !p3, !p2;
	s22 =	spop (v2sf)  }
0x400: {  	p2 =	por !p2, !p2;
	s19 =	ssub.s32 s22, s24;
	s25 =	spop (v2sf)  }
0x401: {  	v6, _, _ =	vpop (xrf0);
	s19 =	simm.s32 @!p2 $0x0;
	s21 =	sadd.s32 s21, s25  }
0x402: {  	v7 =	vadd.s32 s21, v6;
	s15 =	sadd.s32 s15, s19  }
0x403: {  	vm4 =	vge.s32 v7, s15  }
0x404: {  	v8 =	vmpcnt.ones.xlane vm4;
	v9 =	vmctz.xlane vm4;
	_ =	sdelay $0x1  }
0x405: {  	v8 =	vxor.u32 $0x80000000, v8;
	vm4 =	veq.s32 v9, v0  }
0x406: {  	v7 =	vnsel vm4, $0x0, v7;
	(xrf0) =	vmax.scan.msk.u32 $0xffff, v8  }
0x407: {  	v5 =	vnsel vm4, $0x0, v5;
	(xrf0) =	vadd.scan.msk.s32 $0xffff, v7  }
0x408: {  	v6 =	vsel vm1, $0x0, v6;
	(xrf0) =	vadd.scan.msk.s32 $0xffff, v5  }
0x409: {  	v5 =	vxor.u32 $0x80000000, v9;
	(xrf0) =	vadd.scan.msk.s32 $0xffff, v6  }
0x40a: {  	(xrf0) =	vmax.scan.msk.u32 $0xffff, v5;
	_ =	sdelay $0x1  }
0x40b: {  	v5, _, _ =	vpop (xrf0)  }
0x40c: {  	(v2sf) =	vpush v5, $0xF;
	v5, _, _ =	vpop (xrf0)  }
0x40d: {  	(v2sf) =	vpush v5, $0xF;
	v5, _, _ =	vpop (xrf0)  }
0x40e: {  	(v2sf) =	vpush v5, $0xF;
	v5, _, _ =	vpop (xrf0)  }
0x40f: {  	v6, _, _ =	vpop (xrf0);
	(v2sf) =	vpush v5, $0xF  }
0x410: {  	(v2sf) =	vpush v6, $0xF;
	_ =	sdelay $0x9  }
0x411: {  	s26 =	spop (v2sf)  }
0x412: {  	s28 =	spop (v2sf)  }
0x413: {  	s29 =	spop (v2sf)  }
0x414: {  	p5 =	por p1, p3;
	s23 =	spop (v2sf)  }
0x415: {  	p1 =	por !p5, !p5;
	s19 =	sxor.u32 $0x7FFFFFFF, s26;
	s24 =	spop (v2sf)  }
0x416: {  	s19 =	sadd.s32 s19, s20;
	p6 =	sgt.u32 s28, $0x80000000;
	s30 =	spop (v2sf)  }
.Ltmp26:
0x417: {  	p1 =	por !p6, !p1;
	s31 =	sxor.u32 $0x7FFFFFFF, s30;
	(pc) =	sbr.rel @p0 .LBB2_41-.Ltmp26, $4  }
0x418: {  	s18 =	smov.u32 @p2 s19;
	p1 =	por !p1, !p1;
	s17 =	sadd.s32 s31, s17  }
0x419: {  	s19 =	ssub.s32 s23, s29;
	s18 =	smov.u32 @p1 s17  }
0x41a: {  	s19 =	simm.s32 @!p1 $0x0;
	s17 =	sshll.u32 s18, $0x8  }
0x41b: {  	s15 =	sadd.s32 s15, s19;
	s14 =	sor.u32 s14, s17  }
0x41c: {  	s18 =	simm.s32 $0x3120  }
0x41d: {  	v6 =	vld [tilespmem:s18+$0xFFFFFFE0];
	_ =	sdelay $0x2  }
0x41e: {  	p1 =	sne.s32 s16, $0x1  }
.Ltmp27:
0x41f: {  	_ = 	snop;
	(pc) =	sbr.rel @!p1 .LBB2_43-.Ltmp27, $4  }
0x420: {  	v5 =	vmov s14;
	v7 =	vand.u32 $0xFFFFFF00, v6  }
0x421: {  	vm4 =	veq.s32 v7, v5  }
0x422: {  	s19 =	simm.s32 $0x0;
	v7 =	vsel vm4, $0x1, v1  }
0x423: {  	s17 =	simm.s32 $0x41A0;
	s16 =	sadd.s32 $0xFFFFFFFF, s16;
	p0 =	por $0x0, $0x0;
	(xrf0) =	vadd.scan.msk.s32 $0xffff, v7  }
0x424: {  	_ =	sdelay $0x1  }
0x425: {  	v7 =	vmov s19  }
0x426: {  	v7 =	vadd.s32 $0xFFFFFFFF, v7  }
0x427: {  	v7 =	vbroadcast v7, $0x0  }
0x428: {  	v8, _, _ =	vpop (xrf0)  }
0x429: {  	v7 =	vadd.s32 v8, v7;
	v8 =	vsel vm1, $0x0, v8  }
0x42a: {  	(xrf0) =	vadd.scan.msk.s32 $0xffff, v8  }
0x42b: {  	v9 =	vld [tilespmem:s17+$0xFFFFFFE0];
	_ =	sdelay $0x3  }
0x42c: {  	[tilespmem:v7+s10+$0x0] =	vst.idx.msk vm4, v6  }
0x42d: {  	[tilespmem:v7+s11+$0x0] =	vst.idx.msk vm4, v9;
	v7, _, _ =	vpop (xrf0)  }
0x42e: {  	(v2sf) =	vpush v7, $0xF  }
0x42f: {  	v6 =	vld [tilespmem:s18+$0xFFFFFFF0];
	_ =	sdelay $0x4  }
0x430: {  	v7 =	vand.u32 $0xFFFFFF00, v6  }
0x431: {  	vm4 =	veq.s32 v7, v5  }
0x432: {  	v7 =	vsel vm4, $0x1, v1  }
0x433: {  	(xrf0) =	vadd.scan.msk.s32 $0xffff, v7;
	_ =	sdelay $0x5  }
0x434: {  	v7, _, _ =	vpop (xrf0);
	s20 =	spop (v2sf)  }
0x435: {  	v8 =	vsel vm1, $0x0, v7;
	s20 =	sadd.s32 $0x0, s20  }
0x436: {  	(xrf0) =	vadd.scan.msk.s32 $0xffff, v8;
	v8 =	vmov s20  }
0x437: {  	v8 =	vadd.s32 $0xFFFFFFFF, v8  }
0x438: {  	v8 =	vbroadcast v8, $0x0;
	_ =	sdelay $0x3  }
0x439: {  	v7 =	vadd.s32 v7, v8;
	v8, _, _ =	vpop (xrf0)  }
0x43a: {  	v9 =	vld [tilespmem:s17+$0xFFFFFFF0];
	(v2sf) =	vpush v8, $0xF;
	_ =	sdelay $0x3  }
0x43b: {  	[tilespmem:v7+s10+$0x0] =	vst.idx.msk vm4, v6  }
0x43c: {  	[tilespmem:v7+s11+$0x0] =	vst.idx.msk vm4, v9  }
0x43d: {  	v6 =	vld [tilespmem:s18+$0x0];
	_ =	sdelay $0x4  }
0x43e: {  	v7 =	vand.u32 $0xFFFFFF00, v6  }
0x43f: {  	vm4 =	veq.s32 v7, v5  }
0x440: {  	v7 =	vsel vm4, $0x1, v1  }
0x441: {  	(xrf0) =	vadd.scan.msk.s32 $0xffff, v7  }
0x442: {  	s21 =	spop (v2sf)  }
0x443: {  	s20 =	sadd.s32 s20, s21  }
0x444: {  	v7 =	vmov s20  }
0x445: {  	v7 =	vadd.s32 $0xFFFFFFFF, v7  }
0x446: {  	v7 =	vbroadcast v7, $0x0  }
0x447: {  	v8, _, _ =	vpop (xrf0)  }
0x448: {  	v7 =	vadd.s32 v8, v7;
	v8 =	vsel vm1, $0x0, v8  }
0x449: {  	v9 =	vld [tilespmem:s17+$0x0];
	(xrf0) =	vadd.scan.msk.s32 $0xffff, v8;
	_ =	sdelay $0x3  }
0x44a: {  	[tilespmem:v7+s10+$0x0] =	vst.idx.msk vm4, v6  }
0x44b: {  	[tilespmem:v7+s11+$0x0] =	vst.idx.msk vm4, v9  }
0x44c: {  	v6 =	vld [tilespmem:s18+$0x10];
	v7, _, _ =	vpop (xrf0)  }
0x44d: {  	(v2sf) =	vpush v7, $0xF;
	_ =	sdelay $0x3  }
0x44e: {  	v7 =	vand.u32 $0xFFFFFF00, v6  }
0x44f: {  	vm4 =	veq.s32 v7, v5  }
0x450: {  	v7 =	vsel vm4, $0x1, v1  }
0x451: {  	(xrf0) =	vadd.scan.msk.s32 $0xffff, v7;
	_ =	sdelay $0x5  }
0x452: {  	v7, _, _ =	vpop (xrf0)  }
0x453: {  	v8 =	vsel vm1, $0x0, v7  }
0x454: {  	(xrf0) =	vadd.scan.msk.s32 $0xffff, v8;
	s31 =	spop (v2sf)  }
0x455: {  	s21 =	sadd.s32 s20, s31  }
0x456: {  	v8 =	vmov s21  }
0x457: {  	v8 =	vadd.s32 $0xFFFFFFFF, v8  }
0x458: {  	v8 =	vbroadcast v8, $0x0;
	_ =	sdelay $0x1  }
0x459: {  	v63, _, _ =	vpop (xrf0);
	v7 =	vadd.s32 v7, v8  }
0x45a: {  	v8 =	vld [tilespmem:s17+$0x10];
	(v2sf) =	vpush v63, $0xF;
	_ =	sdelay $0x3  }
0x45b: {  	[tilespmem:v7+s10+$0x0] =	vst.idx.msk vm4, v6  }
0x45c: {  	s18 =	simm.s32 $0x3160;
	[tilespmem:v7+s11+$0x0] =	vst.idx.msk vm4, v8  }
0x45d: {  	v6 =	vld [tilespmem:s18+$0xFFFFFFE0];
	_ =	sdelay $0x3  }
0x45e: {  	p1 =	sne.s32 s16, $0x1  }
.Ltmp28:
0x45f: {  	v7 =	vand.u32 $0xFFFFFF00, v6;
	(pc) =	sbr.rel @!p1 .LBB2_45-.Ltmp28, $4  }
0x460: {  	vm4 =	veq.s32 v7, v5  }
0x461: {  	v7 =	vsel vm4, $0x1, v1  }
0x462: {  	p0 =	por $0x1, $0x1;
	(xrf0) =	vadd.scan.msk.s32 $0xffff, v7  }
0x463: {  	s20 =	sadd.s32 $0xFFFFFFFF, s16;
	s16 =	simm.s32 $0x41A0;
	s22 =	spop (v2sf)  }
.LBB2_46:
0x464: {  	p1 =	sne.s32 s20, $0x1;
	s21 =	sadd.s32 s21, s22;
	s16 =	sadd.s32 $0x40, s16  }
0x465: {  	s20 =	sadd.s32 $0xFFFFFFFF, s20;
	v7 =	vmov s21  }
0x466: {  	v7 =	vadd.s32 $0xFFFFFFFF, v7  }
0x467: {  	v7 =	vbroadcast v7, $0x0  }
0x468: {  	v8, _, _ =	vpop (xrf0)  }
0x469: {  	v7 =	vadd.s32 v8, v7;
	v8 =	vsel vm1, $0x0, v8  }
0x46a: {  	v9 =	vld [tilespmem:s16+$0xFFFFFFE0];
	(xrf0) =	vadd.scan.msk.s32 $0xffff, v8;
	_ =	sdelay $0x3  }
0x46b: {  	[tilespmem:v7+s10+$0x0] =	vst.idx.msk vm4, v6  }
0x46c: {  	[tilespmem:v7+s11+$0x0] =	vst.idx.msk vm4, v9  }
0x46d: {  	v6 =	vld [tilespmem:s18+$0xFFFFFFF0];
	v7, _, _ =	vpop (xrf0)  }
0x46e: {  	(v2sf) =	vpush v7, $0xF;
	_ =	sdelay $0x3  }
0x46f: {  	v7 =	vand.u32 $0xFFFFFF00, v6  }
0x470: {  	vm4 =	veq.s32 v7, v5  }
0x471: {  	v7 =	vsel vm4, $0x1, v1  }
0x472: {  	(xrf0) =	vadd.scan.msk.s32 $0xffff, v7;
	_ =	sdelay $0x5  }
0x473: {  	v7, _, _ =	vpop (xrf0)  }
0x474: {  	v8 =	vsel vm1, $0x0, v7  }
0x475: {  	s22 =	spop (v2sf);
	(xrf0) =	vadd.scan.msk.s32 $0xffff, v8  }
0x476: {  	s21 =	sadd.s32 s21, s22  }
0x477: {  	v8 =	vmov s21  }
0x478: {  	v8 =	vadd.s32 $0xFFFFFFFF, v8  }
0x479: {  	v9 =	vbroadcast v8, $0x0;
	_ =	sdelay $0x1  }
0x47a: {  	v7 =	vadd.s32 v7, v9;
	v8, _, _ =	vpop (xrf0)  }
0x47b: {  	v9 =	vld [tilespmem:s16+$0xFFFFFFF0];
	(v2sf) =	vpush v8, $0xF;
	_ =	sdelay $0x3  }
0x47c: {  	[tilespmem:v7+s10+$0x0] =	vst.idx.msk vm4, v6  }
0x47d: {  	[tilespmem:v7+s11+$0x0] =	vst.idx.msk vm4, v9  }
0x47e: {  	v6 =	vld [tilespmem:s18+$0x0];
	_ =	sdelay $0x4  }
0x47f: {  	v7 =	vand.u32 $0xFFFFFF00, v6  }
0x480: {  	vm4 =	veq.s32 v7, v5  }
0x481: {  	v7 =	vsel vm4, $0x1, v1  }
0x482: {  	(xrf0) =	vadd.scan.msk.s32 $0xffff, v7  }
0x483: {  	s22 =	spop (v2sf)  }
0x484: {  	s21 =	sadd.s32 s21, s22  }
0x485: {  	v7 =	vmov s21  }
0x486: {  	v7 =	vadd.s32 $0xFFFFFFFF, v7  }
0x487: {  	v7 =	vbroadcast v7, $0x0  }
0x488: {  	v8, _, _ =	vpop (xrf0)  }
0x489: {  	v7 =	vadd.s32 v8, v7;
	v8 =	vsel vm1, $0x0, v8  }
0x48a: {  	v9 =	vld [tilespmem:s16+$0x0];
	(xrf0) =	vadd.scan.msk.s32 $0xffff, v8;
	_ =	sdelay $0x3  }
0x48b: {  	[tilespmem:v7+s10+$0x0] =	vst.idx.msk vm4, v6  }
0x48c: {  	[tilespmem:v7+s11+$0x0] =	vst.idx.msk vm4, v9  }
0x48d: {  	v6 =	vld [tilespmem:s18+$0x10];
	v7, _, _ =	vpop (xrf0)  }
0x48e: {  	v8 =	vld [tilespmem:s16+$0x10];
	(v2sf) =	vpush v7, $0xF;
	_ =	sdelay $0x3  }
0x48f: {  	v7 =	vand.u32 $0xFFFFFF00, v6  }
0x490: {  	vm4 =	veq.s32 v7, v5  }
0x491: {  	v7 =	vsel vm4, $0x1, v1  }
0x492: {  	(xrf0) =	vadd.scan.msk.s32 $0xffff, v7;
	_ =	sdelay $0x5  }
0x493: {  	v7, _, _ =	vpop (xrf0)  }
0x494: {  	v9 =	vsel vm1, $0x0, v7  }
0x495: {  	s22 =	spop (v2sf);
	(xrf0) =	vadd.scan.msk.s32 $0xffff, v9  }
0x496: {  	s21 =	sadd.s32 s21, s22  }
0x497: {  	v9 =	vmov s21  }
0x498: {  	v9 =	vadd.s32 $0xFFFFFFFF, v9  }
0x499: {  	v10 =	vbroadcast v9, $0x0;
	_ =	sdelay $0x1  }
0x49a: {  	v7 =	vadd.s32 v7, v10;
	v9, _, _ =	vpop (xrf0)  }
0x49b: {  	(v2sf) =	vpush v9, $0xF;
	_ =	sdelay $0x3  }
0x49c: {  	[tilespmem:v7+s10+$0x0] =	vst.idx.msk vm4, v6  }
0x49d: {  	s18 =	sadd.s32 $0x40, s18;
	[tilespmem:v7+s11+$0x0] =	vst.idx.msk vm4, v8  }
0x49e: {  	v6 =	vld [tilespmem:s18+$0xFFFFFFE0];
	_ =	sdelay $0x4  }
.Ltmp29:
0x49f: {  	v7 =	vand.u32 $0xFFFFFF00, v6;
	(pc) =	sbr.rel @p1 .LBB2_46-.Ltmp29, $4  }
0x4a0: {  	vm4 =	veq.s32 v7, v5  }
0x4a1: {  	v7 =	vsel vm4, $0x1, v1  }
0x4a2: {  	(xrf0) =	vadd.scan.msk.s32 $0xffff, v7  }
0x4a3: {  	s22 =	spop (v2sf)  }
.LBB2_47:
0x4a4: {  	s20 =	sadd.s32 @p0 s21, s22  }
0x4a5: {  	s19 =	smov.u32 @p0 s20  }
0x4a6: {  	v7 =	vmov s19  }
0x4a7: {  	v7 =	vadd.s32 $0xFFFFFFFF, v7  }
0x4a8: {  	v7 =	vbroadcast v7, $0x0  }
0x4a9: {  	s16 =	sadd.s32 @p0 $0x40, s16;
	v8, _, _ =	vpop (xrf0)  }
0x4aa: {  	s17 =	smov.u32 @p0 s16;
	v7 =	vadd.s32 v8, v7;
	v8 =	vsel vm1, $0x0, v8  }
0x4ab: {  	v9 =	vld [tilespmem:s17+$0xFFFFFFE0];
	(xrf0) =	vadd.scan.msk.s32 $0xffff, v8;
	_ =	sdelay $0x3  }
0x4ac: {  	[tilespmem:v7+s10+$0x0] =	vst.idx.msk vm4, v6  }
0x4ad: {  	[tilespmem:v7+s11+$0x0] =	vst.idx.msk vm4, v9  }
0x4ae: {  	v6 =	vld [tilespmem:s18+$0xFFFFFFF0];
	v7, _, _ =	vpop (xrf0)  }
0x4af: {  	(v2sf) =	vpush v7, $0xF;
	_ =	sdelay $0x3  }
0x4b0: {  	v7 =	vand.u32 $0xFFFFFF00, v6  }
0x4b1: {  	vm4 =	veq.s32 v7, v5  }
0x4b2: {  	v7 =	vsel vm4, $0x1, v1  }
0x4b3: {  	(xrf0) =	vadd.scan.msk.s32 $0xffff, v7;
	_ =	sdelay $0x5  }
0x4b4: {  	v7, _, _ =	vpop (xrf0)  }
0x4b5: {  	v60 =	vsel vm1, $0x0, v7  }
0x4b6: {  	s28 =	spop (v2sf);
	(xrf0) =	vadd.scan.msk.s32 $0xffff, v60  }
0x4b7: {  	s16 =	sadd.s32 s19, s28  }
0x4b8: {  	v61 =	vmov s16  }
0x4b9: {  	v8 =	vadd.s32 $0xFFFFFFFF, v61  }
0x4ba: {  	v8 =	vbroadcast v8, $0x0;
	_ =	sdelay $0x1  }
0x4bb: {  	v7 =	vadd.s32 v7, v8;
	v62, _, _ =	vpop (xrf0)  }
0x4bc: {  	v9 =	vld [tilespmem:s17+$0xFFFFFFF0];
	(v2sf) =	vpush v62, $0xF;
	_ =	sdelay $0x3  }
0x4bd: {  	[tilespmem:v7+s10+$0x0] =	vst.idx.msk vm4, v6  }
0x4be: {  	[tilespmem:v7+s11+$0x0] =	vst.idx.msk vm4, v9  }
0x4bf: {  	v6 =	vld [tilespmem:s18+$0x0];
	_ =	sdelay $0x4  }
0x4c0: {  	v7 =	vand.u32 $0xFFFFFF00, v6  }
0x4c1: {  	vm4 =	veq.s32 v7, v5  }
0x4c2: {  	v7 =	vsel vm4, $0x1, v1  }
0x4c3: {  	(xrf0) =	vadd.scan.msk.s32 $0xffff, v7  }
0x4c4: {  	s29 =	spop (v2sf)  }
0x4c5: {  	s16 =	sadd.s32 s16, s29  }
0x4c6: {  	v7 =	vmov s16  }
0x4c7: {  	v7 =	vadd.s32 $0xFFFFFFFF, v7  }
0x4c8: {  	v7 =	vbroadcast v7, $0x0  }
0x4c9: {  	v63, _, _ =	vpop (xrf0)  }
0x4ca: {  	v7 =	vadd.s32 v63, v7  }
0x4cb: {  	v9 =	vld [tilespmem:s17+$0x0];
	_ =	sdelay $0x3  }
0x4cc: {  	[tilespmem:v7+s10+$0x0] =	vst.idx.msk vm4, v6  }
0x4cd: {  	[tilespmem:v7+s11+$0x0] =	vst.idx.msk vm4, v9  }
0x4ce: {  	v6 =	vld [tilespmem:s18+$0x10];
	_ =	sdelay $0x3  }
0x4cf: {  	v7 =	vsel vm1, $0x0, v63  }
0x4d0: {  	(xrf0) =	vadd.scan.msk.s32 $0xffff, v7;
	v7 =	vand.u32 $0xFFFFFF00, v6  }
0x4d1: {  	vm4 =	veq.s32 v7, v5  }
0x4d2: {  	v5 =	vsel vm4, $0x1, v1  }
0x4d3: {  	(xrf0) =	vadd.scan.msk.s32 $0xffff, v5;
	_ =	sdelay $0x2  }
0x4d4: {  	v5, _, _ =	vpop (xrf0)  }
0x4d5: {  	(v2sf) =	vpush v5, $0xF;
	_ =	sdelay $0x1  }
0x4d6: {  	v5, _, _ =	vpop (xrf0)  }
0x4d7: {  	v7 =	vsel vm1, $0x0, v5  }
0x4d8: {  	(xrf0) =	vadd.scan.msk.s32 $0xffff, v7;
	_ =	sdelay $0x5  }
0x4d9: {  	v7, _, _ =	vpop (xrf0)  }
0x4da: {  	(v2sf) =	vpush v7, $0xF;
	_ =	sdelay $0x3  }
0x4db: {  	s30 =	spop (v2sf)  }
0x4dc: {  	s16 =	sadd.s32 s16, s30  }
0x4dd: {  	v7 =	vmov s16  }
0x4de: {  	v7 =	vadd.s32 $0xFFFFFFFF, v7  }
0x4df: {  	v7 =	vbroadcast v7, $0x0;
	_ =	sdelay $0x1  }
0x4e0: {  	v5 =	vadd.s32 v5, v7  }
0x4e1: {  	v7 =	vld [tilespmem:s17+$0x10]  }
.Ltmp30:
0x4e2: {  	_ = 	snop;
	(pc) =	sbr.rel .LBB2_48-.Ltmp30, $3  }
0x4e3: {  	_ =	sdelay $0x1  }
0x4e4: {  	[tilespmem:v5+s10+$0x0] =	vst.idx.msk vm4, v6;
	s31 =	spop (v2sf)  }
0x4e5: {  	[tilespmem:v5+s11+$0x0] =	vst.idx.msk vm4, v7;
	s16 =	sadd.s32 s16, s31  }
.LBB2_41:
0x4e6: {  	s16 =	simm.s32 $0x0  }
.LBB2_48:
0x4e7: {  	[tilespmem:s16+$0x3100] =	vst v1  }
0x4e8: {  	[tilespmem:s16+$0x3110] =	vst v1  }
0x4e9: {  	[tilespmem:s16+$0x3120] =	vst v1  }
0x4ea: {  	[tilespmem:s16+$0x3130] =	vst v1;
	s17 =	simm.s32 $0x2120  }
0x4eb: {  	[tilespmem:s17+$0xFFFFFFE0] =	vst v1  }
0x4ec: {  	[tilespmem:s17+$0x10] =	vst v1  }
0x4ed: {  	s18 =	simm.s32 $0x0;
	[tilespmem:s17+$0x0] =	vst v1  }
.LBB2_49:
0x4ee: {  	s18 =	sadd.s32 $0x4, s18  }
0x4ef: {  	[tilespmem:s17+$0xFFFFFFF0] =	vst v1;
	s17 =	sadd.s32 $0x40, s17;
	p0 =	slt.u32 s18, $0xFC  }
.Ltmp31:
0x4f0: {  	[tilespmem:s17+$0xFFFFFFE0] =	vst v1;
	(pc) =	sbr.rel @p0 .LBB2_49-.Ltmp31, $3  }
0x4f1: {  	_ =	sdelay $0x1  }
0x4f2: {  	[tilespmem:s17+$0x10] =	vst v1  }
0x4f3: {  	[tilespmem:s17+$0x0] =	vst v1  }
0x4f4: {  	s16 =	sadd.s32 $0x3F, s16  }
0x4f5: {  	[tilespmem:s17+$0xFFFFFFF0] =	vst v1;
	s17 =	sshrl.u32 s16, $0x6  }
0x4f6: {  	p0 =	seq.s32 s17, $0x0  }
.Ltmp32:
0x4f7: {  	_ = 	snop;
	(pc) =	sbr.rel @p0 .LBB2_53-.Ltmp32, $1  }
0x4f8: {  	_ =	sdelay $0x3  }
0x4f9: {  	v5 =	vmov s14;
	s16 =	simm.s32 $0x3120;
	s18 =	smov.u32 s17  }
.LBB2_52:
0x4fa: {  	v6 =	vld [tilespmem:s16+$0xFFFFFFE0];
	_ =	sdelay $0x4  }
0x4fb: {  	v7 =	vand.u32 $0xFFFFFF00, v6;
	v6 =	vshll.u32 v6, $0x4  }
0x4fc: {  	vm4 =	veq.s32 v7, v5;
	v6 =	vor.u32 v0, v6  }
0x4fd: {  	v6 =	vand.u32 $0xFFF, v6;
	_ =	sdelay $0x4  }
0x4fe: {  	[tilespmem:v6+s9+$0x0] =	vst.idx.add.s32.msk vm4, v4  }
0x4ff: {  	v6 =	vld [tilespmem:s16+$0xFFFFFFF0];
	_ =	sdelay $0x4  }
0x500: {  	v7 =	vand.u32 $0xFFFFFF00, v6;
	v6 =	vshll.u32 v6, $0x4  }
0x501: {  	vm4 =	veq.s32 v7, v5;
	v6 =	vor.u32 v0, v6  }
0x502: {  	v6 =	vand.u32 $0xFFF, v6;
	_ =	sdelay $0x4  }
0x503: {  	[tilespmem:v6+s9+$0x0] =	vst.idx.add.s32.msk vm4, v4  }
0x504: {  	v6 =	vld [tilespmem:s16+$0x0];
	_ =	sdelay $0x4  }
0x505: {  	v7 =	vand.u32 $0xFFFFFF00, v6;
	v6 =	vshll.u32 v6, $0x4  }
0x506: {  	vm4 =	veq.s32 v7, v5;
	v6 =	vor.u32 v0, v6  }
0x507: {  	v6 =	vand.u32 $0xFFF, v6;
	_ =	sdelay $0x4  }
0x508: {  	[tilespmem:v6+s9+$0x0] =	vst.idx.add.s32.msk vm4, v4  }
0x509: {  	v6 =	vld [tilespmem:s16+$0x10];
	_ =	sdelay $0x4  }
0x50a: {  	v7 =	vand.u32 $0xFFFFFF00, v6;
	v6 =	vshll.u32 v6, $0x4  }
0x50b: {  	vm4 =	veq.s32 v7, v5;
	v6 =	vor.u32 v0, v6  }
0x50c: {  	p1 =	sne.s32 s18, $0x1;
	v6 =	vand.u32 $0xFFF, v6  }
.Ltmp33:
0x50d: {  	_ = 	snop;
	(pc) =	sbr.rel @p1 .LBB2_52-.Ltmp33, $2  }
0x50e: {  	_ =	sdelay $0x2  }
0x50f: {  	s18 =	sadd.s32 $0xFFFFFFFF, s18;
	s16 =	sadd.s32 $0x40, s16;
	[tilespmem:v6+s9+$0x0] =	vst.idx.add.s32.msk vm4, v4  }
.LBB2_53:
0x510: {  	s16 =	simm.s32 $0xF0  }
0x511: {  	v5 =	vmov s16  }
0x512: {  	v5 =	vshll.u32 v5, $0x4  }
0x513: {  	v5 =	vor.u32 v2, v5  }
0x514: {  	v6 =	vor.u32 $0x1, v5  }
0x515: {  	v7 =	vor.u32 $0x2, v5  }
0x516: {  	v8 =	vor.u32 $0x3, v5  }
0x517: {  	v9 =	vor.u32 $0x4, v5  }
0x518: {  	v11 =	vor.u32 $0x5, v5;
	v10 =	vld.idx.msk [tilespmem:v5+s9+$0x0], $0xffff  }
0x519: {  	v12 =	vor.u32 $0x6, v5;
	v6 =	vld.idx.msk [tilespmem:v6+s9+$0x0], $0xffff  }
0x51a: {  	v13 =	vor.u32 $0x7, v5;
	v7 =	vld.idx.msk [tilespmem:v7+s9+$0x0], $0xffff  }
0x51b: {  	v14 =	vor.u32 $0x8, v5;
	v8 =	vld.idx.msk [tilespmem:v8+s9+$0x0], $0xffff  }
0x51c: {  	v15 =	vor.u32 $0x9, v5;
	v9 =	vld.idx.msk [tilespmem:v9+s9+$0x0], $0xffff  }
0x51d: {  	v16 =	vor.u32 $0xA, v5;
	v11 =	vld.idx.msk [tilespmem:v11+s9+$0x0], $0xffff  }
0x51e: {  	v17 =	vor.u32 $0xB, v5;
	v12 =	vld.idx.msk [tilespmem:v12+s9+$0x0], $0xffff;
	v6 =	vadd.s32 v10, v6  }
0x51f: {  	v35 =	vor.u32 $0xC, v5;
	v34 =	vld.idx.msk [tilespmem:v13+s9+$0x0], $0xffff;
	v6 =	vadd.s32 v7, v6  }
0x520: {  	v36 =	vor.u32 $0xD, v5;
	v7 =	vld.idx.msk [tilespmem:v14+s9+$0x0], $0xffff;
	v6 =	vadd.s32 v8, v6  }
0x521: {  	v38 =	vor.u32 $0xE, v5;
	v37 =	vld.idx.msk [tilespmem:v15+s9+$0x0], $0xffff;
	v6 =	vadd.s32 v9, v6  }
0x522: {  	v5 =	vor.u32 $0xF, v5;
	v39 =	vld.idx.msk [tilespmem:v16+s9+$0x0], $0xffff;
	v6 =	vadd.s32 v11, v6  }
0x523: {  	v40 =	vld.idx.msk [tilespmem:v17+s9+$0x0], $0xffff;
	v6 =	vadd.s32 v12, v6  }
0x524: {  	v41 =	vld.idx.msk [tilespmem:v35+s9+$0x0], $0xffff;
	v6 =	vadd.s32 v34, v6  }
0x525: {  	v42 =	vld.idx.msk [tilespmem:v36+s9+$0x0], $0xffff;
	v6 =	vadd.s32 v7, v6  }
0x526: {  	v7 =	vld.idx.msk [tilespmem:v38+s9+$0x0], $0xffff;
	v6 =	vadd.s32 v37, v6  }
0x527: {  	v5 =	vld.idx.msk [tilespmem:v5+s9+$0x0], $0xffff;
	v6 =	vadd.s32 v39, v6  }
0x528: {  	v6 =	vadd.s32 v40, v6  }
0x529: {  	v6 =	vadd.s32 v41, v6  }
0x52a: {  	s19 =	simm.s32 $0xE0;
	v6 =	vadd.s32 v42, v6  }
0x52b: {  	v6 =	vadd.s32 v7, v6;
	v7 =	vmov s19  }
0x52c: {  	v5 =	vadd.s32 v5, v6;
	v6 =	vshll.u32 v7, $0x4  }
0x52d: {  	v6 =	vor.u32 v2, v6  }
0x52e: {  	v7 =	vor.u32 $0x1, v6  }
0x52f: {  	v5 =	vperm.xlane v5, v3;
	v43 =	vor.u32 $0x2, v6  }
0x530: {  	v44 =	vor.u32 $0x3, v6  }
0x531: {  	v45 =	vor.u32 $0x4, v6;
	(xrf0) =	vadd.scan.msk.s32 $0xffff, v5  }
0x532: {  	v47 =	vor.u32 $0x5, v6;
	v46 =	vld.idx.msk [tilespmem:v6+s9+$0x0], $0xffff  }
0x533: {  	v48 =	vor.u32 $0x6, v6;
	v7 =	vld.idx.msk [tilespmem:v7+s9+$0x0], $0xffff  }
0x534: {  	v49 =	vor.u32 $0x7, v6;
	v8 =	vld.idx.msk [tilespmem:v43+s9+$0x0], $0xffff  }
0x535: {  	v51 =	vor.u32 $0x8, v6;
	v9 =	vld.idx.msk [tilespmem:v44+s9+$0x0], $0xffff  }
0x536: {  	v18 =	vor.u32 $0x9, v6;
	v10 =	vld.idx.msk [tilespmem:v45+s9+$0x0], $0xffff  }
0x537: {  	s18 =	simm.s32 $0x0;
	v19 =	vor.u32 $0xA, v6;
	v12 =	vld.idx.msk [tilespmem:v47+s9+$0x0], $0xffff;
	v50, _, _ =	vpop (xrf0)  }
0x538: {  	v21 =	vor.u32 $0xB, v6;
	v13 =	vld.idx.msk [tilespmem:v48+s9+$0x0], $0xffff;
	v52 =	vadd.s32 s18, v50;
	v7 =	vadd.s32 v46, v7  }
0x539: {  	v14 =	vld.idx.msk [tilespmem:v49+s9+$0x0], $0xffff;
	vm4 =	vge.s32 v52, s15;
	v7 =	vadd.s32 v8, v7  }
0x53a: {  	v16 =	vld.idx.msk [tilespmem:v51+s9+$0x0], $0xffff;
	v20 =	vmpcnt.ones.xlane vm4;
	v53 =	vmctz.xlane vm4;
	v7 =	vadd.s32 v9, v7  }
0x53b: {  	v54 =	vor.u32 $0xC, v6;
	v18 =	vld.idx.msk [tilespmem:v18+s9+$0x0], $0xffff;
	v7 =	vadd.s32 v10, v7  }
0x53c: {  	v19 =	vld.idx.msk [tilespmem:v19+s9+$0x0], $0xffff;
	v20 =	vxor.u32 $0x80000000, v20;
	vm4 =	veq.s32 v53, v0;
	v7 =	vadd.s32 v12, v7  }
0x53d: {  	v57 =	vld.idx.msk [tilespmem:v21+s9+$0x0], $0xffff;
	(xrf0) =	vmax.scan.msk.u32 $0xffff, v20;
	v17 =	vnsel vm4, $0x0, v52;
	v7 =	vadd.s32 v13, v7  }
0x53e: {  	v5 =	vnsel vm4, $0x0, v5;
	(xrf0) =	vadd.scan.msk.s32 $0xffff, v17;
	v7 =	vadd.s32 v14, v7  }
0x53f: {  	v58 =	vsel vm1, $0x0, v50;
	(xrf0) =	vadd.scan.msk.s32 $0xffff, v5;
	v7 =	vadd.s32 v16, v7  }
0x540: {  	v59 =	vxor.u32 $0x80000000, v53;
	v5 =	vld.idx.msk [tilespmem:v54+s9+$0x0], $0xffff;
	(xrf0) =	vadd.scan.msk.s32 $0xffff, v58;
	v7 =	vadd.s32 v18, v7  }
0x541: {  	(xrf0) =	vmax.scan.msk.u32 $0xffff, v59;
	v7 =	vadd.s32 v19, v7  }
0x542: {  	v55 =	vor.u32 $0xD, v6;
	v7 =	vadd.s32 v57, v7  }
0x543: {  	v56 =	vor.u32 $0xE, v6;
	v61, _, _ =	vpop (xrf0)  }
0x544: {  	v6 =	vor.u32 $0xF, v6;
	(v2sf) =	vpush v61, $0xF;
	v62, _, _ =	vpop (xrf0)  }
0x545: {  	v5 =	vadd.s32 v5, v7;
	(v2sf) =	vpush v62, $0xF;
	v7, _, _ =	vpop (xrf0)  }
0x546: {  	(v2sf) =	vpush v7, $0xF;
	v7, _, _ =	vpop (xrf0)  }
0x547: {  	v9 =	vld.idx.msk [tilespmem:v55+s9+$0x0], $0xffff;
	v63, _, _ =	vpop (xrf0);
	(v2sf) =	vpush v7, $0xF  }
0x548: {  	v60 =	vld.idx.msk [tilespmem:v56+s9+$0x0], $0xffff;
	(v2sf) =	vpush v63, $0xF  }
0x549: {  	v6 =	vld.idx.msk [tilespmem:v6+s9+$0x0], $0xffff;
	_ =	sdelay $0x2  }
0x54a: {  	v5 =	vadd.s32 v9, v5  }
0x54b: {  	v5 =	vadd.s32 v60, v5  }
0x54c: {  	v5 =	vadd.s32 v6, v5  }
0x54d: {  	p1 =	por $0x0, $0x0;
	s20 =	simm.s32 $0x100;
	s21 =	simm.s32 $0x0;
	v5 =	vperm.xlane v5, v3  }
.LBB2_54:
0x54e: {  	_ = 	snop  }
0x54f: {  	p2 =	sne.s32 s19, $0x10;
	s22 =	smov.u32 s19;
	s19 =	sadd.s32 $0xFFFFFFF0, s19;
	(xrf0) =	vadd.scan.msk.s32 $0xffff, v5  }
0x550: {  	v6 =	vmov s19  }
0x551: {  	v6 =	vshll.u32 v6, $0x4;
	s23 =	spop (v2sf)  }
0x552: {  	p3 =	por !p1, !p1;
	v6 =	vor.u32 v2, v6;
	p4 =	sgt.u32 s23, $0x80000000;
	s23 =	spop (v2sf)  }
0x553: {  	v7 =	vor.u32 $0x1, v6;
	p3 =	por !p4, !p3;
	p1 =	por p1, p4;
	s24 =	spop (v2sf)  }
0x554: {  	v8 =	vor.u32 $0x2, v6;
	p3 =	por !p3, !p3;
	s23 =	ssub.s32 s24, s23;
	s24 =	spop (v2sf)  }
0x555: {  	v9 =	vor.u32 $0x3, v6;
	v10, _, _ =	vpop (xrf0);
	s23 =	simm.s32 @!p3 $0x0;
	s21 =	sadd.s32 s21, s24;
	s24 =	spop (v2sf)  }
0x556: {  	v11 =	vor.u32 $0x4, v6;
	v12 =	vadd.s32 s21, v10;
	s24 =	sxor.u32 $0x7FFFFFFF, s24;
	s15 =	sadd.s32 s15, s23  }
0x557: {  	v14 =	vor.u32 $0x5, v6;
	v13 =	vld.idx.msk [tilespmem:v6+s9+$0x0], $0xffff;
	vm4 =	vge.s32 v12, s15;
	s23 =	sadd.s32 s24, s20;
	s20 =	smov.u32 s16;
	s16 =	smov.u32 s22  }
0x558: {  	v15 =	vor.u32 $0x6, v6;
	v7 =	vld.idx.msk [tilespmem:v7+s9+$0x0], $0xffff;
	v16 =	vmpcnt.ones.xlane vm4;
	v17 =	vmctz.xlane vm4;
	s18 =	smov.u32 @p3 s23  }
0x559: {  	v18 =	vor.u32 $0x7, v6;
	v8 =	vld.idx.msk [tilespmem:v8+s9+$0x0], $0xffff  }
0x55a: {  	v19 =	vor.u32 $0x8, v6;
	v9 =	vld.idx.msk [tilespmem:v9+s9+$0x0], $0xffff;
	v16 =	vxor.u32 $0x80000000, v16;
	vm4 =	veq.s32 v17, v0  }
0x55b: {  	v20 =	vor.u32 $0x9, v6;
	v17 =	vxor.u32 $0x80000000, v17;
	v11 =	vld.idx.msk [tilespmem:v11+s9+$0x0], $0xffff;
	v12 =	vnsel vm4, $0x0, v12;
	(xrf0) =	vmax.scan.msk.u32 $0xffff, v16  }
0x55c: {  	v16 =	vor.u32 $0xA, v6;
	v5 =	vnsel vm4, $0x0, v5;
	v14 =	vld.idx.msk [tilespmem:v14+s9+$0x0], $0xffff;
	(xrf0) =	vadd.scan.msk.s32 $0xffff, v12  }
0x55d: {  	v10 =	vsel vm1, $0x0, v10;
	v12 =	vld.idx.msk [tilespmem:v15+s9+$0x0], $0xffff;
	v15 =	vor.u32 $0xB, v6;
	(xrf0) =	vadd.scan.msk.s32 $0xffff, v5  }
0x55e: {  	v5 =	vadd.s32 v13, v7;
	v13 =	vor.u32 $0xC, v6;
	v7 =	vld.idx.msk [tilespmem:v18+s9+$0x0], $0xffff;
	(xrf0) =	vadd.scan.msk.s32 $0xffff, v10  }
0x55f: {  	v5 =	vadd.s32 v8, v5;
	v10 =	vor.u32 $0xD, v6;
	v8 =	vld.idx.msk [tilespmem:v19+s9+$0x0], $0xffff;
	(xrf0) =	vmax.scan.msk.u32 $0xffff, v17  }
0x560: {  	v5 =	vadd.s32 v9, v5;
	v17 =	vor.u32 $0xE, v6;
	v9 =	vld.idx.msk [tilespmem:v20+s9+$0x0], $0xffff  }
0x561: {  	v6 =	vor.u32 $0xF, v6;
	v5 =	vadd.s32 v11, v5;
	v11 =	vld.idx.msk [tilespmem:v16+s9+$0x0], $0xffff;
	v16, _, _ =	vpop (xrf0)  }
0x562: {  	v5 =	vadd.s32 v14, v5;
	v14 =	vld.idx.msk [tilespmem:v15+s9+$0x0], $0xffff;
	(v2sf) =	vpush v16, $0xF;
	v15, _, _ =	vpop (xrf0)  }
0x563: {  	v5 =	vadd.s32 v12, v5;
	v12 =	vld.idx.msk [tilespmem:v13+s9+$0x0], $0xffff;
	(v2sf) =	vpush v15, $0xF;
	v13, _, _ =	vpop (xrf0)  }
0x564: {  	v5 =	vadd.s32 v7, v5;
	v7 =	vld.idx.msk [tilespmem:v10+s9+$0x0], $0xffff;
	(v2sf) =	vpush v13, $0xF;
	v10, _, _ =	vpop (xrf0)  }
0x565: {  	v5 =	vadd.s32 v8, v5;
	v8 =	vld.idx.msk [tilespmem:v17+s9+$0x0], $0xffff;
	v13, _, _ =	vpop (xrf0);
	(v2sf) =	vpush v10, $0xF  }
0x566: {  	v5 =	vadd.s32 v9, v5;
	v6 =	vld.idx.msk [tilespmem:v6+s9+$0x0], $0xffff;
	(v2sf) =	vpush v13, $0xF  }
0x567: {  	v5 =	vadd.s32 v11, v5  }
0x568: {  	v5 =	vadd.s32 v14, v5  }
.Ltmp34:
0x569: {  	v5 =	vadd.s32 v12, v5;
	(pc) =	sbr.rel @p2 .LBB2_54-.Ltmp34, $4  }
0x56a: {  	v5 =	vadd.s32 v7, v5  }
0x56b: {  	v5 =	vadd.s32 v8, v5  }
0x56c: {  	v5 =	vadd.s32 v6, v5  }
0x56d: {  	v5 =	vperm.xlane v5, v3  }
0x56e: {  	_ = 	snop  }
0x56f: {  	(xrf0) =	vadd.scan.msk.s32 $0xffff, v5;
	_ =	sdelay $0x1  }
0x570: {  	s19 =	spop (v2sf)  }
0x571: {  	p2 =	por !p1, !p1;
	p3 =	sgt.u32 s19, $0x80000000;
	s24 =	spop (v2sf)  }
0x572: {  	p2 =	por !p3, !p2;
	s22 =	spop (v2sf)  }
0x573: {  	p2 =	por !p2, !p2;
	s19 =	ssub.s32 s22, s24;
	s25 =	spop (v2sf)  }
0x574: {  	v6, _, _ =	vpop (xrf0);
	s19 =	simm.s32 @!p2 $0x0;
	s21 =	sadd.s32 s21, s25  }
0x575: {  	v7 =	vadd.s32 s21, v6;
	s15 =	sadd.s32 s15, s19  }
0x576: {  	vm4 =	vge.s32 v7, s15  }
0x577: {  	v8 =	vmpcnt.ones.xlane vm4;
	v9 =	vmctz.xlane vm4;
	_ =	sdelay $0x1  }
0x578: {  	v8 =	vxor.u32 $0x80000000, v8;
	vm4 =	veq.s32 v9, v0  }
0x579: {  	v7 =	vnsel vm4, $0x0, v7;
	(xrf0) =	vmax.scan.msk.u32 $0xffff, v8  }
0x57a: {  	v5 =	vnsel vm4, $0x0, v5;
	(xrf0) =	vadd.scan.msk.s32 $0xffff, v7  }
0x57b: {  	v6 =	vsel vm1, $0x0, v6;
	(xrf0) =	vadd.scan.msk.s32 $0xffff, v5  }
0x57c: {  	v5 =	vxor.u32 $0x80000000, v9;
	(xrf0) =	vadd.scan.msk.s32 $0xffff, v6  }
0x57d: {  	(xrf0) =	vmax.scan.msk.u32 $0xffff, v5;
	_ =	sdelay $0x1  }
0x57e: {  	v5, _, _ =	vpop (xrf0)  }
0x57f: {  	(v2sf) =	vpush v5, $0xF;
	v5, _, _ =	vpop (xrf0)  }
0x580: {  	(v2sf) =	vpush v5, $0xF;
	v5, _, _ =	vpop (xrf0)  }
0x581: {  	(v2sf) =	vpush v5, $0xF;
	v5, _, _ =	vpop (xrf0)  }
0x582: {  	v6, _, _ =	vpop (xrf0);
	(v2sf) =	vpush v5, $0xF  }
0x583: {  	(v2sf) =	vpush v6, $0xF;
	_ =	sdelay $0x9  }
0x584: {  	s26 =	spop (v2sf)  }
0x585: {  	s28 =	spop (v2sf)  }
0x586: {  	s29 =	spop (v2sf)  }
0x587: {  	p5 =	por p1, p3;
	s19 =	sxor.u32 $0x7FFFFFFF, s26;
	s23 =	spop (v2sf)  }
0x588: {  	p1 =	por !p5, !p5;
	s19 =	sadd.s32 s19, s20;
	s30 =	spop (v2sf)  }
.Ltmp35:
0x589: {  	p6 =	sgt.u32 s28, $0x80000000;
	s20 =	spop (v2sf);
	(pc) =	sbr.rel @p0 .LBB2_56-.Ltmp35, $4  }
0x58a: {  	s18 =	smov.u32 @p2 s19;
	p1 =	por !p6, !p1;
	s31 =	sxor.u32 $0x7FFFFFFF, s20  }
0x58b: {  	p1 =	por !p1, !p1;
	s20 =	ssub.s32 s23, s29;
	s16 =	sadd.s32 s31, s16  }
0x58c: {  	s20 =	simm.s32 @!p1 $0x0;
	s18 =	smov.u32 @p1 s16  }
0x58d: {  	s16 =	sadd.s32 s15, s20;
	s14 =	sor.u32 s14, s18  }
0x58e: {  	s18 =	simm.s32 $0x3120  }
0x58f: {  	v6 =	vld [tilespmem:s18+$0xFFFFFFE0];
	_ =	sdelay $0x1  }
0x590: {  	p1 =	sne.s32 s17, $0x1  }
.Ltmp36:
0x591: {  	_ = 	snop;
	(pc) =	sbr.rel @!p1 .LBB2_58-.Ltmp36, $4  }
0x592: {  	v5 =	vmov s14  }
0x593: {  	vm4 =	veq.s32 v6, v5  }
0x594: {  	s19 =	simm.s32 $0x0;
	v7 =	vsel vm4, $0x1, v1  }
0x595: {  	s15 =	simm.s32 $0x41A0;
	s17 =	sadd.s32 $0xFFFFFFFF, s17;
	p0 =	por $0x0, $0x0;
	(xrf0) =	vadd.scan.msk.s32 $0xffff, v7  }
0x596: {  	_ =	sdelay $0x1  }
0x597: {  	v7 =	vmov s19  }
0x598: {  	v7 =	vadd.s32 $0xFFFFFFFF, v7  }
0x599: {  	v7 =	vbroadcast v7, $0x0  }
0x59a: {  	v8, _, _ =	vpop (xrf0)  }
0x59b: {  	v7 =	vadd.s32 v8, v7;
	v8 =	vsel vm1, $0x0, v8  }
0x59c: {  	v9 =	vld [tilespmem:s15+$0xFFFFFFE0];
	(xrf0) =	vadd.scan.msk.s32 $0xffff, v8;
	_ =	sdelay $0x3  }
0x59d: {  	[tilespmem:v7+s10+$0x0] =	vst.idx.msk vm4, v6  }
0x59e: {  	[tilespmem:v7+s11+$0x0] =	vst.idx.msk vm4, v9  }
0x59f: {  	v6 =	vld [tilespmem:s18+$0xFFFFFFF0];
	v7, _, _ =	vpop (xrf0)  }
0x5a0: {  	(v2sf) =	vpush v7, $0xF;
	_ =	sdelay $0x3  }
0x5a1: {  	vm4 =	veq.s32 v6, v5  }
0x5a2: {  	v7 =	vsel vm4, $0x1, v1  }
0x5a3: {  	(xrf0) =	vadd.scan.msk.s32 $0xffff, v7;
	_ =	sdelay $0x5  }
0x5a4: {  	v7, _, _ =	vpop (xrf0)  }
0x5a5: {  	v8 =	vsel vm1, $0x0, v7  }
0x5a6: {  	(xrf0) =	vadd.scan.msk.s32 $0xffff, v8  }
0x5a7: {  	s20 =	spop (v2sf)  }
0x5a8: {  	s20 =	sadd.s32 $0x0, s20  }
0x5a9: {  	v8 =	vmov s20  }
0x5aa: {  	v8 =	vadd.s32 $0xFFFFFFFF, v8  }
0x5ab: {  	v8 =	vbroadcast v8, $0x0  }
0x5ac: {  	v61, _, _ =	vpop (xrf0)  }
0x5ad: {  	v7 =	vadd.s32 v7, v8;
	(v2sf) =	vpush v61, $0xF  }
0x5ae: {  	v8 =	vld [tilespmem:s15+$0xFFFFFFF0];
	_ =	sdelay $0x3  }
0x5af: {  	[tilespmem:v7+s10+$0x0] =	vst.idx.msk vm4, v6  }
0x5b0: {  	[tilespmem:v7+s11+$0x0] =	vst.idx.msk vm4, v8  }
0x5b1: {  	v6 =	vld [tilespmem:s18+$0x0];
	_ =	sdelay $0x4  }
0x5b2: {  	vm4 =	veq.s32 v6, v5  }
0x5b3: {  	v7 =	vsel vm4, $0x1, v1  }
0x5b4: {  	(xrf0) =	vadd.scan.msk.s32 $0xffff, v7  }
0x5b5: {  	s21 =	spop (v2sf)  }
0x5b6: {  	s20 =	sadd.s32 s20, s21  }
0x5b7: {  	v7 =	vmov s20  }
0x5b8: {  	v7 =	vadd.s32 $0xFFFFFFFF, v7  }
0x5b9: {  	v7 =	vbroadcast v7, $0x0  }
0x5ba: {  	v8, _, _ =	vpop (xrf0)  }
0x5bb: {  	v7 =	vadd.s32 v8, v7;
	v8 =	vsel vm1, $0x0, v8  }
0x5bc: {  	v62 =	vld [tilespmem:s15+$0x0];
	(xrf0) =	vadd.scan.msk.s32 $0xffff, v8;
	_ =	sdelay $0x3  }
0x5bd: {  	[tilespmem:v7+s10+$0x0] =	vst.idx.msk vm4, v6  }
0x5be: {  	[tilespmem:v7+s11+$0x0] =	vst.idx.msk vm4, v62  }
0x5bf: {  	v6 =	vld [tilespmem:s18+$0x10];
	v7, _, _ =	vpop (xrf0)  }
0x5c0: {  	(v2sf) =	vpush v7, $0xF;
	_ =	sdelay $0x3  }
0x5c1: {  	vm4 =	veq.s32 v6, v5  }
0x5c2: {  	v7 =	vsel vm4, $0x1, v1  }
0x5c3: {  	(xrf0) =	vadd.scan.msk.s32 $0xffff, v7;
	_ =	sdelay $0x5  }
0x5c4: {  	v7, _, _ =	vpop (xrf0)  }
0x5c5: {  	v8 =	vsel vm1, $0x0, v7  }
0x5c6: {  	(xrf0) =	vadd.scan.msk.s32 $0xffff, v8  }
0x5c7: {  	s31 =	spop (v2sf)  }
0x5c8: {  	s21 =	sadd.s32 s20, s31  }
0x5c9: {  	v8 =	vmov s21  }
0x5ca: {  	v8 =	vadd.s32 $0xFFFFFFFF, v8  }
0x5cb: {  	v8 =	vbroadcast v8, $0x0  }
0x5cc: {  	v63, _, _ =	vpop (xrf0)  }
0x5cd: {  	(v2sf) =	vpush v63, $0xF;
	v7 =	vadd.s32 v7, v8  }
0x5ce: {  	v8 =	vld [tilespmem:s15+$0x10];
	_ =	sdelay $0x3  }
0x5cf: {  	[tilespmem:v7+s10+$0x0] =	vst.idx.msk vm4, v6  }
0x5d0: {  	s18 =	simm.s32 $0x3160;
	[tilespmem:v7+s11+$0x0] =	vst.idx.msk vm4, v8  }
0x5d1: {  	v6 =	vld [tilespmem:s18+$0xFFFFFFE0];
	_ =	sdelay $0x2  }
0x5d2: {  	p1 =	sne.s32 s17, $0x1  }
.Ltmp37:
0x5d3: {  	_ = 	snop;
	(pc) =	sbr.rel @!p1 .LBB2_60-.Ltmp37, $4  }
0x5d4: {  	vm4 =	veq.s32 v6, v5  }
0x5d5: {  	v7 =	vsel vm4, $0x1, v1  }
0x5d6: {  	p0 =	por $0x1, $0x1;
	(xrf0) =	vadd.scan.msk.s32 $0xffff, v7  }
0x5d7: {  	s20 =	sadd.s32 $0xFFFFFFFF, s17;
	s17 =	simm.s32 $0x41A0;
	s22 =	spop (v2sf)  }
.LBB2_61:
0x5d8: {  	p1 =	sne.s32 s20, $0x1;
	s21 =	sadd.s32 s21, s22;
	s17 =	sadd.s32 $0x40, s17  }
0x5d9: {  	s20 =	sadd.s32 $0xFFFFFFFF, s20;
	v7 =	vmov s21  }
0x5da: {  	v7 =	vadd.s32 $0xFFFFFFFF, v7  }
0x5db: {  	v7 =	vbroadcast v7, $0x0  }
0x5dc: {  	v8, _, _ =	vpop (xrf0)  }
0x5dd: {  	v7 =	vadd.s32 v8, v7;
	v8 =	vsel vm1, $0x0, v8  }
0x5de: {  	v9 =	vld [tilespmem:s17+$0xFFFFFFE0];
	(xrf0) =	vadd.scan.msk.s32 $0xffff, v8;
	_ =	sdelay $0x3  }
0x5df: {  	[tilespmem:v7+s10+$0x0] =	vst.idx.msk vm4, v6  }
0x5e0: {  	[tilespmem:v7+s11+$0x0] =	vst.idx.msk vm4, v9  }
0x5e1: {  	v6 =	vld [tilespmem:s18+$0xFFFFFFF0];
	v7, _, _ =	vpop (xrf0)  }
0x5e2: {  	(v2sf) =	vpush v7, $0xF;
	_ =	sdelay $0x3  }
0x5e3: {  	vm4 =	veq.s32 v6, v5  }
0x5e4: {  	v7 =	vsel vm4, $0x1, v1  }
0x5e5: {  	(xrf0) =	vadd.scan.msk.s32 $0xffff, v7;
	_ =	sdelay $0x5  }
0x5e6: {  	v7, _, _ =	vpop (xrf0)  }
0x5e7: {  	v8 =	vsel vm1, $0x0, v7  }
0x5e8: {  	(xrf0) =	vadd.scan.msk.s32 $0xffff, v8  }
0x5e9: {  	s22 =	spop (v2sf)  }
0x5ea: {  	s21 =	sadd.s32 s21, s22  }
0x5eb: {  	v8 =	vmov s21  }
0x5ec: {  	v8 =	vadd.s32 $0xFFFFFFFF, v8  }
0x5ed: {  	v8 =	vbroadcast v8, $0x0  }
0x5ee: {  	v9, _, _ =	vpop (xrf0)  }
0x5ef: {  	v7 =	vadd.s32 v7, v8;
	(v2sf) =	vpush v9, $0xF  }
0x5f0: {  	v8 =	vld [tilespmem:s17+$0xFFFFFFF0];
	_ =	sdelay $0x3  }
0x5f1: {  	[tilespmem:v7+s10+$0x0] =	vst.idx.msk vm4, v6  }
0x5f2: {  	[tilespmem:v7+s11+$0x0] =	vst.idx.msk vm4, v8  }
0x5f3: {  	v6 =	vld [tilespmem:s18+$0x0];
	_ =	sdelay $0x4  }
0x5f4: {  	vm4 =	veq.s32 v6, v5  }
0x5f5: {  	v7 =	vsel vm4, $0x1, v1  }
0x5f6: {  	(xrf0) =	vadd.scan.msk.s32 $0xffff, v7  }
0x5f7: {  	s22 =	spop (v2sf)  }
0x5f8: {  	s21 =	sadd.s32 s21, s22  }
0x5f9: {  	v7 =	vmov s21  }
0x5fa: {  	v7 =	vadd.s32 $0xFFFFFFFF, v7  }
0x5fb: {  	v7 =	vbroadcast v7, $0x0  }
0x5fc: {  	v8, _, _ =	vpop (xrf0)  }
0x5fd: {  	v7 =	vadd.s32 v8, v7;
	v8 =	vsel vm1, $0x0, v8  }
0x5fe: {  	v9 =	vld [tilespmem:s17+$0x0];
	(xrf0) =	vadd.scan.msk.s32 $0xffff, v8;
	_ =	sdelay $0x3  }
0x5ff: {  	[tilespmem:v7+s10+$0x0] =	vst.idx.msk vm4, v6  }
0x600: {  	[tilespmem:v7+s11+$0x0] =	vst.idx.msk vm4, v9  }
0x601: {  	v6 =	vld [tilespmem:s18+$0x10];
	v7, _, _ =	vpop (xrf0)  }
0x602: {  	v8 =	vld [tilespmem:s17+$0x10];
	(v2sf) =	vpush v7, $0xF;
	_ =	sdelay $0x3  }
0x603: {  	vm4 =	veq.s32 v6, v5  }
0x604: {  	v7 =	vsel vm4, $0x1, v1  }
0x605: {  	(xrf0) =	vadd.scan.msk.s32 $0xffff, v7;
	_ =	sdelay $0x5  }
0x606: {  	v7, _, _ =	vpop (xrf0)  }
0x607: {  	v9 =	vsel vm1, $0x0, v7  }
0x608: {  	(xrf0) =	vadd.scan.msk.s32 $0xffff, v9  }
0x609: {  	s22 =	spop (v2sf)  }
0x60a: {  	s21 =	sadd.s32 s21, s22  }
0x60b: {  	v9 =	vmov s21  }
0x60c: {  	v9 =	vadd.s32 $0xFFFFFFFF, v9  }
0x60d: {  	v9 =	vbroadcast v9, $0x0  }
0x60e: {  	v10, _, _ =	vpop (xrf0)  }
0x60f: {  	v7 =	vadd.s32 v7, v9;
	(v2sf) =	vpush v10, $0xF;
	_ =	sdelay $0x4  }
0x610: {  	[tilespmem:v7+s10+$0x0] =	vst.idx.msk vm4, v6  }
0x611: {  	s18 =	sadd.s32 $0x40, s18;
	[tilespmem:v7+s11+$0x0] =	vst.idx.msk vm4, v8  }
0x612: {  	v6 =	vld [tilespmem:s18+$0xFFFFFFE0];
	_ =	sdelay $0x3  }
.Ltmp38:
0x613: {  	(pc) =	sbr.rel @p1 .LBB2_61-.Ltmp38, $4  }
0x614: {  	vm4 =	veq.s32 v6, v5  }
0x615: {  	v7 =	vsel vm4, $0x1, v1  }
0x616: {  	(xrf0) =	vadd.scan.msk.s32 $0xffff, v7  }
0x617: {  	s22 =	spop (v2sf)  }
.LBB2_62:
0x618: {  	s20 =	sadd.s32 @p0 s21, s22  }
0x619: {  	s19 =	smov.u32 @p0 s20  }
0x61a: {  	v7 =	vmov s19  }
0x61b: {  	v7 =	vadd.s32 $0xFFFFFFFF, v7  }
0x61c: {  	v7 =	vbroadcast v7, $0x0  }
0x61d: {  	s17 =	sadd.s32 @p0 $0x40, s17;
	v8, _, _ =	vpop (xrf0)  }
0x61e: {  	s15 =	smov.u32 @p0 s17;
	v7 =	vadd.s32 v8, v7;
	v8 =	vsel vm1, $0x0, v8  }
0x61f: {  	v9 =	vld [tilespmem:s15+$0xFFFFFFE0];
	(xrf0) =	vadd.scan.msk.s32 $0xffff, v8;
	_ =	sdelay $0x3  }
0x620: {  	[tilespmem:v7+s10+$0x0] =	vst.idx.msk vm4, v6  }
0x621: {  	[tilespmem:v7+s11+$0x0] =	vst.idx.msk vm4, v9  }
0x622: {  	v6 =	vld [tilespmem:s18+$0xFFFFFFF0];
	v7, _, _ =	vpop (xrf0)  }
0x623: {  	(v2sf) =	vpush v7, $0xF;
	_ =	sdelay $0x3  }
0x624: {  	vm4 =	veq.s32 v6, v5  }
0x625: {  	v7 =	vsel vm4, $0x1, v1  }
0x626: {  	(xrf0) =	vadd.scan.msk.s32 $0xffff, v7;
	_ =	sdelay $0x5  }
0x627: {  	v7, _, _ =	vpop (xrf0)  }
0x628: {  	v58 =	vsel vm1, $0x0, v7  }
0x629: {  	(xrf0) =	vadd.scan.msk.s32 $0xffff, v58  }
0x62a: {  	s28 =	spop (v2sf)  }
0x62b: {  	s17 =	sadd.s32 s19, s28  }
0x62c: {  	v59 =	vmov s17  }
0x62d: {  	v8 =	vadd.s32 $0xFFFFFFFF, v59  }
0x62e: {  	v8 =	vbroadcast v8, $0x0  }
0x62f: {  	v60, _, _ =	vpop (xrf0)  }
0x630: {  	v7 =	vadd.s32 v7, v8;
	(v2sf) =	vpush v60, $0xF  }
0x631: {  	v61 =	vld [tilespmem:s15+$0xFFFFFFF0];
	_ =	sdelay $0x3  }
0x632: {  	[tilespmem:v7+s10+$0x0] =	vst.idx.msk vm4, v6  }
0x633: {  	[tilespmem:v7+s11+$0x0] =	vst.idx.msk vm4, v61  }
0x634: {  	v6 =	vld [tilespmem:s18+$0x0];
	_ =	sdelay $0x4  }
0x635: {  	vm4 =	veq.s32 v6, v5  }
0x636: {  	v7 =	vsel vm4, $0x1, v1  }
0x637: {  	(xrf0) =	vadd.scan.msk.s32 $0xffff, v7  }
0x638: {  	s29 =	spop (v2sf)  }
0x639: {  	s17 =	sadd.s32 s17, s29  }
0x63a: {  	v7 =	vmov s17  }
0x63b: {  	v7 =	vadd.s32 $0xFFFFFFFF, v7  }
0x63c: {  	v7 =	vbroadcast v7, $0x0  }
0x63d: {  	v62, _, _ =	vpop (xrf0)  }
0x63e: {  	v7 =	vadd.s32 v62, v7  }
0x63f: {  	v63 =	vld [tilespmem:s15+$0x0];
	_ =	sdelay $0x3  }
0x640: {  	[tilespmem:v7+s10+$0x0] =	vst.idx.msk vm4, v6  }
0x641: {  	[tilespmem:v7+s11+$0x0] =	vst.idx.msk vm4, v63  }
0x642: {  	v6 =	vld [tilespmem:s18+$0x10];
	_ =	sdelay $0x2  }
0x643: {  	v7 =	vsel vm1, $0x0, v62  }
0x644: {  	(xrf0) =	vadd.scan.msk.s32 $0xffff, v7  }
0x645: {  	vm4 =	veq.s32 v6, v5  }
0x646: {  	v5 =	vsel vm4, $0x1, v1  }
0x647: {  	(xrf0) =	vadd.scan.msk.s32 $0xffff, v5;
	_ =	sdelay $0x2  }
0x648: {  	v5, _, _ =	vpop (xrf0)  }
0x649: {  	(v2sf) =	vpush v5, $0xF;
	_ =	sdelay $0x1  }
0x64a: {  	v5, _, _ =	vpop (xrf0)  }
0x64b: {  	v7 =	vsel vm1, $0x0, v5  }
0x64c: {  	(xrf0) =	vadd.scan.msk.s32 $0xffff, v7;
	_ =	sdelay $0x5  }
0x64d: {  	v7, _, _ =	vpop (xrf0)  }
0x64e: {  	(v2sf) =	vpush v7, $0xF;
	_ =	sdelay $0x3  }
0x64f: {  	s30 =	spop (v2sf)  }
0x650: {  	s17 =	sadd.s32 s17, s30  }
0x651: {  	v7 =	vmov s17  }
0x652: {  	v7 =	vadd.s32 $0xFFFFFFFF, v7  }
0x653: {  	v7 =	vbroadcast v7, $0x0;
	_ =	sdelay $0x1  }
0x654: {  	v5 =	vadd.s32 v5, v7  }
0x655: {  	v7 =	vld [tilespmem:s15+$0x10]  }
.Ltmp39:
0x656: {  	_ = 	snop;
	(pc) =	sbr.rel .LBB2_63-.Ltmp39, $3  }
0x657: {  	_ =	sdelay $0x1  }
0x658: {  	[tilespmem:v5+s10+$0x0] =	vst.idx.msk vm4, v6;
	s31 =	spop (v2sf)  }
0x659: {  	[tilespmem:v5+s11+$0x0] =	vst.idx.msk vm4, v7;
	s15 =	sadd.s32 s17, s31  }
.LBB2_56:
0x65a: {  	s15 =	simm.s32 $0x0  }
.LBB2_63:
0x65b: {  	p0 =	seq.s32 s15, s16  }
.Ltmp40:
0x65c: {  	_ = 	snop;
	(pc) =	sbr.rel @p0 .LBB2_73-.Ltmp40, $4  }
0x65d: {  	[tilespmem:s15+$0x3100] =	vst v1  }
0x65e: {  	[tilespmem:s15+$0x3110] =	vst v1  }
0x65f: {  	[tilespmem:s15+$0x3120] =	vst v1  }
0x660: {  	[tilespmem:s15+$0x3130] =	vst v1;
	s17 =	simm.s32 $0xFFF  }
0x661: {  	[tilespmem:$0x2100] =	vst v1  }
0x662: {  	[tilespmem:$0x2110] =	vst v1  }
0x663: {  	[tilespmem:$0x2120] =	vst v1  }
0x664: {  	[tilespmem:$0x2130] =	vst v1  }
0x665: {  	[tilespmem:$0x2140] =	vst v1  }
0x666: {  	[tilespmem:$0x2150] =	vst v1  }
0x667: {  	[tilespmem:$0x2160] =	vst v1  }
0x668: {  	[tilespmem:$0x2170] =	vst v1  }
0x669: {  	[tilespmem:$0x2180] =	vst v1  }
0x66a: {  	[tilespmem:$0x2190] =	vst v1  }
0x66b: {  	[tilespmem:$0x21A0] =	vst v1  }
0x66c: {  	[tilespmem:$0x21B0] =	vst v1  }
0x66d: {  	[tilespmem:$0x21C0] =	vst v1  }
0x66e: {  	[tilespmem:$0x21D0] =	vst v1  }
0x66f: {  	[tilespmem:$0x21E0] =	vst v1  }
0x670: {  	[tilespmem:$0x21F0] =	vst v1  }
0x671: {  	[tilespmem:$0x2200] =	vst v1  }
0x672: {  	[tilespmem:$0x2210] =	vst v1  }
0x673: {  	[tilespmem:$0x2220] =	vst v1  }
0x674: {  	[tilespmem:$0x2230] =	vst v1  }
0x675: {  	[tilespmem:$0x2240] =	vst v1  }
0x676: {  	[tilespmem:$0x2250] =	vst v1  }
0x677: {  	[tilespmem:$0x2260] =	vst v1  }
0x678: {  	[tilespmem:$0x2270] =	vst v1  }
0x679: {  	[tilespmem:$0x2280] =	vst v1  }
0x67a: {  	[tilespmem:$0x2290] =	vst v1  }
0x67b: {  	[tilespmem:$0x22A0] =	vst v1  }
0x67c: {  	[tilespmem:$0x22B0] =	vst v1  }
0x67d: {  	[tilespmem:$0x22C0] =	vst v1  }
0x67e: {  	[tilespmem:$0x22D0] =	vst v1  }
0x67f: {  	[tilespmem:$0x22E0] =	vst v1  }
0x680: {  	[tilespmem:$0x22F0] =	vst v1  }
0x681: {  	[tilespmem:$0x2300] =	vst v1  }
0x682: {  	[tilespmem:$0x2310] =	vst v1  }
0x683: {  	[tilespmem:$0x2320] =	vst v1  }
0x684: {  	[tilespmem:$0x2330] =	vst v1  }
0x685: {  	[tilespmem:$0x2340] =	vst v1  }
0x686: {  	[tilespmem:$0x2350] =	vst v1  }
0x687: {  	[tilespmem:$0x2360] =	vst v1  }
0x688: {  	[tilespmem:$0x2370] =	vst v1  }
0x689: {  	[tilespmem:$0x2380] =	vst v1  }
0x68a: {  	[tilespmem:$0x2390] =	vst v1  }
0x68b: {  	[tilespmem:$0x23A0] =	vst v1  }
0x68c: {  	[tilespmem:$0x23B0] =	vst v1  }
0x68d: {  	[tilespmem:$0x23C0] =	vst v1  }
0x68e: {  	[tilespmem:$0x23D0] =	vst v1  }
0x68f: {  	[tilespmem:$0x23E0] =	vst v1  }
0x690: {  	[tilespmem:$0x23F0] =	vst v1  }
0x691: {  	[tilespmem:$0x2400] =	vst v1  }
0x692: {  	[tilespmem:$0x2410] =	vst v1  }
0x693: {  	[tilespmem:$0x2420] =	vst v1  }
0x694: {  	[tilespmem:$0x2430] =	vst v1  }
0x695: {  	[tilespmem:$0x2440] =	vst v1  }
0x696: {  	[tilespmem:$0x2450] =	vst v1  }
0x697: {  	[tilespmem:$0x2460] =	vst v1  }
0x698: {  	[tilespmem:$0x2470] =	vst v1  }
0x699: {  	[tilespmem:$0x2480] =	vst v1;
	s15 =	sadd.s32 $0x3F, s15  }
0x69a: {  	[tilespmem:$0x2490] =	vst v1;
	s17 =	sshrl.u32 s15, $0x6  }
0x69b: {  	[tilespmem:$0x24A0] =	vst v1;
	p0 =	sne.s32 s17, $0x0  }
.Ltmp41:
0x69c: {  	[tilespmem:$0x24B0] =	vst v1;
	(pc) =	sbr.rel @!p0 .LBB2_65-.Ltmp41, $4  }
0x69d: {  	[tilespmem:$0x24C0] =	vst v1  }
0x69e: {  	[tilespmem:$0x24D0] =	vst v1  }
0x69f: {  	[tilespmem:$0x24E0] =	vst v1  }
0x6a0: {  	[tilespmem:$0x24F0] =	vst v1  }
0x6a1: {  	v5 =	vmov s14;
	s15 =	simm.s32 $0x41A0;
	s18 =	simm.s32 $0x3120;
	s19 =	smov.u32 s17  }
.LBB2_77:
0x6a2: {  	v6 =	vld [tilespmem:s18+$0xFFFFFFE0]  }
0x6a3: {  	v7 =	vld [tilespmem:s15+$0xFFFFFFE0];
	_ =	sdelay $0x4  }
0x6a4: {  	vm4 =	veq.s32 v6, v5;
	vm5 =	vlt.u32 v7, $0x1000;
	v6 =	vshrl.u32 v7, $0x2  }
0x6a5: {  	vm4 =	vmand vm4, vm5;
	v6 =	vand.u32 $0x3F0, v6  }
0x6a6: {  	v6 =	vor.u32 v0, v6;
	_ =	sdelay $0x4  }
0x6a7: {  	[tilespmem:v6+s9+$0x0] =	vst.idx.add.s32.msk vm4, v4  }
0x6a8: {  	v6 =	vld [tilespmem:s18+$0xFFFFFFF0]  }
0x6a9: {  	v7 =	vld [tilespmem:s15+$0xFFFFFFF0];
	_ =	sdelay $0x4  }
0x6aa: {  	vm4 =	veq.s32 v6, v5;
	vm5 =	vlt.u32 v7, $0x1000;
	v6 =	vshrl.u32 v7, $0x2  }
0x6ab: {  	vm4 =	vmand vm4, vm5;
	v6 =	vand.u32 $0x3F0, v6  }
0x6ac: {  	v6 =	vor.u32 v0, v6;
	_ =	sdelay $0x4  }
0x6ad: {  	[tilespmem:v6+s9+$0x0] =	vst.idx.add.s32.msk vm4, v4  }
0x6ae: {  	v6 =	vld [tilespmem:s18+$0x0]  }
0x6af: {  	v7 =	vld [tilespmem:s15+$0x0];
	_ =	sdelay $0x4  }
0x6b0: {  	vm4 =	veq.s32 v6, v5;
	vm5 =	vlt.u32 v7, $0x1000;
	v6 =	vshrl.u32 v7, $0x2  }
0x6b1: {  	vm4 =	vmand vm4, vm5;
	v6 =	vand.u32 $0x3F0, v6  }
0x6b2: {  	v6 =	vor.u32 v0, v6;
	_ =	sdelay $0x4  }
0x6b3: {  	[tilespmem:v6+s9+$0x0] =	vst.idx.add.s32.msk vm4, v4  }
0x6b4: {  	v6 =	vld [tilespmem:s18+$0x10]  }
0x6b5: {  	v7 =	vld [tilespmem:s15+$0x10];
	_ =	sdelay $0x4  }
0x6b6: {  	vm4 =	veq.s32 v6, v5;
	vm5 =	vlt.u32 v7, $0x1000;
	v6 =	vshrl.u32 v7, $0x2  }
0x6b7: {  	vm4 =	vmand vm4, vm5;
	v6 =	vand.u32 $0x3F0, v6  }
0x6b8: {  	p0 =	seq.s32 s19, $0x1;
	v6 =	vor.u32 v0, v6  }
.Ltmp42:
0x6b9: {  	_ = 	snop;
	(pc) =	sbr.rel @!p0 .LBB2_77-.Ltmp42, $2  }
0x6ba: {  	_ =	sdelay $0x2  }
0x6bb: {  	s19 =	sadd.s32 $0xFFFFFFFF, s19;
	s15 =	sadd.s32 $0x40, s15;
	s18 =	sadd.s32 $0x40, s18;
	[tilespmem:v6+s9+$0x0] =	vst.idx.add.s32.msk vm4, v4  }
.LBB2_65:
0x6bc: {  	s15 =	simm.s32 $0x0  }
0x6bd: {  	v5 =	vmov s15  }
0x6be: {  	v5 =	vshll.u32 v5, $0x4  }
0x6bf: {  	v5 =	vor.u32 v2, v5  }
0x6c0: {  	v6 =	vor.u32 $0x1, v5  }
0x6c1: {  	v7 =	vor.u32 $0x2, v5  }
0x6c2: {  	v8 =	vor.u32 $0x3, v5  }
0x6c3: {  	v9 =	vor.u32 $0x4, v5  }
0x6c4: {  	v11 =	vor.u32 $0x5, v5;
	v10 =	vld.idx.msk [tilespmem:v5+s9+$0x0], $0xffff  }
0x6c5: {  	v12 =	vor.u32 $0x6, v5;
	v6 =	vld.idx.msk [tilespmem:v6+s9+$0x0], $0xffff  }
0x6c6: {  	v13 =	vor.u32 $0x7, v5;
	v7 =	vld.idx.msk [tilespmem:v7+s9+$0x0], $0xffff  }
0x6c7: {  	v14 =	vor.u32 $0x8, v5;
	v8 =	vld.idx.msk [tilespmem:v8+s9+$0x0], $0xffff  }
0x6c8: {  	v15 =	vor.u32 $0x9, v5;
	v9 =	vld.idx.msk [tilespmem:v9+s9+$0x0], $0xffff  }
0x6c9: {  	v16 =	vor.u32 $0xA, v5;
	v11 =	vld.idx.msk [tilespmem:v11+s9+$0x0], $0xffff  }
0x6ca: {  	v17 =	vor.u32 $0xB, v5;
	v12 =	vld.idx.msk [tilespmem:v12+s9+$0x0], $0xffff;
	v6 =	vadd.s32 v10, v6  }
0x6cb: {  	v57 =	vor.u32 $0xC, v5;
	v56 =	vld.idx.msk [tilespmem:v13+s9+$0x0], $0xffff;
	v6 =	vadd.s32 v7, v6  }
0x6cc: {  	v58 =	vor.u32 $0xD, v5;
	v7 =	vld.idx.msk [tilespmem:v14+s9+$0x0], $0xffff;
	v6 =	vadd.s32 v8, v6  }
0x6cd: {  	v59 =	vor.u32 $0xE, v5;
	v8 =	vld.idx.msk [tilespmem:v15+s9+$0x0], $0xffff;
	v6 =	vadd.s32 v9, v6  }
0x6ce: {  	v5 =	vor.u32 $0xF, v5;
	v60 =	vld.idx.msk [tilespmem:v16+s9+$0x0], $0xffff;
	v6 =	vadd.s32 v11, v6  }
0x6cf: {  	v61 =	vld.idx.msk [tilespmem:v17+s9+$0x0], $0xffff;
	v6 =	vadd.s32 v12, v6  }
0x6d0: {  	v62 =	vld.idx.msk [tilespmem:v57+s9+$0x0], $0xffff;
	v6 =	vadd.s32 v56, v6  }
0x6d1: {  	v63 =	vld.idx.msk [tilespmem:v58+s9+$0x0], $0xffff;
	v6 =	vadd.s32 v7, v6  }
0x6d2: {  	v7 =	vld.idx.msk [tilespmem:v59+s9+$0x0], $0xffff;
	v6 =	vadd.s32 v8, v6  }
0x6d3: {  	v5 =	vld.idx.msk [tilespmem:v5+s9+$0x0], $0xffff;
	v6 =	vadd.s32 v60, v6  }
0x6d4: {  	v6 =	vadd.s32 v61, v6  }
0x6d5: {  	v6 =	vadd.s32 v62, v6  }
0x6d6: {  	v6 =	vadd.s32 v63, v6  }
0x6d7: {  	v6 =	vadd.s32 v7, v6  }
0x6d8: {  	v5 =	vadd.s32 v5, v6  }
0x6d9: {  	(xrf0) =	vadd.scan.msk.s32 $0xffff, v5;
	_ =	sdelay $0x4  }
0x6da: {  	p0 =	por $0x0, $0x0;
	s18 =	simm.s32 $0x10  }
0x6db: {  	s21 =	simm.s32 $0x20;
	s20 =	simm.s32 $0x0;
	s19 =	simm.s32 $0x0;
	v7 =	vmov s18;
	v6, _, _ =	vpop (xrf0)  }
.LBB2_66:
0x6dc: {  	p1 =	seq.s32 s21, $0x30;
	v7 =	vshll.u32 v7, $0x4;
	v8 =	vadd.s32 s20, v6  }
0x6dd: {  	v7 =	vor.u32 v2, v7;
	vm4 =	vge.s32 v8, s16  }
0x6de: {  	v9 =	vor.u32 $0x1, v7;
	v10 =	vmpcnt.ones.xlane vm4;
	v11 =	vmctz.xlane vm4  }
0x6df: {  	v12 =	vor.u32 $0x2, v7  }
0x6e0: {  	v13 =	vor.u32 $0x3, v7;
	v10 =	vxor.u32 $0x80000000, v10;
	vm4 =	veq.s32 v11, v0  }
0x6e1: {  	v14 =	vor.u32 $0x4, v7;
	v11 =	vxor.u32 $0x80000000, v11;
	v8 =	vnsel vm4, $0x0, v8;
	(xrf0) =	vmax.scan.msk.u32 $0xffff, v10  }
0x6e2: {  	v15 =	vor.u32 $0x5, v7;
	v5 =	vnsel vm4, $0x0, v5;
	v10 =	vld.idx.msk [tilespmem:v7+s9+$0x0], $0xffff;
	(xrf0) =	vadd.scan.msk.s32 $0xffff, v8  }
0x6e3: {  	v8 =	vld.idx.msk [tilespmem:v9+s9+$0x0], $0xffff;
	v9 =	vor.u32 $0x6, v7;
	(xrf0) =	vadd.scan.msk.s32 $0xffff, v5  }
0x6e4: {  	v5 =	vld.idx.msk [tilespmem:v12+s9+$0x0], $0xffff;
	v12 =	vor.u32 $0x7, v7;
	(xrf0) =	vmax.scan.msk.u32 $0xffff, v11  }
0x6e5: {  	v11 =	vld.idx.msk [tilespmem:v13+s9+$0x0], $0xffff;
	v13 =	vor.u32 $0x8, v7  }
0x6e6: {  	v6 =	vsel vm1, $0x0, v6;
	v16 =	vor.u32 $0x9, v7;
	v14 =	vld.idx.msk [tilespmem:v14+s9+$0x0], $0xffff  }
0x6e7: {  	v17 =	vor.u32 $0xA, v7;
	v15 =	vld.idx.msk [tilespmem:v15+s9+$0x0], $0xffff;
	v18, _, _ =	vpop (xrf0);
	(xrf0) =	vadd.scan.msk.s32 $0xffff, v6  }
0x6e8: {  	v6 =	vld.idx.msk [tilespmem:v9+s9+$0x0], $0xffff;
	v9 =	vor.u32 $0xB, v7;
	(v2sf) =	vpush v18, $0xF;
	v18, _, _ =	vpop (xrf0)  }
0x6e9: {  	v8 =	vadd.s32 v10, v8;
	v10 =	vld.idx.msk [tilespmem:v12+s9+$0x0], $0xffff;
	v12 =	vor.u32 $0xC, v7;
	(v2sf) =	vpush v18, $0xF;
	v18, _, _ =	vpop (xrf0)  }
0x6ea: {  	v5 =	vadd.s32 v5, v8;
	v8 =	vld.idx.msk [tilespmem:v13+s9+$0x0], $0xffff;
	v13 =	vor.u32 $0xD, v7;
	v19, _, _ =	vpop (xrf0);
	(v2sf) =	vpush v18, $0xF  }
0x6eb: {  	v5 =	vadd.s32 v11, v5;
	v11 =	vld.idx.msk [tilespmem:v16+s9+$0x0], $0xffff;
	v16 =	vor.u32 $0xE, v7;
	(v2sf) =	vpush v19, $0xF  }
0x6ec: {  	v5 =	vadd.s32 v14, v5;
	v7 =	vor.u32 $0xF, v7;
	v14 =	vld.idx.msk [tilespmem:v17+s9+$0x0], $0xffff  }
0x6ed: {  	v5 =	vadd.s32 v15, v5;
	v9 =	vld.idx.msk [tilespmem:v9+s9+$0x0], $0xffff;
	v15, _, _ =	vpop (xrf0)  }
0x6ee: {  	v5 =	vadd.s32 v6, v5;
	v6 =	vld.idx.msk [tilespmem:v12+s9+$0x0], $0xffff;
	(v2sf) =	vpush v15, $0xF  }
0x6ef: {  	v5 =	vadd.s32 v10, v5;
	v10 =	vld.idx.msk [tilespmem:v13+s9+$0x0], $0xffff  }
0x6f0: {  	v5 =	vadd.s32 v8, v5;
	v8 =	vld.idx.msk [tilespmem:v16+s9+$0x0], $0xffff  }
0x6f1: {  	v5 =	vadd.s32 v11, v5;
	v7 =	vld.idx.msk [tilespmem:v7+s9+$0x0], $0xffff  }
0x6f2: {  	v5 =	vadd.s32 v14, v5  }
0x6f3: {  	v5 =	vadd.s32 v9, v5  }
0x6f4: {  	v5 =	vadd.s32 v6, v5  }
0x6f5: {  	v5 =	vadd.s32 v10, v5  }
0x6f6: {  	v5 =	vadd.s32 v8, v5  }
0x6f7: {  	s22 =	spop (v2sf)  }
0x6f8: {  	p2 =	por !p0, !p0;
	v5 =	vadd.s32 v7, v5;
	p3 =	sgt.u32 s22, $0x80000000  }
0x6f9: {  	(xrf0) =	vadd.scan.msk.s32 $0xffff, v5;
	s22 =	spop (v2sf);
	p2 =	por !p3, !p2  }
0x6fa: {  	p0 =	por p0, p3;
	s23 =	spop (v2sf);
	p2 =	por !p2, !p2  }
.Ltmp43:
0x6fb: {  	s22 =	ssub.s32 s23, s22;
	s23 =	spop (v2sf);
	(pc) =	sbr.rel @!p1 .LBB2_66-.Ltmp43, $4  }
0x6fc: {  	s23 =	sadd.s32 s19, s23;
	s22 =	simm.s32 @!p2 $0x0;
	s19 =	smov.u32 s18  }
0x6fd: {  	s18 =	smov.u32 s21;
	s23 =	sadd.s32 $0x80000000, s23;
	s16 =	sadd.s32 s16, s22  }
0x6fe: {  	s15 =	smov.u32 @p2 s23;
	s22 =	spop (v2sf)  }
0x6ff: {  	s21 =	sadd.s32 $0x10, s21;
	v7 =	vmov s18;
	v6, _, _ =	vpop (xrf0);
	s20 =	sadd.s32 s20, s22  }
0x700: {  	v7 =	vshll.u32 v7, $0x4  }
0x701: {  	v8 =	vadd.s32 s20, v6;
	v7 =	vor.u32 v2, v7  }
0x702: {  	vm4 =	vge.s32 v8, s16;
	v9 =	vor.u32 $0x1, v7  }
0x703: {  	v10 =	vmpcnt.ones.xlane vm4;
	v11 =	vmctz.xlane vm4;
	v12 =	vor.u32 $0x2, v7  }
0x704: {  	v13 =	vor.u32 $0x3, v7  }
0x705: {  	v14 =	vor.u32 $0x4, v7;
	v10 =	vxor.u32 $0x80000000, v10;
	vm4 =	veq.s32 v11, v0  }
0x706: {  	v45 =	vor.u32 $0x6, v7;
	v8 =	vnsel vm4, $0x0, v8;
	(xrf0) =	vmax.scan.msk.u32 $0xffff, v10;
	v43 =	vld.idx.msk [tilespmem:v7+s9+$0x0], $0xffff  }
0x707: {  	v46 =	vor.u32 $0x7, v7;
	v5 =	vnsel vm4, $0x0, v5;
	(xrf0) =	vadd.scan.msk.s32 $0xffff, v8;
	v44 =	vld.idx.msk [tilespmem:v9+s9+$0x0], $0xffff  }
0x708: {  	v48 =	vor.u32 $0x8, v7;
	(xrf0) =	vadd.scan.msk.s32 $0xffff, v5;
	v5 =	vld.idx.msk [tilespmem:v12+s9+$0x0], $0xffff  }
0x709: {  	v16 =	vor.u32 $0x9, v7;
	v47 =	vld.idx.msk [tilespmem:v13+s9+$0x0], $0xffff  }
0x70a: {  	v15 =	vor.u32 $0x5, v7;
	v14 =	vld.idx.msk [tilespmem:v14+s9+$0x0], $0xffff  }
0x70b: {  	v49 =	vor.u32 $0xA, v7;
	v9 =	vld.idx.msk [tilespmem:v45+s9+$0x0], $0xffff  }
0x70c: {  	v18 =	vor.u32 $0xB, v7;
	v11 =	vxor.u32 $0x80000000, v11;
	v12 =	vld.idx.msk [tilespmem:v46+s9+$0x0], $0xffff  }
0x70d: {  	v6 =	vsel vm1, $0x0, v6;
	v54 =	vor.u32 $0xD, v7;
	v53 =	vld.idx.msk [tilespmem:v48+s9+$0x0], $0xffff;
	(xrf0) =	vmax.scan.msk.u32 $0xffff, v11  }
0x70e: {  	v57 =	vor.u32 $0xE, v7;
	v56 =	vld.idx.msk [tilespmem:v16+s9+$0x0], $0xffff;
	(xrf0) =	vadd.scan.msk.s32 $0xffff, v6  }
0x70f: {  	v51 =	vor.u32 $0xC, v7;
	v7 =	vor.u32 $0xF, v7;
	v6 =	vld.idx.msk [tilespmem:v15+s9+$0x0], $0xffff  }
0x710: {  	v58 =	vld.idx.msk [tilespmem:v49+s9+$0x0], $0xffff;
	v17, _, _ =	vpop (xrf0);
	v8 =	vadd.s32 v43, v44  }
0x711: {  	v59 =	vld.idx.msk [tilespmem:v18+s9+$0x0], $0xffff;
	(v2sf) =	vpush v17, $0xF;
	v50, _, _ =	vpop (xrf0);
	v5 =	vadd.s32 v5, v8  }
0x712: {  	v60 =	vld.idx.msk [tilespmem:v54+s9+$0x0], $0xffff;
	(v2sf) =	vpush v50, $0xF;
	v52, _, _ =	vpop (xrf0);
	v5 =	vadd.s32 v47, v5  }
0x713: {  	v61 =	vld.idx.msk [tilespmem:v57+s9+$0x0], $0xffff;
	v55, _, _ =	vpop (xrf0);
	(v2sf) =	vpush v52, $0xF;
	v5 =	vadd.s32 v14, v5  }
0x714: {  	v7 =	vld.idx.msk [tilespmem:v7+s9+$0x0], $0xffff;
	(v2sf) =	vpush v55, $0xF;
	v5 =	vadd.s32 v6, v5;
	v6, _, _ =	vpop (xrf0)  }
0x715: {  	(v2sf) =	vpush v6, $0xF;
	v6 =	vld.idx.msk [tilespmem:v51+s9+$0x0], $0xffff;
	[tilespmem:$0x2100] =	vst v1  }
0x716: {  	[tilespmem:$0x2110] =	vst v1  }
0x717: {  	[tilespmem:$0x2120] =	vst v1  }
0x718: {  	[tilespmem:$0x2130] =	vst v1  }
0x719: {  	[tilespmem:$0x2140] =	vst v1  }
0x71a: {  	[tilespmem:$0x2150] =	vst v1  }
0x71b: {  	[tilespmem:$0x2160] =	vst v1  }
0x71c: {  	[tilespmem:$0x2170] =	vst v1  }
0x71d: {  	v5 =	vadd.s32 v9, v5;
	[tilespmem:$0x2180] =	vst v1  }
0x71e: {  	[tilespmem:$0x2190] =	vst v1;
	v5 =	vadd.s32 v12, v5  }
0x71f: {  	[tilespmem:$0x21A0] =	vst v1;
	v5 =	vadd.s32 v53, v5  }
0x720: {  	[tilespmem:$0x21B0] =	vst v1;
	v5 =	vadd.s32 v56, v5  }
0x721: {  	[tilespmem:$0x21C0] =	vst v1;
	v5 =	vadd.s32 v58, v5  }
0x722: {  	[tilespmem:$0x21D0] =	vst v1;
	v5 =	vadd.s32 v59, v5  }
0x723: {  	[tilespmem:$0x21E0] =	vst v1;
	v5 =	vadd.s32 v6, v5  }
0x724: {  	[tilespmem:$0x21F0] =	vst v1;
	v5 =	vadd.s32 v60, v5  }
0x725: {  	[tilespmem:$0x2200] =	vst v1;
	v5 =	vadd.s32 v61, v5  }
0x726: {  	[tilespmem:$0x2210] =	vst v1;
	v5 =	vadd.s32 v7, v5  }
0x727: {  	[tilespmem:$0x2220] =	vst v1;
	(xrf0) =	vadd.scan.msk.s32 $0xffff, v5  }
0x728: {  	[tilespmem:$0x2230] =	vst v1;
	s21 =	spop (v2sf)  }
0x729: {  	[tilespmem:$0x2240] =	vst v1;
	s22 =	spop (v2sf)  }
0x72a: {  	p1 =	por !p0, !p0;
	[tilespmem:$0x2250] =	vst v1;
	p2 =	sgt.u32 s21, $0x80000000;
	s30 =	spop (v2sf)  }
0x72b: {  	[tilespmem:$0x2260] =	vst v1;
	p1 =	por !p2, !p1;
	s23 =	spop (v2sf)  }
0x72c: {  	[tilespmem:$0x2270] =	vst v1;
	p1 =	por !p1, !p1;
	s21 =	ssub.s32 s30, s22;
	s31 =	spop (v2sf)  }
0x72d: {  	[tilespmem:$0x2280] =	vst v1;
	s21 =	simm.s32 @!p1 $0x0;
	s24 =	sadd.s32 s20, s31;
	v6, _, _ =	vpop (xrf0)  }
0x72e: {  	[tilespmem:$0x2290] =	vst v1;
	s25 =	sadd.s32 s16, s21;
	v7 =	vadd.s32 s24, v6  }
0x72f: {  	[tilespmem:$0x22A0] =	vst v1;
	vm4 =	vge.s32 v7, s25  }
0x730: {  	[tilespmem:$0x22B0] =	vst v1;
	v62 =	vmpcnt.ones.xlane vm4;
	v63 =	vmctz.xlane vm4  }
0x731: {  	[tilespmem:$0x22C0] =	vst v1  }
0x732: {  	[tilespmem:$0x22D0] =	vst v1;
	v8 =	vxor.u32 $0x80000000, v62;
	vm4 =	veq.s32 v63, v0  }
0x733: {  	[tilespmem:$0x22E0] =	vst v1;
	v7 =	vnsel vm4, $0x0, v7;
	(xrf0) =	vmax.scan.msk.u32 $0xffff, v8  }
0x734: {  	[tilespmem:$0x22F0] =	vst v1;
	v5 =	vnsel vm4, $0x0, v5;
	(xrf0) =	vadd.scan.msk.s32 $0xffff, v7  }
0x735: {  	[tilespmem:$0x2300] =	vst v1;
	v7 =	vxor.u32 $0x80000000, v63;
	(xrf0) =	vadd.scan.msk.s32 $0xffff, v5  }
0x736: {  	[tilespmem:$0x2310] =	vst v1;
	(xrf0) =	vmax.scan.msk.u32 $0xffff, v7  }
0x737: {  	[tilespmem:$0x2320] =	vst v1;
	v5 =	vsel vm1, $0x0, v6  }
0x738: {  	[tilespmem:$0x2330] =	vst v1  }
0x739: {  	[tilespmem:$0x2340] =	vst v1;
	v6, _, _ =	vpop (xrf0)  }
0x73a: {  	[tilespmem:$0x2350] =	vst v1;
	(xrf0) =	vadd.scan.msk.s32 $0xffff, v5;
	(v2sf) =	vpush v6, $0xF;
	v5, _, _ =	vpop (xrf0)  }
0x73b: {  	[tilespmem:$0x2360] =	vst v1;
	(v2sf) =	vpush v5, $0xF;
	v5, _, _ =	vpop (xrf0)  }
0x73c: {  	[tilespmem:$0x2370] =	vst v1;
	v6, _, _ =	vpop (xrf0);
	(v2sf) =	vpush v5, $0xF  }
0x73d: {  	[tilespmem:$0x2380] =	vst v1;
	(v2sf) =	vpush v6, $0xF  }
0x73e: {  	[tilespmem:$0x2390] =	vst v1  }
0x73f: {  	[tilespmem:$0x23A0] =	vst v1  }
0x740: {  	[tilespmem:$0x23B0] =	vst v1  }
0x741: {  	[tilespmem:$0x23C0] =	vst v1  }
0x742: {  	[tilespmem:$0x23D0] =	vst v1  }
0x743: {  	[tilespmem:$0x23E0] =	vst v1  }
0x744: {  	[tilespmem:$0x23F0] =	vst v1;
	v5, _, _ =	vpop (xrf0)  }
0x745: {  	[tilespmem:$0x2400] =	vst v1;
	(v2sf) =	vpush v5, $0xF  }
0x746: {  	[tilespmem:$0x2410] =	vst v1  }
0x747: {  	[tilespmem:$0x2420] =	vst v1  }
0x748: {  	[tilespmem:$0x2430] =	vst v1  }
0x749: {  	[tilespmem:$0x2440] =	vst v1;
	s26 =	spop (v2sf)  }
0x74a: {  	[tilespmem:$0x2450] =	vst v1;
	p5 =	por p0, p2;
	s28 =	spop (v2sf)  }
0x74b: {  	[tilespmem:$0x2460] =	vst v1;
	p0 =	por !p5, !p5;
	s19 =	sadd.s32 s19, s23;
	s29 =	spop (v2sf)  }
0x74c: {  	[tilespmem:$0x2470] =	vst v1;
	s19 =	sadd.s32 $0x80000000, s19;
	p6 =	sgt.u32 s26, $0x80000000;
	s30 =	spop (v2sf)  }
0x74d: {  	[tilespmem:$0x2480] =	vst v1;
	s15 =	smov.u32 @p1 s19;
	p0 =	por !p6, !p0;
	s18 =	sadd.s32 s18, s30  }
0x74e: {  	[tilespmem:$0x2490] =	vst v1;
	p0 =	por !p0, !p0;
	s20 =	ssub.s32 s29, s28;
	s18 =	sadd.s32 $0x80000000, s18  }
0x74f: {  	[tilespmem:$0x24A0] =	vst v1;
	s20 =	simm.s32 @!p0 $0x0;
	s15 =	smov.u32 @p0 s18;
	p0 =	seq.s32 s17, $0x0  }
.Ltmp44:
0x750: {  	[tilespmem:$0x24B0] =	vst v1;
	(pc) =	sbr.rel @p0 .LBB2_70-.Ltmp44, $4  }
0x751: {  	[tilespmem:$0x24C0] =	vst v1  }
0x752: {  	[tilespmem:$0x24D0] =	vst v1  }
0x753: {  	[tilespmem:$0x24E0] =	vst v1  }
0x754: {  	[tilespmem:$0x24F0] =	vst v1;
	s16 =	sadd.s32 s25, s20;
	s31 =	spop (v2sf)  }
0x755: {  	v5 =	vmov s14;
	v6 =	vmov s15;
	s18 =	simm.s32 $0x41A0;
	s19 =	simm.s32 $0x3120  }
.LBB2_69:
0x756: {  	v7 =	vld [tilespmem:s18+$0xFFFFFFE0]  }
0x757: {  	v8 =	vld [tilespmem:s19+$0xFFFFFFE0];
	_ =	sdelay $0x3  }
0x758: {  	v9 =	vshrl.u32 v7, $0x6  }
0x759: {  	vm4 =	veq.s32 v8, v5;
	v7 =	vshll.u32 v7, $0x4;
	vm5 =	veq.s32 v9, v6  }
0x75a: {  	v7 =	vor.u32 v0, v7;
	vm4 =	vmand vm4, vm5  }
0x75b: {  	v7 =	vand.u32 $0x3FF, v7;
	_ =	sdelay $0x4  }
0x75c: {  	[tilespmem:v7+s9+$0x0] =	vst.idx.add.s32.msk vm4, v4  }
0x75d: {  	v7 =	vld [tilespmem:s18+$0xFFFFFFF0]  }
0x75e: {  	v8 =	vld [tilespmem:s19+$0xFFFFFFF0];
	_ =	sdelay $0x3  }
0x75f: {  	v61 =	vshrl.u32 v7, $0x6  }
0x760: {  	vm4 =	veq.s32 v8, v5;
	v7 =	vshll.u32 v7, $0x4;
	vm5 =	veq.s32 v61, v6  }
0x761: {  	v7 =	vor.u32 v0, v7;
	vm4 =	vmand vm4, vm5  }
0x762: {  	v7 =	vand.u32 $0x3FF, v7;
	_ =	sdelay $0x4  }
0x763: {  	[tilespmem:v7+s9+$0x0] =	vst.idx.add.s32.msk vm4, v4  }
0x764: {  	v7 =	vld [tilespmem:s18+$0x0]  }
0x765: {  	v8 =	vld [tilespmem:s19+$0x0];
	_ =	sdelay $0x3  }
0x766: {  	v62 =	vshrl.u32 v7, $0x6  }
0x767: {  	vm4 =	veq.s32 v8, v5;
	v7 =	vshll.u32 v7, $0x4;
	vm5 =	veq.s32 v62, v6  }
0x768: {  	v7 =	vor.u32 v0, v7;
	vm4 =	vmand vm4, vm5  }
0x769: {  	v7 =	vand.u32 $0x3FF, v7;
	_ =	sdelay $0x4  }
0x76a: {  	[tilespmem:v7+s9+$0x0] =	vst.idx.add.s32.msk vm4, v4  }
0x76b: {  	v7 =	vld [tilespmem:s18+$0x10]  }
0x76c: {  	v8 =	vld [tilespmem:s19+$0x10];
	_ =	sdelay $0x3  }
0x76d: {  	v63 =	vshrl.u32 v7, $0x6  }
0x76e: {  	vm4 =	veq.s32 v8, v5;
	v7 =	vshll.u32 v7, $0x4;
	vm5 =	veq.s32 v63, v6  }
0x76f: {  	v7 =	vor.u32 v0, v7;
	vm4 =	vmand vm4, vm5  }
0x770: {  	p0 =	sne.s32 s17, $0x1;
	v7 =	vand.u32 $0x3FF, v7  }
.Ltmp45:
0x771: {  	_ = 	snop;
	(pc) =	sbr.rel @p0 .LBB2_69-.Ltmp45, $2  }
0x772: {  	_ =	sdelay $0x2  }
0x773: {  	s17 =	sadd.s32 $0xFFFFFFFF, s17;
	s18 =	sadd.s32 $0x40, s18;
	s19 =	sadd.s32 $0x40, s19;
	[tilespmem:v7+s9+$0x0] =	vst.idx.add.s32.msk vm4, v4  }
.LBB2_70:
0x774: {  	s17 =	simm.s32 $0x0  }
0x775: {  	v5 =	vmov s17  }
0x776: {  	v5 =	vshll.u32 v5, $0x4  }
0x777: {  	v5 =	vor.u32 v2, v5  }
0x778: {  	v6 =	vor.u32 $0x1, v5  }
0x779: {  	v7 =	vor.u32 $0x2, v5  }
0x77a: {  	v8 =	vor.u32 $0x3, v5  }
0x77b: {  	v9 =	vor.u32 $0x4, v5  }
0x77c: {  	v11 =	vor.u32 $0x5, v5;
	v10 =	vld.idx.msk [tilespmem:v5+s9+$0x0], $0xffff  }
0x77d: {  	v12 =	vor.u32 $0x6, v5;
	v6 =	vld.idx.msk [tilespmem:v6+s9+$0x0], $0xffff  }
0x77e: {  	v13 =	vor.u32 $0x7, v5;
	v7 =	vld.idx.msk [tilespmem:v7+s9+$0x0], $0xffff  }
0x77f: {  	v14 =	vor.u32 $0x8, v5;
	v8 =	vld.idx.msk [tilespmem:v8+s9+$0x0], $0xffff  }
0x780: {  	v15 =	vor.u32 $0x9, v5;
	v9 =	vld.idx.msk [tilespmem:v9+s9+$0x0], $0xffff  }
0x781: {  	v16 =	vor.u32 $0xA, v5;
	v11 =	vld.idx.msk [tilespmem:v11+s9+$0x0], $0xffff  }
0x782: {  	v17 =	vor.u32 $0xB, v5;
	v12 =	vld.idx.msk [tilespmem:v12+s9+$0x0], $0xffff;
	v6 =	vadd.s32 v10, v6  }
0x783: {  	v57 =	vor.u32 $0xC, v5;
	v56 =	vld.idx.msk [tilespmem:v13+s9+$0x0], $0xffff;
	v6 =	vadd.s32 v7, v6  }
0x784: {  	v58 =	vor.u32 $0xD, v5;
	v7 =	vld.idx.msk [tilespmem:v14+s9+$0x0], $0xffff;
	v6 =	vadd.s32 v8, v6  }
0x785: {  	v59 =	vor.u32 $0xE, v5;
	v8 =	vld.idx.msk [tilespmem:v15+s9+$0x0], $0xffff;
	v6 =	vadd.s32 v9, v6  }
0x786: {  	v5 =	vor.u32 $0xF, v5;
	v60 =	vld.idx.msk [tilespmem:v16+s9+$0x0], $0xffff;
	v6 =	vadd.s32 v11, v6  }
0x787: {  	v61 =	vld.idx.msk [tilespmem:v17+s9+$0x0], $0xffff;
	v6 =	vadd.s32 v12, v6  }
0x788: {  	v62 =	vld.idx.msk [tilespmem:v57+s9+$0x0], $0xffff;
	v6 =	vadd.s32 v56, v6  }
0x789: {  	v63 =	vld.idx.msk [tilespmem:v58+s9+$0x0], $0xffff;
	v6 =	vadd.s32 v7, v6  }
0x78a: {  	v7 =	vld.idx.msk [tilespmem:v59+s9+$0x0], $0xffff;
	v6 =	vadd.s32 v8, v6  }
0x78b: {  	v5 =	vld.idx.msk [tilespmem:v5+s9+$0x0], $0xffff;
	v6 =	vadd.s32 v60, v6  }
0x78c: {  	v6 =	vadd.s32 v61, v6  }
0x78d: {  	v6 =	vadd.s32 v62, v6  }
0x78e: {  	v6 =	vadd.s32 v63, v6  }
0x78f: {  	v6 =	vadd.s32 v7, v6  }
0x790: {  	v5 =	vadd.s32 v5, v6  }
0x791: {  	(xrf0) =	vadd.scan.msk.s32 $0xffff, v5;
	_ =	sdelay $0x4  }
0x792: {  	p0 =	por $0x0, $0x0;
	s18 =	simm.s32 $0x10  }
0x793: {  	s21 =	simm.s32 $0x20;
	s20 =	simm.s32 $0x0;
	s19 =	simm.s32 $0x0;
	v7 =	vmov s18;
	v6, _, _ =	vpop (xrf0)  }
.LBB2_71:
0x794: {  	p1 =	sne.s32 s21, $0x30;
	v7 =	vshll.u32 v7, $0x4;
	v8 =	vadd.s32 s20, v6  }
0x795: {  	v7 =	vor.u32 v2, v7;
	vm4 =	vge.s32 v8, s16  }
0x796: {  	v9 =	vor.u32 $0x1, v7;
	v10 =	vmpcnt.ones.xlane vm4;
	v11 =	vmctz.xlane vm4  }
0x797: {  	v12 =	vor.u32 $0x2, v7  }
0x798: {  	v13 =	vor.u32 $0x3, v7;
	v10 =	vxor.u32 $0x80000000, v10;
	vm4 =	veq.s32 v11, v0  }
0x799: {  	v14 =	vor.u32 $0x4, v7;
	v11 =	vxor.u32 $0x80000000, v11;
	v8 =	vnsel vm4, $0x0, v8;
	(xrf0) =	vmax.scan.msk.u32 $0xffff, v10  }
0x79a: {  	v15 =	vor.u32 $0x5, v7;
	v5 =	vnsel vm4, $0x0, v5;
	v10 =	vld.idx.msk [tilespmem:v7+s9+$0x0], $0xffff;
	(xrf0) =	vadd.scan.msk.s32 $0xffff, v8  }
0x79b: {  	v8 =	vld.idx.msk [tilespmem:v9+s9+$0x0], $0xffff;
	v9 =	vor.u32 $0x6, v7;
	(xrf0) =	vadd.scan.msk.s32 $0xffff, v5  }
0x79c: {  	v5 =	vld.idx.msk [tilespmem:v12+s9+$0x0], $0xffff;
	v12 =	vor.u32 $0x7, v7;
	(xrf0) =	vmax.scan.msk.u32 $0xffff, v11  }
0x79d: {  	v11 =	vld.idx.msk [tilespmem:v13+s9+$0x0], $0xffff;
	v13 =	vor.u32 $0x8, v7  }
0x79e: {  	v6 =	vsel vm1, $0x0, v6;
	v16 =	vor.u32 $0x9, v7;
	v14 =	vld.idx.msk [tilespmem:v14+s9+$0x0], $0xffff  }
0x79f: {  	v17 =	vor.u32 $0xA, v7;
	v15 =	vld.idx.msk [tilespmem:v15+s9+$0x0], $0xffff;
	v18, _, _ =	vpop (xrf0);
	(xrf0) =	vadd.scan.msk.s32 $0xffff, v6  }
0x7a0: {  	v6 =	vld.idx.msk [tilespmem:v9+s9+$0x0], $0xffff;
	v9 =	vor.u32 $0xB, v7;
	(v2sf) =	vpush v18, $0xF;
	v18, _, _ =	vpop (xrf0)  }
0x7a1: {  	v8 =	vadd.s32 v10, v8;
	v10 =	vld.idx.msk [tilespmem:v12+s9+$0x0], $0xffff;
	v12 =	vor.u32 $0xC, v7;
	(v2sf) =	vpush v18, $0xF;
	v18, _, _ =	vpop (xrf0)  }
0x7a2: {  	v5 =	vadd.s32 v5, v8;
	v8 =	vld.idx.msk [tilespmem:v13+s9+$0x0], $0xffff;
	v13 =	vor.u32 $0xD, v7;
	v19, _, _ =	vpop (xrf0);
	(v2sf) =	vpush v18, $0xF  }
0x7a3: {  	v5 =	vadd.s32 v11, v5;
	v11 =	vld.idx.msk [tilespmem:v16+s9+$0x0], $0xffff;
	v16 =	vor.u32 $0xE, v7;
	(v2sf) =	vpush v19, $0xF  }
0x7a4: {  	v5 =	vadd.s32 v14, v5;
	v7 =	vor.u32 $0xF, v7;
	v14 =	vld.idx.msk [tilespmem:v17+s9+$0x0], $0xffff  }
0x7a5: {  	v5 =	vadd.s32 v15, v5;
	v9 =	vld.idx.msk [tilespmem:v9+s9+$0x0], $0xffff;
	v15, _, _ =	vpop (xrf0)  }
0x7a6: {  	v5 =	vadd.s32 v6, v5;
	v6 =	vld.idx.msk [tilespmem:v12+s9+$0x0], $0xffff;
	(v2sf) =	vpush v15, $0xF  }
0x7a7: {  	v5 =	vadd.s32 v10, v5;
	v10 =	vld.idx.msk [tilespmem:v13+s9+$0x0], $0xffff  }
0x7a8: {  	v5 =	vadd.s32 v8, v5;
	v8 =	vld.idx.msk [tilespmem:v16+s9+$0x0], $0xffff  }
0x7a9: {  	v5 =	vadd.s32 v11, v5;
	v7 =	vld.idx.msk [tilespmem:v7+s9+$0x0], $0xffff  }
0x7aa: {  	v5 =	vadd.s32 v14, v5  }
0x7ab: {  	v5 =	vadd.s32 v9, v5  }
0x7ac: {  	v5 =	vadd.s32 v6, v5  }
0x7ad: {  	v5 =	vadd.s32 v10, v5  }
0x7ae: {  	v5 =	vadd.s32 v8, v5  }
0x7af: {  	s22 =	spop (v2sf)  }
0x7b0: {  	p2 =	por !p0, !p0;
	v5 =	vadd.s32 v7, v5;
	p3 =	sgt.u32 s22, $0x80000000  }
0x7b1: {  	(xrf0) =	vadd.scan.msk.s32 $0xffff, v5;
	s22 =	spop (v2sf);
	p2 =	por !p3, !p2  }
0x7b2: {  	p0 =	por p0, p3;
	s23 =	spop (v2sf);
	p2 =	por !p2, !p2  }
.Ltmp46:
0x7b3: {  	s22 =	ssub.s32 s23, s22;
	s23 =	spop (v2sf);
	(pc) =	sbr.rel @p1 .LBB2_71-.Ltmp46, $4  }
0x7b4: {  	s23 =	sadd.s32 s19, s23;
	s22 =	simm.s32 @!p2 $0x0;
	s19 =	smov.u32 s18  }
0x7b5: {  	s18 =	smov.u32 s21;
	s23 =	sadd.s32 $0x80000000, s23;
	s16 =	sadd.s32 s16, s22  }
0x7b6: {  	s17 =	smov.u32 @p2 s23;
	s22 =	spop (v2sf)  }
0x7b7: {  	s21 =	sadd.s32 $0x10, s21;
	v7 =	vmov s18;
	v6, _, _ =	vpop (xrf0);
	s20 =	sadd.s32 s20, s22  }
.Ltmp47:
0x7b8: {  	_ = 	snop;
	(pc) =	sbr.rel .LBB2_72-.Ltmp47, $1  }
0x7b9: {  	_ =	sdelay $0x3  }
.LBB2_13:
.Ltmp48:
0x7ba: {  	(pc) =	sbr.rel .LBB2_17-.Ltmp48, $2  }
0x7bb: {  	_ =	sdelay $0x2  }
0x7bc: {  	s19 =	simm.s32 $0x0  }
.LBB2_28:
.Ltmp49:
0x7bd: {  	(pc) =	sbr.rel .LBB2_32-.Ltmp49, $2  }
0x7be: {  	_ =	sdelay $0x2  }
0x7bf: {  	s16 =	simm.s32 $0x41A0  }
.LBB2_43:
.Ltmp50:
0x7c0: {  	(pc) =	sbr.rel .LBB2_47-.Ltmp50, $2  }
0x7c1: {  	_ =	sdelay $0x2  }
0x7c2: {  	s16 =	simm.s32 $0x41A0  }
.LBB2_58:
.Ltmp51:
0x7c3: {  	(pc) =	sbr.rel .LBB2_62-.Ltmp51, $2  }
0x7c4: {  	_ =	sdelay $0x2  }
0x7c5: {  	s17 =	simm.s32 $0x41A0  }
.LBB2_15:
.Ltmp52:
0x7c6: {  	(pc) =	sbr.rel .LBB2_17-.Ltmp52, $2  }
0x7c7: {  	_ =	sdelay $0x2  }
0x7c8: {  	s19 =	simm.s32 $0x0  }
.LBB2_30:
.Ltmp53:
0x7c9: {  	(pc) =	sbr.rel .LBB2_32-.Ltmp53, $2  }
0x7ca: {  	_ =	sdelay $0x2  }
0x7cb: {  	s16 =	simm.s32 $0x41A0  }
.LBB2_45:
.Ltmp54:
0x7cc: {  	(pc) =	sbr.rel .LBB2_47-.Ltmp54, $2  }
0x7cd: {  	_ =	sdelay $0x2  }
0x7ce: {  	s16 =	simm.s32 $0x41A0  }
.LBB2_60:
.Ltmp55:
0x7cf: {  	(pc) =	sbr.rel .LBB2_62-.Ltmp55, $2  }
0x7d0: {  	_ =	sdelay $0x2  }
0x7d1: {  	s17 =	simm.s32 $0x41A0  }
.LBB2_75:
0x7d2: {  	_ =	sfence.sel $0x180000  }
0x7d3: {  	[bflag:$0x0] =	sbarrier.arrive $0xFFFF  }
0x7d4: {  	p0 =	sne.s32 s1, $0x0;
	_ =	strace $0x90000047  }
0x7d5: {  	s0 =	sadd.s32 @!p0 $0x100000, s0;
	[bflag:$0x2] =	sbarrier.arrive $0xFFFF  }
0x7d6: {  	[sflag:s0] =	ssyncadd.tile.s32 @!p0 $0x1;
	_ =	shalt  }
.Lfunc_end2:
_tile_overlayer_lowered:
.L_overlay_start_2:
0x7d7: {  	(tag) =	ssettag $0x2  }
0x7d8: {  	s0 =	rddreg [dreg:$0x0];
	s2 =	stileid.u32  }
0x7d9: {  	s1 =	rddreg [dreg:$0x1];
	p0 =	sne.s32 s2, $0x0  }
0x7da: {  	s3 =	rddreg [dreg:$0x2];
	[bflag:$0x3] =	sbarrier.arrive $0xFFFF;
	s2 =	simm.s32 @!p0 $0x1C01  }
0x7db: {  	[timem:s3], [sflag:s2] =	dma.local @!p0 [hbm:s0], s1  }
0x7dc: {  	s0 =	simm.s32 @!p0 $0x1  }
0x7dd: {  	_ =	swait.ge @!p0 [sflag:s0], s1  }
0x7de: {  	s1 =	ssub.s32 @!p0 $0x0, s1;
	[sflag:s0] =	ssyncset.done @!p0 $0x0  }
0x7df: {  	[sflag:s0] =	ssyncadd.s32 @!p0 s1  }
0x7e0: {  	[bflag:$0x3] =	sbarrier.arrive $0xFFFF  }
0x7e1: {  	_ =	shalt  }

</sc_bundles>
